<compile_context>
chip_gen: v7x
topology: tpu7x:2x2x1
jax: 0.10.2.dev20260603
libtpu: 0.0.44.dev20260713+nightly
codegen_flags: <defaults>
</compile_context>

<pallas_src>
import functools

import jax
import jax.numpy as jnp
from jax import lax
from jax.experimental import pallas as pl
from jax.experimental.pallas import tpu as pltpu
from jax.experimental.pallas import tpu_sc as plsc

N_NODES = 10000
N_PAD = 10240
NC = 2
NS = 16
NW = NC * NS
K_EDGE = 125
NCHUNK = 80
HCHUNK = NCHUNK // 2
ROWS_SUB = N_PAD // NS
ZCH = 32
NBUF = 2
DWIN = 16

_MESH = plsc.VectorSubcoreMesh(core_axis_name="c", subcore_axis_name="s")



def _vfill(buf, rows, width, val):
    def body(i, carry):
        for j in range(width // 16):
            buf[i, pl.ds(j * 16, 16)] = jnp.full((16,), val, jnp.float32)
        return carry

    lax.fori_loop(0, rows, body, 0)


def _zero_stripe_start(acc, zbuf, s, width, sem):
    _vfill(zbuf, ZCH, width, 0.0)
    for z in range(ROWS_SUB // ZCH):
        pltpu.async_copy(zbuf, acc.at[pl.ds(s * ROWS_SUB + z * ZCH, ZCH)], sem)


def _zero_stripe_drain(acc, zbuf, s, sem):
    for z in range(ROWS_SUB // ZCH):
        pltpu.make_async_copy(zbuf, acc.at[pl.ds(s * ROWS_SUB + z * ZCH, ZCH)],
                              sem).wait()


def _sc_degree_body(col_hbm, out_hbm, idx_v, ones_v, zbuf, acc, sem):
    c = lax.axis_index("c")
    s = lax.axis_index("s")
    wid = c * NS + s
    _zero_stripe_start(acc, zbuf, s, 128, sem)
    _vfill(ones_v, K_EDGE, 128, 1.0)
    pltpu.sync_copy(col_hbm.at[wid], idx_v)
    _zero_stripe_drain(acc, zbuf, s, sem)
    plsc.subcore_barrier()

    def chunk(j, carry):
        @pl.when(j >= DWIN)
        def _drain():
            pltpu.make_async_copy(ones_v, acc.at[idx_v.at[j - DWIN]], sem).wait()

        pltpu.async_copy(ones_v, acc.at[idx_v.at[j]], sem, add=True)
        return carry

    lax.fori_loop(0, NCHUNK, chunk, 0)

    def drain(j, carry):
        pltpu.make_async_copy(ones_v, acc.at[idx_v.at[j]], sem).wait()
        return carry

    lax.fori_loop(NCHUNK - DWIN, NCHUNK, drain, 0)
    plsc.subcore_barrier()
    pltpu.sync_copy(acc.at[pl.ds(s * ROWS_SUB, ROWS_SUB)],
                    out_hbm.at[c, pl.ds(s * ROWS_SUB, ROWS_SUB)])


def _sc_scatter_body(vals_hbm, row_hbm, col_hbm, out_hbm,
                     ridx_v, cidx_v, gbuf, zbuf, acc,
                     gs0, gs1, ss0, ss1):
    gsems = (gs0, gs1)
    ssems = (ss0, ss1)
    c = lax.axis_index("c")
    s = lax.axis_index("s")
    wid = c * NS + s
    _zero_stripe_start(acc, zbuf, s, acc.shape[1], ss0)

    for h in range(2):
        pltpu.sync_copy(row_hbm.at[wid, pl.ds(h * HCHUNK, HCHUNK)], ridx_v)
        pltpu.sync_copy(col_hbm.at[wid, pl.ds(h * HCHUNK, HCHUNK)], cidx_v)
        for b in range(NBUF):
            pltpu.async_copy(vals_hbm.at[ridx_v.at[b]], gbuf.at[b], gsems[b])
        if h == 0:
            _zero_stripe_drain(acc, zbuf, s, ss0)
            plsc.subcore_barrier()

        def round_(r, carry):
            for b in range(NBUF):
                j = r * NBUF + b
                pltpu.make_async_copy(vals_hbm.at[ridx_v.at[j]], gbuf.at[b],
                                      gsems[b]).wait()
                pltpu.async_copy(gbuf.at[b], acc.at[cidx_v.at[j]], ssems[b],
                                 add=True)
                pb = (b - 1) % NBUF
                jprev = j - 1
                jnext = jprev + NBUF

                @pl.when(jnp.logical_and(jprev >= 0, jnext < HCHUNK))
                def _refill():
                    pltpu.make_async_copy(gbuf.at[pb],
                                          acc.at[cidx_v.at[jprev]],
                                          ssems[pb]).wait()
                    pltpu.async_copy(vals_hbm.at[ridx_v.at[jnext]],
                                     gbuf.at[pb], gsems[pb])
            return carry

        lax.fori_loop(0, HCHUNK // NBUF, round_, 0)
        for b in range(NBUF):
            j = HCHUNK - NBUF + b
            pltpu.make_async_copy(gbuf.at[b], acc.at[cidx_v.at[j]],
                                  ssems[b]).wait()
    plsc.subcore_barrier()
    pltpu.sync_copy(acc.at[pl.ds(s * ROWS_SUB, ROWS_SUB)],
                    out_hbm.at[c, pl.ds(s * ROWS_SUB, ROWS_SUB)])


def _sc_degree(col3):
    call = pl.kernel(
        _sc_degree_body,
        out_type=jax.ShapeDtypeStruct((NC, N_PAD, 128), jnp.float32),
        mesh=_MESH,
        scratch_types=[
            pltpu.VMEM((NCHUNK, K_EDGE), jnp.int32),
            pltpu.VMEM((K_EDGE, 128), jnp.float32),
            pltpu.VMEM((ZCH, 128), jnp.float32),
            pltpu.VMEM_SHARED((N_PAD, 128), jnp.float32),
            pltpu.SemaphoreType.DMA,
        ],
    )
    return call(col3)


def _sc_scatter(vals, row3, col3, width):
    call = pl.kernel(
        _sc_scatter_body,
        out_type=jax.ShapeDtypeStruct((NC, N_PAD, width), jnp.float32),
        mesh=_MESH,
        scratch_types=[
            pltpu.VMEM((HCHUNK, K_EDGE), jnp.int32),
            pltpu.VMEM((HCHUNK, K_EDGE), jnp.int32),
            pltpu.VMEM((NBUF, K_EDGE, width), jnp.float32),
            pltpu.VMEM((ZCH, width), jnp.float32),
            pltpu.VMEM_SHARED((N_PAD, width), jnp.float32),
        ] + [pltpu.SemaphoreType.DMA] * (2 * NBUF),
    )
    return call(vals, row3, col3)



_RB = 400
_GRID = N_NODES // _RB


def _tc_prep_body(dp_ref, x_ref, w_ref, b_ref, w02a_ref, w12a_ref,
                  u_ref, dis_ref, za_ref, ya_ref):
    deg = dp_ref[0] + dp_ref[1] + 1.0
    disb = lax.rsqrt(deg)
    x = x_ref[...]
    u_ref[...] = x * disb
    dis_ref[...] = disb
    xa = jax.nn.relu(jnp.dot(x, w_ref[...],
                             preferred_element_type=jnp.float32) + b_ref[...])
    za_ref[...] = jnp.dot(xa, w02a_ref[...], preferred_element_type=jnp.float32)
    ya_ref[...] = jnp.dot(xa, w12a_ref[...], preferred_element_type=jnp.float32)


def _tc_mid_body(p_ref, u_ref, dis_ref, w_ref, b_ref, w02b_ref, w12b_ref,
                 w2_ref, zb_ref, yb_ref):
    s1 = p_ref[0] + p_ref[1] + u_ref[...]
    dis = dis_ref[...]
    h1 = dis * s1
    w2_ref[...] = h1 * dis
    xb = jax.nn.relu(jnp.dot(h1, w_ref[...],
                             preferred_element_type=jnp.float32) + b_ref[...])
    zb_ref[...] = jnp.dot(xb, w02b_ref[...], preferred_element_type=jnp.float32)
    yb_ref[...] = jnp.dot(xb, w12b_ref[...], preferred_element_type=jnp.float32)


def _tc_big_body(p_ref, w2_ref, dis_ref, za_ref, ya_ref, zb_ref, yb_ref,
                 w21_ref, b21_ref, w02c_ref, b02_ref, w12c_ref,
                 z0_ref, u2_ref):
    s2 = p_ref[0] + p_ref[1] + w2_ref[...]
    dis = dis_ref[...]
    h2 = dis * s2
    o2 = jnp.dot(h2, w21_ref[...], preferred_element_type=jnp.float32) + b21_ref[...]
    xc = jax.nn.relu(o2)
    dot = functools.partial(jnp.dot, preferred_element_type=jnp.float32)
    z0_ref[...] = (za_ref[...] + zb_ref[...] + dot(xc, w02c_ref[...])
                   + b02_ref[...])
    y1 = ya_ref[...] + yb_ref[...] + dot(xc, w12c_ref[...])
    u2 = dis[:, :40] * y1
    u2_ref[...] = jnp.concatenate([u2, jnp.zeros((_RB, 88), jnp.float32)], axis=1)


def _tc_final_body(p_ref, u2_ref, dis_ref, z0_ref, b12_ref, out_ref):
    s3 = p_ref[0] + p_ref[1] + u2_ref[...]
    h3 = dis_ref[...][:, :40] * s3[:, :40]
    o12 = h3 + b12_ref[...]
    logits = jnp.concatenate([z0_ref[...], o12], axis=1)
    m = jnp.max(logits, axis=1, keepdims=True)
    ex = jnp.exp(logits - m)
    se = jnp.sum(ex, axis=1, keepdims=True)
    out_ref[...] = logits - m - jnp.log(se)


def _row_spec(width):
    return pl.BlockSpec((_RB, width), lambda i: (i, 0))


def _part_spec(width):
    return pl.BlockSpec((NC, _RB, width), lambda i: (0, i, 0))


def _full_spec(shape):
    nd = len(shape)
    return pl.BlockSpec(shape, lambda i: (0,) * nd)



def kernel(x, edge_index, W0_1, b0_1, W1_1, b1_1, W2_1, b2_1,
           W0_2, b0_2, W1_2, b1_2):
    E = edge_index.shape[1]
    assert E == NW * NCHUNK * K_EDGE

    row3 = edge_index[0].reshape(NW, NCHUNK, K_EDGE)
    col3 = edge_index[1].reshape(NW, NCHUNK, K_EDGE)

    deg_parts = _sc_degree(col3)
    u, dis, za, ya = pl.pallas_call(
        _tc_prep_body,
        grid=(_GRID,),
        in_specs=[_part_spec(128), _row_spec(128),
                  _full_spec((128, 512)), _full_spec((1, 512)),
                  _full_spec((512, 40)), _full_spec((512, 40))],
        out_specs=[_row_spec(128), _row_spec(128), _row_spec(40),
                   _row_spec(40)],
        out_shape=[jax.ShapeDtypeStruct((N_NODES, 128), jnp.float32),
                   jax.ShapeDtypeStruct((N_NODES, 128), jnp.float32),
                   jax.ShapeDtypeStruct((N_NODES, 40), jnp.float32),
                   jax.ShapeDtypeStruct((N_NODES, 40), jnp.float32)],
    )(deg_parts, x, W0_1, b0_1.reshape(1, 512), W0_2[0:512], W1_2[0:512])

    p1 = _sc_scatter(u, row3, col3, 128)
    w2, zb, yb = pl.pallas_call(
        _tc_mid_body,
        grid=(_GRID,),
        in_specs=[_part_spec(128), _row_spec(128), _row_spec(128),
                  _full_spec((128, 512)), _full_spec((1, 512)),
                  _full_spec((512, 40)), _full_spec((512, 40))],
        out_specs=[_row_spec(128), _row_spec(40), _row_spec(40)],
        out_shape=[jax.ShapeDtypeStruct((N_NODES, 128), jnp.float32),
                   jax.ShapeDtypeStruct((N_NODES, 40), jnp.float32),
                   jax.ShapeDtypeStruct((N_NODES, 40), jnp.float32)],
    )(p1, u, dis, W1_1, b1_1.reshape(1, 512),
      W0_2[512:1024], W1_2[512:1024])

    p2 = _sc_scatter(w2, row3, col3, 128)
    z0, u2 = pl.pallas_call(
        _tc_big_body,
        grid=(_GRID,),
        in_specs=[_part_spec(128), _row_spec(128), _row_spec(128),
                  _row_spec(40), _row_spec(40), _row_spec(40), _row_spec(40),
                  _full_spec((128, 512)), _full_spec((1, 512)),
                  _full_spec((512, 40)), _full_spec((1, 40)),
                  _full_spec((512, 40))],
        out_specs=[_row_spec(40), _row_spec(128)],
        out_shape=[jax.ShapeDtypeStruct((N_NODES, 40), jnp.float32),
                   jax.ShapeDtypeStruct((N_NODES, 128), jnp.float32)],
    )(p2, w2, dis, za, ya, zb, yb, W2_1, b2_1.reshape(1, 512),
      W0_2[1024:1536], b0_2.reshape(1, 40), W1_2[1024:1536])

    p3 = _sc_scatter(u2, row3, col3, 128)
    out = pl.pallas_call(
        _tc_final_body,
        grid=(_GRID,),
        in_specs=[_part_spec(128), _row_spec(128), _row_spec(128),
                  _row_spec(40), _full_spec((1, 40))],
        out_specs=_row_spec(80),
        out_shape=jax.ShapeDtypeStruct((N_NODES, 80), jnp.float32),
    )(p3, u2, dis, z0, b1_2.reshape(1, 40))
    return out

# --- scband reference (transcript-rebuilt; emitter-appended) ---
"""Pipeline reference for scband-mix-hop-net-84507776516698 (READ-ONLY COPY).

The authoritative reference and input builder live on the scoring server;
editing this copy changes nothing except your own understanding.
"""

import jax, jax.numpy as jnp
import numpy as np

N = 10000
E = 320000
D = 128
H = 512
C = 40


def _glorot(key, shape):
    fan_in, fan_out = shape[0], shape[1]
    limit = np.sqrt(6.0 / (fan_in + fan_out))
    return jax.random.uniform(key, shape, dtype=jnp.float32, minval=-limit, maxval=limit)


def setup_inputs(seed: int = 0) -> dict:
    key = jax.random.key(seed)
    ks = jax.random.split(key, 8)
    x = jax.random.normal(ks[0], (N, D), dtype=jnp.float32)
    edge_index = jax.random.randint(ks[1], (2, E), 0, N, dtype=jnp.int32)
    # conv1: MixHopConv(D -> H, powers=[0,1,2]) -> 3 linear layers D->H
    W0_1 = _glorot(ks[2], (D, H)); b0_1 = jnp.zeros((H,), jnp.float32)
    W1_1 = _glorot(ks[3], (D, H)); b1_1 = jnp.zeros((H,), jnp.float32)
    W2_1 = _glorot(ks[4], (D, H)); b2_1 = jnp.zeros((H,), jnp.float32)
    # conv2: MixHopConv(3H -> C, powers=[0,1]) -> 2 linear layers 3H->C
    W0_2 = _glorot(ks[5], (3 * H, C)); b0_2 = jnp.zeros((C,), jnp.float32)
    W1_2 = _glorot(ks[6], (3 * H, C)); b1_2 = jnp.zeros((C,), jnp.float32)
    return {"x": x, "edge_index": edge_index,
            "W0_1": W0_1, "b0_1": b0_1, "W1_1": W1_1, "b1_1": b1_1,
            "W2_1": W2_1, "b2_1": b2_1,
            "W0_2": W0_2, "b0_2": b0_2, "W1_2": W1_2, "b1_2": b1_2}


def _gcn_norm(edge_index, num_nodes):
    # add self loops, then symmetric normalization (as in PyG gcn_norm)
    loop = jnp.arange(num_nodes, dtype=edge_index.dtype)
    row = jnp.concatenate([edge_index[0], loop])
    col = jnp.concatenate([edge_index[1], loop])
    w = jnp.ones(row.shape[0], dtype=jnp.float32)
    deg = jax.ops.segment_sum(w, col, num_segments=num_nodes)
    dis = jnp.where(deg > 0, jax.lax.rsqrt(deg), 0.0)
    norm = dis[row] * dis[col]
    return row, col, norm


def _propagate(x, row, col, norm, num_nodes):
    # sum aggregation of norm * x[src] at dst
    return jax.ops.segment_sum(x[row] * norm[:, None], col, num_segments=num_nodes)


def reference(x, edge_index, W0_1, b0_1, W1_1, b1_1, W2_1, b2_1, W0_2, b0_2, W1_2, b1_2):
    num_nodes = x.shape[0]
    row, col, norm = _gcn_norm(edge_index, num_nodes)
    # conv1 (powers [0,1,2])
    outs = [x @ W0_1 + b0_1]
    h = _propagate(x, row, col, norm, num_nodes)
    outs.append(h @ W1_1 + b1_1)
    h = _propagate(h, row, col, norm, num_nodes)
    outs.append(h @ W2_1 + b2_1)
    x1 = jnp.concatenate(outs, axis=-1)
    x1 = jax.nn.relu(x1)
    # dropout is identity in eval mode
    # conv2 (powers [0,1])
    outs2 = [x1 @ W0_2 + b0_2]
    h2 = _propagate(x1, row, col, norm, num_nodes)
    outs2.append(h2 @ W1_2 + b1_2)
    out = jnp.concatenate(outs2, axis=-1)
    return jax.nn.log_softmax(out, axis=1)

if __name__ == "__main__":
    import jax
    _d = setup_inputs()
    print(jax.jit(kernel)(*tuple(_d.values())))

</pallas_src>

<mosaic_0001>
#map = affine_map<(d0, d1) -> (0, 0)>
#map1 = affine_map<(d0, d1) -> (0, 0, 0)>
module attributes {stable_mosaic.version = 14 : i64} {
  func.func @_sc_scatter_body(%arg0: i32, %arg1: i32, %arg2: memref<10000x128xf32, #tpu.memory_space<hbm>>, %arg3: memref<32x80x125xi32, #tpu.memory_space<hbm>>, %arg4: memref<32x80x125xi32, #tpu.memory_space<hbm>>, %arg5: memref<2x10240x128xf32, #tpu.memory_space<hbm>>, %arg6: memref<40x125xi32, #tpu.memory_space<vmem>>, %arg7: memref<40x125xi32, #tpu.memory_space<vmem>>, %arg8: memref<2x125x128xf32, #tpu.memory_space<vmem>>, %arg9: memref<32x128xf32, #tpu.memory_space<vmem>>, %arg10: memref<10240x128xf32, #tpu.memory_space<vmem_shared>>, %arg11: memref<!tpu.dma_semaphore, #tpu.memory_space<semaphore_mem>>, %arg12: memref<!tpu.dma_semaphore, #tpu.memory_space<semaphore_mem>>, %arg13: memref<!tpu.dma_semaphore, #tpu.memory_space<semaphore_mem>>, %arg14: memref<!tpu.dma_semaphore, #tpu.memory_space<semaphore_mem>>) attributes {dimension_semantics = [#tpu.dimension_semantics<core_parallel>, #tpu.dimension_semantics<subcore_parallel>], iteration_bounds = array<i64: 2, 16>, scalar_prefetch = 0 : i64, scratch_operands = 9 : i64, tpu.core_type = #tpu.core_type<sc_vector_subcore>, window_params = [{transform_indices = #map}, {transform_indices = #map1}, {transform_indices = #map1}, {transform_indices = #map1}]} {
    %mul3A = arith.constant 16 : i32
    %mul3A_0 = arith.muli %arg0, %mul3A : i32
    %add3A = arith.addi %mul3A_0, %arg1 : i32
    %scan3A = arith.constant 0 : i32
    %scan3A_1 = arith.constant 0 : i32
    %scan3A_2 = arith.constant 32 : i32
    %scan3A_3 = arith.addi %scan3A_1, %scan3A_2 : i32
    %scan3A_4 = arith.constant 1 : i32
    scf.for %scan3A_437 = %scan3A_1 to %scan3A_3 step %scan3A_4  : i32 {
      %broadcast_in_dim3A = arith.constant 0.000000e+00 : f32
      %broadcast_in_dim3A_438 = vector.broadcast %broadcast_in_dim3A : f32 to vector<16xf32>
      %swap3A = arith.index_cast %scan3A_437 : i32 to index
      %swap3A_439 = arith.constant 0 : index
      %swap3A_440 = tpu.vector_load %arg9[%swap3A, %swap3A_439] {strides = array<i32>} : memref<32x128xf32, #tpu.memory_space<vmem>>, vector<1x16xf32>,
      %swap3A_441 = vector.shape_cast %swap3A_440 : vector<1x16xf32> to vector<16xf32>
      %swap3A_442 = vector.shape_cast %broadcast_in_dim3A_438 : vector<16xf32> to vector<1x16xf32>
      tpu.vector_store %arg9[%swap3A, %swap3A_439], %swap3A_442 {strides = array<i32>} : memref<32x128xf32, #tpu.memory_space<vmem>>, vector<1x16xf32>,
      %broadcast_in_dim3A_443 = arith.constant 0.000000e+00 : f32
      %broadcast_in_dim3A_444 = vector.broadcast %broadcast_in_dim3A_443 : f32 to vector<16xf32>
      %swap3A_445 = arith.index_cast %scan3A_437 : i32 to index
      %swap3A_446 = arith.constant 16 : index
      %swap3A_447 = tpu.vector_load %arg9[%swap3A_445, %swap3A_446] {strides = array<i32>} : memref<32x128xf32, #tpu.memory_space<vmem>>, vector<1x16xf32>,
      %swap3A_448 = vector.shape_cast %swap3A_447 : vector<1x16xf32> to vector<16xf32>
      %swap3A_449 = vector.shape_cast %broadcast_in_dim3A_444 : vector<16xf32> to vector<1x16xf32>
      tpu.vector_store %arg9[%swap3A_445, %swap3A_446], %swap3A_449 {strides = array<i32>} : memref<32x128xf32, #tpu.memory_space<vmem>>, vector<1x16xf32>,
      %broadcast_in_dim3A_450 = arith.constant 0.000000e+00 : f32
      %broadcast_in_dim3A_451 = vector.broadcast %broadcast_in_dim3A_450 : f32 to vector<16xf32>
      %swap3A_452 = arith.index_cast %scan3A_437 : i32 to index
      %swap3A_453 = arith.constant 32 : index
      %swap3A_454 = tpu.vector_load %arg9[%swap3A_452, %swap3A_453] {strides = array<i32>} : memref<32x128xf32, #tpu.memory_space<vmem>>, vector<1x16xf32>,
      %swap3A_455 = vector.shape_cast %swap3A_454 : vector<1x16xf32> to vector<16xf32>
      %swap3A_456 = vector.shape_cast %broadcast_in_dim3A_451 : vector<16xf32> to vector<1x16xf32>
      tpu.vector_store %arg9[%swap3A_452, %swap3A_453], %swap3A_456 {strides = array<i32>} : memref<32x128xf32, #tpu.memory_space<vmem>>, vector<1x16xf32>,
      %broadcast_in_dim3A_457 = arith.constant 0.000000e+00 : f32
      %broadcast_in_dim3A_458 = vector.broadcast %broadcast_in_dim3A_457 : f32 to vector<16xf32>
      %swap3A_459 = arith.index_cast %scan3A_437 : i32 to index
      %swap3A_460 = arith.constant 48 : index
      %swap3A_461 = tpu.vector_load %arg9[%swap3A_459, %swap3A_460] {strides = array<i32>} : memref<32x128xf32, #tpu.memory_space<vmem>>, vector<1x16xf32>,
      %swap3A_462 = vector.shape_cast %swap3A_461 : vector<1x16xf32> to vector<16xf32>
      %swap3A_463 = vector.shape_cast %broadcast_in_dim3A_458 : vector<16xf32> to vector<1x16xf32>
      tpu.vector_store %arg9[%swap3A_459, %swap3A_460], %swap3A_463 {strides = array<i32>} : memref<32x128xf32, #tpu.memory_space<vmem>>, vector<1x16xf32>,
      %broadcast_in_dim3A_464 = arith.constant 0.000000e+00 : f32
      %broadcast_in_dim3A_465 = vector.broadcast %broadcast_in_dim3A_464 : f32 to vector<16xf32>
      %swap3A_466 = arith.index_cast %scan3A_437 : i32 to index
      %swap3A_467 = arith.constant 64 : index
      %swap3A_468 = tpu.vector_load %arg9[%swap3A_466, %swap3A_467] {strides = array<i32>} : memref<32x128xf32, #tpu.memory_space<vmem>>, vector<1x16xf32>,
      %swap3A_469 = vector.shape_cast %swap3A_468 : vector<1x16xf32> to vector<16xf32>
      %swap3A_470 = vector.shape_cast %broadcast_in_dim3A_465 : vector<16xf32> to vector<1x16xf32>
      tpu.vector_store %arg9[%swap3A_466, %swap3A_467], %swap3A_470 {strides = array<i32>} : memref<32x128xf32, #tpu.memory_space<vmem>>, vector<1x16xf32>,
      %broadcast_in_dim3A_471 = arith.constant 0.000000e+00 : f32
      %broadcast_in_dim3A_472 = vector.broadcast %broadcast_in_dim3A_471 : f32 to vector<16xf32>
      %swap3A_473 = arith.index_cast %scan3A_437 : i32 to index
      %swap3A_474 = arith.constant 80 : index
      %swap3A_475 = tpu.vector_load %arg9[%swap3A_473, %swap3A_474] {strides = array<i32>} : memref<32x128xf32, #tpu.memory_space<vmem>>, vector<1x16xf32>,
      %swap3A_476 = vector.shape_cast %swap3A_475 : vector<1x16xf32> to vector<16xf32>
      %swap3A_477 = vector.shape_cast %broadcast_in_dim3A_472 : vector<16xf32> to vector<1x16xf32>
      tpu.vector_store %arg9[%swap3A_473, %swap3A_474], %swap3A_477 {strides = array<i32>} : memref<32x128xf32, #tpu.memory_space<vmem>>, vector<1x16xf32>,
      %broadcast_in_dim3A_478 = arith.constant 0.000000e+00 : f32
      %broadcast_in_dim3A_479 = vector.broadcast %broadcast_in_dim3A_478 : f32 to vector<16xf32>
      %swap3A_480 = arith.index_cast %scan3A_437 : i32 to index
      %swap3A_481 = arith.constant 96 : index
      %swap3A_482 = tpu.vector_load %arg9[%swap3A_480, %swap3A_481] {strides = array<i32>} : memref<32x128xf32, #tpu.memory_space<vmem>>, vector<1x16xf32>,
      %swap3A_483 = vector.shape_cast %swap3A_482 : vector<1x16xf32> to vector<16xf32>
      %swap3A_484 = vector.shape_cast %broadcast_in_dim3A_479 : vector<16xf32> to vector<1x16xf32>
      tpu.vector_store %arg9[%swap3A_480, %swap3A_481], %swap3A_484 {strides = array<i32>} : memref<32x128xf32, #tpu.memory_space<vmem>>, vector<1x16xf32>,
      %broadcast_in_dim3A_485 = arith.constant 0.000000e+00 : f32
      %broadcast_in_dim3A_486 = vector.broadcast %broadcast_in_dim3A_485 : f32 to vector<16xf32>
      %swap3A_487 = arith.index_cast %scan3A_437 : i32 to index
      %swap3A_488 = arith.constant 112 : index
      %swap3A_489 = tpu.vector_load %arg9[%swap3A_487, %swap3A_488] {strides = array<i32>} : memref<32x128xf32, #tpu.memory_space<vmem>>, vector<1x16xf32>,
      %swap3A_490 = vector.shape_cast %swap3A_489 : vector<1x16xf32> to vector<16xf32>
      %swap3A_491 = vector.shape_cast %broadcast_in_dim3A_486 : vector<16xf32> to vector<1x16xf32>
      tpu.vector_store %arg9[%swap3A_487, %swap3A_488], %swap3A_491 {strides = array<i32>} : memref<32x128xf32, #tpu.memory_space<vmem>>, vector<1x16xf32>,
    }
    %scan3A_5 = arith.constant 32 : i32
    %mul3A_6 = arith.constant 640 : i32
    %mul3A_7 = arith.muli %arg1, %mul3A_6 : i32
    %add3A_8 = arith.constant 0 : i32
    %add3A_9 = arith.addi %mul3A_7, %add3A_8 : i32
    %dma_start3A = arith.constant 0 : i32
    %dma_start3A_10 = tpu.memref_slice %arg10[%add3A_9, %dma_start3A] : memref<10240x128xf32, #tpu.memory_space<vmem_shared>> -> memref<32x128xf32, #tpu.memory_space<vmem_shared>>
    %dma_start3A_11 = arith.constant 0 : i32
    %dma_start3A_12 = tpu.memref_slice %arg10[%add3A_9, %dma_start3A_11] : memref<10240x128xf32, #tpu.memory_space<vmem_shared>> -> memref<32x128xf32, #tpu.memory_space<vmem_shared>>
    tpu.enqueue_dma source(%arg9 : memref<32x128xf32, #tpu.memory_space<vmem>>) target(%dma_start3A_12 : memref<32x128xf32, #tpu.memory_space<vmem_shared>>) target_semaphore(%arg13 : memref<!tpu.dma_semaphore, #tpu.memory_space<semaphore_mem>>)
    %mul3A_13 = arith.constant 640 : i32
    %mul3A_14 = arith.muli %arg1, %mul3A_13 : i32
    %add3A_15 = arith.constant 32 : i32
    %add3A_16 = arith.addi %mul3A_14, %add3A_15 : i32
    %dma_start3A_17 = arith.constant 0 : i32
    %dma_start3A_18 = tpu.memref_slice %arg10[%add3A_16, %dma_start3A_17] : memref<10240x128xf32, #tpu.memory_space<vmem_shared>> -> memref<32x128xf32, #tpu.memory_space<vmem_shared>>
    %dma_start3A_19 = arith.constant 0 : i32
    %dma_start3A_20 = tpu.memref_slice %arg10[%add3A_16, %dma_start3A_19] : memref<10240x128xf32, #tpu.memory_space<vmem_shared>> -> memref<32x128xf32, #tpu.memory_space<vmem_shared>>
    tpu.enqueue_dma source(%arg9 : memref<32x128xf32, #tpu.memory_space<vmem>>) target(%dma_start3A_20 : memref<32x128xf32, #tpu.memory_space<vmem_shared>>) target_semaphore(%arg13 : memref<!tpu.dma_semaphore, #tpu.memory_space<semaphore_mem>>)
    %mul3A_21 = arith.constant 640 : i32
    %mul3A_22 = arith.muli %arg1, %mul3A_21 : i32
    %add3A_23 = arith.constant 64 : i32
    %add3A_24 = arith.addi %mul3A_22, %add3A_23 : i32
    %dma_start3A_25 = arith.constant 0 : i32
    %dma_start3A_26 = tpu.memref_slice %arg10[%add3A_24, %dma_start3A_25] : memref<10240x128xf32, #tpu.memory_space<vmem_shared>> -> memref<32x128xf32, #tpu.memory_space<vmem_shared>>
    %dma_start3A_27 = arith.constant 0 : i32
    %dma_start3A_28 = tpu.memref_slice %arg10[%add3A_24, %dma_start3A_27] : memref<10240x128xf32, #tpu.memory_space<vmem_shared>> -> memref<32x128xf32, #tpu.memory_space<vmem_shared>>
    tpu.enqueue_dma source(%arg9 : memref<32x128xf32, #tpu.memory_space<vmem>>) target(%dma_start3A_28 : memref<32x128xf32, #tpu.memory_space<vmem_shared>>) target_semaphore(%arg13 : memref<!tpu.dma_semaphore, #tpu.memory_space<semaphore_mem>>)
    %mul3A_29 = arith.constant 640 : i32
    %mul3A_30 = arith.muli %arg1, %mul3A_29 : i32
    %add3A_31 = arith.constant 96 : i32
    %add3A_32 = arith.addi %mul3A_30, %add3A_31 : i32
    %dma_start3A_33 = arith.constant 0 : i32
    %dma_start3A_34 = tpu.memref_slice %arg10[%add3A_32, %dma_start3A_33] : memref<10240x128xf32, #tpu.memory_space<vmem_shared>> -> memref<32x128xf32, #tpu.memory_space<vmem_shared>>
    %dma_start3A_35 = arith.constant 0 : i32
    %dma_start3A_36 = tpu.memref_slice %arg10[%add3A_32, %dma_start3A_35] : memref<10240x128xf32, #tpu.memory_space<vmem_shared>> -> memref<32x128xf32, #tpu.memory_space<vmem_shared>>
    tpu.enqueue_dma source(%arg9 : memref<32x128xf32, #tpu.memory_space<vmem>>) target(%dma_start3A_36 : memref<32x128xf32, #tpu.memory_space<vmem_shared>>) target_semaphore(%arg13 : memref<!tpu.dma_semaphore, #tpu.memory_space<semaphore_mem>>)
    %mul3A_37 = arith.constant 640 : i32
    %mul3A_38 = arith.muli %arg1, %mul3A_37 : i32
    %add3A_39 = arith.constant 128 : i32
    %add3A_40 = arith.addi %mul3A_38, %add3A_39 : i32
    %dma_start3A_41 = arith.constant 0 : i32
    %dma_start3A_42 = tpu.memref_slice %arg10[%add3A_40, %dma_start3A_41] : memref<10240x128xf32, #tpu.memory_space<vmem_shared>> -> memref<32x128xf32, #tpu.memory_space<vmem_shared>>
    %dma_start3A_43 = arith.constant 0 : i32
    %dma_start3A_44 = tpu.memref_slice %arg10[%add3A_40, %dma_start3A_43] : memref<10240x128xf32, #tpu.memory_space<vmem_shared>> -> memref<32x128xf32, #tpu.memory_space<vmem_shared>>
    tpu.enqueue_dma source(%arg9 : memref<32x128xf32, #tpu.memory_space<vmem>>) target(%dma_start3A_44 : memref<32x128xf32, #tpu.memory_space<vmem_shared>>) target_semaphore(%arg13 : memref<!tpu.dma_semaphore, #tpu.memory_space<semaphore_mem>>)
    %mul3A_45 = arith.constant 640 : i32
    %mul3A_46 = arith.muli %arg1, %mul3A_45 : i32
    %add3A_47 = arith.constant 160 : i32
    %add3A_48 = arith.addi %mul3A_46, %add3A_47 : i32
    %dma_start3A_49 = arith.constant 0 : i32
    %dma_start3A_50 = tpu.memref_slice %arg10[%add3A_48, %dma_start3A_49] : memref<10240x128xf32, #tpu.memory_space<vmem_shared>> -> memref<32x128xf32, #tpu.memory_space<vmem_shared>>
    %dma_start3A_51 = arith.constant 0 : i32
    %dma_start3A_52 = tpu.memref_slice %arg10[%add3A_48, %dma_start3A_51] : memref<10240x128xf32, #tpu.memory_space<vmem_shared>> -> memref<32x128xf32, #tpu.memory_space<vmem_shared>>
    tpu.enqueue_dma source(%arg9 : memref<32x128xf32, #tpu.memory_space<vmem>>) target(%dma_start3A_52 : memref<32x128xf32, #tpu.memory_space<vmem_shared>>) target_semaphore(%arg13 : memref<!tpu.dma_semaphore, #tpu.memory_space<semaphore_mem>>)
    %mul3A_53 = arith.constant 640 : i32
    %mul3A_54 = arith.muli %arg1, %mul3A_53 : i32
    %add3A_55 = arith.constant 192 : i32
    %add3A_56 = arith.addi %mul3A_54, %add3A_55 : i32
    %dma_start3A_57 = arith.constant 0 : i32
    %dma_start3A_58 = tpu.memref_slice %arg10[%add3A_56, %dma_start3A_57] : memref<10240x128xf32, #tpu.memory_space<vmem_shared>> -> memref<32x128xf32, #tpu.memory_space<vmem_shared>>
    %dma_start3A_59 = arith.constant 0 : i32
    %dma_start3A_60 = tpu.memref_slice %arg10[%add3A_56, %dma_start3A_59] : memref<10240x128xf32, #tpu.memory_space<vmem_shared>> -> memref<32x128xf32, #tpu.memory_space<vmem_shared>>
    tpu.enqueue_dma source(%arg9 : memref<32x128xf32, #tpu.memory_space<vmem>>) target(%dma_start3A_60 : memref<32x128xf32, #tpu.memory_space<vmem_shared>>) target_semaphore(%arg13 : memref<!tpu.dma_semaphore, #tpu.memory_space<semaphore_mem>>)
    %mul3A_61 = arith.constant 640 : i32
    %mul3A_62 = arith.muli %arg1, %mul3A_61 : i32
    %add3A_63 = arith.constant 224 : i32
    %add3A_64 = arith.addi %mul3A_62, %add3A_63 : i32
    %dma_start3A_65 = arith.constant 0 : i32
    %dma_start3A_66 = tpu.memref_slice %arg10[%add3A_64, %dma_start3A_65] : memref<10240x128xf32, #tpu.memory_space<vmem_shared>> -> memref<32x128xf32, #tpu.memory_space<vmem_shared>>
    %dma_start3A_67 = arith.constant 0 : i32
    %dma_start3A_68 = tpu.memref_slice %arg10[%add3A_64, %dma_start3A_67] : memref<10240x128xf32, #tpu.memory_space<vmem_shared>> -> memref<32x128xf32, #tpu.memory_space<vmem_shared>>
    tpu.enqueue_dma source(%arg9 : memref<32x128xf32, #tpu.memory_space<vmem>>) target(%dma_start3A_68 : memref<32x128xf32, #tpu.memory_space<vmem_shared>>) target_semaphore(%arg13 : memref<!tpu.dma_semaphore, #tpu.memory_space<semaphore_mem>>)
    %mul3A_69 = arith.constant 640 : i32
    %mul3A_70 = arith.muli %arg1, %mul3A_69 : i32
    %add3A_71 = arith.constant 256 : i32
    %add3A_72 = arith.addi %mul3A_70, %add3A_71 : i32
    %dma_start3A_73 = arith.constant 0 : i32
    %dma_start3A_74 = tpu.memref_slice %arg10[%add3A_72, %dma_start3A_73] : memref<10240x128xf32, #tpu.memory_space<vmem_shared>> -> memref<32x128xf32, #tpu.memory_space<vmem_shared>>
    %dma_start3A_75 = arith.constant 0 : i32
    %dma_start3A_76 = tpu.memref_slice %arg10[%add3A_72, %dma_start3A_75] : memref<10240x128xf32, #tpu.memory_space<vmem_shared>> -> memref<32x128xf32, #tpu.memory_space<vmem_shared>>
    tpu.enqueue_dma source(%arg9 : memref<32x128xf32, #tpu.memory_space<vmem>>) target(%dma_start3A_76 : memref<32x128xf32, #tpu.memory_space<vmem_shared>>) target_semaphore(%arg13 : memref<!tpu.dma_semaphore, #tpu.memory_space<semaphore_mem>>)
    %mul3A_77 = arith.constant 640 : i32
    %mul3A_78 = arith.muli %arg1, %mul3A_77 : i32
    %add3A_79 = arith.constant 288 : i32
    %add3A_80 = arith.addi %mul3A_78, %add3A_79 : i32
    %dma_start3A_81 = arith.constant 0 : i32
    %dma_start3A_82 = tpu.memref_slice %arg10[%add3A_80, %dma_start3A_81] : memref<10240x128xf32, #tpu.memory_space<vmem_shared>> -> memref<32x128xf32, #tpu.memory_space<vmem_shared>>
    %dma_start3A_83 = arith.constant 0 : i32
    %dma_start3A_84 = tpu.memref_slice %arg10[%add3A_80, %dma_start3A_83] : memref<10240x128xf32, #tpu.memory_space<vmem_shared>> -> memref<32x128xf32, #tpu.memory_space<vmem_shared>>
    tpu.enqueue_dma source(%arg9 : memref<32x128xf32, #tpu.memory_space<vmem>>) target(%dma_start3A_84 : memref<32x128xf32, #tpu.memory_space<vmem_shared>>) target_semaphore(%arg13 : memref<!tpu.dma_semaphore, #tpu.memory_space<semaphore_mem>>)
    %mul3A_85 = arith.constant 640 : i32
    %mul3A_86 = arith.muli %arg1, %mul3A_85 : i32
    %add3A_87 = arith.constant 320 : i32
    %add3A_88 = arith.addi %mul3A_86, %add3A_87 : i32
    %dma_start3A_89 = arith.constant 0 : i32
    %dma_start3A_90 = tpu.memref_slice %arg10[%add3A_88, %dma_start3A_89] : memref<10240x128xf32, #tpu.memory_space<vmem_shared>> -> memref<32x128xf32, #tpu.memory_space<vmem_shared>>
    %dma_start3A_91 = arith.constant 0 : i32
    %dma_start3A_92 = tpu.memref_slice %arg10[%add3A_88, %dma_start3A_91] : memref<10240x128xf32, #tpu.memory_space<vmem_shared>> -> memref<32x128xf32, #tpu.memory_space<vmem_shared>>
    tpu.enqueue_dma source(%arg9 : memref<32x128xf32, #tpu.memory_space<vmem>>) target(%dma_start3A_92 : memref<32x128xf32, #tpu.memory_space<vmem_shared>>) target_semaphore(%arg13 : memref<!tpu.dma_semaphore, #tpu.memory_space<semaphore_mem>>)
    %mul3A_93 = arith.constant 640 : i32
    %mul3A_94 = arith.muli %arg1, %mul3A_93 : i32
    %add3A_95 = arith.constant 352 : i32
    %add3A_96 = arith.addi %mul3A_94, %add3A_95 : i32
    %dma_start3A_97 = arith.constant 0 : i32
    %dma_start3A_98 = tpu.memref_slice %arg10[%add3A_96, %dma_start3A_97] : memref<10240x128xf32, #tpu.memory_space<vmem_shared>> -> memref<32x128xf32, #tpu.memory_space<vmem_shared>>
    %dma_start3A_99 = arith.constant 0 : i32
    %dma_start3A_100 = tpu.memref_slice %arg10[%add3A_96, %dma_start3A_99] : memref<10240x128xf32, #tpu.memory_space<vmem_shared>> -> memref<32x128xf32, #tpu.memory_space<vmem_shared>>
    tpu.enqueue_dma source(%arg9 : memref<32x128xf32, #tpu.memory_space<vmem>>) target(%dma_start3A_100 : memref<32x128xf32, #tpu.memory_space<vmem_shared>>) target_semaphore(%arg13 : memref<!tpu.dma_semaphore, #tpu.memory_space<semaphore_mem>>)
    %mul3A_101 = arith.constant 640 : i32
    %mul3A_102 = arith.muli %arg1, %mul3A_101 : i32
    %add3A_103 = arith.constant 384 : i32
    %add3A_104 = arith.addi %mul3A_102, %add3A_103 : i32
    %dma_start3A_105 = arith.constant 0 : i32
    %dma_start3A_106 = tpu.memref_slice %arg10[%add3A_104, %dma_start3A_105] : memref<10240x128xf32, #tpu.memory_space<vmem_shared>> -> memref<32x128xf32, #tpu.memory_space<vmem_shared>>
    %dma_start3A_107 = arith.constant 0 : i32
    %dma_start3A_108 = tpu.memref_slice %arg10[%add3A_104, %dma_start3A_107] : memref<10240x128xf32, #tpu.memory_space<vmem_shared>> -> memref<32x128xf32, #tpu.memory_space<vmem_shared>>
    tpu.enqueue_dma source(%arg9 : memref<32x128xf32, #tpu.memory_space<vmem>>) target(%dma_start3A_108 : memref<32x128xf32, #tpu.memory_space<vmem_shared>>) target_semaphore(%arg13 : memref<!tpu.dma_semaphore, #tpu.memory_space<semaphore_mem>>)
    %mul3A_109 = arith.constant 640 : i32
    %mul3A_110 = arith.muli %arg1, %mul3A_109 : i32
    %add3A_111 = arith.constant 416 : i32
    %add3A_112 = arith.addi %mul3A_110, %add3A_111 : i32
    %dma_start3A_113 = arith.constant 0 : i32
    %dma_start3A_114 = tpu.memref_slice %arg10[%add3A_112, %dma_start3A_113] : memref<10240x128xf32, #tpu.memory_space<vmem_shared>> -> memref<32x128xf32, #tpu.memory_space<vmem_shared>>
    %dma_start3A_115 = arith.constant 0 : i32
    %dma_start3A_116 = tpu.memref_slice %arg10[%add3A_112, %dma_start3A_115] : memref<10240x128xf32, #tpu.memory_space<vmem_shared>> -> memref<32x128xf32, #tpu.memory_space<vmem_shared>>
    tpu.enqueue_dma source(%arg9 : memref<32x128xf32, #tpu.memory_space<vmem>>) target(%dma_start3A_116 : memref<32x128xf32, #tpu.memory_space<vmem_shared>>) target_semaphore(%arg13 : memref<!tpu.dma_semaphore, #tpu.memory_space<semaphore_mem>>)
    %mul3A_117 = arith.constant 640 : i32
    %mul3A_118 = arith.muli %arg1, %mul3A_117 : i32
    %add3A_119 = arith.constant 448 : i32
    %add3A_120 = arith.addi %mul3A_118, %add3A_119 : i32
    %dma_start3A_121 = arith.constant 0 : i32
    %dma_start3A_122 = tpu.memref_slice %arg10[%add3A_120, %dma_start3A_121] : memref<10240x128xf32, #tpu.memory_space<vmem_shared>> -> memref<32x128xf32, #tpu.memory_space<vmem_shared>>
    %dma_start3A_123 = arith.constant 0 : i32
    %dma_start3A_124 = tpu.memref_slice %arg10[%add3A_120, %dma_start3A_123] : memref<10240x128xf32, #tpu.memory_space<vmem_shared>> -> memref<32x128xf32, #tpu.memory_space<vmem_shared>>
    tpu.enqueue_dma source(%arg9 : memref<32x128xf32, #tpu.memory_space<vmem>>) target(%dma_start3A_124 : memref<32x128xf32, #tpu.memory_space<vmem_shared>>) target_semaphore(%arg13 : memref<!tpu.dma_semaphore, #tpu.memory_space<semaphore_mem>>)
    %mul3A_125 = arith.constant 640 : i32
    %mul3A_126 = arith.muli %arg1, %mul3A_125 : i32
    %add3A_127 = arith.constant 480 : i32
    %add3A_128 = arith.addi %mul3A_126, %add3A_127 : i32
    %dma_start3A_129 = arith.constant 0 : i32
    %dma_start3A_130 = tpu.memref_slice %arg10[%add3A_128, %dma_start3A_129] : memref<10240x128xf32, #tpu.memory_space<vmem_shared>> -> memref<32x128xf32, #tpu.memory_space<vmem_shared>>
    %dma_start3A_131 = arith.constant 0 : i32
    %dma_start3A_132 = tpu.memref_slice %arg10[%add3A_128, %dma_start3A_131] : memref<10240x128xf32, #tpu.memory_space<vmem_shared>> -> memref<32x128xf32, #tpu.memory_space<vmem_shared>>
    tpu.enqueue_dma source(%arg9 : memref<32x128xf32, #tpu.memory_space<vmem>>) target(%dma_start3A_132 : memref<32x128xf32, #tpu.memory_space<vmem_shared>>) target_semaphore(%arg13 : memref<!tpu.dma_semaphore, #tpu.memory_space<semaphore_mem>>)
    %mul3A_133 = arith.constant 640 : i32
    %mul3A_134 = arith.muli %arg1, %mul3A_133 : i32
    %add3A_135 = arith.constant 512 : i32
    %add3A_136 = arith.addi %mul3A_134, %add3A_135 : i32
    %dma_start3A_137 = arith.constant 0 : i32
    %dma_start3A_138 = tpu.memref_slice %arg10[%add3A_136, %dma_start3A_137] : memref<10240x128xf32, #tpu.memory_space<vmem_shared>> -> memref<32x128xf32, #tpu.memory_space<vmem_shared>>
    %dma_start3A_139 = arith.constant 0 : i32
    %dma_start3A_140 = tpu.memref_slice %arg10[%add3A_136, %dma_start3A_139] : memref<10240x128xf32, #tpu.memory_space<vmem_shared>> -> memref<32x128xf32, #tpu.memory_space<vmem_shared>>
    tpu.enqueue_dma source(%arg9 : memref<32x128xf32, #tpu.memory_space<vmem>>) target(%dma_start3A_140 : memref<32x128xf32, #tpu.memory_space<vmem_shared>>) target_semaphore(%arg13 : memref<!tpu.dma_semaphore, #tpu.memory_space<semaphore_mem>>)
    %mul3A_141 = arith.constant 640 : i32
    %mul3A_142 = arith.muli %arg1, %mul3A_141 : i32
    %add3A_143 = arith.constant 544 : i32
    %add3A_144 = arith.addi %mul3A_142, %add3A_143 : i32
    %dma_start3A_145 = arith.constant 0 : i32
    %dma_start3A_146 = tpu.memref_slice %arg10[%add3A_144, %dma_start3A_145] : memref<10240x128xf32, #tpu.memory_space<vmem_shared>> -> memref<32x128xf32, #tpu.memory_space<vmem_shared>>
    %dma_start3A_147 = arith.constant 0 : i32
    %dma_start3A_148 = tpu.memref_slice %arg10[%add3A_144, %dma_start3A_147] : memref<10240x128xf32, #tpu.memory_space<vmem_shared>> -> memref<32x128xf32, #tpu.memory_space<vmem_shared>>
    tpu.enqueue_dma source(%arg9 : memref<32x128xf32, #tpu.memory_space<vmem>>) target(%dma_start3A_148 : memref<32x128xf32, #tpu.memory_space<vmem_shared>>) target_semaphore(%arg13 : memref<!tpu.dma_semaphore, #tpu.memory_space<semaphore_mem>>)
    %mul3A_149 = arith.constant 640 : i32
    %mul3A_150 = arith.muli %arg1, %mul3A_149 : i32
    %add3A_151 = arith.constant 576 : i32
    %add3A_152 = arith.addi %mul3A_150, %add3A_151 : i32
    %dma_start3A_153 = arith.constant 0 : i32
    %dma_start3A_154 = tpu.memref_slice %arg10[%add3A_152, %dma_start3A_153] : memref<10240x128xf32, #tpu.memory_space<vmem_shared>> -> memref<32x128xf32, #tpu.memory_space<vmem_shared>>
    %dma_start3A_155 = arith.constant 0 : i32
    %dma_start3A_156 = tpu.memref_slice %arg10[%add3A_152, %dma_start3A_155] : memref<10240x128xf32, #tpu.memory_space<vmem_shared>> -> memref<32x128xf32, #tpu.memory_space<vmem_shared>>
    tpu.enqueue_dma source(%arg9 : memref<32x128xf32, #tpu.memory_space<vmem>>) target(%dma_start3A_156 : memref<32x128xf32, #tpu.memory_space<vmem_shared>>) target_semaphore(%arg13 : memref<!tpu.dma_semaphore, #tpu.memory_space<semaphore_mem>>)
    %mul3A_157 = arith.constant 640 : i32
    %mul3A_158 = arith.muli %arg1, %mul3A_157 : i32
    %add3A_159 = arith.constant 608 : i32
    %add3A_160 = arith.addi %mul3A_158, %add3A_159 : i32
    %dma_start3A_161 = arith.constant 0 : i32
    %dma_start3A_162 = tpu.memref_slice %arg10[%add3A_160, %dma_start3A_161] : memref<10240x128xf32, #tpu.memory_space<vmem_shared>> -> memref<32x128xf32, #tpu.memory_space<vmem_shared>>
    %dma_start3A_163 = arith.constant 0 : i32
    %dma_start3A_164 = tpu.memref_slice %arg10[%add3A_160, %dma_start3A_163] : memref<10240x128xf32, #tpu.memory_space<vmem_shared>> -> memref<32x128xf32, #tpu.memory_space<vmem_shared>>
    tpu.enqueue_dma source(%arg9 : memref<32x128xf32, #tpu.memory_space<vmem>>) target(%dma_start3A_164 : memref<32x128xf32, #tpu.memory_space<vmem_shared>>) target_semaphore(%arg13 : memref<!tpu.dma_semaphore, #tpu.memory_space<semaphore_mem>>)
    "tpu.region"() ({
      %run_scoped3A = tpu.sem_alloc : memref<!tpu.dma_semaphore, #tpu.memory_space<semaphore_mem>>
      %dma_start3A_437 = arith.constant 0 : i32
      %dma_start3A_438 = arith.constant 0 : i32
      %dma_start3A_439 = tpu.memref_slice %arg3[%add3A, %dma_start3A_437, %dma_start3A_438] : memref<32x80x125xi32, #tpu.memory_space<hbm>> -> memref<1x40x125xi32, #tpu.memory_space<hbm>>
      %dma_start3A_440 = tpu.memref_squeeze %dma_start3A_439 : memref<1x40x125xi32, #tpu.memory_space<hbm>> -> memref<40x125xi32, #tpu.memory_space<hbm>>
      %dma_start3A_441 = arith.constant 0 : i32
      %dma_start3A_442 = arith.constant 0 : i32
      %dma_start3A_443 = tpu.memref_slice %arg3[%add3A, %dma_start3A_441, %dma_start3A_442] : memref<32x80x125xi32, #tpu.memory_space<hbm>> -> memref<1x40x125xi32, #tpu.memory_space<hbm>>
      %dma_start3A_444 = tpu.memref_squeeze %dma_start3A_443 : memref<1x40x125xi32, #tpu.memory_space<hbm>> -> memref<40x125xi32, #tpu.memory_space<hbm>>
      tpu.enqueue_dma source(%dma_start3A_444 : memref<40x125xi32, #tpu.memory_space<hbm>>) target(%arg6 : memref<40x125xi32, #tpu.memory_space<vmem>>) target_semaphore(%run_scoped3A : memref<!tpu.dma_semaphore, #tpu.memory_space<semaphore_mem>>)
      %dma_wait3A_445 = arith.constant 0 : i32
      %dma_wait3A_446 = arith.constant 0 : i32
      %dma_wait3A_447 = tpu.memref_slice %arg3[%add3A, %dma_wait3A_445, %dma_wait3A_446] : memref<32x80x125xi32, #tpu.memory_space<hbm>> -> memref<1x40x125xi32, #tpu.memory_space<hbm>>
      %dma_wait3A_448 = tpu.memref_squeeze %dma_wait3A_447 : memref<1x40x125xi32, #tpu.memory_space<hbm>> -> memref<40x125xi32, #tpu.memory_space<hbm>>
      %dma_wait3A_449 = arith.constant 0 : i32
      %dma_wait3A_450 = arith.constant 0 : i32
      %dma_wait3A_451 = tpu.memref_slice %arg3[%add3A, %dma_wait3A_449, %dma_wait3A_450] : memref<32x80x125xi32, #tpu.memory_space<hbm>> -> memref<1x40x125xi32, #tpu.memory_space<hbm>>
      %dma_wait3A_452 = tpu.memref_squeeze %dma_wait3A_451 : memref<1x40x125xi32, #tpu.memory_space<hbm>> -> memref<40x125xi32, #tpu.memory_space<hbm>>
      tpu.wait_dma2 semaphore(%run_scoped3A : memref<!tpu.dma_semaphore, #tpu.memory_space<semaphore_mem>>) src(%dma_wait3A_452 : memref<40x125xi32, #tpu.memory_space<hbm>>) dst(%arg6 : memref<40x125xi32, #tpu.memory_space<vmem>>)
      tpu.yield
    }) : () -> ()
    "tpu.region"() ({
      %run_scoped3A = tpu.sem_alloc : memref<!tpu.dma_semaphore, #tpu.memory_space<semaphore_mem>>
      %dma_start3A_437 = arith.constant 0 : i32
      %dma_start3A_438 = arith.constant 0 : i32
      %dma_start3A_439 = tpu.memref_slice %arg4[%add3A, %dma_start3A_437, %dma_start3A_438] : memref<32x80x125xi32, #tpu.memory_space<hbm>> -> memref<1x40x125xi32, #tpu.memory_space<hbm>>
      %dma_start3A_440 = tpu.memref_squeeze %dma_start3A_439 : memref<1x40x125xi32, #tpu.memory_space<hbm>> -> memref<40x125xi32, #tpu.memory_space<hbm>>
      %dma_start3A_441 = arith.constant 0 : i32
      %dma_start3A_442 = arith.constant 0 : i32
      %dma_start3A_443 = tpu.memref_slice %arg4[%add3A, %dma_start3A_441, %dma_start3A_442] : memref<32x80x125xi32, #tpu.memory_space<hbm>> -> memref<1x40x125xi32, #tpu.memory_space<hbm>>
      %dma_start3A_444 = tpu.memref_squeeze %dma_start3A_443 : memref<1x40x125xi32, #tpu.memory_space<hbm>> -> memref<40x125xi32, #tpu.memory_space<hbm>>
      tpu.enqueue_dma source(%dma_start3A_444 : memref<40x125xi32, #tpu.memory_space<hbm>>) target(%arg7 : memref<40x125xi32, #tpu.memory_space<vmem>>) target_semaphore(%run_scoped3A : memref<!tpu.dma_semaphore, #tpu.memory_space<semaphore_mem>>)
      %dma_wait3A_445 = arith.constant 0 : i32
      %dma_wait3A_446 = arith.constant 0 : i32
      %dma_wait3A_447 = tpu.memref_slice %arg4[%add3A, %dma_wait3A_445, %dma_wait3A_446] : memref<32x80x125xi32, #tpu.memory_space<hbm>> -> memref<1x40x125xi32, #tpu.memory_space<hbm>>
      %dma_wait3A_448 = tpu.memref_squeeze %dma_wait3A_447 : memref<1x40x125xi32, #tpu.memory_space<hbm>> -> memref<40x125xi32, #tpu.memory_space<hbm>>
      %dma_wait3A_449 = arith.constant 0 : i32
      %dma_wait3A_450 = arith.constant 0 : i32
      %dma_wait3A_451 = tpu.memref_slice %arg4[%add3A, %dma_wait3A_449, %dma_wait3A_450] : memref<32x80x125xi32, #tpu.memory_space<hbm>> -> memref<1x40x125xi32, #tpu.memory_space<hbm>>
      %dma_wait3A_452 = tpu.memref_squeeze %dma_wait3A_451 : memref<1x40x125xi32, #tpu.memory_space<hbm>> -> memref<40x125xi32, #tpu.memory_space<hbm>>
      tpu.wait_dma2 semaphore(%run_scoped3A : memref<!tpu.dma_semaphore, #tpu.memory_space<semaphore_mem>>) src(%dma_wait3A_452 : memref<40x125xi32, #tpu.memory_space<hbm>>) dst(%arg7 : memref<40x125xi32, #tpu.memory_space<vmem>>)
      tpu.yield
    }) : () -> ()
    %dma_start3A_165 = arith.constant 0 : i32
    %dma_start3A_166 = arith.constant 0 : i32
    %dma_start3A_167 = arith.constant 0 : i32
    %dma_start3A_168 = arith.constant 0 : i32
    %dma_start3A_169 = tpu.memref_slice %arg8[%dma_start3A_166, %dma_start3A_167, %dma_start3A_168] : memref<2x125x128xf32, #tpu.memory_space<vmem>> -> memref<1x125x128xf32, #tpu.memory_space<vmem>>
    %dma_start3A_170 = tpu.memref_squeeze %dma_start3A_169 : memref<1x125x128xf32, #tpu.memory_space<vmem>> -> memref<125x128xf32, #tpu.memory_space<vmem>>
    %dma_start3A_171 = arith.constant 0 : i32
    %dma_start3A_172 = tpu.memref_slice %arg6[%dma_start3A_165, %dma_start3A_171] : memref<40x125xi32, #tpu.memory_space<vmem>> -> memref<1x125xi32, #tpu.memory_space<vmem>>
    %dma_start3A_173 = tpu.memref_squeeze %dma_start3A_172 : memref<1x125xi32, #tpu.memory_space<vmem>> -> memref<125xi32, #tpu.memory_space<vmem>>
    %dma_start3A_174 = arith.constant 0 : i32
    %dma_start3A_175 = arith.constant 0 : i32
    %dma_start3A_176 = tpu.memref_slice %arg2[%dma_start3A_174, %dma_start3A_175] : memref<10000x128xf32, #tpu.memory_space<hbm>> -> memref<10000x128xf32, #tpu.memory_space<hbm>>
    tpu.enqueue_indirect_dma source(%dma_start3A_176 : memref<10000x128xf32, #tpu.memory_space<hbm>>) target(%dma_start3A_170 : memref<125x128xf32, #tpu.memory_space<vmem>>) offsets(%dma_start3A_173 : memref<125xi32, #tpu.memory_space<vmem>>) semaphore(%arg11 : memref<!tpu.dma_semaphore, #tpu.memory_space<semaphore_mem>>)
    %dma_start3A_177 = arith.constant 1 : i32
    %dma_start3A_178 = arith.constant 1 : i32
    %dma_start3A_179 = arith.constant 0 : i32
    %dma_start3A_180 = arith.constant 0 : i32
    %dma_start3A_181 = tpu.memref_slice %arg8[%dma_start3A_178, %dma_start3A_179, %dma_start3A_180] : memref<2x125x128xf32, #tpu.memory_space<vmem>> -> memref<1x125x128xf32, #tpu.memory_space<vmem>>
    %dma_start3A_182 = tpu.memref_squeeze %dma_start3A_181 : memref<1x125x128xf32, #tpu.memory_space<vmem>> -> memref<125x128xf32, #tpu.memory_space<vmem>>
    %dma_start3A_183 = arith.constant 0 : i32
    %dma_start3A_184 = tpu.memref_slice %arg6[%dma_start3A_177, %dma_start3A_183] : memref<40x125xi32, #tpu.memory_space<vmem>> -> memref<1x125xi32, #tpu.memory_space<vmem>>
    %dma_start3A_185 = tpu.memref_squeeze %dma_start3A_184 : memref<1x125xi32, #tpu.memory_space<vmem>> -> memref<125xi32, #tpu.memory_space<vmem>>
    %dma_start3A_186 = arith.constant 0 : i32
    %dma_start3A_187 = arith.constant 0 : i32
    %dma_start3A_188 = tpu.memref_slice %arg2[%dma_start3A_186, %dma_start3A_187] : memref<10000x128xf32, #tpu.memory_space<hbm>> -> memref<10000x128xf32, #tpu.memory_space<hbm>>
    tpu.enqueue_indirect_dma source(%dma_start3A_188 : memref<10000x128xf32, #tpu.memory_space<hbm>>) target(%dma_start3A_182 : memref<125x128xf32, #tpu.memory_space<vmem>>) offsets(%dma_start3A_185 : memref<125xi32, #tpu.memory_space<vmem>>) semaphore(%arg12 : memref<!tpu.dma_semaphore, #tpu.memory_space<semaphore_mem>>)
    %mul3A_189 = arith.constant 640 : i32
    %mul3A_190 = arith.muli %arg1, %mul3A_189 : i32
    %add3A_191 = arith.constant 0 : i32
    %add3A_192 = arith.addi %mul3A_190, %add3A_191 : i32
    %dma_wait3A = arith.constant 0 : i32
    %dma_wait3A_193 = tpu.memref_slice %arg10[%add3A_192, %dma_wait3A] : memref<10240x128xf32, #tpu.memory_space<vmem_shared>> -> memref<32x128xf32, #tpu.memory_space<vmem_shared>>
    %dma_wait3A_194 = arith.constant 0 : i32
    %dma_wait3A_195 = tpu.memref_slice %arg10[%add3A_192, %dma_wait3A_194] : memref<10240x128xf32, #tpu.memory_space<vmem_shared>> -> memref<32x128xf32, #tpu.memory_space<vmem_shared>>
    tpu.wait_dma2 semaphore(%arg13 : memref<!tpu.dma_semaphore, #tpu.memory_space<semaphore_mem>>) src(%arg9 : memref<32x128xf32, #tpu.memory_space<vmem>>) dst(%dma_wait3A_195 : memref<32x128xf32, #tpu.memory_space<vmem_shared>>)
    %mul3A_196 = arith.constant 640 : i32
    %mul3A_197 = arith.muli %arg1, %mul3A_196 : i32
    %add3A_198 = arith.constant 32 : i32
    %add3A_199 = arith.addi %mul3A_197, %add3A_198 : i32
    %dma_wait3A_200 = arith.constant 0 : i32
    %dma_wait3A_201 = tpu.memref_slice %arg10[%add3A_199, %dma_wait3A_200] : memref<10240x128xf32, #tpu.memory_space<vmem_shared>> -> memref<32x128xf32, #tpu.memory_space<vmem_shared>>
    %dma_wait3A_202 = arith.constant 0 : i32
    %dma_wait3A_203 = tpu.memref_slice %arg10[%add3A_199, %dma_wait3A_202] : memref<10240x128xf32, #tpu.memory_space<vmem_shared>> -> memref<32x128xf32, #tpu.memory_space<vmem_shared>>
    tpu.wait_dma2 semaphore(%arg13 : memref<!tpu.dma_semaphore, #tpu.memory_space<semaphore_mem>>) src(%arg9 : memref<32x128xf32, #tpu.memory_space<vmem>>) dst(%dma_wait3A_203 : memref<32x128xf32, #tpu.memory_space<vmem_shared>>)
    %mul3A_204 = arith.constant 640 : i32
    %mul3A_205 = arith.muli %arg1, %mul3A_204 : i32
    %add3A_206 = arith.constant 64 : i32
    %add3A_207 = arith.addi %mul3A_205, %add3A_206 : i32
    %dma_wait3A_208 = arith.constant 0 : i32
    %dma_wait3A_209 = tpu.memref_slice %arg10[%add3A_207, %dma_wait3A_208] : memref<10240x128xf32, #tpu.memory_space<vmem_shared>> -> memref<32x128xf32, #tpu.memory_space<vmem_shared>>
    %dma_wait3A_210 = arith.constant 0 : i32
    %dma_wait3A_211 = tpu.memref_slice %arg10[%add3A_207, %dma_wait3A_210] : memref<10240x128xf32, #tpu.memory_space<vmem_shared>> -> memref<32x128xf32, #tpu.memory_space<vmem_shared>>
    tpu.wait_dma2 semaphore(%arg13 : memref<!tpu.dma_semaphore, #tpu.memory_space<semaphore_mem>>) src(%arg9 : memref<32x128xf32, #tpu.memory_space<vmem>>) dst(%dma_wait3A_211 : memref<32x128xf32, #tpu.memory_space<vmem_shared>>)
    %mul3A_212 = arith.constant 640 : i32
    %mul3A_213 = arith.muli %arg1, %mul3A_212 : i32
    %add3A_214 = arith.constant 96 : i32
    %add3A_215 = arith.addi %mul3A_213, %add3A_214 : i32
    %dma_wait3A_216 = arith.constant 0 : i32
    %dma_wait3A_217 = tpu.memref_slice %arg10[%add3A_215, %dma_wait3A_216] : memref<10240x128xf32, #tpu.memory_space<vmem_shared>> -> memref<32x128xf32, #tpu.memory_space<vmem_shared>>
    %dma_wait3A_218 = arith.constant 0 : i32
    %dma_wait3A_219 = tpu.memref_slice %arg10[%add3A_215, %dma_wait3A_218] : memref<10240x128xf32, #tpu.memory_space<vmem_shared>> -> memref<32x128xf32, #tpu.memory_space<vmem_shared>>
    tpu.wait_dma2 semaphore(%arg13 : memref<!tpu.dma_semaphore, #tpu.memory_space<semaphore_mem>>) src(%arg9 : memref<32x128xf32, #tpu.memory_space<vmem>>) dst(%dma_wait3A_219 : memref<32x128xf32, #tpu.memory_space<vmem_shared>>)
    %mul3A_220 = arith.constant 640 : i32
    %mul3A_221 = arith.muli %arg1, %mul3A_220 : i32
    %add3A_222 = arith.constant 128 : i32
    %add3A_223 = arith.addi %mul3A_221, %add3A_222 : i32
    %dma_wait3A_224 = arith.constant 0 : i32
    %dma_wait3A_225 = tpu.memref_slice %arg10[%add3A_223, %dma_wait3A_224] : memref<10240x128xf32, #tpu.memory_space<vmem_shared>> -> memref<32x128xf32, #tpu.memory_space<vmem_shared>>
    %dma_wait3A_226 = arith.constant 0 : i32
    %dma_wait3A_227 = tpu.memref_slice %arg10[%add3A_223, %dma_wait3A_226] : memref<10240x128xf32, #tpu.memory_space<vmem_shared>> -> memref<32x128xf32, #tpu.memory_space<vmem_shared>>
    tpu.wait_dma2 semaphore(%arg13 : memref<!tpu.dma_semaphore, #tpu.memory_space<semaphore_mem>>) src(%arg9 : memref<32x128xf32, #tpu.memory_space<vmem>>) dst(%dma_wait3A_227 : memref<32x128xf32, #tpu.memory_space<vmem_shared>>)
    %mul3A_228 = arith.constant 640 : i32
    %mul3A_229 = arith.muli %arg1, %mul3A_228 : i32
    %add3A_230 = arith.constant 160 : i32
    %add3A_231 = arith.addi %mul3A_229, %add3A_230 : i32
    %dma_wait3A_232 = arith.constant 0 : i32
    %dma_wait3A_233 = tpu.memref_slice %arg10[%add3A_231, %dma_wait3A_232] : memref<10240x128xf32, #tpu.memory_space<vmem_shared>> -> memref<32x128xf32, #tpu.memory_space<vmem_shared>>
    %dma_wait3A_234 = arith.constant 0 : i32
    %dma_wait3A_235 = tpu.memref_slice %arg10[%add3A_231, %dma_wait3A_234] : memref<10240x128xf32, #tpu.memory_space<vmem_shared>> -> memref<32x128xf32, #tpu.memory_space<vmem_shared>>
    tpu.wait_dma2 semaphore(%arg13 : memref<!tpu.dma_semaphore, #tpu.memory_space<semaphore_mem>>) src(%arg9 : memref<32x128xf32, #tpu.memory_space<vmem>>) dst(%dma_wait3A_235 : memref<32x128xf32, #tpu.memory_space<vmem_shared>>)
    %mul3A_236 = arith.constant 640 : i32
    %mul3A_237 = arith.muli %arg1, %mul3A_236 : i32
    %add3A_238 = arith.constant 192 : i32
    %add3A_239 = arith.addi %mul3A_237, %add3A_238 : i32
    %dma_wait3A_240 = arith.constant 0 : i32
    %dma_wait3A_241 = tpu.memref_slice %arg10[%add3A_239, %dma_wait3A_240] : memref<10240x128xf32, #tpu.memory_space<vmem_shared>> -> memref<32x128xf32, #tpu.memory_space<vmem_shared>>
    %dma_wait3A_242 = arith.constant 0 : i32
    %dma_wait3A_243 = tpu.memref_slice %arg10[%add3A_239, %dma_wait3A_242] : memref<10240x128xf32, #tpu.memory_space<vmem_shared>> -> memref<32x128xf32, #tpu.memory_space<vmem_shared>>
    tpu.wait_dma2 semaphore(%arg13 : memref<!tpu.dma_semaphore, #tpu.memory_space<semaphore_mem>>) src(%arg9 : memref<32x128xf32, #tpu.memory_space<vmem>>) dst(%dma_wait3A_243 : memref<32x128xf32, #tpu.memory_space<vmem_shared>>)
    %mul3A_244 = arith.constant 640 : i32
    %mul3A_245 = arith.muli %arg1, %mul3A_244 : i32
    %add3A_246 = arith.constant 224 : i32
    %add3A_247 = arith.addi %mul3A_245, %add3A_246 : i32
    %dma_wait3A_248 = arith.constant 0 : i32
    %dma_wait3A_249 = tpu.memref_slice %arg10[%add3A_247, %dma_wait3A_248] : memref<10240x128xf32, #tpu.memory_space<vmem_shared>> -> memref<32x128xf32, #tpu.memory_space<vmem_shared>>
    %dma_wait3A_250 = arith.constant 0 : i32
    %dma_wait3A_251 = tpu.memref_slice %arg10[%add3A_247, %dma_wait3A_250] : memref<10240x128xf32, #tpu.memory_space<vmem_shared>> -> memref<32x128xf32, #tpu.memory_space<vmem_shared>>
    tpu.wait_dma2 semaphore(%arg13 : memref<!tpu.dma_semaphore, #tpu.memory_space<semaphore_mem>>) src(%arg9 : memref<32x128xf32, #tpu.memory_space<vmem>>) dst(%dma_wait3A_251 : memref<32x128xf32, #tpu.memory_space<vmem_shared>>)
    %mul3A_252 = arith.constant 640 : i32
    %mul3A_253 = arith.muli %arg1, %mul3A_252 : i32
    %add3A_254 = arith.constant 256 : i32
    %add3A_255 = arith.addi %mul3A_253, %add3A_254 : i32
    %dma_wait3A_256 = arith.constant 0 : i32
    %dma_wait3A_257 = tpu.memref_slice %arg10[%add3A_255, %dma_wait3A_256] : memref<10240x128xf32, #tpu.memory_space<vmem_shared>> -> memref<32x128xf32, #tpu.memory_space<vmem_shared>>
    %dma_wait3A_258 = arith.constant 0 : i32
    %dma_wait3A_259 = tpu.memref_slice %arg10[%add3A_255, %dma_wait3A_258] : memref<10240x128xf32, #tpu.memory_space<vmem_shared>> -> memref<32x128xf32, #tpu.memory_space<vmem_shared>>
    tpu.wait_dma2 semaphore(%arg13 : memref<!tpu.dma_semaphore, #tpu.memory_space<semaphore_mem>>) src(%arg9 : memref<32x128xf32, #tpu.memory_space<vmem>>) dst(%dma_wait3A_259 : memref<32x128xf32, #tpu.memory_space<vmem_shared>>)
    %mul3A_260 = arith.constant 640 : i32
    %mul3A_261 = arith.muli %arg1, %mul3A_260 : i32
    %add3A_262 = arith.constant 288 : i32
    %add3A_263 = arith.addi %mul3A_261, %add3A_262 : i32
    %dma_wait3A_264 = arith.constant 0 : i32
    %dma_wait3A_265 = tpu.memref_slice %arg10[%add3A_263, %dma_wait3A_264] : memref<10240x128xf32, #tpu.memory_space<vmem_shared>> -> memref<32x128xf32, #tpu.memory_space<vmem_shared>>
    %dma_wait3A_266 = arith.constant 0 : i32
    %dma_wait3A_267 = tpu.memref_slice %arg10[%add3A_263, %dma_wait3A_266] : memref<10240x128xf32, #tpu.memory_space<vmem_shared>> -> memref<32x128xf32, #tpu.memory_space<vmem_shared>>
    tpu.wait_dma2 semaphore(%arg13 : memref<!tpu.dma_semaphore, #tpu.memory_space<semaphore_mem>>) src(%arg9 : memref<32x128xf32, #tpu.memory_space<vmem>>) dst(%dma_wait3A_267 : memref<32x128xf32, #tpu.memory_space<vmem_shared>>)
    %mul3A_268 = arith.constant 640 : i32
    %mul3A_269 = arith.muli %arg1, %mul3A_268 : i32
    %add3A_270 = arith.constant 320 : i32
    %add3A_271 = arith.addi %mul3A_269, %add3A_270 : i32
    %dma_wait3A_272 = arith.constant 0 : i32
    %dma_wait3A_273 = tpu.memref_slice %arg10[%add3A_271, %dma_wait3A_272] : memref<10240x128xf32, #tpu.memory_space<vmem_shared>> -> memref<32x128xf32, #tpu.memory_space<vmem_shared>>
    %dma_wait3A_274 = arith.constant 0 : i32
    %dma_wait3A_275 = tpu.memref_slice %arg10[%add3A_271, %dma_wait3A_274] : memref<10240x128xf32, #tpu.memory_space<vmem_shared>> -> memref<32x128xf32, #tpu.memory_space<vmem_shared>>
    tpu.wait_dma2 semaphore(%arg13 : memref<!tpu.dma_semaphore, #tpu.memory_space<semaphore_mem>>) src(%arg9 : memref<32x128xf32, #tpu.memory_space<vmem>>) dst(%dma_wait3A_275 : memref<32x128xf32, #tpu.memory_space<vmem_shared>>)
    %mul3A_276 = arith.constant 640 : i32
    %mul3A_277 = arith.muli %arg1, %mul3A_276 : i32
    %add3A_278 = arith.constant 352 : i32
    %add3A_279 = arith.addi %mul3A_277, %add3A_278 : i32
    %dma_wait3A_280 = arith.constant 0 : i32
    %dma_wait3A_281 = tpu.memref_slice %arg10[%add3A_279, %dma_wait3A_280] : memref<10240x128xf32, #tpu.memory_space<vmem_shared>> -> memref<32x128xf32, #tpu.memory_space<vmem_shared>>
    %dma_wait3A_282 = arith.constant 0 : i32
    %dma_wait3A_283 = tpu.memref_slice %arg10[%add3A_279, %dma_wait3A_282] : memref<10240x128xf32, #tpu.memory_space<vmem_shared>> -> memref<32x128xf32, #tpu.memory_space<vmem_shared>>
    tpu.wait_dma2 semaphore(%arg13 : memref<!tpu.dma_semaphore, #tpu.memory_space<semaphore_mem>>) src(%arg9 : memref<32x128xf32, #tpu.memory_space<vmem>>) dst(%dma_wait3A_283 : memref<32x128xf32, #tpu.memory_space<vmem_shared>>)
    %mul3A_284 = arith.constant 640 : i32
    %mul3A_285 = arith.muli %arg1, %mul3A_284 : i32
    %add3A_286 = arith.constant 384 : i32
    %add3A_287 = arith.addi %mul3A_285, %add3A_286 : i32
    %dma_wait3A_288 = arith.constant 0 : i32
    %dma_wait3A_289 = tpu.memref_slice %arg10[%add3A_287, %dma_wait3A_288] : memref<10240x128xf32, #tpu.memory_space<vmem_shared>> -> memref<32x128xf32, #tpu.memory_space<vmem_shared>>
    %dma_wait3A_290 = arith.constant 0 : i32
    %dma_wait3A_291 = tpu.memref_slice %arg10[%add3A_287, %dma_wait3A_290] : memref<10240x128xf32, #tpu.memory_space<vmem_shared>> -> memref<32x128xf32, #tpu.memory_space<vmem_shared>>
    tpu.wait_dma2 semaphore(%arg13 : memref<!tpu.dma_semaphore, #tpu.memory_space<semaphore_mem>>) src(%arg9 : memref<32x128xf32, #tpu.memory_space<vmem>>) dst(%dma_wait3A_291 : memref<32x128xf32, #tpu.memory_space<vmem_shared>>)
    %mul3A_292 = arith.constant 640 : i32
    %mul3A_293 = arith.muli %arg1, %mul3A_292 : i32
    %add3A_294 = arith.constant 416 : i32
    %add3A_295 = arith.addi %mul3A_293, %add3A_294 : i32
    %dma_wait3A_296 = arith.constant 0 : i32
    %dma_wait3A_297 = tpu.memref_slice %arg10[%add3A_295, %dma_wait3A_296] : memref<10240x128xf32, #tpu.memory_space<vmem_shared>> -> memref<32x128xf32, #tpu.memory_space<vmem_shared>>
    %dma_wait3A_298 = arith.constant 0 : i32
    %dma_wait3A_299 = tpu.memref_slice %arg10[%add3A_295, %dma_wait3A_298] : memref<10240x128xf32, #tpu.memory_space<vmem_shared>> -> memref<32x128xf32, #tpu.memory_space<vmem_shared>>
    tpu.wait_dma2 semaphore(%arg13 : memref<!tpu.dma_semaphore, #tpu.memory_space<semaphore_mem>>) src(%arg9 : memref<32x128xf32, #tpu.memory_space<vmem>>) dst(%dma_wait3A_299 : memref<32x128xf32, #tpu.memory_space<vmem_shared>>)
    %mul3A_300 = arith.constant 640 : i32
    %mul3A_301 = arith.muli %arg1, %mul3A_300 : i32
    %add3A_302 = arith.constant 448 : i32
    %add3A_303 = arith.addi %mul3A_301, %add3A_302 : i32
    %dma_wait3A_304 = arith.constant 0 : i32
    %dma_wait3A_305 = tpu.memref_slice %arg10[%add3A_303, %dma_wait3A_304] : memref<10240x128xf32, #tpu.memory_space<vmem_shared>> -> memref<32x128xf32, #tpu.memory_space<vmem_shared>>
    %dma_wait3A_306 = arith.constant 0 : i32
    %dma_wait3A_307 = tpu.memref_slice %arg10[%add3A_303, %dma_wait3A_306] : memref<10240x128xf32, #tpu.memory_space<vmem_shared>> -> memref<32x128xf32, #tpu.memory_space<vmem_shared>>
    tpu.wait_dma2 semaphore(%arg13 : memref<!tpu.dma_semaphore, #tpu.memory_space<semaphore_mem>>) src(%arg9 : memref<32x128xf32, #tpu.memory_space<vmem>>) dst(%dma_wait3A_307 : memref<32x128xf32, #tpu.memory_space<vmem_shared>>)
    %mul3A_308 = arith.constant 640 : i32
    %mul3A_309 = arith.muli %arg1, %mul3A_308 : i32
    %add3A_310 = arith.constant 480 : i32
    %add3A_311 = arith.addi %mul3A_309, %add3A_310 : i32
    %dma_wait3A_312 = arith.constant 0 : i32
    %dma_wait3A_313 = tpu.memref_slice %arg10[%add3A_311, %dma_wait3A_312] : memref<10240x128xf32, #tpu.memory_space<vmem_shared>> -> memref<32x128xf32, #tpu.memory_space<vmem_shared>>
    %dma_wait3A_314 = arith.constant 0 : i32
    %dma_wait3A_315 = tpu.memref_slice %arg10[%add3A_311, %dma_wait3A_314] : memref<10240x128xf32, #tpu.memory_space<vmem_shared>> -> memref<32x128xf32, #tpu.memory_space<vmem_shared>>
    tpu.wait_dma2 semaphore(%arg13 : memref<!tpu.dma_semaphore, #tpu.memory_space<semaphore_mem>>) src(%arg9 : memref<32x128xf32, #tpu.memory_space<vmem>>) dst(%dma_wait3A_315 : memref<32x128xf32, #tpu.memory_space<vmem_shared>>)
    %mul3A_316 = arith.constant 640 : i32
    %mul3A_317 = arith.muli %arg1, %mul3A_316 : i32
    %add3A_318 = arith.constant 512 : i32
    %add3A_319 = arith.addi %mul3A_317, %add3A_318 : i32
    %dma_wait3A_320 = arith.constant 0 : i32
    %dma_wait3A_321 = tpu.memref_slice %arg10[%add3A_319, %dma_wait3A_320] : memref<10240x128xf32, #tpu.memory_space<vmem_shared>> -> memref<32x128xf32, #tpu.memory_space<vmem_shared>>
    %dma_wait3A_322 = arith.constant 0 : i32
    %dma_wait3A_323 = tpu.memref_slice %arg10[%add3A_319, %dma_wait3A_322] : memref<10240x128xf32, #tpu.memory_space<vmem_shared>> -> memref<32x128xf32, #tpu.memory_space<vmem_shared>>
    tpu.wait_dma2 semaphore(%arg13 : memref<!tpu.dma_semaphore, #tpu.memory_space<semaphore_mem>>) src(%arg9 : memref<32x128xf32, #tpu.memory_space<vmem>>) dst(%dma_wait3A_323 : memref<32x128xf32, #tpu.memory_space<vmem_shared>>)
    %mul3A_324 = arith.constant 640 : i32
    %mul3A_325 = arith.muli %arg1, %mul3A_324 : i32
    %add3A_326 = arith.constant 544 : i32
    %add3A_327 = arith.addi %mul3A_325, %add3A_326 : i32
    %dma_wait3A_328 = arith.constant 0 : i32
    %dma_wait3A_329 = tpu.memref_slice %arg10[%add3A_327, %dma_wait3A_328] : memref<10240x128xf32, #tpu.memory_space<vmem_shared>> -> memref<32x128xf32, #tpu.memory_space<vmem_shared>>
    %dma_wait3A_330 = arith.constant 0 : i32
    %dma_wait3A_331 = tpu.memref_slice %arg10[%add3A_327, %dma_wait3A_330] : memref<10240x128xf32, #tpu.memory_space<vmem_shared>> -> memref<32x128xf32, #tpu.memory_space<vmem_shared>>
    tpu.wait_dma2 semaphore(%arg13 : memref<!tpu.dma_semaphore, #tpu.memory_space<semaphore_mem>>) src(%arg9 : memref<32x128xf32, #tpu.memory_space<vmem>>) dst(%dma_wait3A_331 : memref<32x128xf32, #tpu.memory_space<vmem_shared>>)
    %mul3A_332 = arith.constant 640 : i32
    %mul3A_333 = arith.muli %arg1, %mul3A_332 : i32
    %add3A_334 = arith.constant 576 : i32
    %add3A_335 = arith.addi %mul3A_333, %add3A_334 : i32
    %dma_wait3A_336 = arith.constant 0 : i32
    %dma_wait3A_337 = tpu.memref_slice %arg10[%add3A_335, %dma_wait3A_336] : memref<10240x128xf32, #tpu.memory_space<vmem_shared>> -> memref<32x128xf32, #tpu.memory_space<vmem_shared>>
    %dma_wait3A_338 = arith.constant 0 : i32
    %dma_wait3A_339 = tpu.memref_slice %arg10[%add3A_335, %dma_wait3A_338] : memref<10240x128xf32, #tpu.memory_space<vmem_shared>> -> memref<32x128xf32, #tpu.memory_space<vmem_shared>>
    tpu.wait_dma2 semaphore(%arg13 : memref<!tpu.dma_semaphore, #tpu.memory_space<semaphore_mem>>) src(%arg9 : memref<32x128xf32, #tpu.memory_space<vmem>>) dst(%dma_wait3A_339 : memref<32x128xf32, #tpu.memory_space<vmem_shared>>)
    %mul3A_340 = arith.constant 640 : i32
    %mul3A_341 = arith.muli %arg1, %mul3A_340 : i32
    %add3A_342 = arith.constant 608 : i32
    %add3A_343 = arith.addi %mul3A_341, %add3A_342 : i32
    %dma_wait3A_344 = arith.constant 0 : i32
    %dma_wait3A_345 = tpu.memref_slice %arg10[%add3A_343, %dma_wait3A_344] : memref<10240x128xf32, #tpu.memory_space<vmem_shared>> -> memref<32x128xf32, #tpu.memory_space<vmem_shared>>
    %dma_wait3A_346 = arith.constant 0 : i32
    %dma_wait3A_347 = tpu.memref_slice %arg10[%add3A_343, %dma_wait3A_346] : memref<10240x128xf32, #tpu.memory_space<vmem_shared>> -> memref<32x128xf32, #tpu.memory_space<vmem_shared>>
    tpu.wait_dma2 semaphore(%arg13 : memref<!tpu.dma_semaphore, #tpu.memory_space<semaphore_mem>>) src(%arg9 : memref<32x128xf32, #tpu.memory_space<vmem>>) dst(%dma_wait3A_347 : memref<32x128xf32, #tpu.memory_space<vmem_shared>>)
    %barrier3A = arith.constant 0 : index
    tpu.barrier barrier_id(%barrier3A)
    %scan3A_348 = arith.constant 0 : i32
    %scan3A_349 = arith.constant 0 : i32
    %scan3A_350 = arith.constant 20 : i32
    %scan3A_351 = arith.addi %scan3A_349, %scan3A_350 : i32
    %scan3A_352 = arith.constant 1 : i32
    scf.for %scan3A_437 = %scan3A_349 to %scan3A_351 step %scan3A_352  : i32 {
      %mul3A_438 = arith.constant 2 : i32
      %mul3A_439 = arith.muli %scan3A_437, %mul3A_438 : i32
      %add3A_440 = arith.constant 0 : i32
      %add3A_441 = arith.addi %mul3A_439, %add3A_440 : i32
      %dma_wait3A_442 = arith.constant 0 : i32
      %dma_wait3A_443 = arith.constant 0 : i32
      %dma_wait3A_444 = arith.constant 0 : i32
      %dma_wait3A_445 = tpu.memref_slice %arg8[%dma_wait3A_442, %dma_wait3A_443, %dma_wait3A_444] : memref<2x125x128xf32, #tpu.memory_space<vmem>> -> memref<1x125x128xf32, #tpu.memory_space<vmem>>
      %dma_wait3A_446 = tpu.memref_squeeze %dma_wait3A_445 : memref<1x125x128xf32, #tpu.memory_space<vmem>> -> memref<125x128xf32, #tpu.memory_space<vmem>>
      %dma_wait3A_447 = arith.constant 0 : i32
      %dma_wait3A_448 = tpu.memref_slice %arg6[%add3A_441, %dma_wait3A_447] : memref<40x125xi32, #tpu.memory_space<vmem>> -> memref<1x125xi32, #tpu.memory_space<vmem>>
      %dma_wait3A_449 = tpu.memref_squeeze %dma_wait3A_448 : memref<1x125xi32, #tpu.memory_space<vmem>> -> memref<125xi32, #tpu.memory_space<vmem>>
      %dma_wait3A_450 = arith.constant 0 : i32
      %dma_wait3A_451 = arith.constant 0 : i32
      %dma_wait3A_452 = tpu.memref_slice %arg2[%dma_wait3A_450, %dma_wait3A_451] : memref<10000x128xf32, #tpu.memory_space<hbm>> -> memref<10000x128xf32, #tpu.memory_space<hbm>>
      tpu.wait_indirect_dma semaphore(%arg11 : memref<!tpu.dma_semaphore, #tpu.memory_space<semaphore_mem>>) src(%dma_wait3A_452 : memref<10000x128xf32, #tpu.memory_space<hbm>>) dst(%dma_wait3A_446 : memref<125x128xf32, #tpu.memory_space<vmem>>)
      %dma_start3A_453 = arith.constant 0 : i32
      %dma_start3A_454 = arith.constant 0 : i32
      %dma_start3A_455 = arith.constant 0 : i32
      %dma_start3A_456 = tpu.memref_slice %arg8[%dma_start3A_453, %dma_start3A_454, %dma_start3A_455] : memref<2x125x128xf32, #tpu.memory_space<vmem>> -> memref<1x125x128xf32, #tpu.memory_space<vmem>>
      %dma_start3A_457 = tpu.memref_squeeze %dma_start3A_456 : memref<1x125x128xf32, #tpu.memory_space<vmem>> -> memref<125x128xf32, #tpu.memory_space<vmem>>
      %dma_start3A_458 = arith.constant 0 : i32
      %dma_start3A_459 = tpu.memref_slice %arg7[%add3A_441, %dma_start3A_458] : memref<40x125xi32, #tpu.memory_space<vmem>> -> memref<1x125xi32, #tpu.memory_space<vmem>>
      %dma_start3A_460 = tpu.memref_squeeze %dma_start3A_459 : memref<1x125xi32, #tpu.memory_space<vmem>> -> memref<125xi32, #tpu.memory_space<vmem>>
      %dma_start3A_461 = arith.constant 0 : i32
      %dma_start3A_462 = arith.constant 0 : i32
      %dma_start3A_463 = tpu.memref_slice %arg10[%dma_start3A_461, %dma_start3A_462] : memref<10240x128xf32, #tpu.memory_space<vmem_shared>> -> memref<10240x128xf32, #tpu.memory_space<vmem_shared>>
      tpu.enqueue_indirect_dma source(%dma_start3A_457 : memref<125x128xf32, #tpu.memory_space<vmem>>) target(%dma_start3A_463 : memref<10240x128xf32, #tpu.memory_space<vmem_shared>>) offsets(%dma_start3A_460 : memref<125xi32, #tpu.memory_space<vmem>>) semaphore(%arg13 : memref<!tpu.dma_semaphore, #tpu.memory_space<semaphore_mem>>) {add = true}
      %sub3A = arith.constant 1 : i32
      %sub3A_464 = arith.subi %add3A_441, %sub3A : i32
      %add3A_465 = arith.constant 2 : i32
      %add3A_466 = arith.addi %sub3A_464, %add3A_465 : i32
      %ge3A = arith.constant 0 : i32
      %ge3A_467 = arith.cmpi sge, %sub3A_464, %ge3A : i32
      %lt3A = arith.constant 40 : i32
      %lt3A_468 = arith.cmpi slt, %add3A_466, %lt3A : i32
      %and3A = arith.andi %ge3A_467, %lt3A_468 : i1
      %convert_element_type3A = arith.extui %and3A : i1 to i32
      %cond3A = arith.constant 0 : i32
      %cond3A_469 = arith.cmpi ne, %convert_element_type3A, %cond3A : i32
      scf.if %cond3A_469 {
        %dma_wait3A_508 = arith.constant 1 : i32
        %dma_wait3A_509 = arith.constant 0 : i32
        %dma_wait3A_510 = arith.constant 0 : i32
        %dma_wait3A_511 = tpu.memref_slice %arg8[%dma_wait3A_508, %dma_wait3A_509, %dma_wait3A_510] : memref<2x125x128xf32, #tpu.memory_space<vmem>> -> memref<1x125x128xf32, #tpu.memory_space<vmem>>
        %dma_wait3A_512 = tpu.memref_squeeze %dma_wait3A_511 : memref<1x125x128xf32, #tpu.memory_space<vmem>> -> memref<125x128xf32, #tpu.memory_space<vmem>>
        %dma_wait3A_513 = arith.constant 0 : i32
        %dma_wait3A_514 = tpu.memref_slice %arg7[%sub3A_464, %dma_wait3A_513] : memref<40x125xi32, #tpu.memory_space<vmem>> -> memref<1x125xi32, #tpu.memory_space<vmem>>
        %dma_wait3A_515 = tpu.memref_squeeze %dma_wait3A_514 : memref<1x125xi32, #tpu.memory_space<vmem>> -> memref<125xi32, #tpu.memory_space<vmem>>
        %dma_wait3A_516 = arith.constant 0 : i32
        %dma_wait3A_517 = arith.constant 0 : i32
        %dma_wait3A_518 = tpu.memref_slice %arg10[%dma_wait3A_516, %dma_wait3A_517] : memref<10240x128xf32, #tpu.memory_space<vmem_shared>> -> memref<10240x128xf32, #tpu.memory_space<vmem_shared>>
        tpu.wait_indirect_dma semaphore(%arg14 : memref<!tpu.dma_semaphore, #tpu.memory_space<semaphore_mem>>) src(%dma_wait3A_512 : memref<125x128xf32, #tpu.memory_space<vmem>>) dst(%dma_wait3A_518 : memref<10240x128xf32, #tpu.memory_space<vmem_shared>>)
        %dma_start3A_519 = arith.constant 1 : i32
        %dma_start3A_520 = arith.constant 0 : i32
        %dma_start3A_521 = arith.constant 0 : i32
        %dma_start3A_522 = tpu.memref_slice %arg8[%dma_start3A_519, %dma_start3A_520, %dma_start3A_521] : memref<2x125x128xf32, #tpu.memory_space<vmem>> -> memref<1x125x128xf32, #tpu.memory_space<vmem>>
        %dma_start3A_523 = tpu.memref_squeeze %dma_start3A_522 : memref<1x125x128xf32, #tpu.memory_space<vmem>> -> memref<125x128xf32, #tpu.memory_space<vmem>>
        %dma_start3A_524 = arith.constant 0 : i32
        %dma_start3A_525 = tpu.memref_slice %arg6[%add3A_466, %dma_start3A_524] : memref<40x125xi32, #tpu.memory_space<vmem>> -> memref<1x125xi32, #tpu.memory_space<vmem>>
        %dma_start3A_526 = tpu.memref_squeeze %dma_start3A_525 : memref<1x125xi32, #tpu.memory_space<vmem>> -> memref<125xi32, #tpu.memory_space<vmem>>
        %dma_start3A_527 = arith.constant 0 : i32
        %dma_start3A_528 = arith.constant 0 : i32
        %dma_start3A_529 = tpu.memref_slice %arg2[%dma_start3A_527, %dma_start3A_528] : memref<10000x128xf32, #tpu.memory_space<hbm>> -> memref<10000x128xf32, #tpu.memory_space<hbm>>
        tpu.enqueue_indirect_dma source(%dma_start3A_529 : memref<10000x128xf32, #tpu.memory_space<hbm>>) target(%dma_start3A_523 : memref<125x128xf32, #tpu.memory_space<vmem>>) offsets(%dma_start3A_526 : memref<125xi32, #tpu.memory_space<vmem>>) semaphore(%arg12 : memref<!tpu.dma_semaphore, #tpu.memory_space<semaphore_mem>>)
      } else {
      }
      %mul3A_470 = arith.constant 2 : i32
      %mul3A_471 = arith.muli %scan3A_437, %mul3A_470 : i32
      %add3A_472 = arith.constant 1 : i32
      %add3A_473 = arith.addi %mul3A_471, %add3A_472 : i32
      %dma_wait3A_474 = arith.constant 1 : i32
      %dma_wait3A_475 = arith.constant 0 : i32
      %dma_wait3A_476 = arith.constant 0 : i32
      %dma_wait3A_477 = tpu.memref_slice %arg8[%dma_wait3A_474, %dma_wait3A_475, %dma_wait3A_476] : memref<2x125x128xf32, #tpu.memory_space<vmem>> -> memref<1x125x128xf32, #tpu.memory_space<vmem>>
      %dma_wait3A_478 = tpu.memref_squeeze %dma_wait3A_477 : memref<1x125x128xf32, #tpu.memory_space<vmem>> -> memref<125x128xf32, #tpu.memory_space<vmem>>
      %dma_wait3A_479 = arith.constant 0 : i32
      %dma_wait3A_480 = tpu.memref_slice %arg6[%add3A_473, %dma_wait3A_479] : memref<40x125xi32, #tpu.memory_space<vmem>> -> memref<1x125xi32, #tpu.memory_space<vmem>>
      %dma_wait3A_481 = tpu.memref_squeeze %dma_wait3A_480 : memref<1x125xi32, #tpu.memory_space<vmem>> -> memref<125xi32, #tpu.memory_space<vmem>>
      %dma_wait3A_482 = arith.constant 0 : i32
      %dma_wait3A_483 = arith.constant 0 : i32
      %dma_wait3A_484 = tpu.memref_slice %arg2[%dma_wait3A_482, %dma_wait3A_483] : memref<10000x128xf32, #tpu.memory_space<hbm>> -> memref<10000x128xf32, #tpu.memory_space<hbm>>
      tpu.wait_indirect_dma semaphore(%arg12 : memref<!tpu.dma_semaphore, #tpu.memory_space<semaphore_mem>>) src(%dma_wait3A_484 : memref<10000x128xf32, #tpu.memory_space<hbm>>) dst(%dma_wait3A_478 : memref<125x128xf32, #tpu.memory_space<vmem>>)
      %dma_start3A_485 = arith.constant 1 : i32
      %dma_start3A_486 = arith.constant 0 : i32
      %dma_start3A_487 = arith.constant 0 : i32
      %dma_start3A_488 = tpu.memref_slice %arg8[%dma_start3A_485, %dma_start3A_486, %dma_start3A_487] : memref<2x125x128xf32, #tpu.memory_space<vmem>> -> memref<1x125x128xf32, #tpu.memory_space<vmem>>
      %dma_start3A_489 = tpu.memref_squeeze %dma_start3A_488 : memref<1x125x128xf32, #tpu.memory_space<vmem>> -> memref<125x128xf32, #tpu.memory_space<vmem>>
      %dma_start3A_490 = arith.constant 0 : i32
      %dma_start3A_491 = tpu.memref_slice %arg7[%add3A_473, %dma_start3A_490] : memref<40x125xi32, #tpu.memory_space<vmem>> -> memref<1x125xi32, #tpu.memory_space<vmem>>
      %dma_start3A_492 = tpu.memref_squeeze %dma_start3A_491 : memref<1x125xi32, #tpu.memory_space<vmem>> -> memref<125xi32, #tpu.memory_space<vmem>>
      %dma_start3A_493 = arith.constant 0 : i32
      %dma_start3A_494 = arith.constant 0 : i32
      %dma_start3A_495 = tpu.memref_slice %arg10[%dma_start3A_493, %dma_start3A_494] : memref<10240x128xf32, #tpu.memory_space<vmem_shared>> -> memref<10240x128xf32, #tpu.memory_space<vmem_shared>>
      tpu.enqueue_indirect_dma source(%dma_start3A_489 : memref<125x128xf32, #tpu.memory_space<vmem>>) target(%dma_start3A_495 : memref<10240x128xf32, #tpu.memory_space<vmem_shared>>) offsets(%dma_start3A_492 : memref<125xi32, #tpu.memory_space<vmem>>) semaphore(%arg14 : memref<!tpu.dma_semaphore, #tpu.memory_space<semaphore_mem>>) {add = true}
      %sub3A_496 = arith.constant 1 : i32
      %sub3A_497 = arith.subi %add3A_473, %sub3A_496 : i32
      %add3A_498 = arith.constant 2 : i32
      %add3A_499 = arith.addi %sub3A_497, %add3A_498 : i32
      %ge3A_500 = arith.constant 0 : i32
      %ge3A_501 = arith.cmpi sge, %sub3A_497, %ge3A_500 : i32
      %lt3A_502 = arith.constant 40 : i32
      %lt3A_503 = arith.cmpi slt, %add3A_499, %lt3A_502 : i32
      %and3A_504 = arith.andi %ge3A_501, %lt3A_503 : i1
      %convert_element_type3A_505 = arith.extui %and3A_504 : i1 to i32
      %cond3A_506 = arith.constant 0 : i32
      %cond3A_507 = arith.cmpi ne, %convert_element_type3A_505, %cond3A_506 : i32
      scf.if %cond3A_507 {
        %dma_wait3A_508 = arith.constant 0 : i32
        %dma_wait3A_509 = arith.constant 0 : i32
        %dma_wait3A_510 = arith.constant 0 : i32
        %dma_wait3A_511 = tpu.memref_slice %arg8[%dma_wait3A_508, %dma_wait3A_509, %dma_wait3A_510] : memref<2x125x128xf32, #tpu.memory_space<vmem>> -> memref<1x125x128xf32, #tpu.memory_space<vmem>>
        %dma_wait3A_512 = tpu.memref_squeeze %dma_wait3A_511 : memref<1x125x128xf32, #tpu.memory_space<vmem>> -> memref<125x128xf32, #tpu.memory_space<vmem>>
        %dma_wait3A_513 = arith.constant 0 : i32
        %dma_wait3A_514 = tpu.memref_slice %arg7[%sub3A_497, %dma_wait3A_513] : memref<40x125xi32, #tpu.memory_space<vmem>> -> memref<1x125xi32, #tpu.memory_space<vmem>>
        %dma_wait3A_515 = tpu.memref_squeeze %dma_wait3A_514 : memref<1x125xi32, #tpu.memory_space<vmem>> -> memref<125xi32, #tpu.memory_space<vmem>>
        %dma_wait3A_516 = arith.constant 0 : i32
        %dma_wait3A_517 = arith.constant 0 : i32
        %dma_wait3A_518 = tpu.memref_slice %arg10[%dma_wait3A_516, %dma_wait3A_517] : memref<10240x128xf32, #tpu.memory_space<vmem_shared>> -> memref<10240x128xf32, #tpu.memory_space<vmem_shared>>
        tpu.wait_indirect_dma semaphore(%arg13 : memref<!tpu.dma_semaphore, #tpu.memory_space<semaphore_mem>>) src(%dma_wait3A_512 : memref<125x128xf32, #tpu.memory_space<vmem>>) dst(%dma_wait3A_518 : memref<10240x128xf32, #tpu.memory_space<vmem_shared>>)
        %dma_start3A_519 = arith.constant 0 : i32
        %dma_start3A_520 = arith.constant 0 : i32
        %dma_start3A_521 = arith.constant 0 : i32
        %dma_start3A_522 = tpu.memref_slice %arg8[%dma_start3A_519, %dma_start3A_520, %dma_start3A_521] : memref<2x125x128xf32, #tpu.memory_space<vmem>> -> memref<1x125x128xf32, #tpu.memory_space<vmem>>
        %dma_start3A_523 = tpu.memref_squeeze %dma_start3A_522 : memref<1x125x128xf32, #tpu.memory_space<vmem>> -> memref<125x128xf32, #tpu.memory_space<vmem>>
        %dma_start3A_524 = arith.constant 0 : i32
        %dma_start3A_525 = tpu.memref_slice %arg6[%add3A_499, %dma_start3A_524] : memref<40x125xi32, #tpu.memory_space<vmem>> -> memref<1x125xi32, #tpu.memory_space<vmem>>
        %dma_start3A_526 = tpu.memref_squeeze %dma_start3A_525 : memref<1x125xi32, #tpu.memory_space<vmem>> -> memref<125xi32, #tpu.memory_space<vmem>>
        %dma_start3A_527 = arith.constant 0 : i32
        %dma_start3A_528 = arith.constant 0 : i32
        %dma_start3A_529 = tpu.memref_slice %arg2[%dma_start3A_527, %dma_start3A_528] : memref<10000x128xf32, #tpu.memory_space<hbm>> -> memref<10000x128xf32, #tpu.memory_space<hbm>>
        tpu.enqueue_indirect_dma source(%dma_start3A_529 : memref<10000x128xf32, #tpu.memory_space<hbm>>) target(%dma_start3A_523 : memref<125x128xf32, #tpu.memory_space<vmem>>) offsets(%dma_start3A_526 : memref<125xi32, #tpu.memory_space<vmem>>) semaphore(%arg11 : memref<!tpu.dma_semaphore, #tpu.memory_space<semaphore_mem>>)
      } else {
      }
    }
    %scan3A_353 = arith.constant 20 : i32
    %dma_wait3A_354 = arith.constant 0 : i32
    %dma_wait3A_355 = arith.constant 38 : i32
    %dma_wait3A_356 = arith.constant 0 : i32
    %dma_wait3A_357 = arith.constant 0 : i32
    %dma_wait3A_358 = tpu.memref_slice %arg8[%dma_wait3A_354, %dma_wait3A_356, %dma_wait3A_357] : memref<2x125x128xf32, #tpu.memory_space<vmem>> -> memref<1x125x128xf32, #tpu.memory_space<vmem>>
    %dma_wait3A_359 = tpu.memref_squeeze %dma_wait3A_358 : memref<1x125x128xf32, #tpu.memory_space<vmem>> -> memref<125x128xf32, #tpu.memory_space<vmem>>
    %dma_wait3A_360 = arith.constant 0 : i32
    %dma_wait3A_361 = tpu.memref_slice %arg7[%dma_wait3A_355, %dma_wait3A_360] : memref<40x125xi32, #tpu.memory_space<vmem>> -> memref<1x125xi32, #tpu.memory_space<vmem>>
    %dma_wait3A_362 = tpu.memref_squeeze %dma_wait3A_361 : memref<1x125xi32, #tpu.memory_space<vmem>> -> memref<125xi32, #tpu.memory_space<vmem>>
    %dma_wait3A_363 = arith.constant 0 : i32
    %dma_wait3A_364 = arith.constant 0 : i32
    %dma_wait3A_365 = tpu.memref_slice %arg10[%dma_wait3A_363, %dma_wait3A_364] : memref<10240x128xf32, #tpu.memory_space<vmem_shared>> -> memref<10240x128xf32, #tpu.memory_space<vmem_shared>>
    tpu.wait_indirect_dma semaphore(%arg13 : memref<!tpu.dma_semaphore, #tpu.memory_space<semaphore_mem>>) src(%dma_wait3A_359 : memref<125x128xf32, #tpu.memory_space<vmem>>) dst(%dma_wait3A_365 : memref<10240x128xf32, #tpu.memory_space<vmem_shared>>)
    %dma_wait3A_366 = arith.constant 1 : i32
    %dma_wait3A_367 = arith.constant 39 : i32
    %dma_wait3A_368 = arith.constant 0 : i32
    %dma_wait3A_369 = arith.constant 0 : i32
    %dma_wait3A_370 = tpu.memref_slice %arg8[%dma_wait3A_366, %dma_wait3A_368, %dma_wait3A_369] : memref<2x125x128xf32, #tpu.memory_space<vmem>> -> memref<1x125x128xf32, #tpu.memory_space<vmem>>
    %dma_wait3A_371 = tpu.memref_squeeze %dma_wait3A_370 : memref<1x125x128xf32, #tpu.memory_space<vmem>> -> memref<125x128xf32, #tpu.memory_space<vmem>>
    %dma_wait3A_372 = arith.constant 0 : i32
    %dma_wait3A_373 = tpu.memref_slice %arg7[%dma_wait3A_367, %dma_wait3A_372] : memref<40x125xi32, #tpu.memory_space<vmem>> -> memref<1x125xi32, #tpu.memory_space<vmem>>
    %dma_wait3A_374 = tpu.memref_squeeze %dma_wait3A_373 : memref<1x125xi32, #tpu.memory_space<vmem>> -> memref<125xi32, #tpu.memory_space<vmem>>
    %dma_wait3A_375 = arith.constant 0 : i32
    %dma_wait3A_376 = arith.constant 0 : i32
    %dma_wait3A_377 = tpu.memref_slice %arg10[%dma_wait3A_375, %dma_wait3A_376] : memref<10240x128xf32, #tpu.memory_space<vmem_shared>> -> memref<10240x128xf32, #tpu.memory_space<vmem_shared>>
    tpu.wait_indirect_dma semaphore(%arg14 : memref<!tpu.dma_semaphore, #tpu.memory_space<semaphore_mem>>) src(%dma_wait3A_371 : memref<125x128xf32, #tpu.memory_space<vmem>>) dst(%dma_wait3A_377 : memref<10240x128xf32, #tpu.memory_space<vmem_shared>>)
    "tpu.region"() ({
      %run_scoped3A = tpu.sem_alloc : memref<!tpu.dma_semaphore, #tpu.memory_space<semaphore_mem>>
      %dma_start3A_437 = arith.constant 40 : i32
      %dma_start3A_438 = arith.constant 0 : i32
      %dma_start3A_439 = tpu.memref_slice %arg3[%add3A, %dma_start3A_437, %dma_start3A_438] : memref<32x80x125xi32, #tpu.memory_space<hbm>> -> memref<1x40x125xi32, #tpu.memory_space<hbm>>
      %dma_start3A_440 = tpu.memref_squeeze %dma_start3A_439 : memref<1x40x125xi32, #tpu.memory_space<hbm>> -> memref<40x125xi32, #tpu.memory_space<hbm>>
      %dma_start3A_441 = arith.constant 40 : i32
      %dma_start3A_442 = arith.constant 0 : i32
      %dma_start3A_443 = tpu.memref_slice %arg3[%add3A, %dma_start3A_441, %dma_start3A_442] : memref<32x80x125xi32, #tpu.memory_space<hbm>> -> memref<1x40x125xi32, #tpu.memory_space<hbm>>
      %dma_start3A_444 = tpu.memref_squeeze %dma_start3A_443 : memref<1x40x125xi32, #tpu.memory_space<hbm>> -> memref<40x125xi32, #tpu.memory_space<hbm>>
      tpu.enqueue_dma source(%dma_start3A_444 : memref<40x125xi32, #tpu.memory_space<hbm>>) target(%arg6 : memref<40x125xi32, #tpu.memory_space<vmem>>) target_semaphore(%run_scoped3A : memref<!tpu.dma_semaphore, #tpu.memory_space<semaphore_mem>>)
      %dma_wait3A_445 = arith.constant 40 : i32
      %dma_wait3A_446 = arith.constant 0 : i32
      %dma_wait3A_447 = tpu.memref_slice %arg3[%add3A, %dma_wait3A_445, %dma_wait3A_446] : memref<32x80x125xi32, #tpu.memory_space<hbm>> -> memref<1x40x125xi32, #tpu.memory_space<hbm>>
      %dma_wait3A_448 = tpu.memref_squeeze %dma_wait3A_447 : memref<1x40x125xi32, #tpu.memory_space<hbm>> -> memref<40x125xi32, #tpu.memory_space<hbm>>
      %dma_wait3A_449 = arith.constant 40 : i32
      %dma_wait3A_450 = arith.constant 0 : i32
      %dma_wait3A_451 = tpu.memref_slice %arg3[%add3A, %dma_wait3A_449, %dma_wait3A_450] : memref<32x80x125xi32, #tpu.memory_space<hbm>> -> memref<1x40x125xi32, #tpu.memory_space<hbm>>
      %dma_wait3A_452 = tpu.memref_squeeze %dma_wait3A_451 : memref<1x40x125xi32, #tpu.memory_space<hbm>> -> memref<40x125xi32, #tpu.memory_space<hbm>>
      tpu.wait_dma2 semaphore(%run_scoped3A : memref<!tpu.dma_semaphore, #tpu.memory_space<semaphore_mem>>) src(%dma_wait3A_452 : memref<40x125xi32, #tpu.memory_space<hbm>>) dst(%arg6 : memref<40x125xi32, #tpu.memory_space<vmem>>)
      tpu.yield
    }) : () -> ()
    "tpu.region"() ({
      %run_scoped3A = tpu.sem_alloc : memref<!tpu.dma_semaphore, #tpu.memory_space<semaphore_mem>>
      %dma_start3A_437 = arith.constant 40 : i32
      %dma_start3A_438 = arith.constant 0 : i32
      %dma_start3A_439 = tpu.memref_slice %arg4[%add3A, %dma_start3A_437, %dma_start3A_438] : memref<32x80x125xi32, #tpu.memory_space<hbm>> -> memref<1x40x125xi32, #tpu.memory_space<hbm>>
      %dma_start3A_440 = tpu.memref_squeeze %dma_start3A_439 : memref<1x40x125xi32, #tpu.memory_space<hbm>> -> memref<40x125xi32, #tpu.memory_space<hbm>>
      %dma_start3A_441 = arith.constant 40 : i32
      %dma_start3A_442 = arith.constant 0 : i32
      %dma_start3A_443 = tpu.memref_slice %arg4[%add3A, %dma_start3A_441, %dma_start3A_442] : memref<32x80x125xi32, #tpu.memory_space<hbm>> -> memref<1x40x125xi32, #tpu.memory_space<hbm>>
      %dma_start3A_444 = tpu.memref_squeeze %dma_start3A_443 : memref<1x40x125xi32, #tpu.memory_space<hbm>> -> memref<40x125xi32, #tpu.memory_space<hbm>>
      tpu.enqueue_dma source(%dma_start3A_444 : memref<40x125xi32, #tpu.memory_space<hbm>>) target(%arg7 : memref<40x125xi32, #tpu.memory_space<vmem>>) target_semaphore(%run_scoped3A : memref<!tpu.dma_semaphore, #tpu.memory_space<semaphore_mem>>)
      %dma_wait3A_445 = arith.constant 40 : i32
      %dma_wait3A_446 = arith.constant 0 : i32
      %dma_wait3A_447 = tpu.memref_slice %arg4[%add3A, %dma_wait3A_445, %dma_wait3A_446] : memref<32x80x125xi32, #tpu.memory_space<hbm>> -> memref<1x40x125xi32, #tpu.memory_space<hbm>>
      %dma_wait3A_448 = tpu.memref_squeeze %dma_wait3A_447 : memref<1x40x125xi32, #tpu.memory_space<hbm>> -> memref<40x125xi32, #tpu.memory_space<hbm>>
      %dma_wait3A_449 = arith.constant 40 : i32
      %dma_wait3A_450 = arith.constant 0 : i32
      %dma_wait3A_451 = tpu.memref_slice %arg4[%add3A, %dma_wait3A_449, %dma_wait3A_450] : memref<32x80x125xi32, #tpu.memory_space<hbm>> -> memref<1x40x125xi32, #tpu.memory_space<hbm>>
      %dma_wait3A_452 = tpu.memref_squeeze %dma_wait3A_451 : memref<1x40x125xi32, #tpu.memory_space<hbm>> -> memref<40x125xi32, #tpu.memory_space<hbm>>
      tpu.wait_dma2 semaphore(%run_scoped3A : memref<!tpu.dma_semaphore, #tpu.memory_space<semaphore_mem>>) src(%dma_wait3A_452 : memref<40x125xi32, #tpu.memory_space<hbm>>) dst(%arg7 : memref<40x125xi32, #tpu.memory_space<vmem>>)
      tpu.yield
    }) : () -> ()
    %dma_start3A_378 = arith.constant 0 : i32
    %dma_start3A_379 = arith.constant 0 : i32
    %dma_start3A_380 = arith.constant 0 : i32
    %dma_start3A_381 = arith.constant 0 : i32
    %dma_start3A_382 = tpu.memref_slice %arg8[%dma_start3A_379, %dma_start3A_380, %dma_start3A_381] : memref<2x125x128xf32, #tpu.memory_space<vmem>> -> memref<1x125x128xf32, #tpu.memory_space<vmem>>
    %dma_start3A_383 = tpu.memref_squeeze %dma_start3A_382 : memref<1x125x128xf32, #tpu.memory_space<vmem>> -> memref<125x128xf32, #tpu.memory_space<vmem>>
    %dma_start3A_384 = arith.constant 0 : i32
    %dma_start3A_385 = tpu.memref_slice %arg6[%dma_start3A_378, %dma_start3A_384] : memref<40x125xi32, #tpu.memory_space<vmem>> -> memref<1x125xi32, #tpu.memory_space<vmem>>
    %dma_start3A_386 = tpu.memref_squeeze %dma_start3A_385 : memref<1x125xi32, #tpu.memory_space<vmem>> -> memref<125xi32, #tpu.memory_space<vmem>>
    %dma_start3A_387 = arith.constant 0 : i32
    %dma_start3A_388 = arith.constant 0 : i32
    %dma_start3A_389 = tpu.memref_slice %arg2[%dma_start3A_387, %dma_start3A_388] : memref<10000x128xf32, #tpu.memory_space<hbm>> -> memref<10000x128xf32, #tpu.memory_space<hbm>>
    tpu.enqueue_indirect_dma source(%dma_start3A_389 : memref<10000x128xf32, #tpu.memory_space<hbm>>) target(%dma_start3A_383 : memref<125x128xf32, #tpu.memory_space<vmem>>) offsets(%dma_start3A_386 : memref<125xi32, #tpu.memory_space<vmem>>) semaphore(%arg11 : memref<!tpu.dma_semaphore, #tpu.memory_space<semaphore_mem>>)
    %dma_start3A_390 = arith.constant 1 : i32
    %dma_start3A_391 = arith.constant 1 : i32
    %dma_start3A_392 = arith.constant 0 : i32
    %dma_start3A_393 = arith.constant 0 : i32
    %dma_start3A_394 = tpu.memref_slice %arg8[%dma_start3A_391, %dma_start3A_392, %dma_start3A_393] : memref<2x125x128xf32, #tpu.memory_space<vmem>> -> memref<1x125x128xf32, #tpu.memory_space<vmem>>
    %dma_start3A_395 = tpu.memref_squeeze %dma_start3A_394 : memref<1x125x128xf32, #tpu.memory_space<vmem>> -> memref<125x128xf32, #tpu.memory_space<vmem>>
    %dma_start3A_396 = arith.constant 0 : i32
    %dma_start3A_397 = tpu.memref_slice %arg6[%dma_start3A_390, %dma_start3A_396] : memref<40x125xi32, #tpu.memory_space<vmem>> -> memref<1x125xi32, #tpu.memory_space<vmem>>
    %dma_start3A_398 = tpu.memref_squeeze %dma_start3A_397 : memref<1x125xi32, #tpu.memory_space<vmem>> -> memref<125xi32, #tpu.memory_space<vmem>>
    %dma_start3A_399 = arith.constant 0 : i32
    %dma_start3A_400 = arith.constant 0 : i32
    %dma_start3A_401 = tpu.memref_slice %arg2[%dma_start3A_399, %dma_start3A_400] : memref<10000x128xf32, #tpu.memory_space<hbm>> -> memref<10000x128xf32, #tpu.memory_space<hbm>>
    tpu.enqueue_indirect_dma source(%dma_start3A_401 : memref<10000x128xf32, #tpu.memory_space<hbm>>) target(%dma_start3A_395 : memref<125x128xf32, #tpu.memory_space<vmem>>) offsets(%dma_start3A_398 : memref<125xi32, #tpu.memory_space<vmem>>) semaphore(%arg12 : memref<!tpu.dma_semaphore, #tpu.memory_space<semaphore_mem>>)
    %scan3A_402 = arith.constant 0 : i32
    %scan3A_403 = arith.constant 0 : i32
    %scan3A_404 = arith.constant 20 : i32
    %scan3A_405 = arith.addi %scan3A_403, %scan3A_404 : i32
    %scan3A_406 = arith.constant 1 : i32
    scf.for %scan3A_437 = %scan3A_403 to %scan3A_405 step %scan3A_406  : i32 {
      %mul3A_438 = arith.constant 2 : i32
      %mul3A_439 = arith.muli %scan3A_437, %mul3A_438 : i32
      %add3A_440 = arith.constant 0 : i32
      %add3A_441 = arith.addi %mul3A_439, %add3A_440 : i32
      %dma_wait3A_442 = arith.constant 0 : i32
      %dma_wait3A_443 = arith.constant 0 : i32
      %dma_wait3A_444 = arith.constant 0 : i32
      %dma_wait3A_445 = tpu.memref_slice %arg8[%dma_wait3A_442, %dma_wait3A_443, %dma_wait3A_444] : memref<2x125x128xf32, #tpu.memory_space<vmem>> -> memref<1x125x128xf32, #tpu.memory_space<vmem>>
      %dma_wait3A_446 = tpu.memref_squeeze %dma_wait3A_445 : memref<1x125x128xf32, #tpu.memory_space<vmem>> -> memref<125x128xf32, #tpu.memory_space<vmem>>
      %dma_wait3A_447 = arith.constant 0 : i32
      %dma_wait3A_448 = tpu.memref_slice %arg6[%add3A_441, %dma_wait3A_447] : memref<40x125xi32, #tpu.memory_space<vmem>> -> memref<1x125xi32, #tpu.memory_space<vmem>>
      %dma_wait3A_449 = tpu.memref_squeeze %dma_wait3A_448 : memref<1x125xi32, #tpu.memory_space<vmem>> -> memref<125xi32, #tpu.memory_space<vmem>>
      %dma_wait3A_450 = arith.constant 0 : i32
      %dma_wait3A_451 = arith.constant 0 : i32
      %dma_wait3A_452 = tpu.memref_slice %arg2[%dma_wait3A_450, %dma_wait3A_451] : memref<10000x128xf32, #tpu.memory_space<hbm>> -> memref<10000x128xf32, #tpu.memory_space<hbm>>
      tpu.wait_indirect_dma semaphore(%arg11 : memref<!tpu.dma_semaphore, #tpu.memory_space<semaphore_mem>>) src(%dma_wait3A_452 : memref<10000x128xf32, #tpu.memory_space<hbm>>) dst(%dma_wait3A_446 : memref<125x128xf32, #tpu.memory_space<vmem>>)
      %dma_start3A_453 = arith.constant 0 : i32
      %dma_start3A_454 = arith.constant 0 : i32
      %dma_start3A_455 = arith.constant 0 : i32
      %dma_start3A_456 = tpu.memref_slice %arg8[%dma_start3A_453, %dma_start3A_454, %dma_start3A_455] : memref<2x125x128xf32, #tpu.memory_space<vmem>> -> memref<1x125x128xf32, #tpu.memory_space<vmem>>
      %dma_start3A_457 = tpu.memref_squeeze %dma_start3A_456 : memref<1x125x128xf32, #tpu.memory_space<vmem>> -> memref<125x128xf32, #tpu.memory_space<vmem>>
      %dma_start3A_458 = arith.constant 0 : i32
      %dma_start3A_459 = tpu.memref_slice %arg7[%add3A_441, %dma_start3A_458] : memref<40x125xi32, #tpu.memory_space<vmem>> -> memref<1x125xi32, #tpu.memory_space<vmem>>
      %dma_start3A_460 = tpu.memref_squeeze %dma_start3A_459 : memref<1x125xi32, #tpu.memory_space<vmem>> -> memref<125xi32, #tpu.memory_space<vmem>>
      %dma_start3A_461 = arith.constant 0 : i32
      %dma_start3A_462 = arith.constant 0 : i32
      %dma_start3A_463 = tpu.memref_slice %arg10[%dma_start3A_461, %dma_start3A_462] : memref<10240x128xf32, #tpu.memory_space<vmem_shared>> -> memref<10240x128xf32, #tpu.memory_space<vmem_shared>>
      tpu.enqueue_indirect_dma source(%dma_start3A_457 : memref<125x128xf32, #tpu.memory_space<vmem>>) target(%dma_start3A_463 : memref<10240x128xf32, #tpu.memory_space<vmem_shared>>) offsets(%dma_start3A_460 : memref<125xi32, #tpu.memory_space<vmem>>) semaphore(%arg13 : memref<!tpu.dma_semaphore, #tpu.memory_space<semaphore_mem>>) {add = true}
      %sub3A = arith.constant 1 : i32
      %sub3A_464 = arith.subi %add3A_441, %sub3A : i32
      %add3A_465 = arith.constant 2 : i32
      %add3A_466 = arith.addi %sub3A_464, %add3A_465 : i32
      %ge3A = arith.constant 0 : i32
      %ge3A_467 = arith.cmpi sge, %sub3A_464, %ge3A : i32
      %lt3A = arith.constant 40 : i32
      %lt3A_468 = arith.cmpi slt, %add3A_466, %lt3A : i32
      %and3A = arith.andi %ge3A_467, %lt3A_468 : i1
      %convert_element_type3A = arith.extui %and3A : i1 to i32
      %cond3A = arith.constant 0 : i32
      %cond3A_469 = arith.cmpi ne, %convert_element_type3A, %cond3A : i32
      scf.if %cond3A_469 {
        %dma_wait3A_508 = arith.constant 1 : i32
        %dma_wait3A_509 = arith.constant 0 : i32
        %dma_wait3A_510 = arith.constant 0 : i32
        %dma_wait3A_511 = tpu.memref_slice %arg8[%dma_wait3A_508, %dma_wait3A_509, %dma_wait3A_510] : memref<2x125x128xf32, #tpu.memory_space<vmem>> -> memref<1x125x128xf32, #tpu.memory_space<vmem>>
        %dma_wait3A_512 = tpu.memref_squeeze %dma_wait3A_511 : memref<1x125x128xf32, #tpu.memory_space<vmem>> -> memref<125x128xf32, #tpu.memory_space<vmem>>
        %dma_wait3A_513 = arith.constant 0 : i32
        %dma_wait3A_514 = tpu.memref_slice %arg7[%sub3A_464, %dma_wait3A_513] : memref<40x125xi32, #tpu.memory_space<vmem>> -> memref<1x125xi32, #tpu.memory_space<vmem>>
        %dma_wait3A_515 = tpu.memref_squeeze %dma_wait3A_514 : memref<1x125xi32, #tpu.memory_space<vmem>> -> memref<125xi32, #tpu.memory_space<vmem>>
        %dma_wait3A_516 = arith.constant 0 : i32
        %dma_wait3A_517 = arith.constant 0 : i32
        %dma_wait3A_518 = tpu.memref_slice %arg10[%dma_wait3A_516, %dma_wait3A_517] : memref<10240x128xf32, #tpu.memory_space<vmem_shared>> -> memref<10240x128xf32, #tpu.memory_space<vmem_shared>>
        tpu.wait_indirect_dma semaphore(%arg14 : memref<!tpu.dma_semaphore, #tpu.memory_space<semaphore_mem>>) src(%dma_wait3A_512 : memref<125x128xf32, #tpu.memory_space<vmem>>) dst(%dma_wait3A_518 : memref<10240x128xf32, #tpu.memory_space<vmem_shared>>)
        %dma_start3A_519 = arith.constant 1 : i32
        %dma_start3A_520 = arith.constant 0 : i32
        %dma_start3A_521 = arith.constant 0 : i32
        %dma_start3A_522 = tpu.memref_slice %arg8[%dma_start3A_519, %dma_start3A_520, %dma_start3A_521] : memref<2x125x128xf32, #tpu.memory_space<vmem>> -> memref<1x125x128xf32, #tpu.memory_space<vmem>>
        %dma_start3A_523 = tpu.memref_squeeze %dma_start3A_522 : memref<1x125x128xf32, #tpu.memory_space<vmem>> -> memref<125x128xf32, #tpu.memory_space<vmem>>
        %dma_start3A_524 = arith.constant 0 : i32
        %dma_start3A_525 = tpu.memref_slice %arg6[%add3A_466, %dma_start3A_524] : memref<40x125xi32, #tpu.memory_space<vmem>> -> memref<1x125xi32, #tpu.memory_space<vmem>>
        %dma_start3A_526 = tpu.memref_squeeze %dma_start3A_525 : memref<1x125xi32, #tpu.memory_space<vmem>> -> memref<125xi32, #tpu.memory_space<vmem>>
        %dma_start3A_527 = arith.constant 0 : i32
        %dma_start3A_528 = arith.constant 0 : i32
        %dma_start3A_529 = tpu.memref_slice %arg2[%dma_start3A_527, %dma_start3A_528] : memref<10000x128xf32, #tpu.memory_space<hbm>> -> memref<10000x128xf32, #tpu.memory_space<hbm>>
        tpu.enqueue_indirect_dma source(%dma_start3A_529 : memref<10000x128xf32, #tpu.memory_space<hbm>>) target(%dma_start3A_523 : memref<125x128xf32, #tpu.memory_space<vmem>>) offsets(%dma_start3A_526 : memref<125xi32, #tpu.memory_space<vmem>>) semaphore(%arg12 : memref<!tpu.dma_semaphore, #tpu.memory_space<semaphore_mem>>)
      } else {
      }
      %mul3A_470 = arith.constant 2 : i32
      %mul3A_471 = arith.muli %scan3A_437, %mul3A_470 : i32
      %add3A_472 = arith.constant 1 : i32
      %add3A_473 = arith.addi %mul3A_471, %add3A_472 : i32
      %dma_wait3A_474 = arith.constant 1 : i32
      %dma_wait3A_475 = arith.constant 0 : i32
      %dma_wait3A_476 = arith.constant 0 : i32
      %dma_wait3A_477 = tpu.memref_slice %arg8[%dma_wait3A_474, %dma_wait3A_475, %dma_wait3A_476] : memref<2x125x128xf32, #tpu.memory_space<vmem>> -> memref<1x125x128xf32, #tpu.memory_space<vmem>>
      %dma_wait3A_478 = tpu.memref_squeeze %dma_wait3A_477 : memref<1x125x128xf32, #tpu.memory_space<vmem>> -> memref<125x128xf32, #tpu.memory_space<vmem>>
      %dma_wait3A_479 = arith.constant 0 : i32
      %dma_wait3A_480 = tpu.memref_slice %arg6[%add3A_473, %dma_wait3A_479] : memref<40x125xi32, #tpu.memory_space<vmem>> -> memref<1x125xi32, #tpu.memory_space<vmem>>
      %dma_wait3A_481 = tpu.memref_squeeze %dma_wait3A_480 : memref<1x125xi32, #tpu.memory_space<vmem>> -> memref<125xi32, #tpu.memory_space<vmem>>
      %dma_wait3A_482 = arith.constant 0 : i32
      %dma_wait3A_483 = arith.constant 0 : i32
      %dma_wait3A_484 = tpu.memref_slice %arg2[%dma_wait3A_482, %dma_wait3A_483] : memref<10000x128xf32, #tpu.memory_space<hbm>> -> memref<10000x128xf32, #tpu.memory_space<hbm>>
      tpu.wait_indirect_dma semaphore(%arg12 : memref<!tpu.dma_semaphore, #tpu.memory_space<semaphore_mem>>) src(%dma_wait3A_484 : memref<10000x128xf32, #tpu.memory_space<hbm>>) dst(%dma_wait3A_478 : memref<125x128xf32, #tpu.memory_space<vmem>>)
      %dma_start3A_485 = arith.constant 1 : i32
      %dma_start3A_486 = arith.constant 0 : i32
      %dma_start3A_487 = arith.constant 0 : i32
      %dma_start3A_488 = tpu.memref_slice %arg8[%dma_start3A_485, %dma_start3A_486, %dma_start3A_487] : memref<2x125x128xf32, #tpu.memory_space<vmem>> -> memref<1x125x128xf32, #tpu.memory_space<vmem>>
      %dma_start3A_489 = tpu.memref_squeeze %dma_start3A_488 : memref<1x125x128xf32, #tpu.memory_space<vmem>> -> memref<125x128xf32, #tpu.memory_space<vmem>>
      %dma_start3A_490 = arith.constant 0 : i32
      %dma_start3A_491 = tpu.memref_slice %arg7[%add3A_473, %dma_start3A_490] : memref<40x125xi32, #tpu.memory_space<vmem>> -> memref<1x125xi32, #tpu.memory_space<vmem>>
      %dma_start3A_492 = tpu.memref_squeeze %dma_start3A_491 : memref<1x125xi32, #tpu.memory_space<vmem>> -> memref<125xi32, #tpu.memory_space<vmem>>
      %dma_start3A_493 = arith.constant 0 : i32
      %dma_start3A_494 = arith.constant 0 : i32
      %dma_start3A_495 = tpu.memref_slice %arg10[%dma_start3A_493, %dma_start3A_494] : memref<10240x128xf32, #tpu.memory_space<vmem_shared>> -> memref<10240x128xf32, #tpu.memory_space<vmem_shared>>
      tpu.enqueue_indirect_dma source(%dma_start3A_489 : memref<125x128xf32, #tpu.memory_space<vmem>>) target(%dma_start3A_495 : memref<10240x128xf32, #tpu.memory_space<vmem_shared>>) offsets(%dma_start3A_492 : memref<125xi32, #tpu.memory_space<vmem>>) semaphore(%arg14 : memref<!tpu.dma_semaphore, #tpu.memory_space<semaphore_mem>>) {add = true}
      %sub3A_496 = arith.constant 1 : i32
      %sub3A_497 = arith.subi %add3A_473, %sub3A_496 : i32
      %add3A_498 = arith.constant 2 : i32
      %add3A_499 = arith.addi %sub3A_497, %add3A_498 : i32
      %ge3A_500 = arith.constant 0 : i32
      %ge3A_501 = arith.cmpi sge, %sub3A_497, %ge3A_500 : i32
      %lt3A_502 = arith.constant 40 : i32
      %lt3A_503 = arith.cmpi slt, %add3A_499, %lt3A_502 : i32
      %and3A_504 = arith.andi %ge3A_501, %lt3A_503 : i1
      %convert_element_type3A_505 = arith.extui %and3A_504 : i1 to i32
      %cond3A_506 = arith.constant 0 : i32
      %cond3A_507 = arith.cmpi ne, %convert_element_type3A_505, %cond3A_506 : i32
      scf.if %cond3A_507 {
        %dma_wait3A_508 = arith.constant 0 : i32
        %dma_wait3A_509 = arith.constant 0 : i32
        %dma_wait3A_510 = arith.constant 0 : i32
        %dma_wait3A_511 = tpu.memref_slice %arg8[%dma_wait3A_508, %dma_wait3A_509, %dma_wait3A_510] : memref<2x125x128xf32, #tpu.memory_space<vmem>> -> memref<1x125x128xf32, #tpu.memory_space<vmem>>
        %dma_wait3A_512 = tpu.memref_squeeze %dma_wait3A_511 : memref<1x125x128xf32, #tpu.memory_space<vmem>> -> memref<125x128xf32, #tpu.memory_space<vmem>>
        %dma_wait3A_513 = arith.constant 0 : i32
        %dma_wait3A_514 = tpu.memref_slice %arg7[%sub3A_497, %dma_wait3A_513] : memref<40x125xi32, #tpu.memory_space<vmem>> -> memref<1x125xi32, #tpu.memory_space<vmem>>
        %dma_wait3A_515 = tpu.memref_squeeze %dma_wait3A_514 : memref<1x125xi32, #tpu.memory_space<vmem>> -> memref<125xi32, #tpu.memory_space<vmem>>
        %dma_wait3A_516 = arith.constant 0 : i32
        %dma_wait3A_517 = arith.constant 0 : i32
        %dma_wait3A_518 = tpu.memref_slice %arg10[%dma_wait3A_516, %dma_wait3A_517] : memref<10240x128xf32, #tpu.memory_space<vmem_shared>> -> memref<10240x128xf32, #tpu.memory_space<vmem_shared>>
        tpu.wait_indirect_dma semaphore(%arg13 : memref<!tpu.dma_semaphore, #tpu.memory_space<semaphore_mem>>) src(%dma_wait3A_512 : memref<125x128xf32, #tpu.memory_space<vmem>>) dst(%dma_wait3A_518 : memref<10240x128xf32, #tpu.memory_space<vmem_shared>>)
        %dma_start3A_519 = arith.constant 0 : i32
        %dma_start3A_520 = arith.constant 0 : i32
        %dma_start3A_521 = arith.constant 0 : i32
        %dma_start3A_522 = tpu.memref_slice %arg8[%dma_start3A_519, %dma_start3A_520, %dma_start3A_521] : memref<2x125x128xf32, #tpu.memory_space<vmem>> -> memref<1x125x128xf32, #tpu.memory_space<vmem>>
        %dma_start3A_523 = tpu.memref_squeeze %dma_start3A_522 : memref<1x125x128xf32, #tpu.memory_space<vmem>> -> memref<125x128xf32, #tpu.memory_space<vmem>>
        %dma_start3A_524 = arith.constant 0 : i32
        %dma_start3A_525 = tpu.memref_slice %arg6[%add3A_499, %dma_start3A_524] : memref<40x125xi32, #tpu.memory_space<vmem>> -> memref<1x125xi32, #tpu.memory_space<vmem>>
        %dma_start3A_526 = tpu.memref_squeeze %dma_start3A_525 : memref<1x125xi32, #tpu.memory_space<vmem>> -> memref<125xi32, #tpu.memory_space<vmem>>
        %dma_start3A_527 = arith.constant 0 : i32
        %dma_start3A_528 = arith.constant 0 : i32
        %dma_start3A_529 = tpu.memref_slice %arg2[%dma_start3A_527, %dma_start3A_528] : memref<10000x128xf32, #tpu.memory_space<hbm>> -> memref<10000x128xf32, #tpu.memory_space<hbm>>
        tpu.enqueue_indirect_dma source(%dma_start3A_529 : memref<10000x128xf32, #tpu.memory_space<hbm>>) target(%dma_start3A_523 : memref<125x128xf32, #tpu.memory_space<vmem>>) offsets(%dma_start3A_526 : memref<125xi32, #tpu.memory_space<vmem>>) semaphore(%arg11 : memref<!tpu.dma_semaphore, #tpu.memory_space<semaphore_mem>>)
      } else {
      }
    }
    %scan3A_407 = arith.constant 20 : i32
    %dma_wait3A_408 = arith.constant 0 : i32
    %dma_wait3A_409 = arith.constant 38 : i32
    %dma_wait3A_410 = arith.constant 0 : i32
    %dma_wait3A_411 = arith.constant 0 : i32
    %dma_wait3A_412 = tpu.memref_slice %arg8[%dma_wait3A_408, %dma_wait3A_410, %dma_wait3A_411] : memref<2x125x128xf32, #tpu.memory_space<vmem>> -> memref<1x125x128xf32, #tpu.memory_space<vmem>>
    %dma_wait3A_413 = tpu.memref_squeeze %dma_wait3A_412 : memref<1x125x128xf32, #tpu.memory_space<vmem>> -> memref<125x128xf32, #tpu.memory_space<vmem>>
    %dma_wait3A_414 = arith.constant 0 : i32
    %dma_wait3A_415 = tpu.memref_slice %arg7[%dma_wait3A_409, %dma_wait3A_414] : memref<40x125xi32, #tpu.memory_space<vmem>> -> memref<1x125xi32, #tpu.memory_space<vmem>>
    %dma_wait3A_416 = tpu.memref_squeeze %dma_wait3A_415 : memref<1x125xi32, #tpu.memory_space<vmem>> -> memref<125xi32, #tpu.memory_space<vmem>>
    %dma_wait3A_417 = arith.constant 0 : i32
    %dma_wait3A_418 = arith.constant 0 : i32
    %dma_wait3A_419 = tpu.memref_slice %arg10[%dma_wait3A_417, %dma_wait3A_418] : memref<10240x128xf32, #tpu.memory_space<vmem_shared>> -> memref<10240x128xf32, #tpu.memory_space<vmem_shared>>
    tpu.wait_indirect_dma semaphore(%arg13 : memref<!tpu.dma_semaphore, #tpu.memory_space<semaphore_mem>>) src(%dma_wait3A_413 : memref<125x128xf32, #tpu.memory_space<vmem>>) dst(%dma_wait3A_419 : memref<10240x128xf32, #tpu.memory_space<vmem_shared>>)
    %dma_wait3A_420 = arith.constant 1 : i32
    %dma_wait3A_421 = arith.constant 39 : i32
    %dma_wait3A_422 = arith.constant 0 : i32
    %dma_wait3A_423 = arith.constant 0 : i32
    %dma_wait3A_424 = tpu.memref_slice %arg8[%dma_wait3A_420, %dma_wait3A_422, %dma_wait3A_423] : memref<2x125x128xf32, #tpu.memory_space<vmem>> -> memref<1x125x128xf32, #tpu.memory_space<vmem>>
    %dma_wait3A_425 = tpu.memref_squeeze %dma_wait3A_424 : memref<1x125x128xf32, #tpu.memory_space<vmem>> -> memref<125x128xf32, #tpu.memory_space<vmem>>
    %dma_wait3A_426 = arith.constant 0 : i32
    %dma_wait3A_427 = tpu.memref_slice %arg7[%dma_wait3A_421, %dma_wait3A_426] : memref<40x125xi32, #tpu.memory_space<vmem>> -> memref<1x125xi32, #tpu.memory_space<vmem>>
    %dma_wait3A_428 = tpu.memref_squeeze %dma_wait3A_427 : memref<1x125xi32, #tpu.memory_space<vmem>> -> memref<125xi32, #tpu.memory_space<vmem>>
    %dma_wait3A_429 = arith.constant 0 : i32
    %dma_wait3A_430 = arith.constant 0 : i32
    %dma_wait3A_431 = tpu.memref_slice %arg10[%dma_wait3A_429, %dma_wait3A_430] : memref<10240x128xf32, #tpu.memory_space<vmem_shared>> -> memref<10240x128xf32, #tpu.memory_space<vmem_shared>>
    tpu.wait_indirect_dma semaphore(%arg14 : memref<!tpu.dma_semaphore, #tpu.memory_space<semaphore_mem>>) src(%dma_wait3A_425 : memref<125x128xf32, #tpu.memory_space<vmem>>) dst(%dma_wait3A_431 : memref<10240x128xf32, #tpu.memory_space<vmem_shared>>)
    %barrier3A_432 = arith.constant 0 : index
    tpu.barrier barrier_id(%barrier3A_432)
    %mul3A_433 = arith.constant 640 : i32
    %mul3A_434 = arith.muli %arg1, %mul3A_433 : i32
    %mul3A_435 = arith.constant 640 : i32
    %mul3A_436 = arith.muli %arg1, %mul3A_435 : i32
    "tpu.region"() ({
      %run_scoped3A = tpu.sem_alloc : memref<!tpu.dma_semaphore, #tpu.memory_space<semaphore_mem>>
      %dma_start3A_437 = arith.constant 0 : i32
      %dma_start3A_438 = tpu.memref_slice %arg5[%arg0, %mul3A_436, %dma_start3A_437] : memref<2x10240x128xf32, #tpu.memory_space<hbm>> -> memref<1x640x128xf32, #tpu.memory_space<hbm>>
      %dma_start3A_439 = tpu.memref_squeeze %dma_start3A_438 : memref<1x640x128xf32, #tpu.memory_space<hbm>> -> memref<640x128xf32, #tpu.memory_space<hbm>>
      %dma_start3A_440 = arith.constant 0 : i32
      %dma_start3A_441 = tpu.memref_slice %arg10[%mul3A_434, %dma_start3A_440] : memref<10240x128xf32, #tpu.memory_space<vmem_shared>> -> memref<640x128xf32, #tpu.memory_space<vmem_shared>>
      tpu.enqueue_dma source(%dma_start3A_441 : memref<640x128xf32, #tpu.memory_space<vmem_shared>>) target(%dma_start3A_439 : memref<640x128xf32, #tpu.memory_space<hbm>>) target_semaphore(%run_scoped3A : memref<!tpu.dma_semaphore, #tpu.memory_space<semaphore_mem>>)
      %dma_wait3A_442 = arith.constant 0 : i32
      %dma_wait3A_443 = tpu.memref_slice %arg5[%arg0, %mul3A_436, %dma_wait3A_442] : memref<2x10240x128xf32, #tpu.memory_space<hbm>> -> memref<1x640x128xf32, #tpu.memory_space<hbm>>
      %dma_wait3A_444 = tpu.memref_squeeze %dma_wait3A_443 : memref<1x640x128xf32, #tpu.memory_space<hbm>> -> memref<640x128xf32, #tpu.memory_space<hbm>>
      %dma_wait3A_445 = arith.constant 0 : i32
      %dma_wait3A_446 = tpu.memref_slice %arg10[%mul3A_434, %dma_wait3A_445] : memref<10240x128xf32, #tpu.memory_space<vmem_shared>> -> memref<640x128xf32, #tpu.memory_space<vmem_shared>>
      tpu.wait_dma2 semaphore(%run_scoped3A : memref<!tpu.dma_semaphore, #tpu.memory_space<semaphore_mem>>) src(%dma_wait3A_446 : memref<640x128xf32, #tpu.memory_space<vmem_shared>>) dst(%dma_wait3A_444 : memref<640x128xf32, #tpu.memory_space<hbm>>)
      tpu.yield
    }) : () -> ()
    return
  }
}

#map = affine_map<(d0, d1) -> (0, 0, 0)>
module attributes {stable_mosaic.version = 14 : i64} {
  func.func @_sc_degree_body(%arg0: i32, %arg1: i32, %arg2: memref<32x80x125xi32, #tpu.memory_space<hbm>>, %arg3: memref<2x10240x128xf32, #tpu.memory_space<hbm>>, %arg4: memref<80x125xi32, #tpu.memory_space<vmem>>, %arg5: memref<125x128xf32, #tpu.memory_space<vmem>>, %arg6: memref<32x128xf32, #tpu.memory_space<vmem>>, %arg7: memref<10240x128xf32, #tpu.memory_space<vmem_shared>>, %arg8: memref<!tpu.dma_semaphore, #tpu.memory_space<semaphore_mem>>) attributes {dimension_semantics = [#tpu.dimension_semantics<core_parallel>, #tpu.dimension_semantics<subcore_parallel>], iteration_bounds = array<i64: 2, 16>, scalar_prefetch = 0 : i64, scratch_operands = 5 : i64, tpu.core_type = #tpu.core_type<sc_vector_subcore>, window_params = [{transform_indices = #map}, {transform_indices = #map}]} {
    %mul3A = arith.constant 16 : i32
    %mul3A_0 = arith.muli %arg0, %mul3A : i32
    %add3A = arith.addi %mul3A_0, %arg1 : i32
    %scan3A = arith.constant 0 : i32
    %scan3A_1 = arith.constant 0 : i32
    %scan3A_2 = arith.constant 32 : i32
    %scan3A_3 = arith.addi %scan3A_1, %scan3A_2 : i32
    %scan3A_4 = arith.constant 1 : i32
    scf.for %scan3A_347 = %scan3A_1 to %scan3A_3 step %scan3A_4  : i32 {
      %broadcast_in_dim3A = arith.constant 0.000000e+00 : f32
      %broadcast_in_dim3A_348 = vector.broadcast %broadcast_in_dim3A : f32 to vector<16xf32>
      %swap3A = arith.index_cast %scan3A_347 : i32 to index
      %swap3A_349 = arith.constant 0 : index
      %swap3A_350 = tpu.vector_load %arg6[%swap3A, %swap3A_349] {strides = array<i32>} : memref<32x128xf32, #tpu.memory_space<vmem>>, vector<1x16xf32>,
      %swap3A_351 = vector.shape_cast %swap3A_350 : vector<1x16xf32> to vector<16xf32>
      %swap3A_352 = vector.shape_cast %broadcast_in_dim3A_348 : vector<16xf32> to vector<1x16xf32>
      tpu.vector_store %arg6[%swap3A, %swap3A_349], %swap3A_352 {strides = array<i32>} : memref<32x128xf32, #tpu.memory_space<vmem>>, vector<1x16xf32>,
      %broadcast_in_dim3A_353 = arith.constant 0.000000e+00 : f32
      %broadcast_in_dim3A_354 = vector.broadcast %broadcast_in_dim3A_353 : f32 to vector<16xf32>
      %swap3A_355 = arith.index_cast %scan3A_347 : i32 to index
      %swap3A_356 = arith.constant 16 : index
      %swap3A_357 = tpu.vector_load %arg6[%swap3A_355, %swap3A_356] {strides = array<i32>} : memref<32x128xf32, #tpu.memory_space<vmem>>, vector<1x16xf32>,
      %swap3A_358 = vector.shape_cast %swap3A_357 : vector<1x16xf32> to vector<16xf32>
      %swap3A_359 = vector.shape_cast %broadcast_in_dim3A_354 : vector<16xf32> to vector<1x16xf32>
      tpu.vector_store %arg6[%swap3A_355, %swap3A_356], %swap3A_359 {strides = array<i32>} : memref<32x128xf32, #tpu.memory_space<vmem>>, vector<1x16xf32>,
      %broadcast_in_dim3A_360 = arith.constant 0.000000e+00 : f32
      %broadcast_in_dim3A_361 = vector.broadcast %broadcast_in_dim3A_360 : f32 to vector<16xf32>
      %swap3A_362 = arith.index_cast %scan3A_347 : i32 to index
      %swap3A_363 = arith.constant 32 : index
      %swap3A_364 = tpu.vector_load %arg6[%swap3A_362, %swap3A_363] {strides = array<i32>} : memref<32x128xf32, #tpu.memory_space<vmem>>, vector<1x16xf32>,
      %swap3A_365 = vector.shape_cast %swap3A_364 : vector<1x16xf32> to vector<16xf32>
      %swap3A_366 = vector.shape_cast %broadcast_in_dim3A_361 : vector<16xf32> to vector<1x16xf32>
      tpu.vector_store %arg6[%swap3A_362, %swap3A_363], %swap3A_366 {strides = array<i32>} : memref<32x128xf32, #tpu.memory_space<vmem>>, vector<1x16xf32>,
      %broadcast_in_dim3A_367 = arith.constant 0.000000e+00 : f32
      %broadcast_in_dim3A_368 = vector.broadcast %broadcast_in_dim3A_367 : f32 to vector<16xf32>
      %swap3A_369 = arith.index_cast %scan3A_347 : i32 to index
      %swap3A_370 = arith.constant 48 : index
      %swap3A_371 = tpu.vector_load %arg6[%swap3A_369, %swap3A_370] {strides = array<i32>} : memref<32x128xf32, #tpu.memory_space<vmem>>, vector<1x16xf32>,
      %swap3A_372 = vector.shape_cast %swap3A_371 : vector<1x16xf32> to vector<16xf32>
      %swap3A_373 = vector.shape_cast %broadcast_in_dim3A_368 : vector<16xf32> to vector<1x16xf32>
      tpu.vector_store %arg6[%swap3A_369, %swap3A_370], %swap3A_373 {strides = array<i32>} : memref<32x128xf32, #tpu.memory_space<vmem>>, vector<1x16xf32>,
      %broadcast_in_dim3A_374 = arith.constant 0.000000e+00 : f32
      %broadcast_in_dim3A_375 = vector.broadcast %broadcast_in_dim3A_374 : f32 to vector<16xf32>
      %swap3A_376 = arith.index_cast %scan3A_347 : i32 to index
      %swap3A_377 = arith.constant 64 : index
      %swap3A_378 = tpu.vector_load %arg6[%swap3A_376, %swap3A_377] {strides = array<i32>} : memref<32x128xf32, #tpu.memory_space<vmem>>, vector<1x16xf32>,
      %swap3A_379 = vector.shape_cast %swap3A_378 : vector<1x16xf32> to vector<16xf32>
      %swap3A_380 = vector.shape_cast %broadcast_in_dim3A_375 : vector<16xf32> to vector<1x16xf32>
      tpu.vector_store %arg6[%swap3A_376, %swap3A_377], %swap3A_380 {strides = array<i32>} : memref<32x128xf32, #tpu.memory_space<vmem>>, vector<1x16xf32>,
      %broadcast_in_dim3A_381 = arith.constant 0.000000e+00 : f32
      %broadcast_in_dim3A_382 = vector.broadcast %broadcast_in_dim3A_381 : f32 to vector<16xf32>
      %swap3A_383 = arith.index_cast %scan3A_347 : i32 to index
      %swap3A_384 = arith.constant 80 : index
      %swap3A_385 = tpu.vector_load %arg6[%swap3A_383, %swap3A_384] {strides = array<i32>} : memref<32x128xf32, #tpu.memory_space<vmem>>, vector<1x16xf32>,
      %swap3A_386 = vector.shape_cast %swap3A_385 : vector<1x16xf32> to vector<16xf32>
      %swap3A_387 = vector.shape_cast %broadcast_in_dim3A_382 : vector<16xf32> to vector<1x16xf32>
      tpu.vector_store %arg6[%swap3A_383, %swap3A_384], %swap3A_387 {strides = array<i32>} : memref<32x128xf32, #tpu.memory_space<vmem>>, vector<1x16xf32>,
      %broadcast_in_dim3A_388 = arith.constant 0.000000e+00 : f32
      %broadcast_in_dim3A_389 = vector.broadcast %broadcast_in_dim3A_388 : f32 to vector<16xf32>
      %swap3A_390 = arith.index_cast %scan3A_347 : i32 to index
      %swap3A_391 = arith.constant 96 : index
      %swap3A_392 = tpu.vector_load %arg6[%swap3A_390, %swap3A_391] {strides = array<i32>} : memref<32x128xf32, #tpu.memory_space<vmem>>, vector<1x16xf32>,
      %swap3A_393 = vector.shape_cast %swap3A_392 : vector<1x16xf32> to vector<16xf32>
      %swap3A_394 = vector.shape_cast %broadcast_in_dim3A_389 : vector<16xf32> to vector<1x16xf32>
      tpu.vector_store %arg6[%swap3A_390, %swap3A_391], %swap3A_394 {strides = array<i32>} : memref<32x128xf32, #tpu.memory_space<vmem>>, vector<1x16xf32>,
      %broadcast_in_dim3A_395 = arith.constant 0.000000e+00 : f32
      %broadcast_in_dim3A_396 = vector.broadcast %broadcast_in_dim3A_395 : f32 to vector<16xf32>
      %swap3A_397 = arith.index_cast %scan3A_347 : i32 to index
      %swap3A_398 = arith.constant 112 : index
      %swap3A_399 = tpu.vector_load %arg6[%swap3A_397, %swap3A_398] {strides = array<i32>} : memref<32x128xf32, #tpu.memory_space<vmem>>, vector<1x16xf32>,
      %swap3A_400 = vector.shape_cast %swap3A_399 : vector<1x16xf32> to vector<16xf32>
      %swap3A_401 = vector.shape_cast %broadcast_in_dim3A_396 : vector<16xf32> to vector<1x16xf32>
      tpu.vector_store %arg6[%swap3A_397, %swap3A_398], %swap3A_401 {strides = array<i32>} : memref<32x128xf32, #tpu.memory_space<vmem>>, vector<1x16xf32>,
    }
    %scan3A_5 = arith.constant 32 : i32
    %mul3A_6 = arith.constant 640 : i32
    %mul3A_7 = arith.muli %arg1, %mul3A_6 : i32
    %add3A_8 = arith.constant 0 : i32
    %add3A_9 = arith.addi %mul3A_7, %add3A_8 : i32
    %dma_start3A = arith.constant 0 : i32
    %dma_start3A_10 = tpu.memref_slice %arg7[%add3A_9, %dma_start3A] : memref<10240x128xf32, #tpu.memory_space<vmem_shared>> -> memref<32x128xf32, #tpu.memory_space<vmem_shared>>
    %dma_start3A_11 = arith.constant 0 : i32
    %dma_start3A_12 = tpu.memref_slice %arg7[%add3A_9, %dma_start3A_11] : memref<10240x128xf32, #tpu.memory_space<vmem_shared>> -> memref<32x128xf32, #tpu.memory_space<vmem_shared>>
    tpu.enqueue_dma source(%arg6 : memref<32x128xf32, #tpu.memory_space<vmem>>) target(%dma_start3A_12 : memref<32x128xf32, #tpu.memory_space<vmem_shared>>) target_semaphore(%arg8 : memref<!tpu.dma_semaphore, #tpu.memory_space<semaphore_mem>>)
    %mul3A_13 = arith.constant 640 : i32
    %mul3A_14 = arith.muli %arg1, %mul3A_13 : i32
    %add3A_15 = arith.constant 32 : i32
    %add3A_16 = arith.addi %mul3A_14, %add3A_15 : i32
    %dma_start3A_17 = arith.constant 0 : i32
    %dma_start3A_18 = tpu.memref_slice %arg7[%add3A_16, %dma_start3A_17] : memref<10240x128xf32, #tpu.memory_space<vmem_shared>> -> memref<32x128xf32, #tpu.memory_space<vmem_shared>>
    %dma_start3A_19 = arith.constant 0 : i32
    %dma_start3A_20 = tpu.memref_slice %arg7[%add3A_16, %dma_start3A_19] : memref<10240x128xf32, #tpu.memory_space<vmem_shared>> -> memref<32x128xf32, #tpu.memory_space<vmem_shared>>
    tpu.enqueue_dma source(%arg6 : memref<32x128xf32, #tpu.memory_space<vmem>>) target(%dma_start3A_20 : memref<32x128xf32, #tpu.memory_space<vmem_shared>>) target_semaphore(%arg8 : memref<!tpu.dma_semaphore, #tpu.memory_space<semaphore_mem>>)
    %mul3A_21 = arith.constant 640 : i32
    %mul3A_22 = arith.muli %arg1, %mul3A_21 : i32
    %add3A_23 = arith.constant 64 : i32
    %add3A_24 = arith.addi %mul3A_22, %add3A_23 : i32
    %dma_start3A_25 = arith.constant 0 : i32
    %dma_start3A_26 = tpu.memref_slice %arg7[%add3A_24, %dma_start3A_25] : memref<10240x128xf32, #tpu.memory_space<vmem_shared>> -> memref<32x128xf32, #tpu.memory_space<vmem_shared>>
    %dma_start3A_27 = arith.constant 0 : i32
    %dma_start3A_28 = tpu.memref_slice %arg7[%add3A_24, %dma_start3A_27] : memref<10240x128xf32, #tpu.memory_space<vmem_shared>> -> memref<32x128xf32, #tpu.memory_space<vmem_shared>>
    tpu.enqueue_dma source(%arg6 : memref<32x128xf32, #tpu.memory_space<vmem>>) target(%dma_start3A_28 : memref<32x128xf32, #tpu.memory_space<vmem_shared>>) target_semaphore(%arg8 : memref<!tpu.dma_semaphore, #tpu.memory_space<semaphore_mem>>)
    %mul3A_29 = arith.constant 640 : i32
    %mul3A_30 = arith.muli %arg1, %mul3A_29 : i32
    %add3A_31 = arith.constant 96 : i32
    %add3A_32 = arith.addi %mul3A_30, %add3A_31 : i32
    %dma_start3A_33 = arith.constant 0 : i32
    %dma_start3A_34 = tpu.memref_slice %arg7[%add3A_32, %dma_start3A_33] : memref<10240x128xf32, #tpu.memory_space<vmem_shared>> -> memref<32x128xf32, #tpu.memory_space<vmem_shared>>
    %dma_start3A_35 = arith.constant 0 : i32
    %dma_start3A_36 = tpu.memref_slice %arg7[%add3A_32, %dma_start3A_35] : memref<10240x128xf32, #tpu.memory_space<vmem_shared>> -> memref<32x128xf32, #tpu.memory_space<vmem_shared>>
    tpu.enqueue_dma source(%arg6 : memref<32x128xf32, #tpu.memory_space<vmem>>) target(%dma_start3A_36 : memref<32x128xf32, #tpu.memory_space<vmem_shared>>) target_semaphore(%arg8 : memref<!tpu.dma_semaphore, #tpu.memory_space<semaphore_mem>>)
    %mul3A_37 = arith.constant 640 : i32
    %mul3A_38 = arith.muli %arg1, %mul3A_37 : i32
    %add3A_39 = arith.constant 128 : i32
    %add3A_40 = arith.addi %mul3A_38, %add3A_39 : i32
    %dma_start3A_41 = arith.constant 0 : i32
    %dma_start3A_42 = tpu.memref_slice %arg7[%add3A_40, %dma_start3A_41] : memref<10240x128xf32, #tpu.memory_space<vmem_shared>> -> memref<32x128xf32, #tpu.memory_space<vmem_shared>>
    %dma_start3A_43 = arith.constant 0 : i32
    %dma_start3A_44 = tpu.memref_slice %arg7[%add3A_40, %dma_start3A_43] : memref<10240x128xf32, #tpu.memory_space<vmem_shared>> -> memref<32x128xf32, #tpu.memory_space<vmem_shared>>
    tpu.enqueue_dma source(%arg6 : memref<32x128xf32, #tpu.memory_space<vmem>>) target(%dma_start3A_44 : memref<32x128xf32, #tpu.memory_space<vmem_shared>>) target_semaphore(%arg8 : memref<!tpu.dma_semaphore, #tpu.memory_space<semaphore_mem>>)
    %mul3A_45 = arith.constant 640 : i32
    %mul3A_46 = arith.muli %arg1, %mul3A_45 : i32
    %add3A_47 = arith.constant 160 : i32
    %add3A_48 = arith.addi %mul3A_46, %add3A_47 : i32
    %dma_start3A_49 = arith.constant 0 : i32
    %dma_start3A_50 = tpu.memref_slice %arg7[%add3A_48, %dma_start3A_49] : memref<10240x128xf32, #tpu.memory_space<vmem_shared>> -> memref<32x128xf32, #tpu.memory_space<vmem_shared>>
    %dma_start3A_51 = arith.constant 0 : i32
    %dma_start3A_52 = tpu.memref_slice %arg7[%add3A_48, %dma_start3A_51] : memref<10240x128xf32, #tpu.memory_space<vmem_shared>> -> memref<32x128xf32, #tpu.memory_space<vmem_shared>>
    tpu.enqueue_dma source(%arg6 : memref<32x128xf32, #tpu.memory_space<vmem>>) target(%dma_start3A_52 : memref<32x128xf32, #tpu.memory_space<vmem_shared>>) target_semaphore(%arg8 : memref<!tpu.dma_semaphore, #tpu.memory_space<semaphore_mem>>)
    %mul3A_53 = arith.constant 640 : i32
    %mul3A_54 = arith.muli %arg1, %mul3A_53 : i32
    %add3A_55 = arith.constant 192 : i32
    %add3A_56 = arith.addi %mul3A_54, %add3A_55 : i32
    %dma_start3A_57 = arith.constant 0 : i32
    %dma_start3A_58 = tpu.memref_slice %arg7[%add3A_56, %dma_start3A_57] : memref<10240x128xf32, #tpu.memory_space<vmem_shared>> -> memref<32x128xf32, #tpu.memory_space<vmem_shared>>
    %dma_start3A_59 = arith.constant 0 : i32
    %dma_start3A_60 = tpu.memref_slice %arg7[%add3A_56, %dma_start3A_59] : memref<10240x128xf32, #tpu.memory_space<vmem_shared>> -> memref<32x128xf32, #tpu.memory_space<vmem_shared>>
    tpu.enqueue_dma source(%arg6 : memref<32x128xf32, #tpu.memory_space<vmem>>) target(%dma_start3A_60 : memref<32x128xf32, #tpu.memory_space<vmem_shared>>) target_semaphore(%arg8 : memref<!tpu.dma_semaphore, #tpu.memory_space<semaphore_mem>>)
    %mul3A_61 = arith.constant 640 : i32
    %mul3A_62 = arith.muli %arg1, %mul3A_61 : i32
    %add3A_63 = arith.constant 224 : i32
    %add3A_64 = arith.addi %mul3A_62, %add3A_63 : i32
    %dma_start3A_65 = arith.constant 0 : i32
    %dma_start3A_66 = tpu.memref_slice %arg7[%add3A_64, %dma_start3A_65] : memref<10240x128xf32, #tpu.memory_space<vmem_shared>> -> memref<32x128xf32, #tpu.memory_space<vmem_shared>>
    %dma_start3A_67 = arith.constant 0 : i32
    %dma_start3A_68 = tpu.memref_slice %arg7[%add3A_64, %dma_start3A_67] : memref<10240x128xf32, #tpu.memory_space<vmem_shared>> -> memref<32x128xf32, #tpu.memory_space<vmem_shared>>
    tpu.enqueue_dma source(%arg6 : memref<32x128xf32, #tpu.memory_space<vmem>>) target(%dma_start3A_68 : memref<32x128xf32, #tpu.memory_space<vmem_shared>>) target_semaphore(%arg8 : memref<!tpu.dma_semaphore, #tpu.memory_space<semaphore_mem>>)
    %mul3A_69 = arith.constant 640 : i32
    %mul3A_70 = arith.muli %arg1, %mul3A_69 : i32
    %add3A_71 = arith.constant 256 : i32
    %add3A_72 = arith.addi %mul3A_70, %add3A_71 : i32
    %dma_start3A_73 = arith.constant 0 : i32
    %dma_start3A_74 = tpu.memref_slice %arg7[%add3A_72, %dma_start3A_73] : memref<10240x128xf32, #tpu.memory_space<vmem_shared>> -> memref<32x128xf32, #tpu.memory_space<vmem_shared>>
    %dma_start3A_75 = arith.constant 0 : i32
    %dma_start3A_76 = tpu.memref_slice %arg7[%add3A_72, %dma_start3A_75] : memref<10240x128xf32, #tpu.memory_space<vmem_shared>> -> memref<32x128xf32, #tpu.memory_space<vmem_shared>>
    tpu.enqueue_dma source(%arg6 : memref<32x128xf32, #tpu.memory_space<vmem>>) target(%dma_start3A_76 : memref<32x128xf32, #tpu.memory_space<vmem_shared>>) target_semaphore(%arg8 : memref<!tpu.dma_semaphore, #tpu.memory_space<semaphore_mem>>)
    %mul3A_77 = arith.constant 640 : i32
    %mul3A_78 = arith.muli %arg1, %mul3A_77 : i32
    %add3A_79 = arith.constant 288 : i32
    %add3A_80 = arith.addi %mul3A_78, %add3A_79 : i32
    %dma_start3A_81 = arith.constant 0 : i32
    %dma_start3A_82 = tpu.memref_slice %arg7[%add3A_80, %dma_start3A_81] : memref<10240x128xf32, #tpu.memory_space<vmem_shared>> -> memref<32x128xf32, #tpu.memory_space<vmem_shared>>
    %dma_start3A_83 = arith.constant 0 : i32
    %dma_start3A_84 = tpu.memref_slice %arg7[%add3A_80, %dma_start3A_83] : memref<10240x128xf32, #tpu.memory_space<vmem_shared>> -> memref<32x128xf32, #tpu.memory_space<vmem_shared>>
    tpu.enqueue_dma source(%arg6 : memref<32x128xf32, #tpu.memory_space<vmem>>) target(%dma_start3A_84 : memref<32x128xf32, #tpu.memory_space<vmem_shared>>) target_semaphore(%arg8 : memref<!tpu.dma_semaphore, #tpu.memory_space<semaphore_mem>>)
    %mul3A_85 = arith.constant 640 : i32
    %mul3A_86 = arith.muli %arg1, %mul3A_85 : i32
    %add3A_87 = arith.constant 320 : i32
    %add3A_88 = arith.addi %mul3A_86, %add3A_87 : i32
    %dma_start3A_89 = arith.constant 0 : i32
    %dma_start3A_90 = tpu.memref_slice %arg7[%add3A_88, %dma_start3A_89] : memref<10240x128xf32, #tpu.memory_space<vmem_shared>> -> memref<32x128xf32, #tpu.memory_space<vmem_shared>>
    %dma_start3A_91 = arith.constant 0 : i32
    %dma_start3A_92 = tpu.memref_slice %arg7[%add3A_88, %dma_start3A_91] : memref<10240x128xf32, #tpu.memory_space<vmem_shared>> -> memref<32x128xf32, #tpu.memory_space<vmem_shared>>
    tpu.enqueue_dma source(%arg6 : memref<32x128xf32, #tpu.memory_space<vmem>>) target(%dma_start3A_92 : memref<32x128xf32, #tpu.memory_space<vmem_shared>>) target_semaphore(%arg8 : memref<!tpu.dma_semaphore, #tpu.memory_space<semaphore_mem>>)
    %mul3A_93 = arith.constant 640 : i32
    %mul3A_94 = arith.muli %arg1, %mul3A_93 : i32
    %add3A_95 = arith.constant 352 : i32
    %add3A_96 = arith.addi %mul3A_94, %add3A_95 : i32
    %dma_start3A_97 = arith.constant 0 : i32
    %dma_start3A_98 = tpu.memref_slice %arg7[%add3A_96, %dma_start3A_97] : memref<10240x128xf32, #tpu.memory_space<vmem_shared>> -> memref<32x128xf32, #tpu.memory_space<vmem_shared>>
    %dma_start3A_99 = arith.constant 0 : i32
    %dma_start3A_100 = tpu.memref_slice %arg7[%add3A_96, %dma_start3A_99] : memref<10240x128xf32, #tpu.memory_space<vmem_shared>> -> memref<32x128xf32, #tpu.memory_space<vmem_shared>>
    tpu.enqueue_dma source(%arg6 : memref<32x128xf32, #tpu.memory_space<vmem>>) target(%dma_start3A_100 : memref<32x128xf32, #tpu.memory_space<vmem_shared>>) target_semaphore(%arg8 : memref<!tpu.dma_semaphore, #tpu.memory_space<semaphore_mem>>)
    %mul3A_101 = arith.constant 640 : i32
    %mul3A_102 = arith.muli %arg1, %mul3A_101 : i32
    %add3A_103 = arith.constant 384 : i32
    %add3A_104 = arith.addi %mul3A_102, %add3A_103 : i32
    %dma_start3A_105 = arith.constant 0 : i32
    %dma_start3A_106 = tpu.memref_slice %arg7[%add3A_104, %dma_start3A_105] : memref<10240x128xf32, #tpu.memory_space<vmem_shared>> -> memref<32x128xf32, #tpu.memory_space<vmem_shared>>
    %dma_start3A_107 = arith.constant 0 : i32
    %dma_start3A_108 = tpu.memref_slice %arg7[%add3A_104, %dma_start3A_107] : memref<10240x128xf32, #tpu.memory_space<vmem_shared>> -> memref<32x128xf32, #tpu.memory_space<vmem_shared>>
    tpu.enqueue_dma source(%arg6 : memref<32x128xf32, #tpu.memory_space<vmem>>) target(%dma_start3A_108 : memref<32x128xf32, #tpu.memory_space<vmem_shared>>) target_semaphore(%arg8 : memref<!tpu.dma_semaphore, #tpu.memory_space<semaphore_mem>>)
    %mul3A_109 = arith.constant 640 : i32
    %mul3A_110 = arith.muli %arg1, %mul3A_109 : i32
    %add3A_111 = arith.constant 416 : i32
    %add3A_112 = arith.addi %mul3A_110, %add3A_111 : i32
    %dma_start3A_113 = arith.constant 0 : i32
    %dma_start3A_114 = tpu.memref_slice %arg7[%add3A_112, %dma_start3A_113] : memref<10240x128xf32, #tpu.memory_space<vmem_shared>> -> memref<32x128xf32, #tpu.memory_space<vmem_shared>>
    %dma_start3A_115 = arith.constant 0 : i32
    %dma_start3A_116 = tpu.memref_slice %arg7[%add3A_112, %dma_start3A_115] : memref<10240x128xf32, #tpu.memory_space<vmem_shared>> -> memref<32x128xf32, #tpu.memory_space<vmem_shared>>
    tpu.enqueue_dma source(%arg6 : memref<32x128xf32, #tpu.memory_space<vmem>>) target(%dma_start3A_116 : memref<32x128xf32, #tpu.memory_space<vmem_shared>>) target_semaphore(%arg8 : memref<!tpu.dma_semaphore, #tpu.memory_space<semaphore_mem>>)
    %mul3A_117 = arith.constant 640 : i32
    %mul3A_118 = arith.muli %arg1, %mul3A_117 : i32
    %add3A_119 = arith.constant 448 : i32
    %add3A_120 = arith.addi %mul3A_118, %add3A_119 : i32
    %dma_start3A_121 = arith.constant 0 : i32
    %dma_start3A_122 = tpu.memref_slice %arg7[%add3A_120, %dma_start3A_121] : memref<10240x128xf32, #tpu.memory_space<vmem_shared>> -> memref<32x128xf32, #tpu.memory_space<vmem_shared>>
    %dma_start3A_123 = arith.constant 0 : i32
    %dma_start3A_124 = tpu.memref_slice %arg7[%add3A_120, %dma_start3A_123] : memref<10240x128xf32, #tpu.memory_space<vmem_shared>> -> memref<32x128xf32, #tpu.memory_space<vmem_shared>>
    tpu.enqueue_dma source(%arg6 : memref<32x128xf32, #tpu.memory_space<vmem>>) target(%dma_start3A_124 : memref<32x128xf32, #tpu.memory_space<vmem_shared>>) target_semaphore(%arg8 : memref<!tpu.dma_semaphore, #tpu.memory_space<semaphore_mem>>)
    %mul3A_125 = arith.constant 640 : i32
    %mul3A_126 = arith.muli %arg1, %mul3A_125 : i32
    %add3A_127 = arith.constant 480 : i32
    %add3A_128 = arith.addi %mul3A_126, %add3A_127 : i32
    %dma_start3A_129 = arith.constant 0 : i32
    %dma_start3A_130 = tpu.memref_slice %arg7[%add3A_128, %dma_start3A_129] : memref<10240x128xf32, #tpu.memory_space<vmem_shared>> -> memref<32x128xf32, #tpu.memory_space<vmem_shared>>
    %dma_start3A_131 = arith.constant 0 : i32
    %dma_start3A_132 = tpu.memref_slice %arg7[%add3A_128, %dma_start3A_131] : memref<10240x128xf32, #tpu.memory_space<vmem_shared>> -> memref<32x128xf32, #tpu.memory_space<vmem_shared>>
    tpu.enqueue_dma source(%arg6 : memref<32x128xf32, #tpu.memory_space<vmem>>) target(%dma_start3A_132 : memref<32x128xf32, #tpu.memory_space<vmem_shared>>) target_semaphore(%arg8 : memref<!tpu.dma_semaphore, #tpu.memory_space<semaphore_mem>>)
    %mul3A_133 = arith.constant 640 : i32
    %mul3A_134 = arith.muli %arg1, %mul3A_133 : i32
    %add3A_135 = arith.constant 512 : i32
    %add3A_136 = arith.addi %mul3A_134, %add3A_135 : i32
    %dma_start3A_137 = arith.constant 0 : i32
    %dma_start3A_138 = tpu.memref_slice %arg7[%add3A_136, %dma_start3A_137] : memref<10240x128xf32, #tpu.memory_space<vmem_shared>> -> memref<32x128xf32, #tpu.memory_space<vmem_shared>>
    %dma_start3A_139 = arith.constant 0 : i32
    %dma_start3A_140 = tpu.memref_slice %arg7[%add3A_136, %dma_start3A_139] : memref<10240x128xf32, #tpu.memory_space<vmem_shared>> -> memref<32x128xf32, #tpu.memory_space<vmem_shared>>
    tpu.enqueue_dma source(%arg6 : memref<32x128xf32, #tpu.memory_space<vmem>>) target(%dma_start3A_140 : memref<32x128xf32, #tpu.memory_space<vmem_shared>>) target_semaphore(%arg8 : memref<!tpu.dma_semaphore, #tpu.memory_space<semaphore_mem>>)
    %mul3A_141 = arith.constant 640 : i32
    %mul3A_142 = arith.muli %arg1, %mul3A_141 : i32
    %add3A_143 = arith.constant 544 : i32
    %add3A_144 = arith.addi %mul3A_142, %add3A_143 : i32
    %dma_start3A_145 = arith.constant 0 : i32
    %dma_start3A_146 = tpu.memref_slice %arg7[%add3A_144, %dma_start3A_145] : memref<10240x128xf32, #tpu.memory_space<vmem_shared>> -> memref<32x128xf32, #tpu.memory_space<vmem_shared>>
    %dma_start3A_147 = arith.constant 0 : i32
    %dma_start3A_148 = tpu.memref_slice %arg7[%add3A_144, %dma_start3A_147] : memref<10240x128xf32, #tpu.memory_space<vmem_shared>> -> memref<32x128xf32, #tpu.memory_space<vmem_shared>>
    tpu.enqueue_dma source(%arg6 : memref<32x128xf32, #tpu.memory_space<vmem>>) target(%dma_start3A_148 : memref<32x128xf32, #tpu.memory_space<vmem_shared>>) target_semaphore(%arg8 : memref<!tpu.dma_semaphore, #tpu.memory_space<semaphore_mem>>)
    %mul3A_149 = arith.constant 640 : i32
    %mul3A_150 = arith.muli %arg1, %mul3A_149 : i32
    %add3A_151 = arith.constant 576 : i32
    %add3A_152 = arith.addi %mul3A_150, %add3A_151 : i32
    %dma_start3A_153 = arith.constant 0 : i32
    %dma_start3A_154 = tpu.memref_slice %arg7[%add3A_152, %dma_start3A_153] : memref<10240x128xf32, #tpu.memory_space<vmem_shared>> -> memref<32x128xf32, #tpu.memory_space<vmem_shared>>
    %dma_start3A_155 = arith.constant 0 : i32
    %dma_start3A_156 = tpu.memref_slice %arg7[%add3A_152, %dma_start3A_155] : memref<10240x128xf32, #tpu.memory_space<vmem_shared>> -> memref<32x128xf32, #tpu.memory_space<vmem_shared>>
    tpu.enqueue_dma source(%arg6 : memref<32x128xf32, #tpu.memory_space<vmem>>) target(%dma_start3A_156 : memref<32x128xf32, #tpu.memory_space<vmem_shared>>) target_semaphore(%arg8 : memref<!tpu.dma_semaphore, #tpu.memory_space<semaphore_mem>>)
    %mul3A_157 = arith.constant 640 : i32
    %mul3A_158 = arith.muli %arg1, %mul3A_157 : i32
    %add3A_159 = arith.constant 608 : i32
    %add3A_160 = arith.addi %mul3A_158, %add3A_159 : i32
    %dma_start3A_161 = arith.constant 0 : i32
    %dma_start3A_162 = tpu.memref_slice %arg7[%add3A_160, %dma_start3A_161] : memref<10240x128xf32, #tpu.memory_space<vmem_shared>> -> memref<32x128xf32, #tpu.memory_space<vmem_shared>>
    %dma_start3A_163 = arith.constant 0 : i32
    %dma_start3A_164 = tpu.memref_slice %arg7[%add3A_160, %dma_start3A_163] : memref<10240x128xf32, #tpu.memory_space<vmem_shared>> -> memref<32x128xf32, #tpu.memory_space<vmem_shared>>
    tpu.enqueue_dma source(%arg6 : memref<32x128xf32, #tpu.memory_space<vmem>>) target(%dma_start3A_164 : memref<32x128xf32, #tpu.memory_space<vmem_shared>>) target_semaphore(%arg8 : memref<!tpu.dma_semaphore, #tpu.memory_space<semaphore_mem>>)
    %scan3A_165 = arith.constant 0 : i32
    %scan3A_166 = arith.constant 0 : i32
    %scan3A_167 = arith.constant 125 : i32
    %scan3A_168 = arith.addi %scan3A_166, %scan3A_167 : i32
    %scan3A_169 = arith.constant 1 : i32
    scf.for %scan3A_347 = %scan3A_166 to %scan3A_168 step %scan3A_169  : i32 {
      %broadcast_in_dim3A = arith.constant 1.000000e+00 : f32
      %broadcast_in_dim3A_348 = vector.broadcast %broadcast_in_dim3A : f32 to vector<16xf32>
      %swap3A = arith.index_cast %scan3A_347 : i32 to index
      %swap3A_349 = arith.constant 0 : index
      %swap3A_350 = tpu.vector_load %arg5[%swap3A, %swap3A_349] {strides = array<i32>} : memref<125x128xf32, #tpu.memory_space<vmem>>, vector<1x16xf32>,
      %swap3A_351 = vector.shape_cast %swap3A_350 : vector<1x16xf32> to vector<16xf32>
      %swap3A_352 = vector.shape_cast %broadcast_in_dim3A_348 : vector<16xf32> to vector<1x16xf32>
      tpu.vector_store %arg5[%swap3A, %swap3A_349], %swap3A_352 {strides = array<i32>} : memref<125x128xf32, #tpu.memory_space<vmem>>, vector<1x16xf32>,
      %broadcast_in_dim3A_353 = arith.constant 1.000000e+00 : f32
      %broadcast_in_dim3A_354 = vector.broadcast %broadcast_in_dim3A_353 : f32 to vector<16xf32>
      %swap3A_355 = arith.index_cast %scan3A_347 : i32 to index
      %swap3A_356 = arith.constant 16 : index
      %swap3A_357 = tpu.vector_load %arg5[%swap3A_355, %swap3A_356] {strides = array<i32>} : memref<125x128xf32, #tpu.memory_space<vmem>>, vector<1x16xf32>,
      %swap3A_358 = vector.shape_cast %swap3A_357 : vector<1x16xf32> to vector<16xf32>
      %swap3A_359 = vector.shape_cast %broadcast_in_dim3A_354 : vector<16xf32> to vector<1x16xf32>
      tpu.vector_store %arg5[%swap3A_355, %swap3A_356], %swap3A_359 {strides = array<i32>} : memref<125x128xf32, #tpu.memory_space<vmem>>, vector<1x16xf32>,
      %broadcast_in_dim3A_360 = arith.constant 1.000000e+00 : f32
      %broadcast_in_dim3A_361 = vector.broadcast %broadcast_in_dim3A_360 : f32 to vector<16xf32>
      %swap3A_362 = arith.index_cast %scan3A_347 : i32 to index
      %swap3A_363 = arith.constant 32 : index
      %swap3A_364 = tpu.vector_load %arg5[%swap3A_362, %swap3A_363] {strides = array<i32>} : memref<125x128xf32, #tpu.memory_space<vmem>>, vector<1x16xf32>,
      %swap3A_365 = vector.shape_cast %swap3A_364 : vector<1x16xf32> to vector<16xf32>
      %swap3A_366 = vector.shape_cast %broadcast_in_dim3A_361 : vector<16xf32> to vector<1x16xf32>
      tpu.vector_store %arg5[%swap3A_362, %swap3A_363], %swap3A_366 {strides = array<i32>} : memref<125x128xf32, #tpu.memory_space<vmem>>, vector<1x16xf32>,
      %broadcast_in_dim3A_367 = arith.constant 1.000000e+00 : f32
      %broadcast_in_dim3A_368 = vector.broadcast %broadcast_in_dim3A_367 : f32 to vector<16xf32>
      %swap3A_369 = arith.index_cast %scan3A_347 : i32 to index
      %swap3A_370 = arith.constant 48 : index
      %swap3A_371 = tpu.vector_load %arg5[%swap3A_369, %swap3A_370] {strides = array<i32>} : memref<125x128xf32, #tpu.memory_space<vmem>>, vector<1x16xf32>,
      %swap3A_372 = vector.shape_cast %swap3A_371 : vector<1x16xf32> to vector<16xf32>
      %swap3A_373 = vector.shape_cast %broadcast_in_dim3A_368 : vector<16xf32> to vector<1x16xf32>
      tpu.vector_store %arg5[%swap3A_369, %swap3A_370], %swap3A_373 {strides = array<i32>} : memref<125x128xf32, #tpu.memory_space<vmem>>, vector<1x16xf32>,
      %broadcast_in_dim3A_374 = arith.constant 1.000000e+00 : f32
      %broadcast_in_dim3A_375 = vector.broadcast %broadcast_in_dim3A_374 : f32 to vector<16xf32>
      %swap3A_376 = arith.index_cast %scan3A_347 : i32 to index
      %swap3A_377 = arith.constant 64 : index
      %swap3A_378 = tpu.vector_load %arg5[%swap3A_376, %swap3A_377] {strides = array<i32>} : memref<125x128xf32, #tpu.memory_space<vmem>>, vector<1x16xf32>,
      %swap3A_379 = vector.shape_cast %swap3A_378 : vector<1x16xf32> to vector<16xf32>
      %swap3A_380 = vector.shape_cast %broadcast_in_dim3A_375 : vector<16xf32> to vector<1x16xf32>
      tpu.vector_store %arg5[%swap3A_376, %swap3A_377], %swap3A_380 {strides = array<i32>} : memref<125x128xf32, #tpu.memory_space<vmem>>, vector<1x16xf32>,
      %broadcast_in_dim3A_381 = arith.constant 1.000000e+00 : f32
      %broadcast_in_dim3A_382 = vector.broadcast %broadcast_in_dim3A_381 : f32 to vector<16xf32>
      %swap3A_383 = arith.index_cast %scan3A_347 : i32 to index
      %swap3A_384 = arith.constant 80 : index
      %swap3A_385 = tpu.vector_load %arg5[%swap3A_383, %swap3A_384] {strides = array<i32>} : memref<125x128xf32, #tpu.memory_space<vmem>>, vector<1x16xf32>,
      %swap3A_386 = vector.shape_cast %swap3A_385 : vector<1x16xf32> to vector<16xf32>
      %swap3A_387 = vector.shape_cast %broadcast_in_dim3A_382 : vector<16xf32> to vector<1x16xf32>
      tpu.vector_store %arg5[%swap3A_383, %swap3A_384], %swap3A_387 {strides = array<i32>} : memref<125x128xf32, #tpu.memory_space<vmem>>, vector<1x16xf32>,
      %broadcast_in_dim3A_388 = arith.constant 1.000000e+00 : f32
      %broadcast_in_dim3A_389 = vector.broadcast %broadcast_in_dim3A_388 : f32 to vector<16xf32>
      %swap3A_390 = arith.index_cast %scan3A_347 : i32 to index
      %swap3A_391 = arith.constant 96 : index
      %swap3A_392 = tpu.vector_load %arg5[%swap3A_390, %swap3A_391] {strides = array<i32>} : memref<125x128xf32, #tpu.memory_space<vmem>>, vector<1x16xf32>,
      %swap3A_393 = vector.shape_cast %swap3A_392 : vector<1x16xf32> to vector<16xf32>
      %swap3A_394 = vector.shape_cast %broadcast_in_dim3A_389 : vector<16xf32> to vector<1x16xf32>
      tpu.vector_store %arg5[%swap3A_390, %swap3A_391], %swap3A_394 {strides = array<i32>} : memref<125x128xf32, #tpu.memory_space<vmem>>, vector<1x16xf32>,
      %broadcast_in_dim3A_395 = arith.constant 1.000000e+00 : f32
      %broadcast_in_dim3A_396 = vector.broadcast %broadcast_in_dim3A_395 : f32 to vector<16xf32>
      %swap3A_397 = arith.index_cast %scan3A_347 : i32 to index
      %swap3A_398 = arith.constant 112 : index
      %swap3A_399 = tpu.vector_load %arg5[%swap3A_397, %swap3A_398] {strides = array<i32>} : memref<125x128xf32, #tpu.memory_space<vmem>>, vector<1x16xf32>,
      %swap3A_400 = vector.shape_cast %swap3A_399 : vector<1x16xf32> to vector<16xf32>
      %swap3A_401 = vector.shape_cast %broadcast_in_dim3A_396 : vector<16xf32> to vector<1x16xf32>
      tpu.vector_store %arg5[%swap3A_397, %swap3A_398], %swap3A_401 {strides = array<i32>} : memref<125x128xf32, #tpu.memory_space<vmem>>, vector<1x16xf32>,
    }
    %scan3A_170 = arith.constant 125 : i32
    "tpu.region"() ({
      %run_scoped3A = tpu.sem_alloc : memref<!tpu.dma_semaphore, #tpu.memory_space<semaphore_mem>>
      %dma_start3A_347 = arith.constant 0 : i32
      %dma_start3A_348 = arith.constant 0 : i32
      %dma_start3A_349 = tpu.memref_slice %arg2[%add3A, %dma_start3A_347, %dma_start3A_348] : memref<32x80x125xi32, #tpu.memory_space<hbm>> -> memref<1x80x125xi32, #tpu.memory_space<hbm>>
      %dma_start3A_350 = tpu.memref_squeeze %dma_start3A_349 : memref<1x80x125xi32, #tpu.memory_space<hbm>> -> memref<80x125xi32, #tpu.memory_space<hbm>>
      %dma_start3A_351 = arith.constant 0 : i32
      %dma_start3A_352 = arith.constant 0 : i32
      %dma_start3A_353 = tpu.memref_slice %arg2[%add3A, %dma_start3A_351, %dma_start3A_352] : memref<32x80x125xi32, #tpu.memory_space<hbm>> -> memref<1x80x125xi32, #tpu.memory_space<hbm>>
      %dma_start3A_354 = tpu.memref_squeeze %dma_start3A_353 : memref<1x80x125xi32, #tpu.memory_space<hbm>> -> memref<80x125xi32, #tpu.memory_space<hbm>>
      tpu.enqueue_dma source(%dma_start3A_354 : memref<80x125xi32, #tpu.memory_space<hbm>>) target(%arg4 : memref<80x125xi32, #tpu.memory_space<vmem>>) target_semaphore(%run_scoped3A : memref<!tpu.dma_semaphore, #tpu.memory_space<semaphore_mem>>)
      %dma_wait3A_355 = arith.constant 0 : i32
      %dma_wait3A_356 = arith.constant 0 : i32
      %dma_wait3A_357 = tpu.memref_slice %arg2[%add3A, %dma_wait3A_355, %dma_wait3A_356] : memref<32x80x125xi32, #tpu.memory_space<hbm>> -> memref<1x80x125xi32, #tpu.memory_space<hbm>>
      %dma_wait3A_358 = tpu.memref_squeeze %dma_wait3A_357 : memref<1x80x125xi32, #tpu.memory_space<hbm>> -> memref<80x125xi32, #tpu.memory_space<hbm>>
      %dma_wait3A_359 = arith.constant 0 : i32
      %dma_wait3A_360 = arith.constant 0 : i32
      %dma_wait3A_361 = tpu.memref_slice %arg2[%add3A, %dma_wait3A_359, %dma_wait3A_360] : memref<32x80x125xi32, #tpu.memory_space<hbm>> -> memref<1x80x125xi32, #tpu.memory_space<hbm>>
      %dma_wait3A_362 = tpu.memref_squeeze %dma_wait3A_361 : memref<1x80x125xi32, #tpu.memory_space<hbm>> -> memref<80x125xi32, #tpu.memory_space<hbm>>
      tpu.wait_dma2 semaphore(%run_scoped3A : memref<!tpu.dma_semaphore, #tpu.memory_space<semaphore_mem>>) src(%dma_wait3A_362 : memref<80x125xi32, #tpu.memory_space<hbm>>) dst(%arg4 : memref<80x125xi32, #tpu.memory_space<vmem>>)
      tpu.yield
    }) : () -> ()
    %mul3A_171 = arith.constant 640 : i32
    %mul3A_172 = arith.muli %arg1, %mul3A_171 : i32
    %add3A_173 = arith.constant 0 : i32
    %add3A_174 = arith.addi %mul3A_172, %add3A_173 : i32
    %dma_wait3A = arith.constant 0 : i32
    %dma_wait3A_175 = tpu.memref_slice %arg7[%add3A_174, %dma_wait3A] : memref<10240x128xf32, #tpu.memory_space<vmem_shared>> -> memref<32x128xf32, #tpu.memory_space<vmem_shared>>
    %dma_wait3A_176 = arith.constant 0 : i32
    %dma_wait3A_177 = tpu.memref_slice %arg7[%add3A_174, %dma_wait3A_176] : memref<10240x128xf32, #tpu.memory_space<vmem_shared>> -> memref<32x128xf32, #tpu.memory_space<vmem_shared>>
    tpu.wait_dma2 semaphore(%arg8 : memref<!tpu.dma_semaphore, #tpu.memory_space<semaphore_mem>>) src(%arg6 : memref<32x128xf32, #tpu.memory_space<vmem>>) dst(%dma_wait3A_177 : memref<32x128xf32, #tpu.memory_space<vmem_shared>>)
    %mul3A_178 = arith.constant 640 : i32
    %mul3A_179 = arith.muli %arg1, %mul3A_178 : i32
    %add3A_180 = arith.constant 32 : i32
    %add3A_181 = arith.addi %mul3A_179, %add3A_180 : i32
    %dma_wait3A_182 = arith.constant 0 : i32
    %dma_wait3A_183 = tpu.memref_slice %arg7[%add3A_181, %dma_wait3A_182] : memref<10240x128xf32, #tpu.memory_space<vmem_shared>> -> memref<32x128xf32, #tpu.memory_space<vmem_shared>>
    %dma_wait3A_184 = arith.constant 0 : i32
    %dma_wait3A_185 = tpu.memref_slice %arg7[%add3A_181, %dma_wait3A_184] : memref<10240x128xf32, #tpu.memory_space<vmem_shared>> -> memref<32x128xf32, #tpu.memory_space<vmem_shared>>
    tpu.wait_dma2 semaphore(%arg8 : memref<!tpu.dma_semaphore, #tpu.memory_space<semaphore_mem>>) src(%arg6 : memref<32x128xf32, #tpu.memory_space<vmem>>) dst(%dma_wait3A_185 : memref<32x128xf32, #tpu.memory_space<vmem_shared>>)
    %mul3A_186 = arith.constant 640 : i32
    %mul3A_187 = arith.muli %arg1, %mul3A_186 : i32
    %add3A_188 = arith.constant 64 : i32
    %add3A_189 = arith.addi %mul3A_187, %add3A_188 : i32
    %dma_wait3A_190 = arith.constant 0 : i32
    %dma_wait3A_191 = tpu.memref_slice %arg7[%add3A_189, %dma_wait3A_190] : memref<10240x128xf32, #tpu.memory_space<vmem_shared>> -> memref<32x128xf32, #tpu.memory_space<vmem_shared>>
    %dma_wait3A_192 = arith.constant 0 : i32
    %dma_wait3A_193 = tpu.memref_slice %arg7[%add3A_189, %dma_wait3A_192] : memref<10240x128xf32, #tpu.memory_space<vmem_shared>> -> memref<32x128xf32, #tpu.memory_space<vmem_shared>>
    tpu.wait_dma2 semaphore(%arg8 : memref<!tpu.dma_semaphore, #tpu.memory_space<semaphore_mem>>) src(%arg6 : memref<32x128xf32, #tpu.memory_space<vmem>>) dst(%dma_wait3A_193 : memref<32x128xf32, #tpu.memory_space<vmem_shared>>)
    %mul3A_194 = arith.constant 640 : i32
    %mul3A_195 = arith.muli %arg1, %mul3A_194 : i32
    %add3A_196 = arith.constant 96 : i32
    %add3A_197 = arith.addi %mul3A_195, %add3A_196 : i32
    %dma_wait3A_198 = arith.constant 0 : i32
    %dma_wait3A_199 = tpu.memref_slice %arg7[%add3A_197, %dma_wait3A_198] : memref<10240x128xf32, #tpu.memory_space<vmem_shared>> -> memref<32x128xf32, #tpu.memory_space<vmem_shared>>
    %dma_wait3A_200 = arith.constant 0 : i32
    %dma_wait3A_201 = tpu.memref_slice %arg7[%add3A_197, %dma_wait3A_200] : memref<10240x128xf32, #tpu.memory_space<vmem_shared>> -> memref<32x128xf32, #tpu.memory_space<vmem_shared>>
    tpu.wait_dma2 semaphore(%arg8 : memref<!tpu.dma_semaphore, #tpu.memory_space<semaphore_mem>>) src(%arg6 : memref<32x128xf32, #tpu.memory_space<vmem>>) dst(%dma_wait3A_201 : memref<32x128xf32, #tpu.memory_space<vmem_shared>>)
    %mul3A_202 = arith.constant 640 : i32
    %mul3A_203 = arith.muli %arg1, %mul3A_202 : i32
    %add3A_204 = arith.constant 128 : i32
    %add3A_205 = arith.addi %mul3A_203, %add3A_204 : i32
    %dma_wait3A_206 = arith.constant 0 : i32
    %dma_wait3A_207 = tpu.memref_slice %arg7[%add3A_205, %dma_wait3A_206] : memref<10240x128xf32, #tpu.memory_space<vmem_shared>> -> memref<32x128xf32, #tpu.memory_space<vmem_shared>>
    %dma_wait3A_208 = arith.constant 0 : i32
    %dma_wait3A_209 = tpu.memref_slice %arg7[%add3A_205, %dma_wait3A_208] : memref<10240x128xf32, #tpu.memory_space<vmem_shared>> -> memref<32x128xf32, #tpu.memory_space<vmem_shared>>
    tpu.wait_dma2 semaphore(%arg8 : memref<!tpu.dma_semaphore, #tpu.memory_space<semaphore_mem>>) src(%arg6 : memref<32x128xf32, #tpu.memory_space<vmem>>) dst(%dma_wait3A_209 : memref<32x128xf32, #tpu.memory_space<vmem_shared>>)
    %mul3A_210 = arith.constant 640 : i32
    %mul3A_211 = arith.muli %arg1, %mul3A_210 : i32
    %add3A_212 = arith.constant 160 : i32
    %add3A_213 = arith.addi %mul3A_211, %add3A_212 : i32
    %dma_wait3A_214 = arith.constant 0 : i32
    %dma_wait3A_215 = tpu.memref_slice %arg7[%add3A_213, %dma_wait3A_214] : memref<10240x128xf32, #tpu.memory_space<vmem_shared>> -> memref<32x128xf32, #tpu.memory_space<vmem_shared>>
    %dma_wait3A_216 = arith.constant 0 : i32
    %dma_wait3A_217 = tpu.memref_slice %arg7[%add3A_213, %dma_wait3A_216] : memref<10240x128xf32, #tpu.memory_space<vmem_shared>> -> memref<32x128xf32, #tpu.memory_space<vmem_shared>>
    tpu.wait_dma2 semaphore(%arg8 : memref<!tpu.dma_semaphore, #tpu.memory_space<semaphore_mem>>) src(%arg6 : memref<32x128xf32, #tpu.memory_space<vmem>>) dst(%dma_wait3A_217 : memref<32x128xf32, #tpu.memory_space<vmem_shared>>)
    %mul3A_218 = arith.constant 640 : i32
    %mul3A_219 = arith.muli %arg1, %mul3A_218 : i32
    %add3A_220 = arith.constant 192 : i32
    %add3A_221 = arith.addi %mul3A_219, %add3A_220 : i32
    %dma_wait3A_222 = arith.constant 0 : i32
    %dma_wait3A_223 = tpu.memref_slice %arg7[%add3A_221, %dma_wait3A_222] : memref<10240x128xf32, #tpu.memory_space<vmem_shared>> -> memref<32x128xf32, #tpu.memory_space<vmem_shared>>
    %dma_wait3A_224 = arith.constant 0 : i32
    %dma_wait3A_225 = tpu.memref_slice %arg7[%add3A_221, %dma_wait3A_224] : memref<10240x128xf32, #tpu.memory_space<vmem_shared>> -> memref<32x128xf32, #tpu.memory_space<vmem_shared>>
    tpu.wait_dma2 semaphore(%arg8 : memref<!tpu.dma_semaphore, #tpu.memory_space<semaphore_mem>>) src(%arg6 : memref<32x128xf32, #tpu.memory_space<vmem>>) dst(%dma_wait3A_225 : memref<32x128xf32, #tpu.memory_space<vmem_shared>>)
    %mul3A_226 = arith.constant 640 : i32
    %mul3A_227 = arith.muli %arg1, %mul3A_226 : i32
    %add3A_228 = arith.constant 224 : i32
    %add3A_229 = arith.addi %mul3A_227, %add3A_228 : i32
    %dma_wait3A_230 = arith.constant 0 : i32
    %dma_wait3A_231 = tpu.memref_slice %arg7[%add3A_229, %dma_wait3A_230] : memref<10240x128xf32, #tpu.memory_space<vmem_shared>> -> memref<32x128xf32, #tpu.memory_space<vmem_shared>>
    %dma_wait3A_232 = arith.constant 0 : i32
    %dma_wait3A_233 = tpu.memref_slice %arg7[%add3A_229, %dma_wait3A_232] : memref<10240x128xf32, #tpu.memory_space<vmem_shared>> -> memref<32x128xf32, #tpu.memory_space<vmem_shared>>
    tpu.wait_dma2 semaphore(%arg8 : memref<!tpu.dma_semaphore, #tpu.memory_space<semaphore_mem>>) src(%arg6 : memref<32x128xf32, #tpu.memory_space<vmem>>) dst(%dma_wait3A_233 : memref<32x128xf32, #tpu.memory_space<vmem_shared>>)
    %mul3A_234 = arith.constant 640 : i32
    %mul3A_235 = arith.muli %arg1, %mul3A_234 : i32
    %add3A_236 = arith.constant 256 : i32
    %add3A_237 = arith.addi %mul3A_235, %add3A_236 : i32
    %dma_wait3A_238 = arith.constant 0 : i32
    %dma_wait3A_239 = tpu.memref_slice %arg7[%add3A_237, %dma_wait3A_238] : memref<10240x128xf32, #tpu.memory_space<vmem_shared>> -> memref<32x128xf32, #tpu.memory_space<vmem_shared>>
    %dma_wait3A_240 = arith.constant 0 : i32
    %dma_wait3A_241 = tpu.memref_slice %arg7[%add3A_237, %dma_wait3A_240] : memref<10240x128xf32, #tpu.memory_space<vmem_shared>> -> memref<32x128xf32, #tpu.memory_space<vmem_shared>>
    tpu.wait_dma2 semaphore(%arg8 : memref<!tpu.dma_semaphore, #tpu.memory_space<semaphore_mem>>) src(%arg6 : memref<32x128xf32, #tpu.memory_space<vmem>>) dst(%dma_wait3A_241 : memref<32x128xf32, #tpu.memory_space<vmem_shared>>)
    %mul3A_242 = arith.constant 640 : i32
    %mul3A_243 = arith.muli %arg1, %mul3A_242 : i32
    %add3A_244 = arith.constant 288 : i32
    %add3A_245 = arith.addi %mul3A_243, %add3A_244 : i32
    %dma_wait3A_246 = arith.constant 0 : i32
    %dma_wait3A_247 = tpu.memref_slice %arg7[%add3A_245, %dma_wait3A_246] : memref<10240x128xf32, #tpu.memory_space<vmem_shared>> -> memref<32x128xf32, #tpu.memory_space<vmem_shared>>
    %dma_wait3A_248 = arith.constant 0 : i32
    %dma_wait3A_249 = tpu.memref_slice %arg7[%add3A_245, %dma_wait3A_248] : memref<10240x128xf32, #tpu.memory_space<vmem_shared>> -> memref<32x128xf32, #tpu.memory_space<vmem_shared>>
    tpu.wait_dma2 semaphore(%arg8 : memref<!tpu.dma_semaphore, #tpu.memory_space<semaphore_mem>>) src(%arg6 : memref<32x128xf32, #tpu.memory_space<vmem>>) dst(%dma_wait3A_249 : memref<32x128xf32, #tpu.memory_space<vmem_shared>>)
    %mul3A_250 = arith.constant 640 : i32
    %mul3A_251 = arith.muli %arg1, %mul3A_250 : i32
    %add3A_252 = arith.constant 320 : i32
    %add3A_253 = arith.addi %mul3A_251, %add3A_252 : i32
    %dma_wait3A_254 = arith.constant 0 : i32
    %dma_wait3A_255 = tpu.memref_slice %arg7[%add3A_253, %dma_wait3A_254] : memref<10240x128xf32, #tpu.memory_space<vmem_shared>> -> memref<32x128xf32, #tpu.memory_space<vmem_shared>>
    %dma_wait3A_256 = arith.constant 0 : i32
    %dma_wait3A_257 = tpu.memref_slice %arg7[%add3A_253, %dma_wait3A_256] : memref<10240x128xf32, #tpu.memory_space<vmem_shared>> -> memref<32x128xf32, #tpu.memory_space<vmem_shared>>
    tpu.wait_dma2 semaphore(%arg8 : memref<!tpu.dma_semaphore, #tpu.memory_space<semaphore_mem>>) src(%arg6 : memref<32x128xf32, #tpu.memory_space<vmem>>) dst(%dma_wait3A_257 : memref<32x128xf32, #tpu.memory_space<vmem_shared>>)
    %mul3A_258 = arith.constant 640 : i32
    %mul3A_259 = arith.muli %arg1, %mul3A_258 : i32
    %add3A_260 = arith.constant 352 : i32
    %add3A_261 = arith.addi %mul3A_259, %add3A_260 : i32
    %dma_wait3A_262 = arith.constant 0 : i32
    %dma_wait3A_263 = tpu.memref_slice %arg7[%add3A_261, %dma_wait3A_262] : memref<10240x128xf32, #tpu.memory_space<vmem_shared>> -> memref<32x128xf32, #tpu.memory_space<vmem_shared>>
    %dma_wait3A_264 = arith.constant 0 : i32
    %dma_wait3A_265 = tpu.memref_slice %arg7[%add3A_261, %dma_wait3A_264] : memref<10240x128xf32, #tpu.memory_space<vmem_shared>> -> memref<32x128xf32, #tpu.memory_space<vmem_shared>>
    tpu.wait_dma2 semaphore(%arg8 : memref<!tpu.dma_semaphore, #tpu.memory_space<semaphore_mem>>) src(%arg6 : memref<32x128xf32, #tpu.memory_space<vmem>>) dst(%dma_wait3A_265 : memref<32x128xf32, #tpu.memory_space<vmem_shared>>)
    %mul3A_266 = arith.constant 640 : i32
    %mul3A_267 = arith.muli %arg1, %mul3A_266 : i32
    %add3A_268 = arith.constant 384 : i32
    %add3A_269 = arith.addi %mul3A_267, %add3A_268 : i32
    %dma_wait3A_270 = arith.constant 0 : i32
    %dma_wait3A_271 = tpu.memref_slice %arg7[%add3A_269, %dma_wait3A_270] : memref<10240x128xf32, #tpu.memory_space<vmem_shared>> -> memref<32x128xf32, #tpu.memory_space<vmem_shared>>
    %dma_wait3A_272 = arith.constant 0 : i32
    %dma_wait3A_273 = tpu.memref_slice %arg7[%add3A_269, %dma_wait3A_272] : memref<10240x128xf32, #tpu.memory_space<vmem_shared>> -> memref<32x128xf32, #tpu.memory_space<vmem_shared>>
    tpu.wait_dma2 semaphore(%arg8 : memref<!tpu.dma_semaphore, #tpu.memory_space<semaphore_mem>>) src(%arg6 : memref<32x128xf32, #tpu.memory_space<vmem>>) dst(%dma_wait3A_273 : memref<32x128xf32, #tpu.memory_space<vmem_shared>>)
    %mul3A_274 = arith.constant 640 : i32
    %mul3A_275 = arith.muli %arg1, %mul3A_274 : i32
    %add3A_276 = arith.constant 416 : i32
    %add3A_277 = arith.addi %mul3A_275, %add3A_276 : i32
    %dma_wait3A_278 = arith.constant 0 : i32
    %dma_wait3A_279 = tpu.memref_slice %arg7[%add3A_277, %dma_wait3A_278] : memref<10240x128xf32, #tpu.memory_space<vmem_shared>> -> memref<32x128xf32, #tpu.memory_space<vmem_shared>>
    %dma_wait3A_280 = arith.constant 0 : i32
    %dma_wait3A_281 = tpu.memref_slice %arg7[%add3A_277, %dma_wait3A_280] : memref<10240x128xf32, #tpu.memory_space<vmem_shared>> -> memref<32x128xf32, #tpu.memory_space<vmem_shared>>
    tpu.wait_dma2 semaphore(%arg8 : memref<!tpu.dma_semaphore, #tpu.memory_space<semaphore_mem>>) src(%arg6 : memref<32x128xf32, #tpu.memory_space<vmem>>) dst(%dma_wait3A_281 : memref<32x128xf32, #tpu.memory_space<vmem_shared>>)
    %mul3A_282 = arith.constant 640 : i32
    %mul3A_283 = arith.muli %arg1, %mul3A_282 : i32
    %add3A_284 = arith.constant 448 : i32
    %add3A_285 = arith.addi %mul3A_283, %add3A_284 : i32
    %dma_wait3A_286 = arith.constant 0 : i32
    %dma_wait3A_287 = tpu.memref_slice %arg7[%add3A_285, %dma_wait3A_286] : memref<10240x128xf32, #tpu.memory_space<vmem_shared>> -> memref<32x128xf32, #tpu.memory_space<vmem_shared>>
    %dma_wait3A_288 = arith.constant 0 : i32
    %dma_wait3A_289 = tpu.memref_slice %arg7[%add3A_285, %dma_wait3A_288] : memref<10240x128xf32, #tpu.memory_space<vmem_shared>> -> memref<32x128xf32, #tpu.memory_space<vmem_shared>>
    tpu.wait_dma2 semaphore(%arg8 : memref<!tpu.dma_semaphore, #tpu.memory_space<semaphore_mem>>) src(%arg6 : memref<32x128xf32, #tpu.memory_space<vmem>>) dst(%dma_wait3A_289 : memref<32x128xf32, #tpu.memory_space<vmem_shared>>)
    %mul3A_290 = arith.constant 640 : i32
    %mul3A_291 = arith.muli %arg1, %mul3A_290 : i32
    %add3A_292 = arith.constant 480 : i32
    %add3A_293 = arith.addi %mul3A_291, %add3A_292 : i32
    %dma_wait3A_294 = arith.constant 0 : i32
    %dma_wait3A_295 = tpu.memref_slice %arg7[%add3A_293, %dma_wait3A_294] : memref<10240x128xf32, #tpu.memory_space<vmem_shared>> -> memref<32x128xf32, #tpu.memory_space<vmem_shared>>
    %dma_wait3A_296 = arith.constant 0 : i32
    %dma_wait3A_297 = tpu.memref_slice %arg7[%add3A_293, %dma_wait3A_296] : memref<10240x128xf32, #tpu.memory_space<vmem_shared>> -> memref<32x128xf32, #tpu.memory_space<vmem_shared>>
    tpu.wait_dma2 semaphore(%arg8 : memref<!tpu.dma_semaphore, #tpu.memory_space<semaphore_mem>>) src(%arg6 : memref<32x128xf32, #tpu.memory_space<vmem>>) dst(%dma_wait3A_297 : memref<32x128xf32, #tpu.memory_space<vmem_shared>>)
    %mul3A_298 = arith.constant 640 : i32
    %mul3A_299 = arith.muli %arg1, %mul3A_298 : i32
    %add3A_300 = arith.constant 512 : i32
    %add3A_301 = arith.addi %mul3A_299, %add3A_300 : i32
    %dma_wait3A_302 = arith.constant 0 : i32
    %dma_wait3A_303 = tpu.memref_slice %arg7[%add3A_301, %dma_wait3A_302] : memref<10240x128xf32, #tpu.memory_space<vmem_shared>> -> memref<32x128xf32, #tpu.memory_space<vmem_shared>>
    %dma_wait3A_304 = arith.constant 0 : i32
    %dma_wait3A_305 = tpu.memref_slice %arg7[%add3A_301, %dma_wait3A_304] : memref<10240x128xf32, #tpu.memory_space<vmem_shared>> -> memref<32x128xf32, #tpu.memory_space<vmem_shared>>
    tpu.wait_dma2 semaphore(%arg8 : memref<!tpu.dma_semaphore, #tpu.memory_space<semaphore_mem>>) src(%arg6 : memref<32x128xf32, #tpu.memory_space<vmem>>) dst(%dma_wait3A_305 : memref<32x128xf32, #tpu.memory_space<vmem_shared>>)
    %mul3A_306 = arith.constant 640 : i32
    %mul3A_307 = arith.muli %arg1, %mul3A_306 : i32
    %add3A_308 = arith.constant 544 : i32
    %add3A_309 = arith.addi %mul3A_307, %add3A_308 : i32
    %dma_wait3A_310 = arith.constant 0 : i32
    %dma_wait3A_311 = tpu.memref_slice %arg7[%add3A_309, %dma_wait3A_310] : memref<10240x128xf32, #tpu.memory_space<vmem_shared>> -> memref<32x128xf32, #tpu.memory_space<vmem_shared>>
    %dma_wait3A_312 = arith.constant 0 : i32
    %dma_wait3A_313 = tpu.memref_slice %arg7[%add3A_309, %dma_wait3A_312] : memref<10240x128xf32, #tpu.memory_space<vmem_shared>> -> memref<32x128xf32, #tpu.memory_space<vmem_shared>>
    tpu.wait_dma2 semaphore(%arg8 : memref<!tpu.dma_semaphore, #tpu.memory_space<semaphore_mem>>) src(%arg6 : memref<32x128xf32, #tpu.memory_space<vmem>>) dst(%dma_wait3A_313 : memref<32x128xf32, #tpu.memory_space<vmem_shared>>)
    %mul3A_314 = arith.constant 640 : i32
    %mul3A_315 = arith.muli %arg1, %mul3A_314 : i32
    %add3A_316 = arith.constant 576 : i32
    %add3A_317 = arith.addi %mul3A_315, %add3A_316 : i32
    %dma_wait3A_318 = arith.constant 0 : i32
    %dma_wait3A_319 = tpu.memref_slice %arg7[%add3A_317, %dma_wait3A_318] : memref<10240x128xf32, #tpu.memory_space<vmem_shared>> -> memref<32x128xf32, #tpu.memory_space<vmem_shared>>
    %dma_wait3A_320 = arith.constant 0 : i32
    %dma_wait3A_321 = tpu.memref_slice %arg7[%add3A_317, %dma_wait3A_320] : memref<10240x128xf32, #tpu.memory_space<vmem_shared>> -> memref<32x128xf32, #tpu.memory_space<vmem_shared>>
    tpu.wait_dma2 semaphore(%arg8 : memref<!tpu.dma_semaphore, #tpu.memory_space<semaphore_mem>>) src(%arg6 : memref<32x128xf32, #tpu.memory_space<vmem>>) dst(%dma_wait3A_321 : memref<32x128xf32, #tpu.memory_space<vmem_shared>>)
    %mul3A_322 = arith.constant 640 : i32
    %mul3A_323 = arith.muli %arg1, %mul3A_322 : i32
    %add3A_324 = arith.constant 608 : i32
    %add3A_325 = arith.addi %mul3A_323, %add3A_324 : i32
    %dma_wait3A_326 = arith.constant 0 : i32
    %dma_wait3A_327 = tpu.memref_slice %arg7[%add3A_325, %dma_wait3A_326] : memref<10240x128xf32, #tpu.memory_space<vmem_shared>> -> memref<32x128xf32, #tpu.memory_space<vmem_shared>>
    %dma_wait3A_328 = arith.constant 0 : i32
    %dma_wait3A_329 = tpu.memref_slice %arg7[%add3A_325, %dma_wait3A_328] : memref<10240x128xf32, #tpu.memory_space<vmem_shared>> -> memref<32x128xf32, #tpu.memory_space<vmem_shared>>
    tpu.wait_dma2 semaphore(%arg8 : memref<!tpu.dma_semaphore, #tpu.memory_space<semaphore_mem>>) src(%arg6 : memref<32x128xf32, #tpu.memory_space<vmem>>) dst(%dma_wait3A_329 : memref<32x128xf32, #tpu.memory_space<vmem_shared>>)
    %barrier3A = arith.constant 0 : index
    tpu.barrier barrier_id(%barrier3A)
    %scan3A_330 = arith.constant 0 : i32
    %scan3A_331 = arith.constant 0 : i32
    %scan3A_332 = arith.constant 80 : i32
    %scan3A_333 = arith.addi %scan3A_331, %scan3A_332 : i32
    %scan3A_334 = arith.constant 1 : i32
    scf.for %scan3A_347 = %scan3A_331 to %scan3A_333 step %scan3A_334  : i32 {
      %ge3A = arith.constant 16 : i32
      %ge3A_348 = arith.cmpi sge, %scan3A_347, %ge3A : i32
      %convert_element_type3A = arith.extui %ge3A_348 : i1 to i32
      %cond3A = arith.constant 0 : i32
      %cond3A_349 = arith.cmpi ne, %convert_element_type3A, %cond3A : i32
      scf.if %cond3A_349 {
        %sub3A = arith.constant 16 : i32
        %sub3A_356 = arith.subi %scan3A_347, %sub3A : i32
        %dma_wait3A_357 = arith.constant 0 : i32
        %dma_wait3A_358 = tpu.memref_slice %arg4[%sub3A_356, %dma_wait3A_357] : memref<80x125xi32, #tpu.memory_space<vmem>> -> memref<1x125xi32, #tpu.memory_space<vmem>>
        %dma_wait3A_359 = tpu.memref_squeeze %dma_wait3A_358 : memref<1x125xi32, #tpu.memory_space<vmem>> -> memref<125xi32, #tpu.memory_space<vmem>>
        %dma_wait3A_360 = arith.constant 0 : i32
        %dma_wait3A_361 = arith.constant 0 : i32
        %dma_wait3A_362 = tpu.memref_slice %arg7[%dma_wait3A_360, %dma_wait3A_361] : memref<10240x128xf32, #tpu.memory_space<vmem_shared>> -> memref<10240x128xf32, #tpu.memory_space<vmem_shared>>
        tpu.wait_indirect_dma semaphore(%arg8 : memref<!tpu.dma_semaphore, #tpu.memory_space<semaphore_mem>>) src(%arg5 : memref<125x128xf32, #tpu.memory_space<vmem>>) dst(%dma_wait3A_362 : memref<10240x128xf32, #tpu.memory_space<vmem_shared>>)
      } else {
      }
      %dma_start3A_350 = arith.constant 0 : i32
      %dma_start3A_351 = tpu.memref_slice %arg4[%scan3A_347, %dma_start3A_350] : memref<80x125xi32, #tpu.memory_space<vmem>> -> memref<1x125xi32, #tpu.memory_space<vmem>>
      %dma_start3A_352 = tpu.memref_squeeze %dma_start3A_351 : memref<1x125xi32, #tpu.memory_space<vmem>> -> memref<125xi32, #tpu.memory_space<vmem>>
      %dma_start3A_353 = arith.constant 0 : i32
      %dma_start3A_354 = arith.constant 0 : i32
      %dma_start3A_355 = tpu.memref_slice %arg7[%dma_start3A_353, %dma_start3A_354] : memref<10240x128xf32, #tpu.memory_space<vmem_shared>> -> memref<10240x128xf32, #tpu.memory_space<vmem_shared>>
      tpu.enqueue_indirect_dma source(%arg5 : memref<125x128xf32, #tpu.memory_space<vmem>>) target(%dma_start3A_355 : memref<10240x128xf32, #tpu.memory_space<vmem_shared>>) offsets(%dma_start3A_352 : memref<125xi32, #tpu.memory_space<vmem>>) semaphore(%arg8 : memref<!tpu.dma_semaphore, #tpu.memory_space<semaphore_mem>>) {add = true}
    }
    %scan3A_335 = arith.constant 80 : i32
    %scan3A_336 = arith.constant 0 : i32
    %scan3A_337 = arith.constant 64 : i32
    %scan3A_338 = arith.constant 16 : i32
    %scan3A_339 = arith.addi %scan3A_337, %scan3A_338 : i32
    %scan3A_340 = arith.constant 1 : i32
    scf.for %scan3A_347 = %scan3A_337 to %scan3A_339 step %scan3A_340  : i32 {
      %dma_wait3A_348 = arith.constant 0 : i32
      %dma_wait3A_349 = tpu.memref_slice %arg4[%scan3A_347, %dma_wait3A_348] : memref<80x125xi32, #tpu.memory_space<vmem>> -> memref<1x125xi32, #tpu.memory_space<vmem>>
      %dma_wait3A_350 = tpu.memref_squeeze %dma_wait3A_349 : memref<1x125xi32, #tpu.memory_space<vmem>> -> memref<125xi32, #tpu.memory_space<vmem>>
      %dma_wait3A_351 = arith.constant 0 : i32
      %dma_wait3A_352 = arith.constant 0 : i32
      %dma_wait3A_353 = tpu.memref_slice %arg7[%dma_wait3A_351, %dma_wait3A_352] : memref<10240x128xf32, #tpu.memory_space<vmem_shared>> -> memref<10240x128xf32, #tpu.memory_space<vmem_shared>>
      tpu.wait_indirect_dma semaphore(%arg8 : memref<!tpu.dma_semaphore, #tpu.memory_space<semaphore_mem>>) src(%arg5 : memref<125x128xf32, #tpu.memory_space<vmem>>) dst(%dma_wait3A_353 : memref<10240x128xf32, #tpu.memory_space<vmem_shared>>)
    }
    %scan3A_341 = arith.constant 16 : i32
    %barrier3A_342 = arith.constant 0 : index
    tpu.barrier barrier_id(%barrier3A_342)
    %mul3A_343 = arith.constant 640 : i32
    %mul3A_344 = arith.muli %arg1, %mul3A_343 : i32
    %mul3A_345 = arith.constant 640 : i32
    %mul3A_346 = arith.muli %arg1, %mul3A_345 : i32
    "tpu.region"() ({
      %run_scoped3A = tpu.sem_alloc : memref<!tpu.dma_semaphore, #tpu.memory_space<semaphore_mem>>
      %dma_start3A_347 = arith.constant 0 : i32
      %dma_start3A_348 = tpu.memref_slice %arg3[%arg0, %mul3A_346, %dma_start3A_347] : memref<2x10240x128xf32, #tpu.memory_space<hbm>> -> memref<1x640x128xf32, #tpu.memory_space<hbm>>
      %dma_start3A_349 = tpu.memref_squeeze %dma_start3A_348 : memref<1x640x128xf32, #tpu.memory_space<hbm>> -> memref<640x128xf32, #tpu.memory_space<hbm>>
      %dma_start3A_350 = arith.constant 0 : i32
      %dma_start3A_351 = tpu.memref_slice %arg7[%mul3A_344, %dma_start3A_350] : memref<10240x128xf32, #tpu.memory_space<vmem_shared>> -> memref<640x128xf32, #tpu.memory_space<vmem_shared>>
      tpu.enqueue_dma source(%dma_start3A_351 : memref<640x128xf32, #tpu.memory_space<vmem_shared>>) target(%dma_start3A_349 : memref<640x128xf32, #tpu.memory_space<hbm>>) target_semaphore(%run_scoped3A : memref<!tpu.dma_semaphore, #tpu.memory_space<semaphore_mem>>)
      %dma_wait3A_352 = arith.constant 0 : i32
      %dma_wait3A_353 = tpu.memref_slice %arg3[%arg0, %mul3A_346, %dma_wait3A_352] : memref<2x10240x128xf32, #tpu.memory_space<hbm>> -> memref<1x640x128xf32, #tpu.memory_space<hbm>>
      %dma_wait3A_354 = tpu.memref_squeeze %dma_wait3A_353 : memref<1x640x128xf32, #tpu.memory_space<hbm>> -> memref<640x128xf32, #tpu.memory_space<hbm>>
      %dma_wait3A_355 = arith.constant 0 : i32
      %dma_wait3A_356 = tpu.memref_slice %arg7[%mul3A_344, %dma_wait3A_355] : memref<10240x128xf32, #tpu.memory_space<vmem_shared>> -> memref<640x128xf32, #tpu.memory_space<vmem_shared>>
      tpu.wait_dma2 semaphore(%run_scoped3A : memref<!tpu.dma_semaphore, #tpu.memory_space<semaphore_mem>>) src(%dma_wait3A_356 : memref<640x128xf32, #tpu.memory_space<vmem_shared>>) dst(%dma_wait3A_354 : memref<640x128xf32, #tpu.memory_space<hbm>>)
      tpu.yield
    }) : () -> ()
    return
  }
}

#map = affine_map<(d0, d1) -> (0, 0)>
#map1 = affine_map<(d0, d1) -> (0, 0, 0)>
module attributes {stable_mosaic.version = 14 : i64} {
  func.func @_sc_scatter_body(%arg0: i32, %arg1: i32, %arg2: memref<10000x128xf32, #tpu.memory_space<hbm>>, %arg3: memref<32x80x125xi32, #tpu.memory_space<hbm>>, %arg4: memref<32x80x125xi32, #tpu.memory_space<hbm>>, %arg5: memref<2x10240x128xf32, #tpu.memory_space<hbm>>, %arg6: memref<40x125xi32, #tpu.memory_space<vmem>>, %arg7: memref<40x125xi32, #tpu.memory_space<vmem>>, %arg8: memref<2x125x128xf32, #tpu.memory_space<vmem>>, %arg9: memref<32x128xf32, #tpu.memory_space<vmem>>, %arg10: memref<10240x128xf32, #tpu.memory_space<vmem_shared>>, %arg11: memref<!tpu.dma_semaphore, #tpu.memory_space<semaphore_mem>>, %arg12: memref<!tpu.dma_semaphore, #tpu.memory_space<semaphore_mem>>, %arg13: memref<!tpu.dma_semaphore, #tpu.memory_space<semaphore_mem>>, %arg14: memref<!tpu.dma_semaphore, #tpu.memory_space<semaphore_mem>>) attributes {dimension_semantics = [#tpu.dimension_semantics<core_parallel>, #tpu.dimension_semantics<subcore_parallel>], iteration_bounds = array<i64: 2, 16>, scalar_prefetch = 0 : i64, scratch_operands = 9 : i64, tpu.core_type = #tpu.core_type<sc_vector_subcore>, window_params = [{transform_indices = #map}, {transform_indices = #map1}, {transform_indices = #map1}, {transform_indices = #map1}]} {
    %mul3A = arith.constant 16 : i32
    %mul3A_0 = arith.muli %arg0, %mul3A : i32
    %add3A = arith.addi %mul3A_0, %arg1 : i32
    %scan3A = arith.constant 0 : i32
    %scan3A_1 = arith.constant 0 : i32
    %scan3A_2 = arith.constant 32 : i32
    %scan3A_3 = arith.addi %scan3A_1, %scan3A_2 : i32
    %scan3A_4 = arith.constant 1 : i32
    scf.for %scan3A_437 = %scan3A_1 to %scan3A_3 step %scan3A_4  : i32 {
      %broadcast_in_dim3A = arith.constant 0.000000e+00 : f32
      %broadcast_in_dim3A_438 = vector.broadcast %broadcast_in_dim3A : f32 to vector<16xf32>
      %swap3A = arith.index_cast %scan3A_437 : i32 to index
      %swap3A_439 = arith.constant 0 : index
      %swap3A_440 = tpu.vector_load %arg9[%swap3A, %swap3A_439] {strides = array<i32>} : memref<32x128xf32, #tpu.memory_space<vmem>>, vector<1x16xf32>,
      %swap3A_441 = vector.shape_cast %swap3A_440 : vector<1x16xf32> to vector<16xf32>
      %swap3A_442 = vector.shape_cast %broadcast_in_dim3A_438 : vector<16xf32> to vector<1x16xf32>
      tpu.vector_store %arg9[%swap3A, %swap3A_439], %swap3A_442 {strides = array<i32>} : memref<32x128xf32, #tpu.memory_space<vmem>>, vector<1x16xf32>,
      %broadcast_in_dim3A_443 = arith.constant 0.000000e+00 : f32
      %broadcast_in_dim3A_444 = vector.broadcast %broadcast_in_dim3A_443 : f32 to vector<16xf32>
      %swap3A_445 = arith.index_cast %scan3A_437 : i32 to index
      %swap3A_446 = arith.constant 16 : index
      %swap3A_447 = tpu.vector_load %arg9[%swap3A_445, %swap3A_446] {strides = array<i32>} : memref<32x128xf32, #tpu.memory_space<vmem>>, vector<1x16xf32>,
      %swap3A_448 = vector.shape_cast %swap3A_447 : vector<1x16xf32> to vector<16xf32>
      %swap3A_449 = vector.shape_cast %broadcast_in_dim3A_444 : vector<16xf32> to vector<1x16xf32>
      tpu.vector_store %arg9[%swap3A_445, %swap3A_446], %swap3A_449 {strides = array<i32>} : memref<32x128xf32, #tpu.memory_space<vmem>>, vector<1x16xf32>,
      %broadcast_in_dim3A_450 = arith.constant 0.000000e+00 : f32
      %broadcast_in_dim3A_451 = vector.broadcast %broadcast_in_dim3A_450 : f32 to vector<16xf32>
      %swap3A_452 = arith.index_cast %scan3A_437 : i32 to index
      %swap3A_453 = arith.constant 32 : index
      %swap3A_454 = tpu.vector_load %arg9[%swap3A_452, %swap3A_453] {strides = array<i32>} : memref<32x128xf32, #tpu.memory_space<vmem>>, vector<1x16xf32>,
      %swap3A_455 = vector.shape_cast %swap3A_454 : vector<1x16xf32> to vector<16xf32>
      %swap3A_456 = vector.shape_cast %broadcast_in_dim3A_451 : vector<16xf32> to vector<1x16xf32>
      tpu.vector_store %arg9[%swap3A_452, %swap3A_453], %swap3A_456 {strides = array<i32>} : memref<32x128xf32, #tpu.memory_space<vmem>>, vector<1x16xf32>,
      %broadcast_in_dim3A_457 = arith.constant 0.000000e+00 : f32
      %broadcast_in_dim3A_458 = vector.broadcast %broadcast_in_dim3A_457 : f32 to vector<16xf32>
      %swap3A_459 = arith.index_cast %scan3A_437 : i32 to index
      %swap3A_460 = arith.constant 48 : index
      %swap3A_461 = tpu.vector_load %arg9[%swap3A_459, %swap3A_460] {strides = array<i32>} : memref<32x128xf32, #tpu.memory_space<vmem>>, vector<1x16xf32>,
      %swap3A_462 = vector.shape_cast %swap3A_461 : vector<1x16xf32> to vector<16xf32>
      %swap3A_463 = vector.shape_cast %broadcast_in_dim3A_458 : vector<16xf32> to vector<1x16xf32>
      tpu.vector_store %arg9[%swap3A_459, %swap3A_460], %swap3A_463 {strides = array<i32>} : memref<32x128xf32, #tpu.memory_space<vmem>>, vector<1x16xf32>,
      %broadcast_in_dim3A_464 = arith.constant 0.000000e+00 : f32
      %broadcast_in_dim3A_465 = vector.broadcast %broadcast_in_dim3A_464 : f32 to vector<16xf32>
      %swap3A_466 = arith.index_cast %scan3A_437 : i32 to index
      %swap3A_467 = arith.constant 64 : index
      %swap3A_468 = tpu.vector_load %arg9[%swap3A_466, %swap3A_467] {strides = array<i32>} : memref<32x128xf32, #tpu.memory_space<vmem>>, vector<1x16xf32>,
      %swap3A_469 = vector.shape_cast %swap3A_468 : vector<1x16xf32> to vector<16xf32>
      %swap3A_470 = vector.shape_cast %broadcast_in_dim3A_465 : vector<16xf32> to vector<1x16xf32>
      tpu.vector_store %arg9[%swap3A_466, %swap3A_467], %swap3A_470 {strides = array<i32>} : memref<32x128xf32, #tpu.memory_space<vmem>>, vector<1x16xf32>,
      %broadcast_in_dim3A_471 = arith.constant 0.000000e+00 : f32
      %broadcast_in_dim3A_472 = vector.broadcast %broadcast_in_dim3A_471 : f32 to vector<16xf32>
      %swap3A_473 = arith.index_cast %scan3A_437 : i32 to index
      %swap3A_474 = arith.constant 80 : index
      %swap3A_475 = tpu.vector_load %arg9[%swap3A_473, %swap3A_474] {strides = array<i32>} : memref<32x128xf32, #tpu.memory_space<vmem>>, vector<1x16xf32>,
      %swap3A_476 = vector.shape_cast %swap3A_475 : vector<1x16xf32> to vector<16xf32>
      %swap3A_477 = vector.shape_cast %broadcast_in_dim3A_472 : vector<16xf32> to vector<1x16xf32>
      tpu.vector_store %arg9[%swap3A_473, %swap3A_474], %swap3A_477 {strides = array<i32>} : memref<32x128xf32, #tpu.memory_space<vmem>>, vector<1x16xf32>,
      %broadcast_in_dim3A_478 = arith.constant 0.000000e+00 : f32
      %broadcast_in_dim3A_479 = vector.broadcast %broadcast_in_dim3A_478 : f32 to vector<16xf32>
      %swap3A_480 = arith.index_cast %scan3A_437 : i32 to index
      %swap3A_481 = arith.constant 96 : index
      %swap3A_482 = tpu.vector_load %arg9[%swap3A_480, %swap3A_481] {strides = array<i32>} : memref<32x128xf32, #tpu.memory_space<vmem>>, vector<1x16xf32>,
      %swap3A_483 = vector.shape_cast %swap3A_482 : vector<1x16xf32> to vector<16xf32>
      %swap3A_484 = vector.shape_cast %broadcast_in_dim3A_479 : vector<16xf32> to vector<1x16xf32>
      tpu.vector_store %arg9[%swap3A_480, %swap3A_481], %swap3A_484 {strides = array<i32>} : memref<32x128xf32, #tpu.memory_space<vmem>>, vector<1x16xf32>,
      %broadcast_in_dim3A_485 = arith.constant 0.000000e+00 : f32
      %broadcast_in_dim3A_486 = vector.broadcast %broadcast_in_dim3A_485 : f32 to vector<16xf32>
      %swap3A_487 = arith.index_cast %scan3A_437 : i32 to index
      %swap3A_488 = arith.constant 112 : index
      %swap3A_489 = tpu.vector_load %arg9[%swap3A_487, %swap3A_488] {strides = array<i32>} : memref<32x128xf32, #tpu.memory_space<vmem>>, vector<1x16xf32>,
      %swap3A_490 = vector.shape_cast %swap3A_489 : vector<1x16xf32> to vector<16xf32>
      %swap3A_491 = vector.shape_cast %broadcast_in_dim3A_486 : vector<16xf32> to vector<1x16xf32>
      tpu.vector_store %arg9[%swap3A_487, %swap3A_488], %swap3A_491 {strides = array<i32>} : memref<32x128xf32, #tpu.memory_space<vmem>>, vector<1x16xf32>,
    }
    %scan3A_5 = arith.constant 32 : i32
    %mul3A_6 = arith.constant 640 : i32
    %mul3A_7 = arith.muli %arg1, %mul3A_6 : i32
    %add3A_8 = arith.constant 0 : i32
    %add3A_9 = arith.addi %mul3A_7, %add3A_8 : i32
    %dma_start3A = arith.constant 0 : i32
    %dma_start3A_10 = tpu.memref_slice %arg10[%add3A_9, %dma_start3A] : memref<10240x128xf32, #tpu.memory_space<vmem_shared>> -> memref<32x128xf32, #tpu.memory_space<vmem_shared>>
    %dma_start3A_11 = arith.constant 0 : i32
    %dma_start3A_12 = tpu.memref_slice %arg10[%add3A_9, %dma_start3A_11] : memref<10240x128xf32, #tpu.memory_space<vmem_shared>> -> memref<32x128xf32, #tpu.memory_space<vmem_shared>>
    tpu.enqueue_dma source(%arg9 : memref<32x128xf32, #tpu.memory_space<vmem>>) target(%dma_start3A_12 : memref<32x128xf32, #tpu.memory_space<vmem_shared>>) target_semaphore(%arg13 : memref<!tpu.dma_semaphore, #tpu.memory_space<semaphore_mem>>)
    %mul3A_13 = arith.constant 640 : i32
    %mul3A_14 = arith.muli %arg1, %mul3A_13 : i32
    %add3A_15 = arith.constant 32 : i32
    %add3A_16 = arith.addi %mul3A_14, %add3A_15 : i32
    %dma_start3A_17 = arith.constant 0 : i32
    %dma_start3A_18 = tpu.memref_slice %arg10[%add3A_16, %dma_start3A_17] : memref<10240x128xf32, #tpu.memory_space<vmem_shared>> -> memref<32x128xf32, #tpu.memory_space<vmem_shared>>
    %dma_start3A_19 = arith.constant 0 : i32
    %dma_start3A_20 = tpu.memref_slice %arg10[%add3A_16, %dma_start3A_19] : memref<10240x128xf32, #tpu.memory_space<vmem_shared>> -> memref<32x128xf32, #tpu.memory_space<vmem_shared>>
    tpu.enqueue_dma source(%arg9 : memref<32x128xf32, #tpu.memory_space<vmem>>) target(%dma_start3A_20 : memref<32x128xf32, #tpu.memory_space<vmem_shared>>) target_semaphore(%arg13 : memref<!tpu.dma_semaphore, #tpu.memory_space<semaphore_mem>>)
    %mul3A_21 = arith.constant 640 : i32
    %mul3A_22 = arith.muli %arg1, %mul3A_21 : i32
    %add3A_23 = arith.constant 64 : i32
    %add3A_24 = arith.addi %mul3A_22, %add3A_23 : i32
    %dma_start3A_25 = arith.constant 0 : i32
    %dma_start3A_26 = tpu.memref_slice %arg10[%add3A_24, %dma_start3A_25] : memref<10240x128xf32, #tpu.memory_space<vmem_shared>> -> memref<32x128xf32, #tpu.memory_space<vmem_shared>>
    %dma_start3A_27 = arith.constant 0 : i32
    %dma_start3A_28 = tpu.memref_slice %arg10[%add3A_24, %dma_start3A_27] : memref<10240x128xf32, #tpu.memory_space<vmem_shared>> -> memref<32x128xf32, #tpu.memory_space<vmem_shared>>
    tpu.enqueue_dma source(%arg9 : memref<32x128xf32, #tpu.memory_space<vmem>>) target(%dma_start3A_28 : memref<32x128xf32, #tpu.memory_space<vmem_shared>>) target_semaphore(%arg13 : memref<!tpu.dma_semaphore, #tpu.memory_space<semaphore_mem>>)
    %mul3A_29 = arith.constant 640 : i32
    %mul3A_30 = arith.muli %arg1, %mul3A_29 : i32
    %add3A_31 = arith.constant 96 : i32
    %add3A_32 = arith.addi %mul3A_30, %add3A_31 : i32
    %dma_start3A_33 = arith.constant 0 : i32
    %dma_start3A_34 = tpu.memref_slice %arg10[%add3A_32, %dma_start3A_33] : memref<10240x128xf32, #tpu.memory_space<vmem_shared>> -> memref<32x128xf32, #tpu.memory_space<vmem_shared>>
    %dma_start3A_35 = arith.constant 0 : i32
    %dma_start3A_36 = tpu.memref_slice %arg10[%add3A_32, %dma_start3A_35] : memref<10240x128xf32, #tpu.memory_space<vmem_shared>> -> memref<32x128xf32, #tpu.memory_space<vmem_shared>>
    tpu.enqueue_dma source(%arg9 : memref<32x128xf32, #tpu.memory_space<vmem>>) target(%dma_start3A_36 : memref<32x128xf32, #tpu.memory_space<vmem_shared>>) target_semaphore(%arg13 : memref<!tpu.dma_semaphore, #tpu.memory_space<semaphore_mem>>)
    %mul3A_37 = arith.constant 640 : i32
    %mul3A_38 = arith.muli %arg1, %mul3A_37 : i32
    %add3A_39 = arith.constant 128 : i32
    %add3A_40 = arith.addi %mul3A_38, %add3A_39 : i32
    %dma_start3A_41 = arith.constant 0 : i32
    %dma_start3A_42 = tpu.memref_slice %arg10[%add3A_40, %dma_start3A_41] : memref<10240x128xf32, #tpu.memory_space<vmem_shared>> -> memref<32x128xf32, #tpu.memory_space<vmem_shared>>
    %dma_start3A_43 = arith.constant 0 : i32
    %dma_start3A_44 = tpu.memref_slice %arg10[%add3A_40, %dma_start3A_43] : memref<10240x128xf32, #tpu.memory_space<vmem_shared>> -> memref<32x128xf32, #tpu.memory_space<vmem_shared>>
    tpu.enqueue_dma source(%arg9 : memref<32x128xf32, #tpu.memory_space<vmem>>) target(%dma_start3A_44 : memref<32x128xf32, #tpu.memory_space<vmem_shared>>) target_semaphore(%arg13 : memref<!tpu.dma_semaphore, #tpu.memory_space<semaphore_mem>>)
    %mul3A_45 = arith.constant 640 : i32
    %mul3A_46 = arith.muli %arg1, %mul3A_45 : i32
    %add3A_47 = arith.constant 160 : i32
    %add3A_48 = arith.addi %mul3A_46, %add3A_47 : i32
    %dma_start3A_49 = arith.constant 0 : i32
    %dma_start3A_50 = tpu.memref_slice %arg10[%add3A_48, %dma_start3A_49] : memref<10240x128xf32, #tpu.memory_space<vmem_shared>> -> memref<32x128xf32, #tpu.memory_space<vmem_shared>>
    %dma_start3A_51 = arith.constant 0 : i32
    %dma_start3A_52 = tpu.memref_slice %arg10[%add3A_48, %dma_start3A_51] : memref<10240x128xf32, #tpu.memory_space<vmem_shared>> -> memref<32x128xf32, #tpu.memory_space<vmem_shared>>
    tpu.enqueue_dma source(%arg9 : memref<32x128xf32, #tpu.memory_space<vmem>>) target(%dma_start3A_52 : memref<32x128xf32, #tpu.memory_space<vmem_shared>>) target_semaphore(%arg13 : memref<!tpu.dma_semaphore, #tpu.memory_space<semaphore_mem>>)
    %mul3A_53 = arith.constant 640 : i32
    %mul3A_54 = arith.muli %arg1, %mul3A_53 : i32
    %add3A_55 = arith.constant 192 : i32
    %add3A_56 = arith.addi %mul3A_54, %add3A_55 : i32
    %dma_start3A_57 = arith.constant 0 : i32
    %dma_start3A_58 = tpu.memref_slice %arg10[%add3A_56, %dma_start3A_57] : memref<10240x128xf32, #tpu.memory_space<vmem_shared>> -> memref<32x128xf32, #tpu.memory_space<vmem_shared>>
    %dma_start3A_59 = arith.constant 0 : i32
    %dma_start3A_60 = tpu.memref_slice %arg10[%add3A_56, %dma_start3A_59] : memref<10240x128xf32, #tpu.memory_space<vmem_shared>> -> memref<32x128xf32, #tpu.memory_space<vmem_shared>>
    tpu.enqueue_dma source(%arg9 : memref<32x128xf32, #tpu.memory_space<vmem>>) target(%dma_start3A_60 : memref<32x128xf32, #tpu.memory_space<vmem_shared>>) target_semaphore(%arg13 : memref<!tpu.dma_semaphore, #tpu.memory_space<semaphore_mem>>)
    %mul3A_61 = arith.constant 640 : i32
    %mul3A_62 = arith.muli %arg1, %mul3A_61 : i32
    %add3A_63 = arith.constant 224 : i32
    %add3A_64 = arith.addi %mul3A_62, %add3A_63 : i32
    %dma_start3A_65 = arith.constant 0 : i32
    %dma_start3A_66 = tpu.memref_slice %arg10[%add3A_64, %dma_start3A_65] : memref<10240x128xf32, #tpu.memory_space<vmem_shared>> -> memref<32x128xf32, #tpu.memory_space<vmem_shared>>
    %dma_start3A_67 = arith.constant 0 : i32
    %dma_start3A_68 = tpu.memref_slice %arg10[%add3A_64, %dma_start3A_67] : memref<10240x128xf32, #tpu.memory_space<vmem_shared>> -> memref<32x128xf32, #tpu.memory_space<vmem_shared>>
    tpu.enqueue_dma source(%arg9 : memref<32x128xf32, #tpu.memory_space<vmem>>) target(%dma_start3A_68 : memref<32x128xf32, #tpu.memory_space<vmem_shared>>) target_semaphore(%arg13 : memref<!tpu.dma_semaphore, #tpu.memory_space<semaphore_mem>>)
    %mul3A_69 = arith.constant 640 : i32
    %mul3A_70 = arith.muli %arg1, %mul3A_69 : i32
    %add3A_71 = arith.constant 256 : i32
    %add3A_72 = arith.addi %mul3A_70, %add3A_71 : i32
    %dma_start3A_73 = arith.constant 0 : i32
    %dma_start3A_74 = tpu.memref_slice %arg10[%add3A_72, %dma_start3A_73] : memref<10240x128xf32, #tpu.memory_space<vmem_shared>> -> memref<32x128xf32, #tpu.memory_space<vmem_shared>>
    %dma_start3A_75 = arith.constant 0 : i32
    %dma_start3A_76 = tpu.memref_slice %arg10[%add3A_72, %dma_start3A_75] : memref<10240x128xf32, #tpu.memory_space<vmem_shared>> -> memref<32x128xf32, #tpu.memory_space<vmem_shared>>
    tpu.enqueue_dma source(%arg9 : memref<32x128xf32, #tpu.memory_space<vmem>>) target(%dma_start3A_76 : memref<32x128xf32, #tpu.memory_space<vmem_shared>>) target_semaphore(%arg13 : memref<!tpu.dma_semaphore, #tpu.memory_space<semaphore_mem>>)
    %mul3A_77 = arith.constant 640 : i32
    %mul3A_78 = arith.muli %arg1, %mul3A_77 : i32
    %add3A_79 = arith.constant 288 : i32
    %add3A_80 = arith.addi %mul3A_78, %add3A_79 : i32
    %dma_start3A_81 = arith.constant 0 : i32
    %dma_start3A_82 = tpu.memref_slice %arg10[%add3A_80, %dma_start3A_81] : memref<10240x128xf32, #tpu.memory_space<vmem_shared>> -> memref<32x128xf32, #tpu.memory_space<vmem_shared>>
    %dma_start3A_83 = arith.constant 0 : i32
    %dma_start3A_84 = tpu.memref_slice %arg10[%add3A_80, %dma_start3A_83] : memref<10240x128xf32, #tpu.memory_space<vmem_shared>> -> memref<32x128xf32, #tpu.memory_space<vmem_shared>>
    tpu.enqueue_dma source(%arg9 : memref<32x128xf32, #tpu.memory_space<vmem>>) target(%dma_start3A_84 : memref<32x128xf32, #tpu.memory_space<vmem_shared>>) target_semaphore(%arg13 : memref<!tpu.dma_semaphore, #tpu.memory_space<semaphore_mem>>)
    %mul3A_85 = arith.constant 640 : i32
    %mul3A_86 = arith.muli %arg1, %mul3A_85 : i32
    %add3A_87 = arith.constant 320 : i32
    %add3A_88 = arith.addi %mul3A_86, %add3A_87 : i32
    %dma_start3A_89 = arith.constant 0 : i32
    %dma_start3A_90 = tpu.memref_slice %arg10[%add3A_88, %dma_start3A_89] : memref<10240x128xf32, #tpu.memory_space<vmem_shared>> -> memref<32x128xf32, #tpu.memory_space<vmem_shared>>
    %dma_start3A_91 = arith.constant 0 : i32
    %dma_start3A_92 = tpu.memref_slice %arg10[%add3A_88, %dma_start3A_91] : memref<10240x128xf32, #tpu.memory_space<vmem_shared>> -> memref<32x128xf32, #tpu.memory_space<vmem_shared>>
    tpu.enqueue_dma source(%arg9 : memref<32x128xf32, #tpu.memory_space<vmem>>) target(%dma_start3A_92 : memref<32x128xf32, #tpu.memory_space<vmem_shared>>) target_semaphore(%arg13 : memref<!tpu.dma_semaphore, #tpu.memory_space<semaphore_mem>>)
    %mul3A_93 = arith.constant 640 : i32
    %mul3A_94 = arith.muli %arg1, %mul3A_93 : i32
    %add3A_95 = arith.constant 352 : i32
    %add3A_96 = arith.addi %mul3A_94, %add3A_95 : i32
    %dma_start3A_97 = arith.constant 0 : i32
    %dma_start3A_98 = tpu.memref_slice %arg10[%add3A_96, %dma_start3A_97] : memref<10240x128xf32, #tpu.memory_space<vmem_shared>> -> memref<32x128xf32, #tpu.memory_space<vmem_shared>>
    %dma_start3A_99 = arith.constant 0 : i32
    %dma_start3A_100 = tpu.memref_slice %arg10[%add3A_96, %dma_start3A_99] : memref<10240x128xf32, #tpu.memory_space<vmem_shared>> -> memref<32x128xf32, #tpu.memory_space<vmem_shared>>
    tpu.enqueue_dma source(%arg9 : memref<32x128xf32, #tpu.memory_space<vmem>>) target(%dma_start3A_100 : memref<32x128xf32, #tpu.memory_space<vmem_shared>>) target_semaphore(%arg13 : memref<!tpu.dma_semaphore, #tpu.memory_space<semaphore_mem>>)
    %mul3A_101 = arith.constant 640 : i32
    %mul3A_102 = arith.muli %arg1, %mul3A_101 : i32
    %add3A_103 = arith.constant 384 : i32
    %add3A_104 = arith.addi %mul3A_102, %add3A_103 : i32
    %dma_start3A_105 = arith.constant 0 : i32
    %dma_start3A_106 = tpu.memref_slice %arg10[%add3A_104, %dma_start3A_105] : memref<10240x128xf32, #tpu.memory_space<vmem_shared>> -> memref<32x128xf32, #tpu.memory_space<vmem_shared>>
    %dma_start3A_107 = arith.constant 0 : i32
    %dma_start3A_108 = tpu.memref_slice %arg10[%add3A_104, %dma_start3A_107] : memref<10240x128xf32, #tpu.memory_space<vmem_shared>> -> memref<32x128xf32, #tpu.memory_space<vmem_shared>>
    tpu.enqueue_dma source(%arg9 : memref<32x128xf32, #tpu.memory_space<vmem>>) target(%dma_start3A_108 : memref<32x128xf32, #tpu.memory_space<vmem_shared>>) target_semaphore(%arg13 : memref<!tpu.dma_semaphore, #tpu.memory_space<semaphore_mem>>)
    %mul3A_109 = arith.constant 640 : i32
    %mul3A_110 = arith.muli %arg1, %mul3A_109 : i32
    %add3A_111 = arith.constant 416 : i32
    %add3A_112 = arith.addi %mul3A_110, %add3A_111 : i32
    %dma_start3A_113 = arith.constant 0 : i32
    %dma_start3A_114 = tpu.memref_slice %arg10[%add3A_112, %dma_start3A_113] : memref<10240x128xf32, #tpu.memory_space<vmem_shared>> -> memref<32x128xf32, #tpu.memory_space<vmem_shared>>
    %dma_start3A_115 = arith.constant 0 : i32
    %dma_start3A_116 = tpu.memref_slice %arg10[%add3A_112, %dma_start3A_115] : memref<10240x128xf32, #tpu.memory_space<vmem_shared>> -> memref<32x128xf32, #tpu.memory_space<vmem_shared>>
    tpu.enqueue_dma source(%arg9 : memref<32x128xf32, #tpu.memory_space<vmem>>) target(%dma_start3A_116 : memref<32x128xf32, #tpu.memory_space<vmem_shared>>) target_semaphore(%arg13 : memref<!tpu.dma_semaphore, #tpu.memory_space<semaphore_mem>>)
    %mul3A_117 = arith.constant 640 : i32
    %mul3A_118 = arith.muli %arg1, %mul3A_117 : i32
    %add3A_119 = arith.constant 448 : i32
    %add3A_120 = arith.addi %mul3A_118, %add3A_119 : i32
    %dma_start3A_121 = arith.constant 0 : i32
    %dma_start3A_122 = tpu.memref_slice %arg10[%add3A_120, %dma_start3A_121] : memref<10240x128xf32, #tpu.memory_space<vmem_shared>> -> memref<32x128xf32, #tpu.memory_space<vmem_shared>>
    %dma_start3A_123 = arith.constant 0 : i32
    %dma_start3A_124 = tpu.memref_slice %arg10[%add3A_120, %dma_start3A_123] : memref<10240x128xf32, #tpu.memory_space<vmem_shared>> -> memref<32x128xf32, #tpu.memory_space<vmem_shared>>
    tpu.enqueue_dma source(%arg9 : memref<32x128xf32, #tpu.memory_space<vmem>>) target(%dma_start3A_124 : memref<32x128xf32, #tpu.memory_space<vmem_shared>>) target_semaphore(%arg13 : memref<!tpu.dma_semaphore, #tpu.memory_space<semaphore_mem>>)
    %mul3A_125 = arith.constant 640 : i32
    %mul3A_126 = arith.muli %arg1, %mul3A_125 : i32
    %add3A_127 = arith.constant 480 : i32
    %add3A_128 = arith.addi %mul3A_126, %add3A_127 : i32
    %dma_start3A_129 = arith.constant 0 : i32
    %dma_start3A_130 = tpu.memref_slice %arg10[%add3A_128, %dma_start3A_129] : memref<10240x128xf32, #tpu.memory_space<vmem_shared>> -> memref<32x128xf32, #tpu.memory_space<vmem_shared>>
    %dma_start3A_131 = arith.constant 0 : i32
    %dma_start3A_132 = tpu.memref_slice %arg10[%add3A_128, %dma_start3A_131] : memref<10240x128xf32, #tpu.memory_space<vmem_shared>> -> memref<32x128xf32, #tpu.memory_space<vmem_shared>>
    tpu.enqueue_dma source(%arg9 : memref<32x128xf32, #tpu.memory_space<vmem>>) target(%dma_start3A_132 : memref<32x128xf32, #tpu.memory_space<vmem_shared>>) target_semaphore(%arg13 : memref<!tpu.dma_semaphore, #tpu.memory_space<semaphore_mem>>)
    %mul3A_133 = arith.constant 640 : i32
    %mul3A_134 = arith.muli %arg1, %mul3A_133 : i32
    %add3A_135 = arith.constant 512 : i32
    %add3A_136 = arith.addi %mul3A_134, %add3A_135 : i32
    %dma_start3A_137 = arith.constant 0 : i32
    %dma_start3A_138 = tpu.memref_slice %arg10[%add3A_136, %dma_start3A_137] : memref<10240x128xf32, #tpu.memory_space<vmem_shared>> -> memref<32x128xf32, #tpu.memory_space<vmem_shared>>
    %dma_start3A_139 = arith.constant 0 : i32
    %dma_start3A_140 = tpu.memref_slice %arg10[%add3A_136, %dma_start3A_139] : memref<10240x128xf32, #tpu.memory_space<vmem_shared>> -> memref<32x128xf32, #tpu.memory_space<vmem_shared>>
    tpu.enqueue_dma source(%arg9 : memref<32x128xf32, #tpu.memory_space<vmem>>) target(%dma_start3A_140 : memref<32x128xf32, #tpu.memory_space<vmem_shared>>) target_semaphore(%arg13 : memref<!tpu.dma_semaphore, #tpu.memory_space<semaphore_mem>>)
    %mul3A_141 = arith.constant 640 : i32
    %mul3A_142 = arith.muli %arg1, %mul3A_141 : i32
    %add3A_143 = arith.constant 544 : i32
    %add3A_144 = arith.addi %mul3A_142, %add3A_143 : i32
    %dma_start3A_145 = arith.constant 0 : i32
    %dma_start3A_146 = tpu.memref_slice %arg10[%add3A_144, %dma_start3A_145] : memref<10240x128xf32, #tpu.memory_space<vmem_shared>> -> memref<32x128xf32, #tpu.memory_space<vmem_shared>>
    %dma_start3A_147 = arith.constant 0 : i32
    %dma_start3A_148 = tpu.memref_slice %arg10[%add3A_144, %dma_start3A_147] : memref<10240x128xf32, #tpu.memory_space<vmem_shared>> -> memref<32x128xf32, #tpu.memory_space<vmem_shared>>
    tpu.enqueue_dma source(%arg9 : memref<32x128xf32, #tpu.memory_space<vmem>>) target(%dma_start3A_148 : memref<32x128xf32, #tpu.memory_space<vmem_shared>>) target_semaphore(%arg13 : memref<!tpu.dma_semaphore, #tpu.memory_space<semaphore_mem>>)
    %mul3A_149 = arith.constant 640 : i32
    %mul3A_150 = arith.muli %arg1, %mul3A_149 : i32
    %add3A_151 = arith.constant 576 : i32
    %add3A_152 = arith.addi %mul3A_150, %add3A_151 : i32
    %dma_start3A_153 = arith.constant 0 : i32
    %dma_start3A_154 = tpu.memref_slice %arg10[%add3A_152, %dma_start3A_153] : memref<10240x128xf32, #tpu.memory_space<vmem_shared>> -> memref<32x128xf32, #tpu.memory_space<vmem_shared>>
    %dma_start3A_155 = arith.constant 0 : i32
    %dma_start3A_156 = tpu.memref_slice %arg10[%add3A_152, %dma_start3A_155] : memref<10240x128xf32, #tpu.memory_space<vmem_shared>> -> memref<32x128xf32, #tpu.memory_space<vmem_shared>>
    tpu.enqueue_dma source(%arg9 : memref<32x128xf32, #tpu.memory_space<vmem>>) target(%dma_start3A_156 : memref<32x128xf32, #tpu.memory_space<vmem_shared>>) target_semaphore(%arg13 : memref<!tpu.dma_semaphore, #tpu.memory_space<semaphore_mem>>)
    %mul3A_157 = arith.constant 640 : i32
    %mul3A_158 = arith.muli %arg1, %mul3A_157 : i32
    %add3A_159 = arith.constant 608 : i32
    %add3A_160 = arith.addi %mul3A_158, %add3A_159 : i32
    %dma_start3A_161 = arith.constant 0 : i32
    %dma_start3A_162 = tpu.memref_slice %arg10[%add3A_160, %dma_start3A_161] : memref<10240x128xf32, #tpu.memory_space<vmem_shared>> -> memref<32x128xf32, #tpu.memory_space<vmem_shared>>
    %dma_start3A_163 = arith.constant 0 : i32
    %dma_start3A_164 = tpu.memref_slice %arg10[%add3A_160, %dma_start3A_163] : memref<10240x128xf32, #tpu.memory_space<vmem_shared>> -> memref<32x128xf32, #tpu.memory_space<vmem_shared>>
    tpu.enqueue_dma source(%arg9 : memref<32x128xf32, #tpu.memory_space<vmem>>) target(%dma_start3A_164 : memref<32x128xf32, #tpu.memory_space<vmem_shared>>) target_semaphore(%arg13 : memref<!tpu.dma_semaphore, #tpu.memory_space<semaphore_mem>>)
    "tpu.region"() ({
      %run_scoped3A = tpu.sem_alloc : memref<!tpu.dma_semaphore, #tpu.memory_space<semaphore_mem>>
      %dma_start3A_437 = arith.constant 0 : i32
      %dma_start3A_438 = arith.constant 0 : i32
      %dma_start3A_439 = tpu.memref_slice %arg3[%add3A, %dma_start3A_437, %dma_start3A_438] : memref<32x80x125xi32, #tpu.memory_space<hbm>> -> memref<1x40x125xi32, #tpu.memory_space<hbm>>
      %dma_start3A_440 = tpu.memref_squeeze %dma_start3A_439 : memref<1x40x125xi32, #tpu.memory_space<hbm>> -> memref<40x125xi32, #tpu.memory_space<hbm>>
      %dma_start3A_441 = arith.constant 0 : i32
      %dma_start3A_442 = arith.constant 0 : i32
      %dma_start3A_443 = tpu.memref_slice %arg3[%add3A, %dma_start3A_441, %dma_start3A_442] : memref<32x80x125xi32, #tpu.memory_space<hbm>> -> memref<1x40x125xi32, #tpu.memory_space<hbm>>
      %dma_start3A_444 = tpu.memref_squeeze %dma_start3A_443 : memref<1x40x125xi32, #tpu.memory_space<hbm>> -> memref<40x125xi32, #tpu.memory_space<hbm>>
      tpu.enqueue_dma source(%dma_start3A_444 : memref<40x125xi32, #tpu.memory_space<hbm>>) target(%arg6 : memref<40x125xi32, #tpu.memory_space<vmem>>) target_semaphore(%run_scoped3A : memref<!tpu.dma_semaphore, #tpu.memory_space<semaphore_mem>>)
      %dma_wait3A_445 = arith.constant 0 : i32
      %dma_wait3A_446 = arith.constant 0 : i32
      %dma_wait3A_447 = tpu.memref_slice %arg3[%add3A, %dma_wait3A_445, %dma_wait3A_446] : memref<32x80x125xi32, #tpu.memory_space<hbm>> -> memref<1x40x125xi32, #tpu.memory_space<hbm>>
      %dma_wait3A_448 = tpu.memref_squeeze %dma_wait3A_447 : memref<1x40x125xi32, #tpu.memory_space<hbm>> -> memref<40x125xi32, #tpu.memory_space<hbm>>
      %dma_wait3A_449 = arith.constant 0 : i32
      %dma_wait3A_450 = arith.constant 0 : i32
      %dma_wait3A_451 = tpu.memref_slice %arg3[%add3A, %dma_wait3A_449, %dma_wait3A_450] : memref<32x80x125xi32, #tpu.memory_space<hbm>> -> memref<1x40x125xi32, #tpu.memory_space<hbm>>
      %dma_wait3A_452 = tpu.memref_squeeze %dma_wait3A_451 : memref<1x40x125xi32, #tpu.memory_space<hbm>> -> memref<40x125xi32, #tpu.memory_space<hbm>>
      tpu.wait_dma2 semaphore(%run_scoped3A : memref<!tpu.dma_semaphore, #tpu.memory_space<semaphore_mem>>) src(%dma_wait3A_452 : memref<40x125xi32, #tpu.memory_space<hbm>>) dst(%arg6 : memref<40x125xi32, #tpu.memory_space<vmem>>)
      tpu.yield
    }) : () -> ()
    "tpu.region"() ({
      %run_scoped3A = tpu.sem_alloc : memref<!tpu.dma_semaphore, #tpu.memory_space<semaphore_mem>>
      %dma_start3A_437 = arith.constant 0 : i32
      %dma_start3A_438 = arith.constant 0 : i32
      %dma_start3A_439 = tpu.memref_slice %arg4[%add3A, %dma_start3A_437, %dma_start3A_438] : memref<32x80x125xi32, #tpu.memory_space<hbm>> -> memref<1x40x125xi32, #tpu.memory_space<hbm>>
      %dma_start3A_440 = tpu.memref_squeeze %dma_start3A_439 : memref<1x40x125xi32, #tpu.memory_space<hbm>> -> memref<40x125xi32, #tpu.memory_space<hbm>>
      %dma_start3A_441 = arith.constant 0 : i32
      %dma_start3A_442 = arith.constant 0 : i32
      %dma_start3A_443 = tpu.memref_slice %arg4[%add3A, %dma_start3A_441, %dma_start3A_442] : memref<32x80x125xi32, #tpu.memory_space<hbm>> -> memref<1x40x125xi32, #tpu.memory_space<hbm>>
      %dma_start3A_444 = tpu.memref_squeeze %dma_start3A_443 : memref<1x40x125xi32, #tpu.memory_space<hbm>> -> memref<40x125xi32, #tpu.memory_space<hbm>>
      tpu.enqueue_dma source(%dma_start3A_444 : memref<40x125xi32, #tpu.memory_space<hbm>>) target(%arg7 : memref<40x125xi32, #tpu.memory_space<vmem>>) target_semaphore(%run_scoped3A : memref<!tpu.dma_semaphore, #tpu.memory_space<semaphore_mem>>)
      %dma_wait3A_445 = arith.constant 0 : i32
      %dma_wait3A_446 = arith.constant 0 : i32
      %dma_wait3A_447 = tpu.memref_slice %arg4[%add3A, %dma_wait3A_445, %dma_wait3A_446] : memref<32x80x125xi32, #tpu.memory_space<hbm>> -> memref<1x40x125xi32, #tpu.memory_space<hbm>>
      %dma_wait3A_448 = tpu.memref_squeeze %dma_wait3A_447 : memref<1x40x125xi32, #tpu.memory_space<hbm>> -> memref<40x125xi32, #tpu.memory_space<hbm>>
      %dma_wait3A_449 = arith.constant 0 : i32
      %dma_wait3A_450 = arith.constant 0 : i32
      %dma_wait3A_451 = tpu.memref_slice %arg4[%add3A, %dma_wait3A_449, %dma_wait3A_450] : memref<32x80x125xi32, #tpu.memory_space<hbm>> -> memref<1x40x125xi32, #tpu.memory_space<hbm>>
      %dma_wait3A_452 = tpu.memref_squeeze %dma_wait3A_451 : memref<1x40x125xi32, #tpu.memory_space<hbm>> -> memref<40x125xi32, #tpu.memory_space<hbm>>
      tpu.wait_dma2 semaphore(%run_scoped3A : memref<!tpu.dma_semaphore, #tpu.memory_space<semaphore_mem>>) src(%dma_wait3A_452 : memref<40x125xi32, #tpu.memory_space<hbm>>) dst(%arg7 : memref<40x125xi32, #tpu.memory_space<vmem>>)
      tpu.yield
    }) : () -> ()
    %dma_start3A_165 = arith.constant 0 : i32
    %dma_start3A_166 = arith.constant 0 : i32
    %dma_start3A_167 = arith.constant 0 : i32
    %dma_start3A_168 = arith.constant 0 : i32
    %dma_start3A_169 = tpu.memref_slice %arg8[%dma_start3A_166, %dma_start3A_167, %dma_start3A_168] : memref<2x125x128xf32, #tpu.memory_space<vmem>> -> memref<1x125x128xf32, #tpu.memory_space<vmem>>
    %dma_start3A_170 = tpu.memref_squeeze %dma_start3A_169 : memref<1x125x128xf32, #tpu.memory_space<vmem>> -> memref<125x128xf32, #tpu.memory_space<vmem>>
    %dma_start3A_171 = arith.constant 0 : i32
    %dma_start3A_172 = tpu.memref_slice %arg6[%dma_start3A_165, %dma_start3A_171] : memref<40x125xi32, #tpu.memory_space<vmem>> -> memref<1x125xi32, #tpu.memory_space<vmem>>
    %dma_start3A_173 = tpu.memref_squeeze %dma_start3A_172 : memref<1x125xi32, #tpu.memory_space<vmem>> -> memref<125xi32, #tpu.memory_space<vmem>>
    %dma_start3A_174 = arith.constant 0 : i32
    %dma_start3A_175 = arith.constant 0 : i32
    %dma_start3A_176 = tpu.memref_slice %arg2[%dma_start3A_174, %dma_start3A_175] : memref<10000x128xf32, #tpu.memory_space<hbm>> -> memref<10000x128xf32, #tpu.memory_space<hbm>>
    tpu.enqueue_indirect_dma source(%dma_start3A_176 : memref<10000x128xf32, #tpu.memory_space<hbm>>) target(%dma_start3A_170 : memref<125x128xf32, #tpu.memory_space<vmem>>) offsets(%dma_start3A_173 : memref<125xi32, #tpu.memory_space<vmem>>) semaphore(%arg11 : memref<!tpu.dma_semaphore, #tpu.memory_space<semaphore_mem>>)
    %dma_start3A_177 = arith.constant 1 : i32
    %dma_start3A_178 = arith.constant 1 : i32
    %dma_start3A_179 = arith.constant 0 : i32
    %dma_start3A_180 = arith.constant 0 : i32
    %dma_start3A_181 = tpu.memref_slice %arg8[%dma_start3A_178, %dma_start3A_179, %dma_start3A_180] : memref<2x125x128xf32, #tpu.memory_space<vmem>> -> memref<1x125x128xf32, #tpu.memory_space<vmem>>
    %dma_start3A_182 = tpu.memref_squeeze %dma_start3A_181 : memref<1x125x128xf32, #tpu.memory_space<vmem>> -> memref<125x128xf32, #tpu.memory_space<vmem>>
    %dma_start3A_183 = arith.constant 0 : i32
    %dma_start3A_184 = tpu.memref_slice %arg6[%dma_start3A_177, %dma_start3A_183] : memref<40x125xi32, #tpu.memory_space<vmem>> -> memref<1x125xi32, #tpu.memory_space<vmem>>
    %dma_start3A_185 = tpu.memref_squeeze %dma_start3A_184 : memref<1x125xi32, #tpu.memory_space<vmem>> -> memref<125xi32, #tpu.memory_space<vmem>>
    %dma_start3A_186 = arith.constant 0 : i32
    %dma_start3A_187 = arith.constant 0 : i32
    %dma_start3A_188 = tpu.memref_slice %arg2[%dma_start3A_186, %dma_start3A_187] : memref<10000x128xf32, #tpu.memory_space<hbm>> -> memref<10000x128xf32, #tpu.memory_space<hbm>>
    tpu.enqueue_indirect_dma source(%dma_start3A_188 : memref<10000x128xf32, #tpu.memory_space<hbm>>) target(%dma_start3A_182 : memref<125x128xf32, #tpu.memory_space<vmem>>) offsets(%dma_start3A_185 : memref<125xi32, #tpu.memory_space<vmem>>) semaphore(%arg12 : memref<!tpu.dma_semaphore, #tpu.memory_space<semaphore_mem>>)
    %mul3A_189 = arith.constant 640 : i32
    %mul3A_190 = arith.muli %arg1, %mul3A_189 : i32
    %add3A_191 = arith.constant 0 : i32
    %add3A_192 = arith.addi %mul3A_190, %add3A_191 : i32
    %dma_wait3A = arith.constant 0 : i32
    %dma_wait3A_193 = tpu.memref_slice %arg10[%add3A_192, %dma_wait3A] : memref<10240x128xf32, #tpu.memory_space<vmem_shared>> -> memref<32x128xf32, #tpu.memory_space<vmem_shared>>
    %dma_wait3A_194 = arith.constant 0 : i32
    %dma_wait3A_195 = tpu.memref_slice %arg10[%add3A_192, %dma_wait3A_194] : memref<10240x128xf32, #tpu.memory_space<vmem_shared>> -> memref<32x128xf32, #tpu.memory_space<vmem_shared>>
    tpu.wait_dma2 semaphore(%arg13 : memref<!tpu.dma_semaphore, #tpu.memory_space<semaphore_mem>>) src(%arg9 : memref<32x128xf32, #tpu.memory_space<vmem>>) dst(%dma_wait3A_195 : memref<32x128xf32, #tpu.memory_space<vmem_shared>>)
    %mul3A_196 = arith.constant 640 : i32
    %mul3A_197 = arith.muli %arg1, %mul3A_196 : i32
    %add3A_198 = arith.constant 32 : i32
    %add3A_199 = arith.addi %mul3A_197, %add3A_198 : i32
    %dma_wait3A_200 = arith.constant 0 : i32
    %dma_wait3A_201 = tpu.memref_slice %arg10[%add3A_199, %dma_wait3A_200] : memref<10240x128xf32, #tpu.memory_space<vmem_shared>> -> memref<32x128xf32, #tpu.memory_space<vmem_shared>>
    %dma_wait3A_202 = arith.constant 0 : i32
    %dma_wait3A_203 = tpu.memref_slice %arg10[%add3A_199, %dma_wait3A_202] : memref<10240x128xf32, #tpu.memory_space<vmem_shared>> -> memref<32x128xf32, #tpu.memory_space<vmem_shared>>
    tpu.wait_dma2 semaphore(%arg13 : memref<!tpu.dma_semaphore, #tpu.memory_space<semaphore_mem>>) src(%arg9 : memref<32x128xf32, #tpu.memory_space<vmem>>) dst(%dma_wait3A_203 : memref<32x128xf32, #tpu.memory_space<vmem_shared>>)
    %mul3A_204 = arith.constant 640 : i32
    %mul3A_205 = arith.muli %arg1, %mul3A_204 : i32
    %add3A_206 = arith.constant 64 : i32
    %add3A_207 = arith.addi %mul3A_205, %add3A_206 : i32
    %dma_wait3A_208 = arith.constant 0 : i32
    %dma_wait3A_209 = tpu.memref_slice %arg10[%add3A_207, %dma_wait3A_208] : memref<10240x128xf32, #tpu.memory_space<vmem_shared>> -> memref<32x128xf32, #tpu.memory_space<vmem_shared>>
    %dma_wait3A_210 = arith.constant 0 : i32
    %dma_wait3A_211 = tpu.memref_slice %arg10[%add3A_207, %dma_wait3A_210] : memref<10240x128xf32, #tpu.memory_space<vmem_shared>> -> memref<32x128xf32, #tpu.memory_space<vmem_shared>>
    tpu.wait_dma2 semaphore(%arg13 : memref<!tpu.dma_semaphore, #tpu.memory_space<semaphore_mem>>) src(%arg9 : memref<32x128xf32, #tpu.memory_space<vmem>>) dst(%dma_wait3A_211 : memref<32x128xf32, #tpu.memory_space<vmem_shared>>)
    %mul3A_212 = arith.constant 640 : i32
    %mul3A_213 = arith.muli %arg1, %mul3A_212 : i32
    %add3A_214 = arith.constant 96 : i32
    %add3A_215 = arith.addi %mul3A_213, %add3A_214 : i32
    %dma_wait3A_216 = arith.constant 0 : i32
    %dma_wait3A_217 = tpu.memref_slice %arg10[%add3A_215, %dma_wait3A_216] : memref<10240x128xf32, #tpu.memory_space<vmem_shared>> -> memref<32x128xf32, #tpu.memory_space<vmem_shared>>
    %dma_wait3A_218 = arith.constant 0 : i32
    %dma_wait3A_219 = tpu.memref_slice %arg10[%add3A_215, %dma_wait3A_218] : memref<10240x128xf32, #tpu.memory_space<vmem_shared>> -> memref<32x128xf32, #tpu.memory_space<vmem_shared>>
    tpu.wait_dma2 semaphore(%arg13 : memref<!tpu.dma_semaphore, #tpu.memory_space<semaphore_mem>>) src(%arg9 : memref<32x128xf32, #tpu.memory_space<vmem>>) dst(%dma_wait3A_219 : memref<32x128xf32, #tpu.memory_space<vmem_shared>>)
    %mul3A_220 = arith.constant 640 : i32
    %mul3A_221 = arith.muli %arg1, %mul3A_220 : i32
    %add3A_222 = arith.constant 128 : i32
    %add3A_223 = arith.addi %mul3A_221, %add3A_222 : i32
    %dma_wait3A_224 = arith.constant 0 : i32
    %dma_wait3A_225 = tpu.memref_slice %arg10[%add3A_223, %dma_wait3A_224] : memref<10240x128xf32, #tpu.memory_space<vmem_shared>> -> memref<32x128xf32, #tpu.memory_space<vmem_shared>>
    %dma_wait3A_226 = arith.constant 0 : i32
    %dma_wait3A_227 = tpu.memref_slice %arg10[%add3A_223, %dma_wait3A_226] : memref<10240x128xf32, #tpu.memory_space<vmem_shared>> -> memref<32x128xf32, #tpu.memory_space<vmem_shared>>
    tpu.wait_dma2 semaphore(%arg13 : memref<!tpu.dma_semaphore, #tpu.memory_space<semaphore_mem>>) src(%arg9 : memref<32x128xf32, #tpu.memory_space<vmem>>) dst(%dma_wait3A_227 : memref<32x128xf32, #tpu.memory_space<vmem_shared>>)
    %mul3A_228 = arith.constant 640 : i32
    %mul3A_229 = arith.muli %arg1, %mul3A_228 : i32
    %add3A_230 = arith.constant 160 : i32
    %add3A_231 = arith.addi %mul3A_229, %add3A_230 : i32
    %dma_wait3A_232 = arith.constant 0 : i32
    %dma_wait3A_233 = tpu.memref_slice %arg10[%add3A_231, %dma_wait3A_232] : memref<10240x128xf32, #tpu.memory_space<vmem_shared>> -> memref<32x128xf32, #tpu.memory_space<vmem_shared>>
    %dma_wait3A_234 = arith.constant 0 : i32
    %dma_wait3A_235 = tpu.memref_slice %arg10[%add3A_231, %dma_wait3A_234] : memref<10240x128xf32, #tpu.memory_space<vmem_shared>> -> memref<32x128xf32, #tpu.memory_space<vmem_shared>>
    tpu.wait_dma2 semaphore(%arg13 : memref<!tpu.dma_semaphore, #tpu.memory_space<semaphore_mem>>) src(%arg9 : memref<32x128xf32, #tpu.memory_space<vmem>>) dst(%dma_wait3A_235 : memref<32x128xf32, #tpu.memory_space<vmem_shared>>)
    %mul3A_236 = arith.constant 640 : i32
    %mul3A_237 = arith.muli %arg1, %mul3A_236 : i32
    %add3A_238 = arith.constant 192 : i32
    %add3A_239 = arith.addi %mul3A_237, %add3A_238 : i32
    %dma_wait3A_240 = arith.constant 0 : i32
    %dma_wait3A_241 = tpu.memref_slice %arg10[%add3A_239, %dma_wait3A_240] : memref<10240x128xf32, #tpu.memory_space<vmem_shared>> -> memref<32x128xf32, #tpu.memory_space<vmem_shared>>
    %dma_wait3A_242 = arith.constant 0 : i32
    %dma_wait3A_243 = tpu.memref_slice %arg10[%add3A_239, %dma_wait3A_242] : memref<10240x128xf32, #tpu.memory_space<vmem_shared>> -> memref<32x128xf32, #tpu.memory_space<vmem_shared>>
    tpu.wait_dma2 semaphore(%arg13 : memref<!tpu.dma_semaphore, #tpu.memory_space<semaphore_mem>>) src(%arg9 : memref<32x128xf32, #tpu.memory_space<vmem>>) dst(%dma_wait3A_243 : memref<32x128xf32, #tpu.memory_space<vmem_shared>>)
    %mul3A_244 = arith.constant 640 : i32
    %mul3A_245 = arith.muli %arg1, %mul3A_244 : i32
    %add3A_246 = arith.constant 224 : i32
    %add3A_247 = arith.addi %mul3A_245, %add3A_246 : i32
    %dma_wait3A_248 = arith.constant 0 : i32
    %dma_wait3A_249 = tpu.memref_slice %arg10[%add3A_247, %dma_wait3A_248] : memref<10240x128xf32, #tpu.memory_space<vmem_shared>> -> memref<32x128xf32, #tpu.memory_space<vmem_shared>>
    %dma_wait3A_250 = arith.constant 0 : i32
    %dma_wait3A_251 = tpu.memref_slice %arg10[%add3A_247, %dma_wait3A_250] : memref<10240x128xf32, #tpu.memory_space<vmem_shared>> -> memref<32x128xf32, #tpu.memory_space<vmem_shared>>
    tpu.wait_dma2 semaphore(%arg13 : memref<!tpu.dma_semaphore, #tpu.memory_space<semaphore_mem>>) src(%arg9 : memref<32x128xf32, #tpu.memory_space<vmem>>) dst(%dma_wait3A_251 : memref<32x128xf32, #tpu.memory_space<vmem_shared>>)
    %mul3A_252 = arith.constant 640 : i32
    %mul3A_253 = arith.muli %arg1, %mul3A_252 : i32
    %add3A_254 = arith.constant 256 : i32
    %add3A_255 = arith.addi %mul3A_253, %add3A_254 : i32
    %dma_wait3A_256 = arith.constant 0 : i32
    %dma_wait3A_257 = tpu.memref_slice %arg10[%add3A_255, %dma_wait3A_256] : memref<10240x128xf32, #tpu.memory_space<vmem_shared>> -> memref<32x128xf32, #tpu.memory_space<vmem_shared>>
    %dma_wait3A_258 = arith.constant 0 : i32
    %dma_wait3A_259 = tpu.memref_slice %arg10[%add3A_255, %dma_wait3A_258] : memref<10240x128xf32, #tpu.memory_space<vmem_shared>> -> memref<32x128xf32, #tpu.memory_space<vmem_shared>>
    tpu.wait_dma2 semaphore(%arg13 : memref<!tpu.dma_semaphore, #tpu.memory_space<semaphore_mem>>) src(%arg9 : memref<32x128xf32, #tpu.memory_space<vmem>>) dst(%dma_wait3A_259 : memref<32x128xf32, #tpu.memory_space<vmem_shared>>)
    %mul3A_260 = arith.constant 640 : i32
    %mul3A_261 = arith.muli %arg1, %mul3A_260 : i32
    %add3A_262 = arith.constant 288 : i32
    %add3A_263 = arith.addi %mul3A_261, %add3A_262 : i32
    %dma_wait3A_264 = arith.constant 0 : i32
    %dma_wait3A_265 = tpu.memref_slice %arg10[%add3A_263, %dma_wait3A_264] : memref<10240x128xf32, #tpu.memory_space<vmem_shared>> -> memref<32x128xf32, #tpu.memory_space<vmem_shared>>
    %dma_wait3A_266 = arith.constant 0 : i32
    %dma_wait3A_267 = tpu.memref_slice %arg10[%add3A_263, %dma_wait3A_266] : memref<10240x128xf32, #tpu.memory_space<vmem_shared>> -> memref<32x128xf32, #tpu.memory_space<vmem_shared>>
    tpu.wait_dma2 semaphore(%arg13 : memref<!tpu.dma_semaphore, #tpu.memory_space<semaphore_mem>>) src(%arg9 : memref<32x128xf32, #tpu.memory_space<vmem>>) dst(%dma_wait3A_267 : memref<32x128xf32, #tpu.memory_space<vmem_shared>>)
    %mul3A_268 = arith.constant 640 : i32
    %mul3A_269 = arith.muli %arg1, %mul3A_268 : i32
    %add3A_270 = arith.constant 320 : i32
    %add3A_271 = arith.addi %mul3A_269, %add3A_270 : i32
    %dma_wait3A_272 = arith.constant 0 : i32
    %dma_wait3A_273 = tpu.memref_slice %arg10[%add3A_271, %dma_wait3A_272] : memref<10240x128xf32, #tpu.memory_space<vmem_shared>> -> memref<32x128xf32, #tpu.memory_space<vmem_shared>>
    %dma_wait3A_274 = arith.constant 0 : i32
    %dma_wait3A_275 = tpu.memref_slice %arg10[%add3A_271, %dma_wait3A_274] : memref<10240x128xf32, #tpu.memory_space<vmem_shared>> -> memref<32x128xf32, #tpu.memory_space<vmem_shared>>
    tpu.wait_dma2 semaphore(%arg13 : memref<!tpu.dma_semaphore, #tpu.memory_space<semaphore_mem>>) src(%arg9 : memref<32x128xf32, #tpu.memory_space<vmem>>) dst(%dma_wait3A_275 : memref<32x128xf32, #tpu.memory_space<vmem_shared>>)
    %mul3A_276 = arith.constant 640 : i32
    %mul3A_277 = arith.muli %arg1, %mul3A_276 : i32
    %add3A_278 = arith.constant 352 : i32
    %add3A_279 = arith.addi %mul3A_277, %add3A_278 : i32
    %dma_wait3A_280 = arith.constant 0 : i32
    %dma_wait3A_281 = tpu.memref_slice %arg10[%add3A_279, %dma_wait3A_280] : memref<10240x128xf32, #tpu.memory_space<vmem_shared>> -> memref<32x128xf32, #tpu.memory_space<vmem_shared>>
    %dma_wait3A_282 = arith.constant 0 : i32
    %dma_wait3A_283 = tpu.memref_slice %arg10[%add3A_279, %dma_wait3A_282] : memref<10240x128xf32, #tpu.memory_space<vmem_shared>> -> memref<32x128xf32, #tpu.memory_space<vmem_shared>>
    tpu.wait_dma2 semaphore(%arg13 : memref<!tpu.dma_semaphore, #tpu.memory_space<semaphore_mem>>) src(%arg9 : memref<32x128xf32, #tpu.memory_space<vmem>>) dst(%dma_wait3A_283 : memref<32x128xf32, #tpu.memory_space<vmem_shared>>)
    %mul3A_284 = arith.constant 640 : i32
    %mul3A_285 = arith.muli %arg1, %mul3A_284 : i32
    %add3A_286 = arith.constant 384 : i32
    %add3A_287 = arith.addi %mul3A_285, %add3A_286 : i32
    %dma_wait3A_288 = arith.constant 0 : i32
    %dma_wait3A_289 = tpu.memref_slice %arg10[%add3A_287, %dma_wait3A_288] : memref<10240x128xf32, #tpu.memory_space<vmem_shared>> -> memref<32x128xf32, #tpu.memory_space<vmem_shared>>
    %dma_wait3A_290 = arith.constant 0 : i32
    %dma_wait3A_291 = tpu.memref_slice %arg10[%add3A_287, %dma_wait3A_290] : memref<10240x128xf32, #tpu.memory_space<vmem_shared>> -> memref<32x128xf32, #tpu.memory_space<vmem_shared>>
    tpu.wait_dma2 semaphore(%arg13 : memref<!tpu.dma_semaphore, #tpu.memory_space<semaphore_mem>>) src(%arg9 : memref<32x128xf32, #tpu.memory_space<vmem>>) dst(%dma_wait3A_291 : memref<32x128xf32, #tpu.memory_space<vmem_shared>>)
    %mul3A_292 = arith.constant 640 : i32
    %mul3A_293 = arith.muli %arg1, %mul3A_292 : i32
    %add3A_294 = arith.constant 416 : i32
    %add3A_295 = arith.addi %mul3A_293, %add3A_294 : i32
    %dma_wait3A_296 = arith.constant 0 : i32
    %dma_wait3A_297 = tpu.memref_slice %arg10[%add3A_295, %dma_wait3A_296] : memref<10240x128xf32, #tpu.memory_space<vmem_shared>> -> memref<32x128xf32, #tpu.memory_space<vmem_shared>>
    %dma_wait3A_298 = arith.constant 0 : i32
    %dma_wait3A_299 = tpu.memref_slice %arg10[%add3A_295, %dma_wait3A_298] : memref<10240x128xf32, #tpu.memory_space<vmem_shared>> -> memref<32x128xf32, #tpu.memory_space<vmem_shared>>
    tpu.wait_dma2 semaphore(%arg13 : memref<!tpu.dma_semaphore, #tpu.memory_space<semaphore_mem>>) src(%arg9 : memref<32x128xf32, #tpu.memory_space<vmem>>) dst(%dma_wait3A_299 : memref<32x128xf32, #tpu.memory_space<vmem_shared>>)
    %mul3A_300 = arith.constant 640 : i32
    %mul3A_301 = arith.muli %arg1, %mul3A_300 : i32
    %add3A_302 = arith.constant 448 : i32
    %add3A_303 = arith.addi %mul3A_301, %add3A_302 : i32
    %dma_wait3A_304 = arith.constant 0 : i32
    %dma_wait3A_305 = tpu.memref_slice %arg10[%add3A_303, %dma_wait3A_304] : memref<10240x128xf32, #tpu.memory_space<vmem_shared>> -> memref<32x128xf32, #tpu.memory_space<vmem_shared>>
    %dma_wait3A_306 = arith.constant 0 : i32
    %dma_wait3A_307 = tpu.memref_slice %arg10[%add3A_303, %dma_wait3A_306] : memref<10240x128xf32, #tpu.memory_space<vmem_shared>> -> memref<32x128xf32, #tpu.memory_space<vmem_shared>>
    tpu.wait_dma2 semaphore(%arg13 : memref<!tpu.dma_semaphore, #tpu.memory_space<semaphore_mem>>) src(%arg9 : memref<32x128xf32, #tpu.memory_space<vmem>>) dst(%dma_wait3A_307 : memref<32x128xf32, #tpu.memory_space<vmem_shared>>)
    %mul3A_308 = arith.constant 640 : i32
    %mul3A_309 = arith.muli %arg1, %mul3A_308 : i32
    %add3A_310 = arith.constant 480 : i32
    %add3A_311 = arith.addi %mul3A_309, %add3A_310 : i32
    %dma_wait3A_312 = arith.constant 0 : i32
    %dma_wait3A_313 = tpu.memref_slice %arg10[%add3A_311, %dma_wait3A_312] : memref<10240x128xf32, #tpu.memory_space<vmem_shared>> -> memref<32x128xf32, #tpu.memory_space<vmem_shared>>
    %dma_wait3A_314 = arith.constant 0 : i32
    %dma_wait3A_315 = tpu.memref_slice %arg10[%add3A_311, %dma_wait3A_314] : memref<10240x128xf32, #tpu.memory_space<vmem_shared>> -> memref<32x128xf32, #tpu.memory_space<vmem_shared>>
    tpu.wait_dma2 semaphore(%arg13 : memref<!tpu.dma_semaphore, #tpu.memory_space<semaphore_mem>>) src(%arg9 : memref<32x128xf32, #tpu.memory_space<vmem>>) dst(%dma_wait3A_315 : memref<32x128xf32, #tpu.memory_space<vmem_shared>>)
    %mul3A_316 = arith.constant 640 : i32
    %mul3A_317 = arith.muli %arg1, %mul3A_316 : i32
    %add3A_318 = arith.constant 512 : i32
    %add3A_319 = arith.addi %mul3A_317, %add3A_318 : i32
    %dma_wait3A_320 = arith.constant 0 : i32
    %dma_wait3A_321 = tpu.memref_slice %arg10[%add3A_319, %dma_wait3A_320] : memref<10240x128xf32, #tpu.memory_space<vmem_shared>> -> memref<32x128xf32, #tpu.memory_space<vmem_shared>>
    %dma_wait3A_322 = arith.constant 0 : i32
    %dma_wait3A_323 = tpu.memref_slice %arg10[%add3A_319, %dma_wait3A_322] : memref<10240x128xf32, #tpu.memory_space<vmem_shared>> -> memref<32x128xf32, #tpu.memory_space<vmem_shared>>
    tpu.wait_dma2 semaphore(%arg13 : memref<!tpu.dma_semaphore, #tpu.memory_space<semaphore_mem>>) src(%arg9 : memref<32x128xf32, #tpu.memory_space<vmem>>) dst(%dma_wait3A_323 : memref<32x128xf32, #tpu.memory_space<vmem_shared>>)
    %mul3A_324 = arith.constant 640 : i32
    %mul3A_325 = arith.muli %arg1, %mul3A_324 : i32
    %add3A_326 = arith.constant 544 : i32
    %add3A_327 = arith.addi %mul3A_325, %add3A_326 : i32
    %dma_wait3A_328 = arith.constant 0 : i32
    %dma_wait3A_329 = tpu.memref_slice %arg10[%add3A_327, %dma_wait3A_328] : memref<10240x128xf32, #tpu.memory_space<vmem_shared>> -> memref<32x128xf32, #tpu.memory_space<vmem_shared>>
    %dma_wait3A_330 = arith.constant 0 : i32
    %dma_wait3A_331 = tpu.memref_slice %arg10[%add3A_327, %dma_wait3A_330] : memref<10240x128xf32, #tpu.memory_space<vmem_shared>> -> memref<32x128xf32, #tpu.memory_space<vmem_shared>>
    tpu.wait_dma2 semaphore(%arg13 : memref<!tpu.dma_semaphore, #tpu.memory_space<semaphore_mem>>) src(%arg9 : memref<32x128xf32, #tpu.memory_space<vmem>>) dst(%dma_wait3A_331 : memref<32x128xf32, #tpu.memory_space<vmem_shared>>)
    %mul3A_332 = arith.constant 640 : i32
    %mul3A_333 = arith.muli %arg1, %mul3A_332 : i32
    %add3A_334 = arith.constant 576 : i32
    %add3A_335 = arith.addi %mul3A_333, %add3A_334 : i32
    %dma_wait3A_336 = arith.constant 0 : i32
    %dma_wait3A_337 = tpu.memref_slice %arg10[%add3A_335, %dma_wait3A_336] : memref<10240x128xf32, #tpu.memory_space<vmem_shared>> -> memref<32x128xf32, #tpu.memory_space<vmem_shared>>
    %dma_wait3A_338 = arith.constant 0 : i32
    %dma_wait3A_339 = tpu.memref_slice %arg10[%add3A_335, %dma_wait3A_338] : memref<10240x128xf32, #tpu.memory_space<vmem_shared>> -> memref<32x128xf32, #tpu.memory_space<vmem_shared>>
    tpu.wait_dma2 semaphore(%arg13 : memref<!tpu.dma_semaphore, #tpu.memory_space<semaphore_mem>>) src(%arg9 : memref<32x128xf32, #tpu.memory_space<vmem>>) dst(%dma_wait3A_339 : memref<32x128xf32, #tpu.memory_space<vmem_shared>>)
    %mul3A_340 = arith.constant 640 : i32
    %mul3A_341 = arith.muli %arg1, %mul3A_340 : i32
    %add3A_342 = arith.constant 608 : i32
    %add3A_343 = arith.addi %mul3A_341, %add3A_342 : i32
    %dma_wait3A_344 = arith.constant 0 : i32
    %dma_wait3A_345 = tpu.memref_slice %arg10[%add3A_343, %dma_wait3A_344] : memref<10240x128xf32, #tpu.memory_space<vmem_shared>> -> memref<32x128xf32, #tpu.memory_space<vmem_shared>>
    %dma_wait3A_346 = arith.constant 0 : i32
    %dma_wait3A_347 = tpu.memref_slice %arg10[%add3A_343, %dma_wait3A_346] : memref<10240x128xf32, #tpu.memory_space<vmem_shared>> -> memref<32x128xf32, #tpu.memory_space<vmem_shared>>
    tpu.wait_dma2 semaphore(%arg13 : memref<!tpu.dma_semaphore, #tpu.memory_space<semaphore_mem>>) src(%arg9 : memref<32x128xf32, #tpu.memory_space<vmem>>) dst(%dma_wait3A_347 : memref<32x128xf32, #tpu.memory_space<vmem_shared>>)
    %barrier3A = arith.constant 0 : index
    tpu.barrier barrier_id(%barrier3A)
    %scan3A_348 = arith.constant 0 : i32
    %scan3A_349 = arith.constant 0 : i32
    %scan3A_350 = arith.constant 20 : i32
    %scan3A_351 = arith.addi %scan3A_349, %scan3A_350 : i32
    %scan3A_352 = arith.constant 1 : i32
    scf.for %scan3A_437 = %scan3A_349 to %scan3A_351 step %scan3A_352  : i32 {
      %mul3A_438 = arith.constant 2 : i32
      %mul3A_439 = arith.muli %scan3A_437, %mul3A_438 : i32
      %add3A_440 = arith.constant 0 : i32
      %add3A_441 = arith.addi %mul3A_439, %add3A_440 : i32
      %dma_wait3A_442 = arith.constant 0 : i32
      %dma_wait3A_443 = arith.constant 0 : i32
      %dma_wait3A_444 = arith.constant 0 : i32
      %dma_wait3A_445 = tpu.memref_slice %arg8[%dma_wait3A_442, %dma_wait3A_443, %dma_wait3A_444] : memref<2x125x128xf32, #tpu.memory_space<vmem>> -> memref<1x125x128xf32, #tpu.memory_space<vmem>>
      %dma_wait3A_446 = tpu.memref_squeeze %dma_wait3A_445 : memref<1x125x128xf32, #tpu.memory_space<vmem>> -> memref<125x128xf32, #tpu.memory_space<vmem>>
      %dma_wait3A_447 = arith.constant 0 : i32
      %dma_wait3A_448 = tpu.memref_slice %arg6[%add3A_441, %dma_wait3A_447] : memref<40x125xi32, #tpu.memory_space<vmem>> -> memref<1x125xi32, #tpu.memory_space<vmem>>
      %dma_wait3A_449 = tpu.memref_squeeze %dma_wait3A_448 : memref<1x125xi32, #tpu.memory_space<vmem>> -> memref<125xi32, #tpu.memory_space<vmem>>
      %dma_wait3A_450 = arith.constant 0 : i32
      %dma_wait3A_451 = arith.constant 0 : i32
      %dma_wait3A_452 = tpu.memref_slice %arg2[%dma_wait3A_450, %dma_wait3A_451] : memref<10000x128xf32, #tpu.memory_space<hbm>> -> memref<10000x128xf32, #tpu.memory_space<hbm>>
      tpu.wait_indirect_dma semaphore(%arg11 : memref<!tpu.dma_semaphore, #tpu.memory_space<semaphore_mem>>) src(%dma_wait3A_452 : memref<10000x128xf32, #tpu.memory_space<hbm>>) dst(%dma_wait3A_446 : memref<125x128xf32, #tpu.memory_space<vmem>>)
      %dma_start3A_453 = arith.constant 0 : i32
      %dma_start3A_454 = arith.constant 0 : i32
      %dma_start3A_455 = arith.constant 0 : i32
      %dma_start3A_456 = tpu.memref_slice %arg8[%dma_start3A_453, %dma_start3A_454, %dma_start3A_455] : memref<2x125x128xf32, #tpu.memory_space<vmem>> -> memref<1x125x128xf32, #tpu.memory_space<vmem>>
      %dma_start3A_457 = tpu.memref_squeeze %dma_start3A_456 : memref<1x125x128xf32, #tpu.memory_space<vmem>> -> memref<125x128xf32, #tpu.memory_space<vmem>>
      %dma_start3A_458 = arith.constant 0 : i32
      %dma_start3A_459 = tpu.memref_slice %arg7[%add3A_441, %dma_start3A_458] : memref<40x125xi32, #tpu.memory_space<vmem>> -> memref<1x125xi32, #tpu.memory_space<vmem>>
      %dma_start3A_460 = tpu.memref_squeeze %dma_start3A_459 : memref<1x125xi32, #tpu.memory_space<vmem>> -> memref<125xi32, #tpu.memory_space<vmem>>
      %dma_start3A_461 = arith.constant 0 : i32
      %dma_start3A_462 = arith.constant 0 : i32
      %dma_start3A_463 = tpu.memref_slice %arg10[%dma_start3A_461, %dma_start3A_462] : memref<10240x128xf32, #tpu.memory_space<vmem_shared>> -> memref<10240x128xf32, #tpu.memory_space<vmem_shared>>
      tpu.enqueue_indirect_dma source(%dma_start3A_457 : memref<125x128xf32, #tpu.memory_space<vmem>>) target(%dma_start3A_463 : memref<10240x128xf32, #tpu.memory_space<vmem_shared>>) offsets(%dma_start3A_460 : memref<125xi32, #tpu.memory_space<vmem>>) semaphore(%arg13 : memref<!tpu.dma_semaphore, #tpu.memory_space<semaphore_mem>>) {add = true}
      %sub3A = arith.constant 1 : i32
      %sub3A_464 = arith.subi %add3A_441, %sub3A : i32
      %add3A_465 = arith.constant 2 : i32
      %add3A_466 = arith.addi %sub3A_464, %add3A_465 : i32
      %ge3A = arith.constant 0 : i32
      %ge3A_467 = arith.cmpi sge, %sub3A_464, %ge3A : i32
      %lt3A = arith.constant 40 : i32
      %lt3A_468 = arith.cmpi slt, %add3A_466, %lt3A : i32
      %and3A = arith.andi %ge3A_467, %lt3A_468 : i1
      %convert_element_type3A = arith.extui %and3A : i1 to i32
      %cond3A = arith.constant 0 : i32
      %cond3A_469 = arith.cmpi ne, %convert_element_type3A, %cond3A : i32
      scf.if %cond3A_469 {
        %dma_wait3A_508 = arith.constant 1 : i32
        %dma_wait3A_509 = arith.constant 0 : i32
        %dma_wait3A_510 = arith.constant 0 : i32
        %dma_wait3A_511 = tpu.memref_slice %arg8[%dma_wait3A_508, %dma_wait3A_509, %dma_wait3A_510] : memref<2x125x128xf32, #tpu.memory_space<vmem>> -> memref<1x125x128xf32, #tpu.memory_space<vmem>>
        %dma_wait3A_512 = tpu.memref_squeeze %dma_wait3A_511 : memref<1x125x128xf32, #tpu.memory_space<vmem>> -> memref<125x128xf32, #tpu.memory_space<vmem>>
        %dma_wait3A_513 = arith.constant 0 : i32
        %dma_wait3A_514 = tpu.memref_slice %arg7[%sub3A_464, %dma_wait3A_513] : memref<40x125xi32, #tpu.memory_space<vmem>> -> memref<1x125xi32, #tpu.memory_space<vmem>>
        %dma_wait3A_515 = tpu.memref_squeeze %dma_wait3A_514 : memref<1x125xi32, #tpu.memory_space<vmem>> -> memref<125xi32, #tpu.memory_space<vmem>>
        %dma_wait3A_516 = arith.constant 0 : i32
        %dma_wait3A_517 = arith.constant 0 : i32
        %dma_wait3A_518 = tpu.memref_slice %arg10[%dma_wait3A_516, %dma_wait3A_517] : memref<10240x128xf32, #tpu.memory_space<vmem_shared>> -> memref<10240x128xf32, #tpu.memory_space<vmem_shared>>
        tpu.wait_indirect_dma semaphore(%arg14 : memref<!tpu.dma_semaphore, #tpu.memory_space<semaphore_mem>>) src(%dma_wait3A_512 : memref<125x128xf32, #tpu.memory_space<vmem>>) dst(%dma_wait3A_518 : memref<10240x128xf32, #tpu.memory_space<vmem_shared>>)
        %dma_start3A_519 = arith.constant 1 : i32
        %dma_start3A_520 = arith.constant 0 : i32
        %dma_start3A_521 = arith.constant 0 : i32
        %dma_start3A_522 = tpu.memref_slice %arg8[%dma_start3A_519, %dma_start3A_520, %dma_start3A_521] : memref<2x125x128xf32, #tpu.memory_space<vmem>> -> memref<1x125x128xf32, #tpu.memory_space<vmem>>
        %dma_start3A_523 = tpu.memref_squeeze %dma_start3A_522 : memref<1x125x128xf32, #tpu.memory_space<vmem>> -> memref<125x128xf32, #tpu.memory_space<vmem>>
        %dma_start3A_524 = arith.constant 0 : i32
        %dma_start3A_525 = tpu.memref_slice %arg6[%add3A_466, %dma_start3A_524] : memref<40x125xi32, #tpu.memory_space<vmem>> -> memref<1x125xi32, #tpu.memory_space<vmem>>
        %dma_start3A_526 = tpu.memref_squeeze %dma_start3A_525 : memref<1x125xi32, #tpu.memory_space<vmem>> -> memref<125xi32, #tpu.memory_space<vmem>>
        %dma_start3A_527 = arith.constant 0 : i32
        %dma_start3A_528 = arith.constant 0 : i32
        %dma_start3A_529 = tpu.memref_slice %arg2[%dma_start3A_527, %dma_start3A_528] : memref<10000x128xf32, #tpu.memory_space<hbm>> -> memref<10000x128xf32, #tpu.memory_space<hbm>>
        tpu.enqueue_indirect_dma source(%dma_start3A_529 : memref<10000x128xf32, #tpu.memory_space<hbm>>) target(%dma_start3A_523 : memref<125x128xf32, #tpu.memory_space<vmem>>) offsets(%dma_start3A_526 : memref<125xi32, #tpu.memory_space<vmem>>) semaphore(%arg12 : memref<!tpu.dma_semaphore, #tpu.memory_space<semaphore_mem>>)
      } else {
      }
      %mul3A_470 = arith.constant 2 : i32
      %mul3A_471 = arith.muli %scan3A_437, %mul3A_470 : i32
      %add3A_472 = arith.constant 1 : i32
      %add3A_473 = arith.addi %mul3A_471, %add3A_472 : i32
      %dma_wait3A_474 = arith.constant 1 : i32
      %dma_wait3A_475 = arith.constant 0 : i32
      %dma_wait3A_476 = arith.constant 0 : i32
      %dma_wait3A_477 = tpu.memref_slice %arg8[%dma_wait3A_474, %dma_wait3A_475, %dma_wait3A_476] : memref<2x125x128xf32, #tpu.memory_space<vmem>> -> memref<1x125x128xf32, #tpu.memory_space<vmem>>
      %dma_wait3A_478 = tpu.memref_squeeze %dma_wait3A_477 : memref<1x125x128xf32, #tpu.memory_space<vmem>> -> memref<125x128xf32, #tpu.memory_space<vmem>>
      %dma_wait3A_479 = arith.constant 0 : i32
      %dma_wait3A_480 = tpu.memref_slice %arg6[%add3A_473, %dma_wait3A_479] : memref<40x125xi32, #tpu.memory_space<vmem>> -> memref<1x125xi32, #tpu.memory_space<vmem>>
      %dma_wait3A_481 = tpu.memref_squeeze %dma_wait3A_480 : memref<1x125xi32, #tpu.memory_space<vmem>> -> memref<125xi32, #tpu.memory_space<vmem>>
      %dma_wait3A_482 = arith.constant 0 : i32
      %dma_wait3A_483 = arith.constant 0 : i32
      %dma_wait3A_484 = tpu.memref_slice %arg2[%dma_wait3A_482, %dma_wait3A_483] : memref<10000x128xf32, #tpu.memory_space<hbm>> -> memref<10000x128xf32, #tpu.memory_space<hbm>>
      tpu.wait_indirect_dma semaphore(%arg12 : memref<!tpu.dma_semaphore, #tpu.memory_space<semaphore_mem>>) src(%dma_wait3A_484 : memref<10000x128xf32, #tpu.memory_space<hbm>>) dst(%dma_wait3A_478 : memref<125x128xf32, #tpu.memory_space<vmem>>)
      %dma_start3A_485 = arith.constant 1 : i32
      %dma_start3A_486 = arith.constant 0 : i32
      %dma_start3A_487 = arith.constant 0 : i32
      %dma_start3A_488 = tpu.memref_slice %arg8[%dma_start3A_485, %dma_start3A_486, %dma_start3A_487] : memref<2x125x128xf32, #tpu.memory_space<vmem>> -> memref<1x125x128xf32, #tpu.memory_space<vmem>>
      %dma_start3A_489 = tpu.memref_squeeze %dma_start3A_488 : memref<1x125x128xf32, #tpu.memory_space<vmem>> -> memref<125x128xf32, #tpu.memory_space<vmem>>
      %dma_start3A_490 = arith.constant 0 : i32
      %dma_start3A_491 = tpu.memref_slice %arg7[%add3A_473, %dma_start3A_490] : memref<40x125xi32, #tpu.memory_space<vmem>> -> memref<1x125xi32, #tpu.memory_space<vmem>>
      %dma_start3A_492 = tpu.memref_squeeze %dma_start3A_491 : memref<1x125xi32, #tpu.memory_space<vmem>> -> memref<125xi32, #tpu.memory_space<vmem>>
      %dma_start3A_493 = arith.constant 0 : i32
      %dma_start3A_494 = arith.constant 0 : i32
      %dma_start3A_495 = tpu.memref_slice %arg10[%dma_start3A_493, %dma_start3A_494] : memref<10240x128xf32, #tpu.memory_space<vmem_shared>> -> memref<10240x128xf32, #tpu.memory_space<vmem_shared>>
      tpu.enqueue_indirect_dma source(%dma_start3A_489 : memref<125x128xf32, #tpu.memory_space<vmem>>) target(%dma_start3A_495 : memref<10240x128xf32, #tpu.memory_space<vmem_shared>>) offsets(%dma_start3A_492 : memref<125xi32, #tpu.memory_space<vmem>>) semaphore(%arg14 : memref<!tpu.dma_semaphore, #tpu.memory_space<semaphore_mem>>) {add = true}
      %sub3A_496 = arith.constant 1 : i32
      %sub3A_497 = arith.subi %add3A_473, %sub3A_496 : i32
      %add3A_498 = arith.constant 2 : i32
      %add3A_499 = arith.addi %sub3A_497, %add3A_498 : i32
      %ge3A_500 = arith.constant 0 : i32
      %ge3A_501 = arith.cmpi sge, %sub3A_497, %ge3A_500 : i32
      %lt3A_502 = arith.constant 40 : i32
      %lt3A_503 = arith.cmpi slt, %add3A_499, %lt3A_502 : i32
      %and3A_504 = arith.andi %ge3A_501, %lt3A_503 : i1
      %convert_element_type3A_505 = arith.extui %and3A_504 : i1 to i32
      %cond3A_506 = arith.constant 0 : i32
      %cond3A_507 = arith.cmpi ne, %convert_element_type3A_505, %cond3A_506 : i32
      scf.if %cond3A_507 {
        %dma_wait3A_508 = arith.constant 0 : i32
        %dma_wait3A_509 = arith.constant 0 : i32
        %dma_wait3A_510 = arith.constant 0 : i32
        %dma_wait3A_511 = tpu.memref_slice %arg8[%dma_wait3A_508, %dma_wait3A_509, %dma_wait3A_510] : memref<2x125x128xf32, #tpu.memory_space<vmem>> -> memref<1x125x128xf32, #tpu.memory_space<vmem>>
        %dma_wait3A_512 = tpu.memref_squeeze %dma_wait3A_511 : memref<1x125x128xf32, #tpu.memory_space<vmem>> -> memref<125x128xf32, #tpu.memory_space<vmem>>
        %dma_wait3A_513 = arith.constant 0 : i32
        %dma_wait3A_514 = tpu.memref_slice %arg7[%sub3A_497, %dma_wait3A_513] : memref<40x125xi32, #tpu.memory_space<vmem>> -> memref<1x125xi32, #tpu.memory_space<vmem>>
        %dma_wait3A_515 = tpu.memref_squeeze %dma_wait3A_514 : memref<1x125xi32, #tpu.memory_space<vmem>> -> memref<125xi32, #tpu.memory_space<vmem>>
        %dma_wait3A_516 = arith.constant 0 : i32
        %dma_wait3A_517 = arith.constant 0 : i32
        %dma_wait3A_518 = tpu.memref_slice %arg10[%dma_wait3A_516, %dma_wait3A_517] : memref<10240x128xf32, #tpu.memory_space<vmem_shared>> -> memref<10240x128xf32, #tpu.memory_space<vmem_shared>>
        tpu.wait_indirect_dma semaphore(%arg13 : memref<!tpu.dma_semaphore, #tpu.memory_space<semaphore_mem>>) src(%dma_wait3A_512 : memref<125x128xf32, #tpu.memory_space<vmem>>) dst(%dma_wait3A_518 : memref<10240x128xf32, #tpu.memory_space<vmem_shared>>)
        %dma_start3A_519 = arith.constant 0 : i32
        %dma_start3A_520 = arith.constant 0 : i32
        %dma_start3A_521 = arith.constant 0 : i32
        %dma_start3A_522 = tpu.memref_slice %arg8[%dma_start3A_519, %dma_start3A_520, %dma_start3A_521] : memref<2x125x128xf32, #tpu.memory_space<vmem>> -> memref<1x125x128xf32, #tpu.memory_space<vmem>>
        %dma_start3A_523 = tpu.memref_squeeze %dma_start3A_522 : memref<1x125x128xf32, #tpu.memory_space<vmem>> -> memref<125x128xf32, #tpu.memory_space<vmem>>
        %dma_start3A_524 = arith.constant 0 : i32
        %dma_start3A_525 = tpu.memref_slice %arg6[%add3A_499, %dma_start3A_524] : memref<40x125xi32, #tpu.memory_space<vmem>> -> memref<1x125xi32, #tpu.memory_space<vmem>>
        %dma_start3A_526 = tpu.memref_squeeze %dma_start3A_525 : memref<1x125xi32, #tpu.memory_space<vmem>> -> memref<125xi32, #tpu.memory_space<vmem>>
        %dma_start3A_527 = arith.constant 0 : i32
        %dma_start3A_528 = arith.constant 0 : i32
        %dma_start3A_529 = tpu.memref_slice %arg2[%dma_start3A_527, %dma_start3A_528] : memref<10000x128xf32, #tpu.memory_space<hbm>> -> memref<10000x128xf32, #tpu.memory_space<hbm>>
        tpu.enqueue_indirect_dma source(%dma_start3A_529 : memref<10000x128xf32, #tpu.memory_space<hbm>>) target(%dma_start3A_523 : memref<125x128xf32, #tpu.memory_space<vmem>>) offsets(%dma_start3A_526 : memref<125xi32, #tpu.memory_space<vmem>>) semaphore(%arg11 : memref<!tpu.dma_semaphore, #tpu.memory_space<semaphore_mem>>)
      } else {
      }
    }
    %scan3A_353 = arith.constant 20 : i32
    %dma_wait3A_354 = arith.constant 0 : i32
    %dma_wait3A_355 = arith.constant 38 : i32
    %dma_wait3A_356 = arith.constant 0 : i32
    %dma_wait3A_357 = arith.constant 0 : i32
    %dma_wait3A_358 = tpu.memref_slice %arg8[%dma_wait3A_354, %dma_wait3A_356, %dma_wait3A_357] : memref<2x125x128xf32, #tpu.memory_space<vmem>> -> memref<1x125x128xf32, #tpu.memory_space<vmem>>
    %dma_wait3A_359 = tpu.memref_squeeze %dma_wait3A_358 : memref<1x125x128xf32, #tpu.memory_space<vmem>> -> memref<125x128xf32, #tpu.memory_space<vmem>>
    %dma_wait3A_360 = arith.constant 0 : i32
    %dma_wait3A_361 = tpu.memref_slice %arg7[%dma_wait3A_355, %dma_wait3A_360] : memref<40x125xi32, #tpu.memory_space<vmem>> -> memref<1x125xi32, #tpu.memory_space<vmem>>
    %dma_wait3A_362 = tpu.memref_squeeze %dma_wait3A_361 : memref<1x125xi32, #tpu.memory_space<vmem>> -> memref<125xi32, #tpu.memory_space<vmem>>
    %dma_wait3A_363 = arith.constant 0 : i32
    %dma_wait3A_364 = arith.constant 0 : i32
    %dma_wait3A_365 = tpu.memref_slice %arg10[%dma_wait3A_363, %dma_wait3A_364] : memref<10240x128xf32, #tpu.memory_space<vmem_shared>> -> memref<10240x128xf32, #tpu.memory_space<vmem_shared>>
    tpu.wait_indirect_dma semaphore(%arg13 : memref<!tpu.dma_semaphore, #tpu.memory_space<semaphore_mem>>) src(%dma_wait3A_359 : memref<125x128xf32, #tpu.memory_space<vmem>>) dst(%dma_wait3A_365 : memref<10240x128xf32, #tpu.memory_space<vmem_shared>>)
    %dma_wait3A_366 = arith.constant 1 : i32
    %dma_wait3A_367 = arith.constant 39 : i32
    %dma_wait3A_368 = arith.constant 0 : i32
    %dma_wait3A_369 = arith.constant 0 : i32
    %dma_wait3A_370 = tpu.memref_slice %arg8[%dma_wait3A_366, %dma_wait3A_368, %dma_wait3A_369] : memref<2x125x128xf32, #tpu.memory_space<vmem>> -> memref<1x125x128xf32, #tpu.memory_space<vmem>>
    %dma_wait3A_371 = tpu.memref_squeeze %dma_wait3A_370 : memref<1x125x128xf32, #tpu.memory_space<vmem>> -> memref<125x128xf32, #tpu.memory_space<vmem>>
    %dma_wait3A_372 = arith.constant 0 : i32
    %dma_wait3A_373 = tpu.memref_slice %arg7[%dma_wait3A_367, %dma_wait3A_372] : memref<40x125xi32, #tpu.memory_space<vmem>> -> memref<1x125xi32, #tpu.memory_space<vmem>>
    %dma_wait3A_374 = tpu.memref_squeeze %dma_wait3A_373 : memref<1x125xi32, #tpu.memory_space<vmem>> -> memref<125xi32, #tpu.memory_space<vmem>>
    %dma_wait3A_375 = arith.constant 0 : i32
    %dma_wait3A_376 = arith.constant 0 : i32
    %dma_wait3A_377 = tpu.memref_slice %arg10[%dma_wait3A_375, %dma_wait3A_376] : memref<10240x128xf32, #tpu.memory_space<vmem_shared>> -> memref<10240x128xf32, #tpu.memory_space<vmem_shared>>
    tpu.wait_indirect_dma semaphore(%arg14 : memref<!tpu.dma_semaphore, #tpu.memory_space<semaphore_mem>>) src(%dma_wait3A_371 : memref<125x128xf32, #tpu.memory_space<vmem>>) dst(%dma_wait3A_377 : memref<10240x128xf32, #tpu.memory_space<vmem_shared>>)
    "tpu.region"() ({
      %run_scoped3A = tpu.sem_alloc : memref<!tpu.dma_semaphore, #tpu.memory_space<semaphore_mem>>
      %dma_start3A_437 = arith.constant 40 : i32
      %dma_start3A_438 = arith.constant 0 : i32
      %dma_start3A_439 = tpu.memref_slice %arg3[%add3A, %dma_start3A_437, %dma_start3A_438] : memref<32x80x125xi32, #tpu.memory_space<hbm>> -> memref<1x40x125xi32, #tpu.memory_space<hbm>>
      %dma_start3A_440 = tpu.memref_squeeze %dma_start3A_439 : memref<1x40x125xi32, #tpu.memory_space<hbm>> -> memref<40x125xi32, #tpu.memory_space<hbm>>
      %dma_start3A_441 = arith.constant 40 : i32
      %dma_start3A_442 = arith.constant 0 : i32
      %dma_start3A_443 = tpu.memref_slice %arg3[%add3A, %dma_start3A_441, %dma_start3A_442] : memref<32x80x125xi32, #tpu.memory_space<hbm>> -> memref<1x40x125xi32, #tpu.memory_space<hbm>>
      %dma_start3A_444 = tpu.memref_squeeze %dma_start3A_443 : memref<1x40x125xi32, #tpu.memory_space<hbm>> -> memref<40x125xi32, #tpu.memory_space<hbm>>
      tpu.enqueue_dma source(%dma_start3A_444 : memref<40x125xi32, #tpu.memory_space<hbm>>) target(%arg6 : memref<40x125xi32, #tpu.memory_space<vmem>>) target_semaphore(%run_scoped3A : memref<!tpu.dma_semaphore, #tpu.memory_space<semaphore_mem>>)
      %dma_wait3A_445 = arith.constant 40 : i32
      %dma_wait3A_446 = arith.constant 0 : i32
      %dma_wait3A_447 = tpu.memref_slice %arg3[%add3A, %dma_wait3A_445, %dma_wait3A_446] : memref<32x80x125xi32, #tpu.memory_space<hbm>> -> memref<1x40x125xi32, #tpu.memory_space<hbm>>
      %dma_wait3A_448 = tpu.memref_squeeze %dma_wait3A_447 : memref<1x40x125xi32, #tpu.memory_space<hbm>> -> memref<40x125xi32, #tpu.memory_space<hbm>>
      %dma_wait3A_449 = arith.constant 40 : i32
      %dma_wait3A_450 = arith.constant 0 : i32
      %dma_wait3A_451 = tpu.memref_slice %arg3[%add3A, %dma_wait3A_449, %dma_wait3A_450] : memref<32x80x125xi32, #tpu.memory_space<hbm>> -> memref<1x40x125xi32, #tpu.memory_space<hbm>>
      %dma_wait3A_452 = tpu.memref_squeeze %dma_wait3A_451 : memref<1x40x125xi32, #tpu.memory_space<hbm>> -> memref<40x125xi32, #tpu.memory_space<hbm>>
      tpu.wait_dma2 semaphore(%run_scoped3A : memref<!tpu.dma_semaphore, #tpu.memory_space<semaphore_mem>>) src(%dma_wait3A_452 : memref<40x125xi32, #tpu.memory_space<hbm>>) dst(%arg6 : memref<40x125xi32, #tpu.memory_space<vmem>>)
      tpu.yield
    }) : () -> ()
    "tpu.region"() ({
      %run_scoped3A = tpu.sem_alloc : memref<!tpu.dma_semaphore, #tpu.memory_space<semaphore_mem>>
      %dma_start3A_437 = arith.constant 40 : i32
      %dma_start3A_438 = arith.constant 0 : i32
      %dma_start3A_439 = tpu.memref_slice %arg4[%add3A, %dma_start3A_437, %dma_start3A_438] : memref<32x80x125xi32, #tpu.memory_space<hbm>> -> memref<1x40x125xi32, #tpu.memory_space<hbm>>
      %dma_start3A_440 = tpu.memref_squeeze %dma_start3A_439 : memref<1x40x125xi32, #tpu.memory_space<hbm>> -> memref<40x125xi32, #tpu.memory_space<hbm>>
      %dma_start3A_441 = arith.constant 40 : i32
      %dma_start3A_442 = arith.constant 0 : i32
      %dma_start3A_443 = tpu.memref_slice %arg4[%add3A, %dma_start3A_441, %dma_start3A_442] : memref<32x80x125xi32, #tpu.memory_space<hbm>> -> memref<1x40x125xi32, #tpu.memory_space<hbm>>
      %dma_start3A_444 = tpu.memref_squeeze %dma_start3A_443 : memref<1x40x125xi32, #tpu.memory_space<hbm>> -> memref<40x125xi32, #tpu.memory_space<hbm>>
      tpu.enqueue_dma source(%dma_start3A_444 : memref<40x125xi32, #tpu.memory_space<hbm>>) target(%arg7 : memref<40x125xi32, #tpu.memory_space<vmem>>) target_semaphore(%run_scoped3A : memref<!tpu.dma_semaphore, #tpu.memory_space<semaphore_mem>>)
      %dma_wait3A_445 = arith.constant 40 : i32
      %dma_wait3A_446 = arith.constant 0 : i32
      %dma_wait3A_447 = tpu.memref_slice %arg4[%add3A, %dma_wait3A_445, %dma_wait3A_446] : memref<32x80x125xi32, #tpu.memory_space<hbm>> -> memref<1x40x125xi32, #tpu.memory_space<hbm>>
      %dma_wait3A_448 = tpu.memref_squeeze %dma_wait3A_447 : memref<1x40x125xi32, #tpu.memory_space<hbm>> -> memref<40x125xi32, #tpu.memory_space<hbm>>
      %dma_wait3A_449 = arith.constant 40 : i32
      %dma_wait3A_450 = arith.constant 0 : i32
      %dma_wait3A_451 = tpu.memref_slice %arg4[%add3A, %dma_wait3A_449, %dma_wait3A_450] : memref<32x80x125xi32, #tpu.memory_space<hbm>> -> memref<1x40x125xi32, #tpu.memory_space<hbm>>
      %dma_wait3A_452 = tpu.memref_squeeze %dma_wait3A_451 : memref<1x40x125xi32, #tpu.memory_space<hbm>> -> memref<40x125xi32, #tpu.memory_space<hbm>>
      tpu.wait_dma2 semaphore(%run_scoped3A : memref<!tpu.dma_semaphore, #tpu.memory_space<semaphore_mem>>) src(%dma_wait3A_452 : memref<40x125xi32, #tpu.memory_space<hbm>>) dst(%arg7 : memref<40x125xi32, #tpu.memory_space<vmem>>)
      tpu.yield
    }) : () -> ()
    %dma_start3A_378 = arith.constant 0 : i32
    %dma_start3A_379 = arith.constant 0 : i32
    %dma_start3A_380 = arith.constant 0 : i32
    %dma_start3A_381 = arith.constant 0 : i32
    %dma_start3A_382 = tpu.memref_slice %arg8[%dma_start3A_379, %dma_start3A_380, %dma_start3A_381] : memref<2x125x128xf32, #tpu.memory_space<vmem>> -> memref<1x125x128xf32, #tpu.memory_space<vmem>>
    %dma_start3A_383 = tpu.memref_squeeze %dma_start3A_382 : memref<1x125x128xf32, #tpu.memory_space<vmem>> -> memref<125x128xf32, #tpu.memory_space<vmem>>
    %dma_start3A_384 = arith.constant 0 : i32
    %dma_start3A_385 = tpu.memref_slice %arg6[%dma_start3A_378, %dma_start3A_384] : memref<40x125xi32, #tpu.memory_space<vmem>> -> memref<1x125xi32, #tpu.memory_space<vmem>>
    %dma_start3A_386 = tpu.memref_squeeze %dma_start3A_385 : memref<1x125xi32, #tpu.memory_space<vmem>> -> memref<125xi32, #tpu.memory_space<vmem>>
    %dma_start3A_387 = arith.constant 0 : i32
    %dma_start3A_388 = arith.constant 0 : i32
    %dma_start3A_389 = tpu.memref_slice %arg2[%dma_start3A_387, %dma_start3A_388] : memref<10000x128xf32, #tpu.memory_space<hbm>> -> memref<10000x128xf32, #tpu.memory_space<hbm>>
    tpu.enqueue_indirect_dma source(%dma_start3A_389 : memref<10000x128xf32, #tpu.memory_space<hbm>>) target(%dma_start3A_383 : memref<125x128xf32, #tpu.memory_space<vmem>>) offsets(%dma_start3A_386 : memref<125xi32, #tpu.memory_space<vmem>>) semaphore(%arg11 : memref<!tpu.dma_semaphore, #tpu.memory_space<semaphore_mem>>)
    %dma_start3A_390 = arith.constant 1 : i32
    %dma_start3A_391 = arith.constant 1 : i32
    %dma_start3A_392 = arith.constant 0 : i32
    %dma_start3A_393 = arith.constant 0 : i32
    %dma_start3A_394 = tpu.memref_slice %arg8[%dma_start3A_391, %dma_start3A_392, %dma_start3A_393] : memref<2x125x128xf32, #tpu.memory_space<vmem>> -> memref<1x125x128xf32, #tpu.memory_space<vmem>>
    %dma_start3A_395 = tpu.memref_squeeze %dma_start3A_394 : memref<1x125x128xf32, #tpu.memory_space<vmem>> -> memref<125x128xf32, #tpu.memory_space<vmem>>
    %dma_start3A_396 = arith.constant 0 : i32
    %dma_start3A_397 = tpu.memref_slice %arg6[%dma_start3A_390, %dma_start3A_396] : memref<40x125xi32, #tpu.memory_space<vmem>> -> memref<1x125xi32, #tpu.memory_space<vmem>>
    %dma_start3A_398 = tpu.memref_squeeze %dma_start3A_397 : memref<1x125xi32, #tpu.memory_space<vmem>> -> memref<125xi32, #tpu.memory_space<vmem>>
    %dma_start3A_399 = arith.constant 0 : i32
    %dma_start3A_400 = arith.constant 0 : i32
    %dma_start3A_401 = tpu.memref_slice %arg2[%dma_start3A_399, %dma_start3A_400] : memref<10000x128xf32, #tpu.memory_space<hbm>> -> memref<10000x128xf32, #tpu.memory_space<hbm>>
    tpu.enqueue_indirect_dma source(%dma_start3A_401 : memref<10000x128xf32, #tpu.memory_space<hbm>>) target(%dma_start3A_395 : memref<125x128xf32, #tpu.memory_space<vmem>>) offsets(%dma_start3A_398 : memref<125xi32, #tpu.memory_space<vmem>>) semaphore(%arg12 : memref<!tpu.dma_semaphore, #tpu.memory_space<semaphore_mem>>)
    %scan3A_402 = arith.constant 0 : i32
    %scan3A_403 = arith.constant 0 : i32
    %scan3A_404 = arith.constant 20 : i32
    %scan3A_405 = arith.addi %scan3A_403, %scan3A_404 : i32
    %scan3A_406 = arith.constant 1 : i32
    scf.for %scan3A_437 = %scan3A_403 to %scan3A_405 step %scan3A_406  : i32 {
      %mul3A_438 = arith.constant 2 : i32
      %mul3A_439 = arith.muli %scan3A_437, %mul3A_438 : i32
      %add3A_440 = arith.constant 0 : i32
      %add3A_441 = arith.addi %mul3A_439, %add3A_440 : i32
      %dma_wait3A_442 = arith.constant 0 : i32
      %dma_wait3A_443 = arith.constant 0 : i32
      %dma_wait3A_444 = arith.constant 0 : i32
      %dma_wait3A_445 = tpu.memref_slice %arg8[%dma_wait3A_442, %dma_wait3A_443, %dma_wait3A_444] : memref<2x125x128xf32, #tpu.memory_space<vmem>> -> memref<1x125x128xf32, #tpu.memory_space<vmem>>
      %dma_wait3A_446 = tpu.memref_squeeze %dma_wait3A_445 : memref<1x125x128xf32, #tpu.memory_space<vmem>> -> memref<125x128xf32, #tpu.memory_space<vmem>>
      %dma_wait3A_447 = arith.constant 0 : i32
      %dma_wait3A_448 = tpu.memref_slice %arg6[%add3A_441, %dma_wait3A_447] : memref<40x125xi32, #tpu.memory_space<vmem>> -> memref<1x125xi32, #tpu.memory_space<vmem>>
      %dma_wait3A_449 = tpu.memref_squeeze %dma_wait3A_448 : memref<1x125xi32, #tpu.memory_space<vmem>> -> memref<125xi32, #tpu.memory_space<vmem>>
      %dma_wait3A_450 = arith.constant 0 : i32
      %dma_wait3A_451 = arith.constant 0 : i32
      %dma_wait3A_452 = tpu.memref_slice %arg2[%dma_wait3A_450, %dma_wait3A_451] : memref<10000x128xf32, #tpu.memory_space<hbm>> -> memref<10000x128xf32, #tpu.memory_space<hbm>>
      tpu.wait_indirect_dma semaphore(%arg11 : memref<!tpu.dma_semaphore, #tpu.memory_space<semaphore_mem>>) src(%dma_wait3A_452 : memref<10000x128xf32, #tpu.memory_space<hbm>>) dst(%dma_wait3A_446 : memref<125x128xf32, #tpu.memory_space<vmem>>)
      %dma_start3A_453 = arith.constant 0 : i32
      %dma_start3A_454 = arith.constant 0 : i32
      %dma_start3A_455 = arith.constant 0 : i32
      %dma_start3A_456 = tpu.memref_slice %arg8[%dma_start3A_453, %dma_start3A_454, %dma_start3A_455] : memref<2x125x128xf32, #tpu.memory_space<vmem>> -> memref<1x125x128xf32, #tpu.memory_space<vmem>>
      %dma_start3A_457 = tpu.memref_squeeze %dma_start3A_456 : memref<1x125x128xf32, #tpu.memory_space<vmem>> -> memref<125x128xf32, #tpu.memory_space<vmem>>
      %dma_start3A_458 = arith.constant 0 : i32
      %dma_start3A_459 = tpu.memref_slice %arg7[%add3A_441, %dma_start3A_458] : memref<40x125xi32, #tpu.memory_space<vmem>> -> memref<1x125xi32, #tpu.memory_space<vmem>>
      %dma_start3A_460 = tpu.memref_squeeze %dma_start3A_459 : memref<1x125xi32, #tpu.memory_space<vmem>> -> memref<125xi32, #tpu.memory_space<vmem>>
      %dma_start3A_461 = arith.constant 0 : i32
      %dma_start3A_462 = arith.constant 0 : i32
      %dma_start3A_463 = tpu.memref_slice %arg10[%dma_start3A_461, %dma_start3A_462] : memref<10240x128xf32, #tpu.memory_space<vmem_shared>> -> memref<10240x128xf32, #tpu.memory_space<vmem_shared>>
      tpu.enqueue_indirect_dma source(%dma_start3A_457 : memref<125x128xf32, #tpu.memory_space<vmem>>) target(%dma_start3A_463 : memref<10240x128xf32, #tpu.memory_space<vmem_shared>>) offsets(%dma_start3A_460 : memref<125xi32, #tpu.memory_space<vmem>>) semaphore(%arg13 : memref<!tpu.dma_semaphore, #tpu.memory_space<semaphore_mem>>) {add = true}
      %sub3A = arith.constant 1 : i32
      %sub3A_464 = arith.subi %add3A_441, %sub3A : i32
      %add3A_465 = arith.constant 2 : i32
      %add3A_466 = arith.addi %sub3A_464, %add3A_465 : i32
      %ge3A = arith.constant 0 : i32
      %ge3A_467 = arith.cmpi sge, %sub3A_464, %ge3A : i32
      %lt3A = arith.constant 40 : i32
      %lt3A_468 = arith.cmpi slt, %add3A_466, %lt3A : i32
      %and3A = arith.andi %ge3A_467, %lt3A_468 : i1
      %convert_element_type3A = arith.extui %and3A : i1 to i32
      %cond3A = arith.constant 0 : i32
      %cond3A_469 = arith.cmpi ne, %convert_element_type3A, %cond3A : i32
      scf.if %cond3A_469 {
        %dma_wait3A_508 = arith.constant 1 : i32
        %dma_wait3A_509 = arith.constant 0 : i32
        %dma_wait3A_510 = arith.constant 0 : i32
        %dma_wait3A_511 = tpu.memref_slice %arg8[%dma_wait3A_508, %dma_wait3A_509, %dma_wait3A_510] : memref<2x125x128xf32, #tpu.memory_space<vmem>> -> memref<1x125x128xf32, #tpu.memory_space<vmem>>
        %dma_wait3A_512 = tpu.memref_squeeze %dma_wait3A_511 : memref<1x125x128xf32, #tpu.memory_space<vmem>> -> memref<125x128xf32, #tpu.memory_space<vmem>>
        %dma_wait3A_513 = arith.constant 0 : i32
        %dma_wait3A_514 = tpu.memref_slice %arg7[%sub3A_464, %dma_wait3A_513] : memref<40x125xi32, #tpu.memory_space<vmem>> -> memref<1x125xi32, #tpu.memory_space<vmem>>
        %dma_wait3A_515 = tpu.memref_squeeze %dma_wait3A_514 : memref<1x125xi32, #tpu.memory_space<vmem>> -> memref<125xi32, #tpu.memory_space<vmem>>
        %dma_wait3A_516 = arith.constant 0 : i32
        %dma_wait3A_517 = arith.constant 0 : i32
        %dma_wait3A_518 = tpu.memref_slice %arg10[%dma_wait3A_516, %dma_wait3A_517] : memref<10240x128xf32, #tpu.memory_space<vmem_shared>> -> memref<10240x128xf32, #tpu.memory_space<vmem_shared>>
        tpu.wait_indirect_dma semaphore(%arg14 : memref<!tpu.dma_semaphore, #tpu.memory_space<semaphore_mem>>) src(%dma_wait3A_512 : memref<125x128xf32, #tpu.memory_space<vmem>>) dst(%dma_wait3A_518 : memref<10240x128xf32, #tpu.memory_space<vmem_shared>>)
        %dma_start3A_519 = arith.constant 1 : i32
        %dma_start3A_520 = arith.constant 0 : i32
        %dma_start3A_521 = arith.constant 0 : i32
        %dma_start3A_522 = tpu.memref_slice %arg8[%dma_start3A_519, %dma_start3A_520, %dma_start3A_521] : memref<2x125x128xf32, #tpu.memory_space<vmem>> -> memref<1x125x128xf32, #tpu.memory_space<vmem>>
        %dma_start3A_523 = tpu.memref_squeeze %dma_start3A_522 : memref<1x125x128xf32, #tpu.memory_space<vmem>> -> memref<125x128xf32, #tpu.memory_space<vmem>>
        %dma_start3A_524 = arith.constant 0 : i32
        %dma_start3A_525 = tpu.memref_slice %arg6[%add3A_466, %dma_start3A_524] : memref<40x125xi32, #tpu.memory_space<vmem>> -> memref<1x125xi32, #tpu.memory_space<vmem>>
        %dma_start3A_526 = tpu.memref_squeeze %dma_start3A_525 : memref<1x125xi32, #tpu.memory_space<vmem>> -> memref<125xi32, #tpu.memory_space<vmem>>
        %dma_start3A_527 = arith.constant 0 : i32
        %dma_start3A_528 = arith.constant 0 : i32
        %dma_start3A_529 = tpu.memref_slice %arg2[%dma_start3A_527, %dma_start3A_528] : memref<10000x128xf32, #tpu.memory_space<hbm>> -> memref<10000x128xf32, #tpu.memory_space<hbm>>
        tpu.enqueue_indirect_dma source(%dma_start3A_529 : memref<10000x128xf32, #tpu.memory_space<hbm>>) target(%dma_start3A_523 : memref<125x128xf32, #tpu.memory_space<vmem>>) offsets(%dma_start3A_526 : memref<125xi32, #tpu.memory_space<vmem>>) semaphore(%arg12 : memref<!tpu.dma_semaphore, #tpu.memory_space<semaphore_mem>>)
      } else {
      }
      %mul3A_470 = arith.constant 2 : i32
      %mul3A_471 = arith.muli %scan3A_437, %mul3A_470 : i32
      %add3A_472 = arith.constant 1 : i32
      %add3A_473 = arith.addi %mul3A_471, %add3A_472 : i32
      %dma_wait3A_474 = arith.constant 1 : i32
      %dma_wait3A_475 = arith.constant 0 : i32
      %dma_wait3A_476 = arith.constant 0 : i32
      %dma_wait3A_477 = tpu.memref_slice %arg8[%dma_wait3A_474, %dma_wait3A_475, %dma_wait3A_476] : memref<2x125x128xf32, #tpu.memory_space<vmem>> -> memref<1x125x128xf32, #tpu.memory_space<vmem>>
      %dma_wait3A_478 = tpu.memref_squeeze %dma_wait3A_477 : memref<1x125x128xf32, #tpu.memory_space<vmem>> -> memref<125x128xf32, #tpu.memory_space<vmem>>
      %dma_wait3A_479 = arith.constant 0 : i32
      %dma_wait3A_480 = tpu.memref_slice %arg6[%add3A_473, %dma_wait3A_479] : memref<40x125xi32, #tpu.memory_space<vmem>> -> memref<1x125xi32, #tpu.memory_space<vmem>>
      %dma_wait3A_481 = tpu.memref_squeeze %dma_wait3A_480 : memref<1x125xi32, #tpu.memory_space<vmem>> -> memref<125xi32, #tpu.memory_space<vmem>>
      %dma_wait3A_482 = arith.constant 0 : i32
      %dma_wait3A_483 = arith.constant 0 : i32
      %dma_wait3A_484 = tpu.memref_slice %arg2[%dma_wait3A_482, %dma_wait3A_483] : memref<10000x128xf32, #tpu.memory_space<hbm>> -> memref<10000x128xf32, #tpu.memory_space<hbm>>
      tpu.wait_indirect_dma semaphore(%arg12 : memref<!tpu.dma_semaphore, #tpu.memory_space<semaphore_mem>>) src(%dma_wait3A_484 : memref<10000x128xf32, #tpu.memory_space<hbm>>) dst(%dma_wait3A_478 : memref<125x128xf32, #tpu.memory_space<vmem>>)
      %dma_start3A_485 = arith.constant 1 : i32
      %dma_start3A_486 = arith.constant 0 : i32
      %dma_start3A_487 = arith.constant 0 : i32
      %dma_start3A_488 = tpu.memref_slice %arg8[%dma_start3A_485, %dma_start3A_486, %dma_start3A_487] : memref<2x125x128xf32, #tpu.memory_space<vmem>> -> memref<1x125x128xf32, #tpu.memory_space<vmem>>
      %dma_start3A_489 = tpu.memref_squeeze %dma_start3A_488 : memref<1x125x128xf32, #tpu.memory_space<vmem>> -> memref<125x128xf32, #tpu.memory_space<vmem>>
      %dma_start3A_490 = arith.constant 0 : i32
      %dma_start3A_491 = tpu.memref_slice %arg7[%add3A_473, %dma_start3A_490] : memref<40x125xi32, #tpu.memory_space<vmem>> -> memref<1x125xi32, #tpu.memory_space<vmem>>
      %dma_start3A_492 = tpu.memref_squeeze %dma_start3A_491 : memref<1x125xi32, #tpu.memory_space<vmem>> -> memref<125xi32, #tpu.memory_space<vmem>>
      %dma_start3A_493 = arith.constant 0 : i32
      %dma_start3A_494 = arith.constant 0 : i32
      %dma_start3A_495 = tpu.memref_slice %arg10[%dma_start3A_493, %dma_start3A_494] : memref<10240x128xf32, #tpu.memory_space<vmem_shared>> -> memref<10240x128xf32, #tpu.memory_space<vmem_shared>>
      tpu.enqueue_indirect_dma source(%dma_start3A_489 : memref<125x128xf32, #tpu.memory_space<vmem>>) target(%dma_start3A_495 : memref<10240x128xf32, #tpu.memory_space<vmem_shared>>) offsets(%dma_start3A_492 : memref<125xi32, #tpu.memory_space<vmem>>) semaphore(%arg14 : memref<!tpu.dma_semaphore, #tpu.memory_space<semaphore_mem>>) {add = true}
      %sub3A_496 = arith.constant 1 : i32
      %sub3A_497 = arith.subi %add3A_473, %sub3A_496 : i32
      %add3A_498 = arith.constant 2 : i32
      %add3A_499 = arith.addi %sub3A_497, %add3A_498 : i32
      %ge3A_500 = arith.constant 0 : i32
      %ge3A_501 = arith.cmpi sge, %sub3A_497, %ge3A_500 : i32
      %lt3A_502 = arith.constant 40 : i32
      %lt3A_503 = arith.cmpi slt, %add3A_499, %lt3A_502 : i32
      %and3A_504 = arith.andi %ge3A_501, %lt3A_503 : i1
      %convert_element_type3A_505 = arith.extui %and3A_504 : i1 to i32
      %cond3A_506 = arith.constant 0 : i32
      %cond3A_507 = arith.cmpi ne, %convert_element_type3A_505, %cond3A_506 : i32
      scf.if %cond3A_507 {
        %dma_wait3A_508 = arith.constant 0 : i32
        %dma_wait3A_509 = arith.constant 0 : i32
        %dma_wait3A_510 = arith.constant 0 : i32
        %dma_wait3A_511 = tpu.memref_slice %arg8[%dma_wait3A_508, %dma_wait3A_509, %dma_wait3A_510] : memref<2x125x128xf32, #tpu.memory_space<vmem>> -> memref<1x125x128xf32, #tpu.memory_space<vmem>>
        %dma_wait3A_512 = tpu.memref_squeeze %dma_wait3A_511 : memref<1x125x128xf32, #tpu.memory_space<vmem>> -> memref<125x128xf32, #tpu.memory_space<vmem>>
        %dma_wait3A_513 = arith.constant 0 : i32
        %dma_wait3A_514 = tpu.memref_slice %arg7[%sub3A_497, %dma_wait3A_513] : memref<40x125xi32, #tpu.memory_space<vmem>> -> memref<1x125xi32, #tpu.memory_space<vmem>>
        %dma_wait3A_515 = tpu.memref_squeeze %dma_wait3A_514 : memref<1x125xi32, #tpu.memory_space<vmem>> -> memref<125xi32, #tpu.memory_space<vmem>>
        %dma_wait3A_516 = arith.constant 0 : i32
        %dma_wait3A_517 = arith.constant 0 : i32
        %dma_wait3A_518 = tpu.memref_slice %arg10[%dma_wait3A_516, %dma_wait3A_517] : memref<10240x128xf32, #tpu.memory_space<vmem_shared>> -> memref<10240x128xf32, #tpu.memory_space<vmem_shared>>
        tpu.wait_indirect_dma semaphore(%arg13 : memref<!tpu.dma_semaphore, #tpu.memory_space<semaphore_mem>>) src(%dma_wait3A_512 : memref<125x128xf32, #tpu.memory_space<vmem>>) dst(%dma_wait3A_518 : memref<10240x128xf32, #tpu.memory_space<vmem_shared>>)
        %dma_start3A_519 = arith.constant 0 : i32
        %dma_start3A_520 = arith.constant 0 : i32
        %dma_start3A_521 = arith.constant 0 : i32
        %dma_start3A_522 = tpu.memref_slice %arg8[%dma_start3A_519, %dma_start3A_520, %dma_start3A_521] : memref<2x125x128xf32, #tpu.memory_space<vmem>> -> memref<1x125x128xf32, #tpu.memory_space<vmem>>
        %dma_start3A_523 = tpu.memref_squeeze %dma_start3A_522 : memref<1x125x128xf32, #tpu.memory_space<vmem>> -> memref<125x128xf32, #tpu.memory_space<vmem>>
        %dma_start3A_524 = arith.constant 0 : i32
        %dma_start3A_525 = tpu.memref_slice %arg6[%add3A_499, %dma_start3A_524] : memref<40x125xi32, #tpu.memory_space<vmem>> -> memref<1x125xi32, #tpu.memory_space<vmem>>
        %dma_start3A_526 = tpu.memref_squeeze %dma_start3A_525 : memref<1x125xi32, #tpu.memory_space<vmem>> -> memref<125xi32, #tpu.memory_space<vmem>>
        %dma_start3A_527 = arith.constant 0 : i32
        %dma_start3A_528 = arith.constant 0 : i32
        %dma_start3A_529 = tpu.memref_slice %arg2[%dma_start3A_527, %dma_start3A_528] : memref<10000x128xf32, #tpu.memory_space<hbm>> -> memref<10000x128xf32, #tpu.memory_space<hbm>>
        tpu.enqueue_indirect_dma source(%dma_start3A_529 : memref<10000x128xf32, #tpu.memory_space<hbm>>) target(%dma_start3A_523 : memref<125x128xf32, #tpu.memory_space<vmem>>) offsets(%dma_start3A_526 : memref<125xi32, #tpu.memory_space<vmem>>) semaphore(%arg11 : memref<!tpu.dma_semaphore, #tpu.memory_space<semaphore_mem>>)
      } else {
      }
    }
    %scan3A_407 = arith.constant 20 : i32
    %dma_wait3A_408 = arith.constant 0 : i32
    %dma_wait3A_409 = arith.constant 38 : i32
    %dma_wait3A_410 = arith.constant 0 : i32
    %dma_wait3A_411 = arith.constant 0 : i32
    %dma_wait3A_412 = tpu.memref_slice %arg8[%dma_wait3A_408, %dma_wait3A_410, %dma_wait3A_411] : memref<2x125x128xf32, #tpu.memory_space<vmem>> -> memref<1x125x128xf32, #tpu.memory_space<vmem>>
    %dma_wait3A_413 = tpu.memref_squeeze %dma_wait3A_412 : memref<1x125x128xf32, #tpu.memory_space<vmem>> -> memref<125x128xf32, #tpu.memory_space<vmem>>
    %dma_wait3A_414 = arith.constant 0 : i32
    %dma_wait3A_415 = tpu.memref_slice %arg7[%dma_wait3A_409, %dma_wait3A_414] : memref<40x125xi32, #tpu.memory_space<vmem>> -> memref<1x125xi32, #tpu.memory_space<vmem>>
    %dma_wait3A_416 = tpu.memref_squeeze %dma_wait3A_415 : memref<1x125xi32, #tpu.memory_space<vmem>> -> memref<125xi32, #tpu.memory_space<vmem>>
    %dma_wait3A_417 = arith.constant 0 : i32
    %dma_wait3A_418 = arith.constant 0 : i32
    %dma_wait3A_419 = tpu.memref_slice %arg10[%dma_wait3A_417, %dma_wait3A_418] : memref<10240x128xf32, #tpu.memory_space<vmem_shared>> -> memref<10240x128xf32, #tpu.memory_space<vmem_shared>>
    tpu.wait_indirect_dma semaphore(%arg13 : memref<!tpu.dma_semaphore, #tpu.memory_space<semaphore_mem>>) src(%dma_wait3A_413 : memref<125x128xf32, #tpu.memory_space<vmem>>) dst(%dma_wait3A_419 : memref<10240x128xf32, #tpu.memory_space<vmem_shared>>)
    %dma_wait3A_420 = arith.constant 1 : i32
    %dma_wait3A_421 = arith.constant 39 : i32
    %dma_wait3A_422 = arith.constant 0 : i32
    %dma_wait3A_423 = arith.constant 0 : i32
    %dma_wait3A_424 = tpu.memref_slice %arg8[%dma_wait3A_420, %dma_wait3A_422, %dma_wait3A_423] : memref<2x125x128xf32, #tpu.memory_space<vmem>> -> memref<1x125x128xf32, #tpu.memory_space<vmem>>
    %dma_wait3A_425 = tpu.memref_squeeze %dma_wait3A_424 : memref<1x125x128xf32, #tpu.memory_space<vmem>> -> memref<125x128xf32, #tpu.memory_space<vmem>>
    %dma_wait3A_426 = arith.constant 0 : i32
    %dma_wait3A_427 = tpu.memref_slice %arg7[%dma_wait3A_421, %dma_wait3A_426] : memref<40x125xi32, #tpu.memory_space<vmem>> -> memref<1x125xi32, #tpu.memory_space<vmem>>
    %dma_wait3A_428 = tpu.memref_squeeze %dma_wait3A_427 : memref<1x125xi32, #tpu.memory_space<vmem>> -> memref<125xi32, #tpu.memory_space<vmem>>
    %dma_wait3A_429 = arith.constant 0 : i32
    %dma_wait3A_430 = arith.constant 0 : i32
    %dma_wait3A_431 = tpu.memref_slice %arg10[%dma_wait3A_429, %dma_wait3A_430] : memref<10240x128xf32, #tpu.memory_space<vmem_shared>> -> memref<10240x128xf32, #tpu.memory_space<vmem_shared>>
    tpu.wait_indirect_dma semaphore(%arg14 : memref<!tpu.dma_semaphore, #tpu.memory_space<semaphore_mem>>) src(%dma_wait3A_425 : memref<125x128xf32, #tpu.memory_space<vmem>>) dst(%dma_wait3A_431 : memref<10240x128xf32, #tpu.memory_space<vmem_shared>>)
    %barrier3A_432 = arith.constant 0 : index
    tpu.barrier barrier_id(%barrier3A_432)
    %mul3A_433 = arith.constant 640 : i32
    %mul3A_434 = arith.muli %arg1, %mul3A_433 : i32
    %mul3A_435 = arith.constant 640 : i32
    %mul3A_436 = arith.muli %arg1, %mul3A_435 : i32
    "tpu.region"() ({
      %run_scoped3A = tpu.sem_alloc : memref<!tpu.dma_semaphore, #tpu.memory_space<semaphore_mem>>
      %dma_start3A_437 = arith.constant 0 : i32
      %dma_start3A_438 = tpu.memref_slice %arg5[%arg0, %mul3A_436, %dma_start3A_437] : memref<2x10240x128xf32, #tpu.memory_space<hbm>> -> memref<1x640x128xf32, #tpu.memory_space<hbm>>
      %dma_start3A_439 = tpu.memref_squeeze %dma_start3A_438 : memref<1x640x128xf32, #tpu.memory_space<hbm>> -> memref<640x128xf32, #tpu.memory_space<hbm>>
      %dma_start3A_440 = arith.constant 0 : i32
      %dma_start3A_441 = tpu.memref_slice %arg10[%mul3A_434, %dma_start3A_440] : memref<10240x128xf32, #tpu.memory_space<vmem_shared>> -> memref<640x128xf32, #tpu.memory_space<vmem_shared>>
      tpu.enqueue_dma source(%dma_start3A_441 : memref<640x128xf32, #tpu.memory_space<vmem_shared>>) target(%dma_start3A_439 : memref<640x128xf32, #tpu.memory_space<hbm>>) target_semaphore(%run_scoped3A : memref<!tpu.dma_semaphore, #tpu.memory_space<semaphore_mem>>)
      %dma_wait3A_442 = arith.constant 0 : i32
      %dma_wait3A_443 = tpu.memref_slice %arg5[%arg0, %mul3A_436, %dma_wait3A_442] : memref<2x10240x128xf32, #tpu.memory_space<hbm>> -> memref<1x640x128xf32, #tpu.memory_space<hbm>>
      %dma_wait3A_444 = tpu.memref_squeeze %dma_wait3A_443 : memref<1x640x128xf32, #tpu.memory_space<hbm>> -> memref<640x128xf32, #tpu.memory_space<hbm>>
      %dma_wait3A_445 = arith.constant 0 : i32
      %dma_wait3A_446 = tpu.memref_slice %arg10[%mul3A_434, %dma_wait3A_445] : memref<10240x128xf32, #tpu.memory_space<vmem_shared>> -> memref<640x128xf32, #tpu.memory_space<vmem_shared>>
      tpu.wait_dma2 semaphore(%run_scoped3A : memref<!tpu.dma_semaphore, #tpu.memory_space<semaphore_mem>>) src(%dma_wait3A_446 : memref<640x128xf32, #tpu.memory_space<vmem_shared>>) dst(%dma_wait3A_444 : memref<640x128xf32, #tpu.memory_space<hbm>>)
      tpu.yield
    }) : () -> ()
    return
  }
}

#map = affine_map<(d0, d1) -> (0, 0)>
#map1 = affine_map<(d0, d1) -> (0, 0, 0)>
module attributes {stable_mosaic.version = 14 : i64} {
  func.func @_sc_scatter_body(%arg0: i32, %arg1: i32, %arg2: memref<10000x128xf32, #tpu.memory_space<hbm>>, %arg3: memref<32x80x125xi32, #tpu.memory_space<hbm>>, %arg4: memref<32x80x125xi32, #tpu.memory_space<hbm>>, %arg5: memref<2x10240x128xf32, #tpu.memory_space<hbm>>, %arg6: memref<40x125xi32, #tpu.memory_space<vmem>>, %arg7: memref<40x125xi32, #tpu.memory_space<vmem>>, %arg8: memref<2x125x128xf32, #tpu.memory_space<vmem>>, %arg9: memref<32x128xf32, #tpu.memory_space<vmem>>, %arg10: memref<10240x128xf32, #tpu.memory_space<vmem_shared>>, %arg11: memref<!tpu.dma_semaphore, #tpu.memory_space<semaphore_mem>>, %arg12: memref<!tpu.dma_semaphore, #tpu.memory_space<semaphore_mem>>, %arg13: memref<!tpu.dma_semaphore, #tpu.memory_space<semaphore_mem>>, %arg14: memref<!tpu.dma_semaphore, #tpu.memory_space<semaphore_mem>>) attributes {dimension_semantics = [#tpu.dimension_semantics<core_parallel>, #tpu.dimension_semantics<subcore_parallel>], iteration_bounds = array<i64: 2, 16>, scalar_prefetch = 0 : i64, scratch_operands = 9 : i64, tpu.core_type = #tpu.core_type<sc_vector_subcore>, window_params = [{transform_indices = #map}, {transform_indices = #map1}, {transform_indices = #map1}, {transform_indices = #map1}]} {
    %mul3A = arith.constant 16 : i32
    %mul3A_0 = arith.muli %arg0, %mul3A : i32
    %add3A = arith.addi %mul3A_0, %arg1 : i32
    %scan3A = arith.constant 0 : i32
    %scan3A_1 = arith.constant 0 : i32
    %scan3A_2 = arith.constant 32 : i32
    %scan3A_3 = arith.addi %scan3A_1, %scan3A_2 : i32
    %scan3A_4 = arith.constant 1 : i32
    scf.for %scan3A_437 = %scan3A_1 to %scan3A_3 step %scan3A_4  : i32 {
      %broadcast_in_dim3A = arith.constant 0.000000e+00 : f32
      %broadcast_in_dim3A_438 = vector.broadcast %broadcast_in_dim3A : f32 to vector<16xf32>
      %swap3A = arith.index_cast %scan3A_437 : i32 to index
      %swap3A_439 = arith.constant 0 : index
      %swap3A_440 = tpu.vector_load %arg9[%swap3A, %swap3A_439] {strides = array<i32>} : memref<32x128xf32, #tpu.memory_space<vmem>>, vector<1x16xf32>,
      %swap3A_441 = vector.shape_cast %swap3A_440 : vector<1x16xf32> to vector<16xf32>
      %swap3A_442 = vector.shape_cast %broadcast_in_dim3A_438 : vector<16xf32> to vector<1x16xf32>
      tpu.vector_store %arg9[%swap3A, %swap3A_439], %swap3A_442 {strides = array<i32>} : memref<32x128xf32, #tpu.memory_space<vmem>>, vector<1x16xf32>,
      %broadcast_in_dim3A_443 = arith.constant 0.000000e+00 : f32
      %broadcast_in_dim3A_444 = vector.broadcast %broadcast_in_dim3A_443 : f32 to vector<16xf32>
      %swap3A_445 = arith.index_cast %scan3A_437 : i32 to index
      %swap3A_446 = arith.constant 16 : index
      %swap3A_447 = tpu.vector_load %arg9[%swap3A_445, %swap3A_446] {strides = array<i32>} : memref<32x128xf32, #tpu.memory_space<vmem>>, vector<1x16xf32>,
      %swap3A_448 = vector.shape_cast %swap3A_447 : vector<1x16xf32> to vector<16xf32>
      %swap3A_449 = vector.shape_cast %broadcast_in_dim3A_444 : vector<16xf32> to vector<1x16xf32>
      tpu.vector_store %arg9[%swap3A_445, %swap3A_446], %swap3A_449 {strides = array<i32>} : memref<32x128xf32, #tpu.memory_space<vmem>>, vector<1x16xf32>,
      %broadcast_in_dim3A_450 = arith.constant 0.000000e+00 : f32
      %broadcast_in_dim3A_451 = vector.broadcast %broadcast_in_dim3A_450 : f32 to vector<16xf32>
      %swap3A_452 = arith.index_cast %scan3A_437 : i32 to index
      %swap3A_453 = arith.constant 32 : index
      %swap3A_454 = tpu.vector_load %arg9[%swap3A_452, %swap3A_453] {strides = array<i32>} : memref<32x128xf32, #tpu.memory_space<vmem>>, vector<1x16xf32>,
      %swap3A_455 = vector.shape_cast %swap3A_454 : vector<1x16xf32> to vector<16xf32>
      %swap3A_456 = vector.shape_cast %broadcast_in_dim3A_451 : vector<16xf32> to vector<1x16xf32>
      tpu.vector_store %arg9[%swap3A_452, %swap3A_453], %swap3A_456 {strides = array<i32>} : memref<32x128xf32, #tpu.memory_space<vmem>>, vector<1x16xf32>,
      %broadcast_in_dim3A_457 = arith.constant 0.000000e+00 : f32
      %broadcast_in_dim3A_458 = vector.broadcast %broadcast_in_dim3A_457 : f32 to vector<16xf32>
      %swap3A_459 = arith.index_cast %scan3A_437 : i32 to index
      %swap3A_460 = arith.constant 48 : index
      %swap3A_461 = tpu.vector_load %arg9[%swap3A_459, %swap3A_460] {strides = array<i32>} : memref<32x128xf32, #tpu.memory_space<vmem>>, vector<1x16xf32>,
      %swap3A_462 = vector.shape_cast %swap3A_461 : vector<1x16xf32> to vector<16xf32>
      %swap3A_463 = vector.shape_cast %broadcast_in_dim3A_458 : vector<16xf32> to vector<1x16xf32>
      tpu.vector_store %arg9[%swap3A_459, %swap3A_460], %swap3A_463 {strides = array<i32>} : memref<32x128xf32, #tpu.memory_space<vmem>>, vector<1x16xf32>,
      %broadcast_in_dim3A_464 = arith.constant 0.000000e+00 : f32
      %broadcast_in_dim3A_465 = vector.broadcast %broadcast_in_dim3A_464 : f32 to vector<16xf32>
      %swap3A_466 = arith.index_cast %scan3A_437 : i32 to index
      %swap3A_467 = arith.constant 64 : index
      %swap3A_468 = tpu.vector_load %arg9[%swap3A_466, %swap3A_467] {strides = array<i32>} : memref<32x128xf32, #tpu.memory_space<vmem>>, vector<1x16xf32>,
      %swap3A_469 = vector.shape_cast %swap3A_468 : vector<1x16xf32> to vector<16xf32>
      %swap3A_470 = vector.shape_cast %broadcast_in_dim3A_465 : vector<16xf32> to vector<1x16xf32>
      tpu.vector_store %arg9[%swap3A_466, %swap3A_467], %swap3A_470 {strides = array<i32>} : memref<32x128xf32, #tpu.memory_space<vmem>>, vector<1x16xf32>,
      %broadcast_in_dim3A_471 = arith.constant 0.000000e+00 : f32
      %broadcast_in_dim3A_472 = vector.broadcast %broadcast_in_dim3A_471 : f32 to vector<16xf32>
      %swap3A_473 = arith.index_cast %scan3A_437 : i32 to index
      %swap3A_474 = arith.constant 80 : index
      %swap3A_475 = tpu.vector_load %arg9[%swap3A_473, %swap3A_474] {strides = array<i32>} : memref<32x128xf32, #tpu.memory_space<vmem>>, vector<1x16xf32>,
      %swap3A_476 = vector.shape_cast %swap3A_475 : vector<1x16xf32> to vector<16xf32>
      %swap3A_477 = vector.shape_cast %broadcast_in_dim3A_472 : vector<16xf32> to vector<1x16xf32>
      tpu.vector_store %arg9[%swap3A_473, %swap3A_474], %swap3A_477 {strides = array<i32>} : memref<32x128xf32, #tpu.memory_space<vmem>>, vector<1x16xf32>,
      %broadcast_in_dim3A_478 = arith.constant 0.000000e+00 : f32
      %broadcast_in_dim3A_479 = vector.broadcast %broadcast_in_dim3A_478 : f32 to vector<16xf32>
      %swap3A_480 = arith.index_cast %scan3A_437 : i32 to index
      %swap3A_481 = arith.constant 96 : index
      %swap3A_482 = tpu.vector_load %arg9[%swap3A_480, %swap3A_481] {strides = array<i32>} : memref<32x128xf32, #tpu.memory_space<vmem>>, vector<1x16xf32>,
      %swap3A_483 = vector.shape_cast %swap3A_482 : vector<1x16xf32> to vector<16xf32>
      %swap3A_484 = vector.shape_cast %broadcast_in_dim3A_479 : vector<16xf32> to vector<1x16xf32>
      tpu.vector_store %arg9[%swap3A_480, %swap3A_481], %swap3A_484 {strides = array<i32>} : memref<32x128xf32, #tpu.memory_space<vmem>>, vector<1x16xf32>,
      %broadcast_in_dim3A_485 = arith.constant 0.000000e+00 : f32
      %broadcast_in_dim3A_486 = vector.broadcast %broadcast_in_dim3A_485 : f32 to vector<16xf32>
      %swap3A_487 = arith.index_cast %scan3A_437 : i32 to index
      %swap3A_488 = arith.constant 112 : index
      %swap3A_489 = tpu.vector_load %arg9[%swap3A_487, %swap3A_488] {strides = array<i32>} : memref<32x128xf32, #tpu.memory_space<vmem>>, vector<1x16xf32>,
      %swap3A_490 = vector.shape_cast %swap3A_489 : vector<1x16xf32> to vector<16xf32>
      %swap3A_491 = vector.shape_cast %broadcast_in_dim3A_486 : vector<16xf32> to vector<1x16xf32>
      tpu.vector_store %arg9[%swap3A_487, %swap3A_488], %swap3A_491 {strides = array<i32>} : memref<32x128xf32, #tpu.memory_space<vmem>>, vector<1x16xf32>,
    }
    %scan3A_5 = arith.constant 32 : i32
    %mul3A_6 = arith.constant 640 : i32
    %mul3A_7 = arith.muli %arg1, %mul3A_6 : i32
    %add3A_8 = arith.constant 0 : i32
    %add3A_9 = arith.addi %mul3A_7, %add3A_8 : i32
    %dma_start3A = arith.constant 0 : i32
    %dma_start3A_10 = tpu.memref_slice %arg10[%add3A_9, %dma_start3A] : memref<10240x128xf32, #tpu.memory_space<vmem_shared>> -> memref<32x128xf32, #tpu.memory_space<vmem_shared>>
    %dma_start3A_11 = arith.constant 0 : i32
    %dma_start3A_12 = tpu.memref_slice %arg10[%add3A_9, %dma_start3A_11] : memref<10240x128xf32, #tpu.memory_space<vmem_shared>> -> memref<32x128xf32, #tpu.memory_space<vmem_shared>>
    tpu.enqueue_dma source(%arg9 : memref<32x128xf32, #tpu.memory_space<vmem>>) target(%dma_start3A_12 : memref<32x128xf32, #tpu.memory_space<vmem_shared>>) target_semaphore(%arg13 : memref<!tpu.dma_semaphore, #tpu.memory_space<semaphore_mem>>)
    %mul3A_13 = arith.constant 640 : i32
    %mul3A_14 = arith.muli %arg1, %mul3A_13 : i32
    %add3A_15 = arith.constant 32 : i32
    %add3A_16 = arith.addi %mul3A_14, %add3A_15 : i32
    %dma_start3A_17 = arith.constant 0 : i32
    %dma_start3A_18 = tpu.memref_slice %arg10[%add3A_16, %dma_start3A_17] : memref<10240x128xf32, #tpu.memory_space<vmem_shared>> -> memref<32x128xf32, #tpu.memory_space<vmem_shared>>
    %dma_start3A_19 = arith.constant 0 : i32
    %dma_start3A_20 = tpu.memref_slice %arg10[%add3A_16, %dma_start3A_19] : memref<10240x128xf32, #tpu.memory_space<vmem_shared>> -> memref<32x128xf32, #tpu.memory_space<vmem_shared>>
    tpu.enqueue_dma source(%arg9 : memref<32x128xf32, #tpu.memory_space<vmem>>) target(%dma_start3A_20 : memref<32x128xf32, #tpu.memory_space<vmem_shared>>) target_semaphore(%arg13 : memref<!tpu.dma_semaphore, #tpu.memory_space<semaphore_mem>>)
    %mul3A_21 = arith.constant 640 : i32
    %mul3A_22 = arith.muli %arg1, %mul3A_21 : i32
    %add3A_23 = arith.constant 64 : i32
    %add3A_24 = arith.addi %mul3A_22, %add3A_23 : i32
    %dma_start3A_25 = arith.constant 0 : i32
    %dma_start3A_26 = tpu.memref_slice %arg10[%add3A_24, %dma_start3A_25] : memref<10240x128xf32, #tpu.memory_space<vmem_shared>> -> memref<32x128xf32, #tpu.memory_space<vmem_shared>>
    %dma_start3A_27 = arith.constant 0 : i32
    %dma_start3A_28 = tpu.memref_slice %arg10[%add3A_24, %dma_start3A_27] : memref<10240x128xf32, #tpu.memory_space<vmem_shared>> -> memref<32x128xf32, #tpu.memory_space<vmem_shared>>
    tpu.enqueue_dma source(%arg9 : memref<32x128xf32, #tpu.memory_space<vmem>>) target(%dma_start3A_28 : memref<32x128xf32, #tpu.memory_space<vmem_shared>>) target_semaphore(%arg13 : memref<!tpu.dma_semaphore, #tpu.memory_space<semaphore_mem>>)
    %mul3A_29 = arith.constant 640 : i32
    %mul3A_30 = arith.muli %arg1, %mul3A_29 : i32
    %add3A_31 = arith.constant 96 : i32
    %add3A_32 = arith.addi %mul3A_30, %add3A_31 : i32
    %dma_start3A_33 = arith.constant 0 : i32
    %dma_start3A_34 = tpu.memref_slice %arg10[%add3A_32, %dma_start3A_33] : memref<10240x128xf32, #tpu.memory_space<vmem_shared>> -> memref<32x128xf32, #tpu.memory_space<vmem_shared>>
    %dma_start3A_35 = arith.constant 0 : i32
    %dma_start3A_36 = tpu.memref_slice %arg10[%add3A_32, %dma_start3A_35] : memref<10240x128xf32, #tpu.memory_space<vmem_shared>> -> memref<32x128xf32, #tpu.memory_space<vmem_shared>>
    tpu.enqueue_dma source(%arg9 : memref<32x128xf32, #tpu.memory_space<vmem>>) target(%dma_start3A_36 : memref<32x128xf32, #tpu.memory_space<vmem_shared>>) target_semaphore(%arg13 : memref<!tpu.dma_semaphore, #tpu.memory_space<semaphore_mem>>)
    %mul3A_37 = arith.constant 640 : i32
    %mul3A_38 = arith.muli %arg1, %mul3A_37 : i32
    %add3A_39 = arith.constant 128 : i32
    %add3A_40 = arith.addi %mul3A_38, %add3A_39 : i32
    %dma_start3A_41 = arith.constant 0 : i32
    %dma_start3A_42 = tpu.memref_slice %arg10[%add3A_40, %dma_start3A_41] : memref<10240x128xf32, #tpu.memory_space<vmem_shared>> -> memref<32x128xf32, #tpu.memory_space<vmem_shared>>
    %dma_start3A_43 = arith.constant 0 : i32
    %dma_start3A_44 = tpu.memref_slice %arg10[%add3A_40, %dma_start3A_43] : memref<10240x128xf32, #tpu.memory_space<vmem_shared>> -> memref<32x128xf32, #tpu.memory_space<vmem_shared>>
    tpu.enqueue_dma source(%arg9 : memref<32x128xf32, #tpu.memory_space<vmem>>) target(%dma_start3A_44 : memref<32x128xf32, #tpu.memory_space<vmem_shared>>) target_semaphore(%arg13 : memref<!tpu.dma_semaphore, #tpu.memory_space<semaphore_mem>>)
    %mul3A_45 = arith.constant 640 : i32
    %mul3A_46 = arith.muli %arg1, %mul3A_45 : i32
    %add3A_47 = arith.constant 160 : i32
    %add3A_48 = arith.addi %mul3A_46, %add3A_47 : i32
    %dma_start3A_49 = arith.constant 0 : i32
    %dma_start3A_50 = tpu.memref_slice %arg10[%add3A_48, %dma_start3A_49] : memref<10240x128xf32, #tpu.memory_space<vmem_shared>> -> memref<32x128xf32, #tpu.memory_space<vmem_shared>>
    %dma_start3A_51 = arith.constant 0 : i32
    %dma_start3A_52 = tpu.memref_slice %arg10[%add3A_48, %dma_start3A_51] : memref<10240x128xf32, #tpu.memory_space<vmem_shared>> -> memref<32x128xf32, #tpu.memory_space<vmem_shared>>
    tpu.enqueue_dma source(%arg9 : memref<32x128xf32, #tpu.memory_space<vmem>>) target(%dma_start3A_52 : memref<32x128xf32, #tpu.memory_space<vmem_shared>>) target_semaphore(%arg13 : memref<!tpu.dma_semaphore, #tpu.memory_space<semaphore_mem>>)
    %mul3A_53 = arith.constant 640 : i32
    %mul3A_54 = arith.muli %arg1, %mul3A_53 : i32
    %add3A_55 = arith.constant 192 : i32
    %add3A_56 = arith.addi %mul3A_54, %add3A_55 : i32
    %dma_start3A_57 = arith.constant 0 : i32
    %dma_start3A_58 = tpu.memref_slice %arg10[%add3A_56, %dma_start3A_57] : memref<10240x128xf32, #tpu.memory_space<vmem_shared>> -> memref<32x128xf32, #tpu.memory_space<vmem_shared>>
    %dma_start3A_59 = arith.constant 0 : i32
    %dma_start3A_60 = tpu.memref_slice %arg10[%add3A_56, %dma_start3A_59] : memref<10240x128xf32, #tpu.memory_space<vmem_shared>> -> memref<32x128xf32, #tpu.memory_space<vmem_shared>>
    tpu.enqueue_dma source(%arg9 : memref<32x128xf32, #tpu.memory_space<vmem>>) target(%dma_start3A_60 : memref<32x128xf32, #tpu.memory_space<vmem_shared>>) target_semaphore(%arg13 : memref<!tpu.dma_semaphore, #tpu.memory_space<semaphore_mem>>)
    %mul3A_61 = arith.constant 640 : i32
    %mul3A_62 = arith.muli %arg1, %mul3A_61 : i32
    %add3A_63 = arith.constant 224 : i32
    %add3A_64 = arith.addi %mul3A_62, %add3A_63 : i32
    %dma_start3A_65 = arith.constant 0 : i32
    %dma_start3A_66 = tpu.memref_slice %arg10[%add3A_64, %dma_start3A_65] : memref<10240x128xf32, #tpu.memory_space<vmem_shared>> -> memref<32x128xf32, #tpu.memory_space<vmem_shared>>
    %dma_start3A_67 = arith.constant 0 : i32
    %dma_start3A_68 = tpu.memref_slice %arg10[%add3A_64, %dma_start3A_67] : memref<10240x128xf32, #tpu.memory_space<vmem_shared>> -> memref<32x128xf32, #tpu.memory_space<vmem_shared>>
    tpu.enqueue_dma source(%arg9 : memref<32x128xf32, #tpu.memory_space<vmem>>) target(%dma_start3A_68 : memref<32x128xf32, #tpu.memory_space<vmem_shared>>) target_semaphore(%arg13 : memref<!tpu.dma_semaphore, #tpu.memory_space<semaphore_mem>>)
    %mul3A_69 = arith.constant 640 : i32
    %mul3A_70 = arith.muli %arg1, %mul3A_69 : i32
    %add3A_71 = arith.constant 256 : i32
    %add3A_72 = arith.addi %mul3A_70, %add3A_71 : i32
    %dma_start3A_73 = arith.constant 0 : i32
    %dma_start3A_74 = tpu.memref_slice %arg10[%add3A_72, %dma_start3A_73] : memref<10240x128xf32, #tpu.memory_space<vmem_shared>> -> memref<32x128xf32, #tpu.memory_space<vmem_shared>>
    %dma_start3A_75 = arith.constant 0 : i32
    %dma_start3A_76 = tpu.memref_slice %arg10[%add3A_72, %dma_start3A_75] : memref<10240x128xf32, #tpu.memory_space<vmem_shared>> -> memref<32x128xf32, #tpu.memory_space<vmem_shared>>
    tpu.enqueue_dma source(%arg9 : memref<32x128xf32, #tpu.memory_space<vmem>>) target(%dma_start3A_76 : memref<32x128xf32, #tpu.memory_space<vmem_shared>>) target_semaphore(%arg13 : memref<!tpu.dma_semaphore, #tpu.memory_space<semaphore_mem>>)
    %mul3A_77 = arith.constant 640 : i32
    %mul3A_78 = arith.muli %arg1, %mul3A_77 : i32
    %add3A_79 = arith.constant 288 : i32
    %add3A_80 = arith.addi %mul3A_78, %add3A_79 : i32
    %dma_start3A_81 = arith.constant 0 : i32
    %dma_start3A_82 = tpu.memref_slice %arg10[%add3A_80, %dma_start3A_81] : memref<10240x128xf32, #tpu.memory_space<vmem_shared>> -> memref<32x128xf32, #tpu.memory_space<vmem_shared>>
    %dma_start3A_83 = arith.constant 0 : i32
    %dma_start3A_84 = tpu.memref_slice %arg10[%add3A_80, %dma_start3A_83] : memref<10240x128xf32, #tpu.memory_space<vmem_shared>> -> memref<32x128xf32, #tpu.memory_space<vmem_shared>>
    tpu.enqueue_dma source(%arg9 : memref<32x128xf32, #tpu.memory_space<vmem>>) target(%dma_start3A_84 : memref<32x128xf32, #tpu.memory_space<vmem_shared>>) target_semaphore(%arg13 : memref<!tpu.dma_semaphore, #tpu.memory_space<semaphore_mem>>)
    %mul3A_85 = arith.constant 640 : i32
    %mul3A_86 = arith.muli %arg1, %mul3A_85 : i32
    %add3A_87 = arith.constant 320 : i32
    %add3A_88 = arith.addi %mul3A_86, %add3A_87 : i32
    %dma_start3A_89 = arith.constant 0 : i32
    %dma_start3A_90 = tpu.memref_slice %arg10[%add3A_88, %dma_start3A_89] : memref<10240x128xf32, #tpu.memory_space<vmem_shared>> -> memref<32x128xf32, #tpu.memory_space<vmem_shared>>
    %dma_start3A_91 = arith.constant 0 : i32
    %dma_start3A_92 = tpu.memref_slice %arg10[%add3A_88, %dma_start3A_91] : memref<10240x128xf32, #tpu.memory_space<vmem_shared>> -> memref<32x128xf32, #tpu.memory_space<vmem_shared>>
    tpu.enqueue_dma source(%arg9 : memref<32x128xf32, #tpu.memory_space<vmem>>) target(%dma_start3A_92 : memref<32x128xf32, #tpu.memory_space<vmem_shared>>) target_semaphore(%arg13 : memref<!tpu.dma_semaphore, #tpu.memory_space<semaphore_mem>>)
    %mul3A_93 = arith.constant 640 : i32
    %mul3A_94 = arith.muli %arg1, %mul3A_93 : i32
    %add3A_95 = arith.constant 352 : i32
    %add3A_96 = arith.addi %mul3A_94, %add3A_95 : i32
    %dma_start3A_97 = arith.constant 0 : i32
    %dma_start3A_98 = tpu.memref_slice %arg10[%add3A_96, %dma_start3A_97] : memref<10240x128xf32, #tpu.memory_space<vmem_shared>> -> memref<32x128xf32, #tpu.memory_space<vmem_shared>>
    %dma_start3A_99 = arith.constant 0 : i32
    %dma_start3A_100 = tpu.memref_slice %arg10[%add3A_96, %dma_start3A_99] : memref<10240x128xf32, #tpu.memory_space<vmem_shared>> -> memref<32x128xf32, #tpu.memory_space<vmem_shared>>
    tpu.enqueue_dma source(%arg9 : memref<32x128xf32, #tpu.memory_space<vmem>>) target(%dma_start3A_100 : memref<32x128xf32, #tpu.memory_space<vmem_shared>>) target_semaphore(%arg13 : memref<!tpu.dma_semaphore, #tpu.memory_space<semaphore_mem>>)
    %mul3A_101 = arith.constant 640 : i32
    %mul3A_102 = arith.muli %arg1, %mul3A_101 : i32
    %add3A_103 = arith.constant 384 : i32
    %add3A_104 = arith.addi %mul3A_102, %add3A_103 : i32
    %dma_start3A_105 = arith.constant 0 : i32
    %dma_start3A_106 = tpu.memref_slice %arg10[%add3A_104, %dma_start3A_105] : memref<10240x128xf32, #tpu.memory_space<vmem_shared>> -> memref<32x128xf32, #tpu.memory_space<vmem_shared>>
    %dma_start3A_107 = arith.constant 0 : i32
    %dma_start3A_108 = tpu.memref_slice %arg10[%add3A_104, %dma_start3A_107] : memref<10240x128xf32, #tpu.memory_space<vmem_shared>> -> memref<32x128xf32, #tpu.memory_space<vmem_shared>>
    tpu.enqueue_dma source(%arg9 : memref<32x128xf32, #tpu.memory_space<vmem>>) target(%dma_start3A_108 : memref<32x128xf32, #tpu.memory_space<vmem_shared>>) target_semaphore(%arg13 : memref<!tpu.dma_semaphore, #tpu.memory_space<semaphore_mem>>)
    %mul3A_109 = arith.constant 640 : i32
    %mul3A_110 = arith.muli %arg1, %mul3A_109 : i32
    %add3A_111 = arith.constant 416 : i32
    %add3A_112 = arith.addi %mul3A_110, %add3A_111 : i32
    %dma_start3A_113 = arith.constant 0 : i32
    %dma_start3A_114 = tpu.memref_slice %arg10[%add3A_112, %dma_start3A_113] : memref<10240x128xf32, #tpu.memory_space<vmem_shared>> -> memref<32x128xf32, #tpu.memory_space<vmem_shared>>
    %dma_start3A_115 = arith.constant 0 : i32
    %dma_start3A_116 = tpu.memref_slice %arg10[%add3A_112, %dma_start3A_115] : memref<10240x128xf32, #tpu.memory_space<vmem_shared>> -> memref<32x128xf32, #tpu.memory_space<vmem_shared>>
    tpu.enqueue_dma source(%arg9 : memref<32x128xf32, #tpu.memory_space<vmem>>) target(%dma_start3A_116 : memref<32x128xf32, #tpu.memory_space<vmem_shared>>) target_semaphore(%arg13 : memref<!tpu.dma_semaphore, #tpu.memory_space<semaphore_mem>>)
    %mul3A_117 = arith.constant 640 : i32
    %mul3A_118 = arith.muli %arg1, %mul3A_117 : i32
    %add3A_119 = arith.constant 448 : i32
    %add3A_120 = arith.addi %mul3A_118, %add3A_119 : i32
    %dma_start3A_121 = arith.constant 0 : i32
    %dma_start3A_122 = tpu.memref_slice %arg10[%add3A_120, %dma_start3A_121] : memref<10240x128xf32, #tpu.memory_space<vmem_shared>> -> memref<32x128xf32, #tpu.memory_space<vmem_shared>>
    %dma_start3A_123 = arith.constant 0 : i32
    %dma_start3A_124 = tpu.memref_slice %arg10[%add3A_120, %dma_start3A_123] : memref<10240x128xf32, #tpu.memory_space<vmem_shared>> -> memref<32x128xf32, #tpu.memory_space<vmem_shared>>
    tpu.enqueue_dma source(%arg9 : memref<32x128xf32, #tpu.memory_space<vmem>>) target(%dma_start3A_124 : memref<32x128xf32, #tpu.memory_space<vmem_shared>>) target_semaphore(%arg13 : memref<!tpu.dma_semaphore, #tpu.memory_space<semaphore_mem>>)
    %mul3A_125 = arith.constant 640 : i32
    %mul3A_126 = arith.muli %arg1, %mul3A_125 : i32
    %add3A_127 = arith.constant 480 : i32
    %add3A_128 = arith.addi %mul3A_126, %add3A_127 : i32
    %dma_start3A_129 = arith.constant 0 : i32
    %dma_start3A_130 = tpu.memref_slice %arg10[%add3A_128, %dma_start3A_129] : memref<10240x128xf32, #tpu.memory_space<vmem_shared>> -> memref<32x128xf32, #tpu.memory_space<vmem_shared>>
    %dma_start3A_131 = arith.constant 0 : i32
    %dma_start3A_132 = tpu.memref_slice %arg10[%add3A_128, %dma_start3A_131] : memref<10240x128xf32, #tpu.memory_space<vmem_shared>> -> memref<32x128xf32, #tpu.memory_space<vmem_shared>>
    tpu.enqueue_dma source(%arg9 : memref<32x128xf32, #tpu.memory_space<vmem>>) target(%dma_start3A_132 : memref<32x128xf32, #tpu.memory_space<vmem_shared>>) target_semaphore(%arg13 : memref<!tpu.dma_semaphore, #tpu.memory_space<semaphore_mem>>)
    %mul3A_133 = arith.constant 640 : i32
    %mul3A_134 = arith.muli %arg1, %mul3A_133 : i32
    %add3A_135 = arith.constant 512 : i32
    %add3A_136 = arith.addi %mul3A_134, %add3A_135 : i32
    %dma_start3A_137 = arith.constant 0 : i32
    %dma_start3A_138 = tpu.memref_slice %arg10[%add3A_136, %dma_start3A_137] : memref<10240x128xf32, #tpu.memory_space<vmem_shared>> -> memref<32x128xf32, #tpu.memory_space<vmem_shared>>
    %dma_start3A_139 = arith.constant 0 : i32
    %dma_start3A_140 = tpu.memref_slice %arg10[%add3A_136, %dma_start3A_139] : memref<10240x128xf32, #tpu.memory_space<vmem_shared>> -> memref<32x128xf32, #tpu.memory_space<vmem_shared>>
    tpu.enqueue_dma source(%arg9 : memref<32x128xf32, #tpu.memory_space<vmem>>) target(%dma_start3A_140 : memref<32x128xf32, #tpu.memory_space<vmem_shared>>) target_semaphore(%arg13 : memref<!tpu.dma_semaphore, #tpu.memory_space<semaphore_mem>>)
    %mul3A_141 = arith.constant 640 : i32
    %mul3A_142 = arith.muli %arg1, %mul3A_141 : i32
    %add3A_143 = arith.constant 544 : i32
    %add3A_144 = arith.addi %mul3A_142, %add3A_143 : i32
    %dma_start3A_145 = arith.constant 0 : i32
    %dma_start3A_146 = tpu.memref_slice %arg10[%add3A_144, %dma_start3A_145] : memref<10240x128xf32, #tpu.memory_space<vmem_shared>> -> memref<32x128xf32, #tpu.memory_space<vmem_shared>>
    %dma_start3A_147 = arith.constant 0 : i32
    %dma_start3A_148 = tpu.memref_slice %arg10[%add3A_144, %dma_start3A_147] : memref<10240x128xf32, #tpu.memory_space<vmem_shared>> -> memref<32x128xf32, #tpu.memory_space<vmem_shared>>
    tpu.enqueue_dma source(%arg9 : memref<32x128xf32, #tpu.memory_space<vmem>>) target(%dma_start3A_148 : memref<32x128xf32, #tpu.memory_space<vmem_shared>>) target_semaphore(%arg13 : memref<!tpu.dma_semaphore, #tpu.memory_space<semaphore_mem>>)
    %mul3A_149 = arith.constant 640 : i32
    %mul3A_150 = arith.muli %arg1, %mul3A_149 : i32
    %add3A_151 = arith.constant 576 : i32
    %add3A_152 = arith.addi %mul3A_150, %add3A_151 : i32
    %dma_start3A_153 = arith.constant 0 : i32
    %dma_start3A_154 = tpu.memref_slice %arg10[%add3A_152, %dma_start3A_153] : memref<10240x128xf32, #tpu.memory_space<vmem_shared>> -> memref<32x128xf32, #tpu.memory_space<vmem_shared>>
    %dma_start3A_155 = arith.constant 0 : i32
    %dma_start3A_156 = tpu.memref_slice %arg10[%add3A_152, %dma_start3A_155] : memref<10240x128xf32, #tpu.memory_space<vmem_shared>> -> memref<32x128xf32, #tpu.memory_space<vmem_shared>>
    tpu.enqueue_dma source(%arg9 : memref<32x128xf32, #tpu.memory_space<vmem>>) target(%dma_start3A_156 : memref<32x128xf32, #tpu.memory_space<vmem_shared>>) target_semaphore(%arg13 : memref<!tpu.dma_semaphore, #tpu.memory_space<semaphore_mem>>)
    %mul3A_157 = arith.constant 640 : i32
    %mul3A_158 = arith.muli %arg1, %mul3A_157 : i32
    %add3A_159 = arith.constant 608 : i32
    %add3A_160 = arith.addi %mul3A_158, %add3A_159 : i32
    %dma_start3A_161 = arith.constant 0 : i32
    %dma_start3A_162 = tpu.memref_slice %arg10[%add3A_160, %dma_start3A_161] : memref<10240x128xf32, #tpu.memory_space<vmem_shared>> -> memref<32x128xf32, #tpu.memory_space<vmem_shared>>
    %dma_start3A_163 = arith.constant 0 : i32
    %dma_start3A_164 = tpu.memref_slice %arg10[%add3A_160, %dma_start3A_163] : memref<10240x128xf32, #tpu.memory_space<vmem_shared>> -> memref<32x128xf32, #tpu.memory_space<vmem_shared>>
    tpu.enqueue_dma source(%arg9 : memref<32x128xf32, #tpu.memory_space<vmem>>) target(%dma_start3A_164 : memref<32x128xf32, #tpu.memory_space<vmem_shared>>) target_semaphore(%arg13 : memref<!tpu.dma_semaphore, #tpu.memory_space<semaphore_mem>>)
    "tpu.region"() ({
      %run_scoped3A = tpu.sem_alloc : memref<!tpu.dma_semaphore, #tpu.memory_space<semaphore_mem>>
      %dma_start3A_437 = arith.constant 0 : i32
      %dma_start3A_438 = arith.constant 0 : i32
      %dma_start3A_439 = tpu.memref_slice %arg3[%add3A, %dma_start3A_437, %dma_start3A_438] : memref<32x80x125xi32, #tpu.memory_space<hbm>> -> memref<1x40x125xi32, #tpu.memory_space<hbm>>
      %dma_start3A_440 = tpu.memref_squeeze %dma_start3A_439 : memref<1x40x125xi32, #tpu.memory_space<hbm>> -> memref<40x125xi32, #tpu.memory_space<hbm>>
      %dma_start3A_441 = arith.constant 0 : i32
      %dma_start3A_442 = arith.constant 0 : i32
      %dma_start3A_443 = tpu.memref_slice %arg3[%add3A, %dma_start3A_441, %dma_start3A_442] : memref<32x80x125xi32, #tpu.memory_space<hbm>> -> memref<1x40x125xi32, #tpu.memory_space<hbm>>
      %dma_start3A_444 = tpu.memref_squeeze %dma_start3A_443 : memref<1x40x125xi32, #tpu.memory_space<hbm>> -> memref<40x125xi32, #tpu.memory_space<hbm>>
      tpu.enqueue_dma source(%dma_start3A_444 : memref<40x125xi32, #tpu.memory_space<hbm>>) target(%arg6 : memref<40x125xi32, #tpu.memory_space<vmem>>) target_semaphore(%run_scoped3A : memref<!tpu.dma_semaphore, #tpu.memory_space<semaphore_mem>>)
      %dma_wait3A_445 = arith.constant 0 : i32
      %dma_wait3A_446 = arith.constant 0 : i32
      %dma_wait3A_447 = tpu.memref_slice %arg3[%add3A, %dma_wait3A_445, %dma_wait3A_446] : memref<32x80x125xi32, #tpu.memory_space<hbm>> -> memref<1x40x125xi32, #tpu.memory_space<hbm>>
      %dma_wait3A_448 = tpu.memref_squeeze %dma_wait3A_447 : memref<1x40x125xi32, #tpu.memory_space<hbm>> -> memref<40x125xi32, #tpu.memory_space<hbm>>
      %dma_wait3A_449 = arith.constant 0 : i32
      %dma_wait3A_450 = arith.constant 0 : i32
      %dma_wait3A_451 = tpu.memref_slice %arg3[%add3A, %dma_wait3A_449, %dma_wait3A_450] : memref<32x80x125xi32, #tpu.memory_space<hbm>> -> memref<1x40x125xi32, #tpu.memory_space<hbm>>
      %dma_wait3A_452 = tpu.memref_squeeze %dma_wait3A_451 : memref<1x40x125xi32, #tpu.memory_space<hbm>> -> memref<40x125xi32, #tpu.memory_space<hbm>>
      tpu.wait_dma2 semaphore(%run_scoped3A : memref<!tpu.dma_semaphore, #tpu.memory_space<semaphore_mem>>) src(%dma_wait3A_452 : memref<40x125xi32, #tpu.memory_space<hbm>>) dst(%arg6 : memref<40x125xi32, #tpu.memory_space<vmem>>)
      tpu.yield
    }) : () -> ()
    "tpu.region"() ({
      %run_scoped3A = tpu.sem_alloc : memref<!tpu.dma_semaphore, #tpu.memory_space<semaphore_mem>>
      %dma_start3A_437 = arith.constant 0 : i32
      %dma_start3A_438 = arith.constant 0 : i32
      %dma_start3A_439 = tpu.memref_slice %arg4[%add3A, %dma_start3A_437, %dma_start3A_438] : memref<32x80x125xi32, #tpu.memory_space<hbm>> -> memref<1x40x125xi32, #tpu.memory_space<hbm>>
      %dma_start3A_440 = tpu.memref_squeeze %dma_start3A_439 : memref<1x40x125xi32, #tpu.memory_space<hbm>> -> memref<40x125xi32, #tpu.memory_space<hbm>>
      %dma_start3A_441 = arith.constant 0 : i32
      %dma_start3A_442 = arith.constant 0 : i32
      %dma_start3A_443 = tpu.memref_slice %arg4[%add3A, %dma_start3A_441, %dma_start3A_442] : memref<32x80x125xi32, #tpu.memory_space<hbm>> -> memref<1x40x125xi32, #tpu.memory_space<hbm>>
      %dma_start3A_444 = tpu.memref_squeeze %dma_start3A_443 : memref<1x40x125xi32, #tpu.memory_space<hbm>> -> memref<40x125xi32, #tpu.memory_space<hbm>>
      tpu.enqueue_dma source(%dma_start3A_444 : memref<40x125xi32, #tpu.memory_space<hbm>>) target(%arg7 : memref<40x125xi32, #tpu.memory_space<vmem>>) target_semaphore(%run_scoped3A : memref<!tpu.dma_semaphore, #tpu.memory_space<semaphore_mem>>)
      %dma_wait3A_445 = arith.constant 0 : i32
      %dma_wait3A_446 = arith.constant 0 : i32
      %dma_wait3A_447 = tpu.memref_slice %arg4[%add3A, %dma_wait3A_445, %dma_wait3A_446] : memref<32x80x125xi32, #tpu.memory_space<hbm>> -> memref<1x40x125xi32, #tpu.memory_space<hbm>>
      %dma_wait3A_448 = tpu.memref_squeeze %dma_wait3A_447 : memref<1x40x125xi32, #tpu.memory_space<hbm>> -> memref<40x125xi32, #tpu.memory_space<hbm>>
      %dma_wait3A_449 = arith.constant 0 : i32
      %dma_wait3A_450 = arith.constant 0 : i32
      %dma_wait3A_451 = tpu.memref_slice %arg4[%add3A, %dma_wait3A_449, %dma_wait3A_450] : memref<32x80x125xi32, #tpu.memory_space<hbm>> -> memref<1x40x125xi32, #tpu.memory_space<hbm>>
      %dma_wait3A_452 = tpu.memref_squeeze %dma_wait3A_451 : memref<1x40x125xi32, #tpu.memory_space<hbm>> -> memref<40x125xi32, #tpu.memory_space<hbm>>
      tpu.wait_dma2 semaphore(%run_scoped3A : memref<!tpu.dma_semaphore, #tpu.memory_space<semaphore_mem>>) src(%dma_wait3A_452 : memref<40x125xi32, #tpu.memory_space<hbm>>) dst(%arg7 : memref<40x125xi32, #tpu.memory_space<vmem>>)
      tpu.yield
    }) : () -> ()
    %dma_start3A_165 = arith.constant 0 : i32
    %dma_start3A_166 = arith.constant 0 : i32
    %dma_start3A_167 = arith.constant 0 : i32
    %dma_start3A_168 = arith.constant 0 : i32
    %dma_start3A_169 = tpu.memref_slice %arg8[%dma_start3A_166, %dma_start3A_167, %dma_start3A_168] : memref<2x125x128xf32, #tpu.memory_space<vmem>> -> memref<1x125x128xf32, #tpu.memory_space<vmem>>
    %dma_start3A_170 = tpu.memref_squeeze %dma_start3A_169 : memref<1x125x128xf32, #tpu.memory_space<vmem>> -> memref<125x128xf32, #tpu.memory_space<vmem>>
    %dma_start3A_171 = arith.constant 0 : i32
    %dma_start3A_172 = tpu.memref_slice %arg6[%dma_start3A_165, %dma_start3A_171] : memref<40x125xi32, #tpu.memory_space<vmem>> -> memref<1x125xi32, #tpu.memory_space<vmem>>
    %dma_start3A_173 = tpu.memref_squeeze %dma_start3A_172 : memref<1x125xi32, #tpu.memory_space<vmem>> -> memref<125xi32, #tpu.memory_space<vmem>>
    %dma_start3A_174 = arith.constant 0 : i32
    %dma_start3A_175 = arith.constant 0 : i32
    %dma_start3A_176 = tpu.memref_slice %arg2[%dma_start3A_174, %dma_start3A_175] : memref<10000x128xf32, #tpu.memory_space<hbm>> -> memref<10000x128xf32, #tpu.memory_space<hbm>>
    tpu.enqueue_indirect_dma source(%dma_start3A_176 : memref<10000x128xf32, #tpu.memory_space<hbm>>) target(%dma_start3A_170 : memref<125x128xf32, #tpu.memory_space<vmem>>) offsets(%dma_start3A_173 : memref<125xi32, #tpu.memory_space<vmem>>) semaphore(%arg11 : memref<!tpu.dma_semaphore, #tpu.memory_space<semaphore_mem>>)
    %dma_start3A_177 = arith.constant 1 : i32
    %dma_start3A_178 = arith.constant 1 : i32
    %dma_start3A_179 = arith.constant 0 : i32
    %dma_start3A_180 = arith.constant 0 : i32
    %dma_start3A_181 = tpu.memref_slice %arg8[%dma_start3A_178, %dma_start3A_179, %dma_start3A_180] : memref<2x125x128xf32, #tpu.memory_space<vmem>> -> memref<1x125x128xf32, #tpu.memory_space<vmem>>
    %dma_start3A_182 = tpu.memref_squeeze %dma_start3A_181 : memref<1x125x128xf32, #tpu.memory_space<vmem>> -> memref<125x128xf32, #tpu.memory_space<vmem>>
    %dma_start3A_183 = arith.constant 0 : i32
    %dma_start3A_184 = tpu.memref_slice %arg6[%dma_start3A_177, %dma_start3A_183] : memref<40x125xi32, #tpu.memory_space<vmem>> -> memref<1x125xi32, #tpu.memory_space<vmem>>
    %dma_start3A_185 = tpu.memref_squeeze %dma_start3A_184 : memref<1x125xi32, #tpu.memory_space<vmem>> -> memref<125xi32, #tpu.memory_space<vmem>>
    %dma_start3A_186 = arith.constant 0 : i32
    %dma_start3A_187 = arith.constant 0 : i32
    %dma_start3A_188 = tpu.memref_slice %arg2[%dma_start3A_186, %dma_start3A_187] : memref<10000x128xf32, #tpu.memory_space<hbm>> -> memref<10000x128xf32, #tpu.memory_space<hbm>>
    tpu.enqueue_indirect_dma source(%dma_start3A_188 : memref<10000x128xf32, #tpu.memory_space<hbm>>) target(%dma_start3A_182 : memref<125x128xf32, #tpu.memory_space<vmem>>) offsets(%dma_start3A_185 : memref<125xi32, #tpu.memory_space<vmem>>) semaphore(%arg12 : memref<!tpu.dma_semaphore, #tpu.memory_space<semaphore_mem>>)
    %mul3A_189 = arith.constant 640 : i32
    %mul3A_190 = arith.muli %arg1, %mul3A_189 : i32
    %add3A_191 = arith.constant 0 : i32
    %add3A_192 = arith.addi %mul3A_190, %add3A_191 : i32
    %dma_wait3A = arith.constant 0 : i32
    %dma_wait3A_193 = tpu.memref_slice %arg10[%add3A_192, %dma_wait3A] : memref<10240x128xf32, #tpu.memory_space<vmem_shared>> -> memref<32x128xf32, #tpu.memory_space<vmem_shared>>
    %dma_wait3A_194 = arith.constant 0 : i32
    %dma_wait3A_195 = tpu.memref_slice %arg10[%add3A_192, %dma_wait3A_194] : memref<10240x128xf32, #tpu.memory_space<vmem_shared>> -> memref<32x128xf32, #tpu.memory_space<vmem_shared>>
    tpu.wait_dma2 semaphore(%arg13 : memref<!tpu.dma_semaphore, #tpu.memory_space<semaphore_mem>>) src(%arg9 : memref<32x128xf32, #tpu.memory_space<vmem>>) dst(%dma_wait3A_195 : memref<32x128xf32, #tpu.memory_space<vmem_shared>>)
    %mul3A_196 = arith.constant 640 : i32
    %mul3A_197 = arith.muli %arg1, %mul3A_196 : i32
    %add3A_198 = arith.constant 32 : i32
    %add3A_199 = arith.addi %mul3A_197, %add3A_198 : i32
    %dma_wait3A_200 = arith.constant 0 : i32
    %dma_wait3A_201 = tpu.memref_slice %arg10[%add3A_199, %dma_wait3A_200] : memref<10240x128xf32, #tpu.memory_space<vmem_shared>> -> memref<32x128xf32, #tpu.memory_space<vmem_shared>>
    %dma_wait3A_202 = arith.constant 0 : i32
    %dma_wait3A_203 = tpu.memref_slice %arg10[%add3A_199, %dma_wait3A_202] : memref<10240x128xf32, #tpu.memory_space<vmem_shared>> -> memref<32x128xf32, #tpu.memory_space<vmem_shared>>
    tpu.wait_dma2 semaphore(%arg13 : memref<!tpu.dma_semaphore, #tpu.memory_space<semaphore_mem>>) src(%arg9 : memref<32x128xf32, #tpu.memory_space<vmem>>) dst(%dma_wait3A_203 : memref<32x128xf32, #tpu.memory_space<vmem_shared>>)
    %mul3A_204 = arith.constant 640 : i32
    %mul3A_205 = arith.muli %arg1, %mul3A_204 : i32
    %add3A_206 = arith.constant 64 : i32
    %add3A_207 = arith.addi %mul3A_205, %add3A_206 : i32
    %dma_wait3A_208 = arith.constant 0 : i32
    %dma_wait3A_209 = tpu.memref_slice %arg10[%add3A_207, %dma_wait3A_208] : memref<10240x128xf32, #tpu.memory_space<vmem_shared>> -> memref<32x128xf32, #tpu.memory_space<vmem_shared>>
    %dma_wait3A_210 = arith.constant 0 : i32
    %dma_wait3A_211 = tpu.memref_slice %arg10[%add3A_207, %dma_wait3A_210] : memref<10240x128xf32, #tpu.memory_space<vmem_shared>> -> memref<32x128xf32, #tpu.memory_space<vmem_shared>>
    tpu.wait_dma2 semaphore(%arg13 : memref<!tpu.dma_semaphore, #tpu.memory_space<semaphore_mem>>) src(%arg9 : memref<32x128xf32, #tpu.memory_space<vmem>>) dst(%dma_wait3A_211 : memref<32x128xf32, #tpu.memory_space<vmem_shared>>)
    %mul3A_212 = arith.constant 640 : i32
    %mul3A_213 = arith.muli %arg1, %mul3A_212 : i32
    %add3A_214 = arith.constant 96 : i32
    %add3A_215 = arith.addi %mul3A_213, %add3A_214 : i32
    %dma_wait3A_216 = arith.constant 0 : i32
    %dma_wait3A_217 = tpu.memref_slice %arg10[%add3A_215, %dma_wait3A_216] : memref<10240x128xf32, #tpu.memory_space<vmem_shared>> -> memref<32x128xf32, #tpu.memory_space<vmem_shared>>
    %dma_wait3A_218 = arith.constant 0 : i32
    %dma_wait3A_219 = tpu.memref_slice %arg10[%add3A_215, %dma_wait3A_218] : memref<10240x128xf32, #tpu.memory_space<vmem_shared>> -> memref<32x128xf32, #tpu.memory_space<vmem_shared>>
    tpu.wait_dma2 semaphore(%arg13 : memref<!tpu.dma_semaphore, #tpu.memory_space<semaphore_mem>>) src(%arg9 : memref<32x128xf32, #tpu.memory_space<vmem>>) dst(%dma_wait3A_219 : memref<32x128xf32, #tpu.memory_space<vmem_shared>>)
    %mul3A_220 = arith.constant 640 : i32
    %mul3A_221 = arith.muli %arg1, %mul3A_220 : i32
    %add3A_222 = arith.constant 128 : i32
    %add3A_223 = arith.addi %mul3A_221, %add3A_222 : i32
    %dma_wait3A_224 = arith.constant 0 : i32
    %dma_wait3A_225 = tpu.memref_slice %arg10[%add3A_223, %dma_wait3A_224] : memref<10240x128xf32, #tpu.memory_space<vmem_shared>> -> memref<32x128xf32, #tpu.memory_space<vmem_shared>>
    %dma_wait3A_226 = arith.constant 0 : i32
    %dma_wait3A_227 = tpu.memref_slice %arg10[%add3A_223, %dma_wait3A_226] : memref<10240x128xf32, #tpu.memory_space<vmem_shared>> -> memref<32x128xf32, #tpu.memory_space<vmem_shared>>
    tpu.wait_dma2 semaphore(%arg13 : memref<!tpu.dma_semaphore, #tpu.memory_space<semaphore_mem>>) src(%arg9 : memref<32x128xf32, #tpu.memory_space<vmem>>) dst(%dma_wait3A_227 : memref<32x128xf32, #tpu.memory_space<vmem_shared>>)
    %mul3A_228 = arith.constant 640 : i32
    %mul3A_229 = arith.muli %arg1, %mul3A_228 : i32
    %add3A_230 = arith.constant 160 : i32
    %add3A_231 = arith.addi %mul3A_229, %add3A_230 : i32
    %dma_wait3A_232 = arith.constant 0 : i32
    %dma_wait3A_233 = tpu.memref_slice %arg10[%add3A_231, %dma_wait3A_232] : memref<10240x128xf32, #tpu.memory_space<vmem_shared>> -> memref<32x128xf32, #tpu.memory_space<vmem_shared>>
    %dma_wait3A_234 = arith.constant 0 : i32
    %dma_wait3A_235 = tpu.memref_slice %arg10[%add3A_231, %dma_wait3A_234] : memref<10240x128xf32, #tpu.memory_space<vmem_shared>> -> memref<32x128xf32, #tpu.memory_space<vmem_shared>>
    tpu.wait_dma2 semaphore(%arg13 : memref<!tpu.dma_semaphore, #tpu.memory_space<semaphore_mem>>) src(%arg9 : memref<32x128xf32, #tpu.memory_space<vmem>>) dst(%dma_wait3A_235 : memref<32x128xf32, #tpu.memory_space<vmem_shared>>)
    %mul3A_236 = arith.constant 640 : i32
    %mul3A_237 = arith.muli %arg1, %mul3A_236 : i32
    %add3A_238 = arith.constant 192 : i32
    %add3A_239 = arith.addi %mul3A_237, %add3A_238 : i32
    %dma_wait3A_240 = arith.constant 0 : i32
    %dma_wait3A_241 = tpu.memref_slice %arg10[%add3A_239, %dma_wait3A_240] : memref<10240x128xf32, #tpu.memory_space<vmem_shared>> -> memref<32x128xf32, #tpu.memory_space<vmem_shared>>
    %dma_wait3A_242 = arith.constant 0 : i32
    %dma_wait3A_243 = tpu.memref_slice %arg10[%add3A_239, %dma_wait3A_242] : memref<10240x128xf32, #tpu.memory_space<vmem_shared>> -> memref<32x128xf32, #tpu.memory_space<vmem_shared>>
    tpu.wait_dma2 semaphore(%arg13 : memref<!tpu.dma_semaphore, #tpu.memory_space<semaphore_mem>>) src(%arg9 : memref<32x128xf32, #tpu.memory_space<vmem>>) dst(%dma_wait3A_243 : memref<32x128xf32, #tpu.memory_space<vmem_shared>>)
    %mul3A_244 = arith.constant 640 : i32
    %mul3A_245 = arith.muli %arg1, %mul3A_244 : i32
    %add3A_246 = arith.constant 224 : i32
    %add3A_247 = arith.addi %mul3A_245, %add3A_246 : i32
    %dma_wait3A_248 = arith.constant 0 : i32
    %dma_wait3A_249 = tpu.memref_slice %arg10[%add3A_247, %dma_wait3A_248] : memref<10240x128xf32, #tpu.memory_space<vmem_shared>> -> memref<32x128xf32, #tpu.memory_space<vmem_shared>>
    %dma_wait3A_250 = arith.constant 0 : i32
    %dma_wait3A_251 = tpu.memref_slice %arg10[%add3A_247, %dma_wait3A_250] : memref<10240x128xf32, #tpu.memory_space<vmem_shared>> -> memref<32x128xf32, #tpu.memory_space<vmem_shared>>
    tpu.wait_dma2 semaphore(%arg13 : memref<!tpu.dma_semaphore, #tpu.memory_space<semaphore_mem>>) src(%arg9 : memref<32x128xf32, #tpu.memory_space<vmem>>) dst(%dma_wait3A_251 : memref<32x128xf32, #tpu.memory_space<vmem_shared>>)
    %mul3A_252 = arith.constant 640 : i32
    %mul3A_253 = arith.muli %arg1, %mul3A_252 : i32
    %add3A_254 = arith.constant 256 : i32
    %add3A_255 = arith.addi %mul3A_253, %add3A_254 : i32
    %dma_wait3A_256 = arith.constant 0 : i32
    %dma_wait3A_257 = tpu.memref_slice %arg10[%add3A_255, %dma_wait3A_256] : memref<10240x128xf32, #tpu.memory_space<vmem_shared>> -> memref<32x128xf32, #tpu.memory_space<vmem_shared>>
    %dma_wait3A_258 = arith.constant 0 : i32
    %dma_wait3A_259 = tpu.memref_slice %arg10[%add3A_255, %dma_wait3A_258] : memref<10240x128xf32, #tpu.memory_space<vmem_shared>> -> memref<32x128xf32, #tpu.memory_space<vmem_shared>>
    tpu.wait_dma2 semaphore(%arg13 : memref<!tpu.dma_semaphore, #tpu.memory_space<semaphore_mem>>) src(%arg9 : memref<32x128xf32, #tpu.memory_space<vmem>>) dst(%dma_wait3A_259 : memref<32x128xf32, #tpu.memory_space<vmem_shared>>)
    %mul3A_260 = arith.constant 640 : i32
    %mul3A_261 = arith.muli %arg1, %mul3A_260 : i32
    %add3A_262 = arith.constant 288 : i32
    %add3A_263 = arith.addi %mul3A_261, %add3A_262 : i32
    %dma_wait3A_264 = arith.constant 0 : i32
    %dma_wait3A_265 = tpu.memref_slice %arg10[%add3A_263, %dma_wait3A_264] : memref<10240x128xf32, #tpu.memory_space<vmem_shared>> -> memref<32x128xf32, #tpu.memory_space<vmem_shared>>
    %dma_wait3A_266 = arith.constant 0 : i32
    %dma_wait3A_267 = tpu.memref_slice %arg10[%add3A_263, %dma_wait3A_266] : memref<10240x128xf32, #tpu.memory_space<vmem_shared>> -> memref<32x128xf32, #tpu.memory_space<vmem_shared>>
    tpu.wait_dma2 semaphore(%arg13 : memref<!tpu.dma_semaphore, #tpu.memory_space<semaphore_mem>>) src(%arg9 : memref<32x128xf32, #tpu.memory_space<vmem>>) dst(%dma_wait3A_267 : memref<32x128xf32, #tpu.memory_space<vmem_shared>>)
    %mul3A_268 = arith.constant 640 : i32
    %mul3A_269 = arith.muli %arg1, %mul3A_268 : i32
    %add3A_270 = arith.constant 320 : i32
    %add3A_271 = arith.addi %mul3A_269, %add3A_270 : i32
    %dma_wait3A_272 = arith.constant 0 : i32
    %dma_wait3A_273 = tpu.memref_slice %arg10[%add3A_271, %dma_wait3A_272] : memref<10240x128xf32, #tpu.memory_space<vmem_shared>> -> memref<32x128xf32, #tpu.memory_space<vmem_shared>>
    %dma_wait3A_274 = arith.constant 0 : i32
    %dma_wait3A_275 = tpu.memref_slice %arg10[%add3A_271, %dma_wait3A_274] : memref<10240x128xf32, #tpu.memory_space<vmem_shared>> -> memref<32x128xf32, #tpu.memory_space<vmem_shared>>
    tpu.wait_dma2 semaphore(%arg13 : memref<!tpu.dma_semaphore, #tpu.memory_space<semaphore_mem>>) src(%arg9 : memref<32x128xf32, #tpu.memory_space<vmem>>) dst(%dma_wait3A_275 : memref<32x128xf32, #tpu.memory_space<vmem_shared>>)
    %mul3A_276 = arith.constant 640 : i32
    %mul3A_277 = arith.muli %arg1, %mul3A_276 : i32
    %add3A_278 = arith.constant 352 : i32
    %add3A_279 = arith.addi %mul3A_277, %add3A_278 : i32
    %dma_wait3A_280 = arith.constant 0 : i32
    %dma_wait3A_281 = tpu.memref_slice %arg10[%add3A_279, %dma_wait3A_280] : memref<10240x128xf32, #tpu.memory_space<vmem_shared>> -> memref<32x128xf32, #tpu.memory_space<vmem_shared>>
    %dma_wait3A_282 = arith.constant 0 : i32
    %dma_wait3A_283 = tpu.memref_slice %arg10[%add3A_279, %dma_wait3A_282] : memref<10240x128xf32, #tpu.memory_space<vmem_shared>> -> memref<32x128xf32, #tpu.memory_space<vmem_shared>>
    tpu.wait_dma2 semaphore(%arg13 : memref<!tpu.dma_semaphore, #tpu.memory_space<semaphore_mem>>) src(%arg9 : memref<32x128xf32, #tpu.memory_space<vmem>>) dst(%dma_wait3A_283 : memref<32x128xf32, #tpu.memory_space<vmem_shared>>)
    %mul3A_284 = arith.constant 640 : i32
    %mul3A_285 = arith.muli %arg1, %mul3A_284 : i32
    %add3A_286 = arith.constant 384 : i32
    %add3A_287 = arith.addi %mul3A_285, %add3A_286 : i32
    %dma_wait3A_288 = arith.constant 0 : i32
    %dma_wait3A_289 = tpu.memref_slice %arg10[%add3A_287, %dma_wait3A_288] : memref<10240x128xf32, #tpu.memory_space<vmem_shared>> -> memref<32x128xf32, #tpu.memory_space<vmem_shared>>
    %dma_wait3A_290 = arith.constant 0 : i32
    %dma_wait3A_291 = tpu.memref_slice %arg10[%add3A_287, %dma_wait3A_290] : memref<10240x128xf32, #tpu.memory_space<vmem_shared>> -> memref<32x128xf32, #tpu.memory_space<vmem_shared>>
    tpu.wait_dma2 semaphore(%arg13 : memref<!tpu.dma_semaphore, #tpu.memory_space<semaphore_mem>>) src(%arg9 : memref<32x128xf32, #tpu.memory_space<vmem>>) dst(%dma_wait3A_291 : memref<32x128xf32, #tpu.memory_space<vmem_shared>>)
    %mul3A_292 = arith.constant 640 : i32
    %mul3A_293 = arith.muli %arg1, %mul3A_292 : i32
    %add3A_294 = arith.constant 416 : i32
    %add3A_295 = arith.addi %mul3A_293, %add3A_294 : i32
    %dma_wait3A_296 = arith.constant 0 : i32
    %dma_wait3A_297 = tpu.memref_slice %arg10[%add3A_295, %dma_wait3A_296] : memref<10240x128xf32, #tpu.memory_space<vmem_shared>> -> memref<32x128xf32, #tpu.memory_space<vmem_shared>>
    %dma_wait3A_298 = arith.constant 0 : i32
    %dma_wait3A_299 = tpu.memref_slice %arg10[%add3A_295, %dma_wait3A_298] : memref<10240x128xf32, #tpu.memory_space<vmem_shared>> -> memref<32x128xf32, #tpu.memory_space<vmem_shared>>
    tpu.wait_dma2 semaphore(%arg13 : memref<!tpu.dma_semaphore, #tpu.memory_space<semaphore_mem>>) src(%arg9 : memref<32x128xf32, #tpu.memory_space<vmem>>) dst(%dma_wait3A_299 : memref<32x128xf32, #tpu.memory_space<vmem_shared>>)
    %mul3A_300 = arith.constant 640 : i32
    %mul3A_301 = arith.muli %arg1, %mul3A_300 : i32
    %add3A_302 = arith.constant 448 : i32
    %add3A_303 = arith.addi %mul3A_301, %add3A_302 : i32
    %dma_wait3A_304 = arith.constant 0 : i32
    %dma_wait3A_305 = tpu.memref_slice %arg10[%add3A_303, %dma_wait3A_304] : memref<10240x128xf32, #tpu.memory_space<vmem_shared>> -> memref<32x128xf32, #tpu.memory_space<vmem_shared>>
    %dma_wait3A_306 = arith.constant 0 : i32
    %dma_wait3A_307 = tpu.memref_slice %arg10[%add3A_303, %dma_wait3A_306] : memref<10240x128xf32, #tpu.memory_space<vmem_shared>> -> memref<32x128xf32, #tpu.memory_space<vmem_shared>>
    tpu.wait_dma2 semaphore(%arg13 : memref<!tpu.dma_semaphore, #tpu.memory_space<semaphore_mem>>) src(%arg9 : memref<32x128xf32, #tpu.memory_space<vmem>>) dst(%dma_wait3A_307 : memref<32x128xf32, #tpu.memory_space<vmem_shared>>)
    %mul3A_308 = arith.constant 640 : i32
    %mul3A_309 = arith.muli %arg1, %mul3A_308 : i32
    %add3A_310 = arith.constant 480 : i32
    %add3A_311 = arith.addi %mul3A_309, %add3A_310 : i32
    %dma_wait3A_312 = arith.constant 0 : i32
    %dma_wait3A_313 = tpu.memref_slice %arg10[%add3A_311, %dma_wait3A_312] : memref<10240x128xf32, #tpu.memory_space<vmem_shared>> -> memref<32x128xf32, #tpu.memory_space<vmem_shared>>
    %dma_wait3A_314 = arith.constant 0 : i32
    %dma_wait3A_315 = tpu.memref_slice %arg10[%add3A_311, %dma_wait3A_314] : memref<10240x128xf32, #tpu.memory_space<vmem_shared>> -> memref<32x128xf32, #tpu.memory_space<vmem_shared>>
    tpu.wait_dma2 semaphore(%arg13 : memref<!tpu.dma_semaphore, #tpu.memory_space<semaphore_mem>>) src(%arg9 : memref<32x128xf32, #tpu.memory_space<vmem>>) dst(%dma_wait3A_315 : memref<32x128xf32, #tpu.memory_space<vmem_shared>>)
    %mul3A_316 = arith.constant 640 : i32
    %mul3A_317 = arith.muli %arg1, %mul3A_316 : i32
    %add3A_318 = arith.constant 512 : i32
    %add3A_319 = arith.addi %mul3A_317, %add3A_318 : i32
    %dma_wait3A_320 = arith.constant 0 : i32
    %dma_wait3A_321 = tpu.memref_slice %arg10[%add3A_319, %dma_wait3A_320] : memref<10240x128xf32, #tpu.memory_space<vmem_shared>> -> memref<32x128xf32, #tpu.memory_space<vmem_shared>>
    %dma_wait3A_322 = arith.constant 0 : i32
    %dma_wait3A_323 = tpu.memref_slice %arg10[%add3A_319, %dma_wait3A_322] : memref<10240x128xf32, #tpu.memory_space<vmem_shared>> -> memref<32x128xf32, #tpu.memory_space<vmem_shared>>
    tpu.wait_dma2 semaphore(%arg13 : memref<!tpu.dma_semaphore, #tpu.memory_space<semaphore_mem>>) src(%arg9 : memref<32x128xf32, #tpu.memory_space<vmem>>) dst(%dma_wait3A_323 : memref<32x128xf32, #tpu.memory_space<vmem_shared>>)
    %mul3A_324 = arith.constant 640 : i32
    %mul3A_325 = arith.muli %arg1, %mul3A_324 : i32
    %add3A_326 = arith.constant 544 : i32
    %add3A_327 = arith.addi %mul3A_325, %add3A_326 : i32
    %dma_wait3A_328 = arith.constant 0 : i32
    %dma_wait3A_329 = tpu.memref_slice %arg10[%add3A_327, %dma_wait3A_328] : memref<10240x128xf32, #tpu.memory_space<vmem_shared>> -> memref<32x128xf32, #tpu.memory_space<vmem_shared>>
    %dma_wait3A_330 = arith.constant 0 : i32
    %dma_wait3A_331 = tpu.memref_slice %arg10[%add3A_327, %dma_wait3A_330] : memref<10240x128xf32, #tpu.memory_space<vmem_shared>> -> memref<32x128xf32, #tpu.memory_space<vmem_shared>>
    tpu.wait_dma2 semaphore(%arg13 : memref<!tpu.dma_semaphore, #tpu.memory_space<semaphore_mem>>) src(%arg9 : memref<32x128xf32, #tpu.memory_space<vmem>>) dst(%dma_wait3A_331 : memref<32x128xf32, #tpu.memory_space<vmem_shared>>)
    %mul3A_332 = arith.constant 640 : i32
    %mul3A_333 = arith.muli %arg1, %mul3A_332 : i32
    %add3A_334 = arith.constant 576 : i32
    %add3A_335 = arith.addi %mul3A_333, %add3A_334 : i32
    %dma_wait3A_336 = arith.constant 0 : i32
    %dma_wait3A_337 = tpu.memref_slice %arg10[%add3A_335, %dma_wait3A_336] : memref<10240x128xf32, #tpu.memory_space<vmem_shared>> -> memref<32x128xf32, #tpu.memory_space<vmem_shared>>
    %dma_wait3A_338 = arith.constant 0 : i32
    %dma_wait3A_339 = tpu.memref_slice %arg10[%add3A_335, %dma_wait3A_338] : memref<10240x128xf32, #tpu.memory_space<vmem_shared>> -> memref<32x128xf32, #tpu.memory_space<vmem_shared>>
    tpu.wait_dma2 semaphore(%arg13 : memref<!tpu.dma_semaphore, #tpu.memory_space<semaphore_mem>>) src(%arg9 : memref<32x128xf32, #tpu.memory_space<vmem>>) dst(%dma_wait3A_339 : memref<32x128xf32, #tpu.memory_space<vmem_shared>>)
    %mul3A_340 = arith.constant 640 : i32
    %mul3A_341 = arith.muli %arg1, %mul3A_340 : i32
    %add3A_342 = arith.constant 608 : i32
    %add3A_343 = arith.addi %mul3A_341, %add3A_342 : i32
    %dma_wait3A_344 = arith.constant 0 : i32
    %dma_wait3A_345 = tpu.memref_slice %arg10[%add3A_343, %dma_wait3A_344] : memref<10240x128xf32, #tpu.memory_space<vmem_shared>> -> memref<32x128xf32, #tpu.memory_space<vmem_shared>>
    %dma_wait3A_346 = arith.constant 0 : i32
    %dma_wait3A_347 = tpu.memref_slice %arg10[%add3A_343, %dma_wait3A_346] : memref<10240x128xf32, #tpu.memory_space<vmem_shared>> -> memref<32x128xf32, #tpu.memory_space<vmem_shared>>
    tpu.wait_dma2 semaphore(%arg13 : memref<!tpu.dma_semaphore, #tpu.memory_space<semaphore_mem>>) src(%arg9 : memref<32x128xf32, #tpu.memory_space<vmem>>) dst(%dma_wait3A_347 : memref<32x128xf32, #tpu.memory_space<vmem_shared>>)
    %barrier3A = arith.constant 0 : index
    tpu.barrier barrier_id(%barrier3A)
    %scan3A_348 = arith.constant 0 : i32
    %scan3A_349 = arith.constant 0 : i32
    %scan3A_350 = arith.constant 20 : i32
    %scan3A_351 = arith.addi %scan3A_349, %scan3A_350 : i32
    %scan3A_352 = arith.constant 1 : i32
    scf.for %scan3A_437 = %scan3A_349 to %scan3A_351 step %scan3A_352  : i32 {
      %mul3A_438 = arith.constant 2 : i32
      %mul3A_439 = arith.muli %scan3A_437, %mul3A_438 : i32
      %add3A_440 = arith.constant 0 : i32
      %add3A_441 = arith.addi %mul3A_439, %add3A_440 : i32
      %dma_wait3A_442 = arith.constant 0 : i32
      %dma_wait3A_443 = arith.constant 0 : i32
      %dma_wait3A_444 = arith.constant 0 : i32
      %dma_wait3A_445 = tpu.memref_slice %arg8[%dma_wait3A_442, %dma_wait3A_443, %dma_wait3A_444] : memref<2x125x128xf32, #tpu.memory_space<vmem>> -> memref<1x125x128xf32, #tpu.memory_space<vmem>>
      %dma_wait3A_446 = tpu.memref_squeeze %dma_wait3A_445 : memref<1x125x128xf32, #tpu.memory_space<vmem>> -> memref<125x128xf32, #tpu.memory_space<vmem>>
      %dma_wait3A_447 = arith.constant 0 : i32
      %dma_wait3A_448 = tpu.memref_slice %arg6[%add3A_441, %dma_wait3A_447] : memref<40x125xi32, #tpu.memory_space<vmem>> -> memref<1x125xi32, #tpu.memory_space<vmem>>
      %dma_wait3A_449 = tpu.memref_squeeze %dma_wait3A_448 : memref<1x125xi32, #tpu.memory_space<vmem>> -> memref<125xi32, #tpu.memory_space<vmem>>
      %dma_wait3A_450 = arith.constant 0 : i32
      %dma_wait3A_451 = arith.constant 0 : i32
      %dma_wait3A_452 = tpu.memref_slice %arg2[%dma_wait3A_450, %dma_wait3A_451] : memref<10000x128xf32, #tpu.memory_space<hbm>> -> memref<10000x128xf32, #tpu.memory_space<hbm>>
      tpu.wait_indirect_dma semaphore(%arg11 : memref<!tpu.dma_semaphore, #tpu.memory_space<semaphore_mem>>) src(%dma_wait3A_452 : memref<10000x128xf32, #tpu.memory_space<hbm>>) dst(%dma_wait3A_446 : memref<125x128xf32, #tpu.memory_space<vmem>>)
      %dma_start3A_453 = arith.constant 0 : i32
      %dma_start3A_454 = arith.constant 0 : i32
      %dma_start3A_455 = arith.constant 0 : i32
      %dma_start3A_456 = tpu.memref_slice %arg8[%dma_start3A_453, %dma_start3A_454, %dma_start3A_455] : memref<2x125x128xf32, #tpu.memory_space<vmem>> -> memref<1x125x128xf32, #tpu.memory_space<vmem>>
      %dma_start3A_457 = tpu.memref_squeeze %dma_start3A_456 : memref<1x125x128xf32, #tpu.memory_space<vmem>> -> memref<125x128xf32, #tpu.memory_space<vmem>>
      %dma_start3A_458 = arith.constant 0 : i32
      %dma_start3A_459 = tpu.memref_slice %arg7[%add3A_441, %dma_start3A_458] : memref<40x125xi32, #tpu.memory_space<vmem>> -> memref<1x125xi32, #tpu.memory_space<vmem>>
      %dma_start3A_460 = tpu.memref_squeeze %dma_start3A_459 : memref<1x125xi32, #tpu.memory_space<vmem>> -> memref<125xi32, #tpu.memory_space<vmem>>
      %dma_start3A_461 = arith.constant 0 : i32
      %dma_start3A_462 = arith.constant 0 : i32
      %dma_start3A_463 = tpu.memref_slice %arg10[%dma_start3A_461, %dma_start3A_462] : memref<10240x128xf32, #tpu.memory_space<vmem_shared>> -> memref<10240x128xf32, #tpu.memory_space<vmem_shared>>
      tpu.enqueue_indirect_dma source(%dma_start3A_457 : memref<125x128xf32, #tpu.memory_space<vmem>>) target(%dma_start3A_463 : memref<10240x128xf32, #tpu.memory_space<vmem_shared>>) offsets(%dma_start3A_460 : memref<125xi32, #tpu.memory_space<vmem>>) semaphore(%arg13 : memref<!tpu.dma_semaphore, #tpu.memory_space<semaphore_mem>>) {add = true}
      %sub3A = arith.constant 1 : i32
      %sub3A_464 = arith.subi %add3A_441, %sub3A : i32
      %add3A_465 = arith.constant 2 : i32
      %add3A_466 = arith.addi %sub3A_464, %add3A_465 : i32
      %ge3A = arith.constant 0 : i32
      %ge3A_467 = arith.cmpi sge, %sub3A_464, %ge3A : i32
      %lt3A = arith.constant 40 : i32
      %lt3A_468 = arith.cmpi slt, %add3A_466, %lt3A : i32
      %and3A = arith.andi %ge3A_467, %lt3A_468 : i1
      %convert_element_type3A = arith.extui %and3A : i1 to i32
      %cond3A = arith.constant 0 : i32
      %cond3A_469 = arith.cmpi ne, %convert_element_type3A, %cond3A : i32
      scf.if %cond3A_469 {
        %dma_wait3A_508 = arith.constant 1 : i32
        %dma_wait3A_509 = arith.constant 0 : i32
        %dma_wait3A_510 = arith.constant 0 : i32
        %dma_wait3A_511 = tpu.memref_slice %arg8[%dma_wait3A_508, %dma_wait3A_509, %dma_wait3A_510] : memref<2x125x128xf32, #tpu.memory_space<vmem>> -> memref<1x125x128xf32, #tpu.memory_space<vmem>>
        %dma_wait3A_512 = tpu.memref_squeeze %dma_wait3A_511 : memref<1x125x128xf32, #tpu.memory_space<vmem>> -> memref<125x128xf32, #tpu.memory_space<vmem>>
        %dma_wait3A_513 = arith.constant 0 : i32
        %dma_wait3A_514 = tpu.memref_slice %arg7[%sub3A_464, %dma_wait3A_513] : memref<40x125xi32, #tpu.memory_space<vmem>> -> memref<1x125xi32, #tpu.memory_space<vmem>>
        %dma_wait3A_515 = tpu.memref_squeeze %dma_wait3A_514 : memref<1x125xi32, #tpu.memory_space<vmem>> -> memref<125xi32, #tpu.memory_space<vmem>>
        %dma_wait3A_516 = arith.constant 0 : i32
        %dma_wait3A_517 = arith.constant 0 : i32
        %dma_wait3A_518 = tpu.memref_slice %arg10[%dma_wait3A_516, %dma_wait3A_517] : memref<10240x128xf32, #tpu.memory_space<vmem_shared>> -> memref<10240x128xf32, #tpu.memory_space<vmem_shared>>
        tpu.wait_indirect_dma semaphore(%arg14 : memref<!tpu.dma_semaphore, #tpu.memory_space<semaphore_mem>>) src(%dma_wait3A_512 : memref<125x128xf32, #tpu.memory_space<vmem>>) dst(%dma_wait3A_518 : memref<10240x128xf32, #tpu.memory_space<vmem_shared>>)
        %dma_start3A_519 = arith.constant 1 : i32
        %dma_start3A_520 = arith.constant 0 : i32
        %dma_start3A_521 = arith.constant 0 : i32
        %dma_start3A_522 = tpu.memref_slice %arg8[%dma_start3A_519, %dma_start3A_520, %dma_start3A_521] : memref<2x125x128xf32, #tpu.memory_space<vmem>> -> memref<1x125x128xf32, #tpu.memory_space<vmem>>
        %dma_start3A_523 = tpu.memref_squeeze %dma_start3A_522 : memref<1x125x128xf32, #tpu.memory_space<vmem>> -> memref<125x128xf32, #tpu.memory_space<vmem>>
        %dma_start3A_524 = arith.constant 0 : i32
        %dma_start3A_525 = tpu.memref_slice %arg6[%add3A_466, %dma_start3A_524] : memref<40x125xi32, #tpu.memory_space<vmem>> -> memref<1x125xi32, #tpu.memory_space<vmem>>
        %dma_start3A_526 = tpu.memref_squeeze %dma_start3A_525 : memref<1x125xi32, #tpu.memory_space<vmem>> -> memref<125xi32, #tpu.memory_space<vmem>>
        %dma_start3A_527 = arith.constant 0 : i32
        %dma_start3A_528 = arith.constant 0 : i32
        %dma_start3A_529 = tpu.memref_slice %arg2[%dma_start3A_527, %dma_start3A_528] : memref<10000x128xf32, #tpu.memory_space<hbm>> -> memref<10000x128xf32, #tpu.memory_space<hbm>>
        tpu.enqueue_indirect_dma source(%dma_start3A_529 : memref<10000x128xf32, #tpu.memory_space<hbm>>) target(%dma_start3A_523 : memref<125x128xf32, #tpu.memory_space<vmem>>) offsets(%dma_start3A_526 : memref<125xi32, #tpu.memory_space<vmem>>) semaphore(%arg12 : memref<!tpu.dma_semaphore, #tpu.memory_space<semaphore_mem>>)
      } else {
      }
      %mul3A_470 = arith.constant 2 : i32
      %mul3A_471 = arith.muli %scan3A_437, %mul3A_470 : i32
      %add3A_472 = arith.constant 1 : i32
      %add3A_473 = arith.addi %mul3A_471, %add3A_472 : i32
      %dma_wait3A_474 = arith.constant 1 : i32
      %dma_wait3A_475 = arith.constant 0 : i32
      %dma_wait3A_476 = arith.constant 0 : i32
      %dma_wait3A_477 = tpu.memref_slice %arg8[%dma_wait3A_474, %dma_wait3A_475, %dma_wait3A_476] : memref<2x125x128xf32, #tpu.memory_space<vmem>> -> memref<1x125x128xf32, #tpu.memory_space<vmem>>
      %dma_wait3A_478 = tpu.memref_squeeze %dma_wait3A_477 : memref<1x125x128xf32, #tpu.memory_space<vmem>> -> memref<125x128xf32, #tpu.memory_space<vmem>>
      %dma_wait3A_479 = arith.constant 0 : i32
      %dma_wait3A_480 = tpu.memref_slice %arg6[%add3A_473, %dma_wait3A_479] : memref<40x125xi32, #tpu.memory_space<vmem>> -> memref<1x125xi32, #tpu.memory_space<vmem>>
      %dma_wait3A_481 = tpu.memref_squeeze %dma_wait3A_480 : memref<1x125xi32, #tpu.memory_space<vmem>> -> memref<125xi32, #tpu.memory_space<vmem>>
      %dma_wait3A_482 = arith.constant 0 : i32
      %dma_wait3A_483 = arith.constant 0 : i32
      %dma_wait3A_484 = tpu.memref_slice %arg2[%dma_wait3A_482, %dma_wait3A_483] : memref<10000x128xf32, #tpu.memory_space<hbm>> -> memref<10000x128xf32, #tpu.memory_space<hbm>>
      tpu.wait_indirect_dma semaphore(%arg12 : memref<!tpu.dma_semaphore, #tpu.memory_space<semaphore_mem>>) src(%dma_wait3A_484 : memref<10000x128xf32, #tpu.memory_space<hbm>>) dst(%dma_wait3A_478 : memref<125x128xf32, #tpu.memory_space<vmem>>)
      %dma_start3A_485 = arith.constant 1 : i32
      %dma_start3A_486 = arith.constant 0 : i32
      %dma_start3A_487 = arith.constant 0 : i32
      %dma_start3A_488 = tpu.memref_slice %arg8[%dma_start3A_485, %dma_start3A_486, %dma_start3A_487] : memref<2x125x128xf32, #tpu.memory_space<vmem>> -> memref<1x125x128xf32, #tpu.memory_space<vmem>>
      %dma_start3A_489 = tpu.memref_squeeze %dma_start3A_488 : memref<1x125x128xf32, #tpu.memory_space<vmem>> -> memref<125x128xf32, #tpu.memory_space<vmem>>
      %dma_start3A_490 = arith.constant 0 : i32
      %dma_start3A_491 = tpu.memref_slice %arg7[%add3A_473, %dma_start3A_490] : memref<40x125xi32, #tpu.memory_space<vmem>> -> memref<1x125xi32, #tpu.memory_space<vmem>>
      %dma_start3A_492 = tpu.memref_squeeze %dma_start3A_491 : memref<1x125xi32, #tpu.memory_space<vmem>> -> memref<125xi32, #tpu.memory_space<vmem>>
      %dma_start3A_493 = arith.constant 0 : i32
      %dma_start3A_494 = arith.constant 0 : i32
      %dma_start3A_495 = tpu.memref_slice %arg10[%dma_start3A_493, %dma_start3A_494] : memref<10240x128xf32, #tpu.memory_space<vmem_shared>> -> memref<10240x128xf32, #tpu.memory_space<vmem_shared>>
      tpu.enqueue_indirect_dma source(%dma_start3A_489 : memref<125x128xf32, #tpu.memory_space<vmem>>) target(%dma_start3A_495 : memref<10240x128xf32, #tpu.memory_space<vmem_shared>>) offsets(%dma_start3A_492 : memref<125xi32, #tpu.memory_space<vmem>>) semaphore(%arg14 : memref<!tpu.dma_semaphore, #tpu.memory_space<semaphore_mem>>) {add = true}
      %sub3A_496 = arith.constant 1 : i32
      %sub3A_497 = arith.subi %add3A_473, %sub3A_496 : i32
      %add3A_498 = arith.constant 2 : i32
      %add3A_499 = arith.addi %sub3A_497, %add3A_498 : i32
      %ge3A_500 = arith.constant 0 : i32
      %ge3A_501 = arith.cmpi sge, %sub3A_497, %ge3A_500 : i32
      %lt3A_502 = arith.constant 40 : i32
      %lt3A_503 = arith.cmpi slt, %add3A_499, %lt3A_502 : i32
      %and3A_504 = arith.andi %ge3A_501, %lt3A_503 : i1
      %convert_element_type3A_505 = arith.extui %and3A_504 : i1 to i32
      %cond3A_506 = arith.constant 0 : i32
      %cond3A_507 = arith.cmpi ne, %convert_element_type3A_505, %cond3A_506 : i32
      scf.if %cond3A_507 {
        %dma_wait3A_508 = arith.constant 0 : i32
        %dma_wait3A_509 = arith.constant 0 : i32
        %dma_wait3A_510 = arith.constant 0 : i32
        %dma_wait3A_511 = tpu.memref_slice %arg8[%dma_wait3A_508, %dma_wait3A_509, %dma_wait3A_510] : memref<2x125x128xf32, #tpu.memory_space<vmem>> -> memref<1x125x128xf32, #tpu.memory_space<vmem>>
        %dma_wait3A_512 = tpu.memref_squeeze %dma_wait3A_511 : memref<1x125x128xf32, #tpu.memory_space<vmem>> -> memref<125x128xf32, #tpu.memory_space<vmem>>
        %dma_wait3A_513 = arith.constant 0 : i32
        %dma_wait3A_514 = tpu.memref_slice %arg7[%sub3A_497, %dma_wait3A_513] : memref<40x125xi32, #tpu.memory_space<vmem>> -> memref<1x125xi32, #tpu.memory_space<vmem>>
        %dma_wait3A_515 = tpu.memref_squeeze %dma_wait3A_514 : memref<1x125xi32, #tpu.memory_space<vmem>> -> memref<125xi32, #tpu.memory_space<vmem>>
        %dma_wait3A_516 = arith.constant 0 : i32
        %dma_wait3A_517 = arith.constant 0 : i32
        %dma_wait3A_518 = tpu.memref_slice %arg10[%dma_wait3A_516, %dma_wait3A_517] : memref<10240x128xf32, #tpu.memory_space<vmem_shared>> -> memref<10240x128xf32, #tpu.memory_space<vmem_shared>>
        tpu.wait_indirect_dma semaphore(%arg13 : memref<!tpu.dma_semaphore, #tpu.memory_space<semaphore_mem>>) src(%dma_wait3A_512 : memref<125x128xf32, #tpu.memory_space<vmem>>) dst(%dma_wait3A_518 : memref<10240x128xf32, #tpu.memory_space<vmem_shared>>)
        %dma_start3A_519 = arith.constant 0 : i32
        %dma_start3A_520 = arith.constant 0 : i32
        %dma_start3A_521 = arith.constant 0 : i32
        %dma_start3A_522 = tpu.memref_slice %arg8[%dma_start3A_519, %dma_start3A_520, %dma_start3A_521] : memref<2x125x128xf32, #tpu.memory_space<vmem>> -> memref<1x125x128xf32, #tpu.memory_space<vmem>>
        %dma_start3A_523 = tpu.memref_squeeze %dma_start3A_522 : memref<1x125x128xf32, #tpu.memory_space<vmem>> -> memref<125x128xf32, #tpu.memory_space<vmem>>
        %dma_start3A_524 = arith.constant 0 : i32
        %dma_start3A_525 = tpu.memref_slice %arg6[%add3A_499, %dma_start3A_524] : memref<40x125xi32, #tpu.memory_space<vmem>> -> memref<1x125xi32, #tpu.memory_space<vmem>>
        %dma_start3A_526 = tpu.memref_squeeze %dma_start3A_525 : memref<1x125xi32, #tpu.memory_space<vmem>> -> memref<125xi32, #tpu.memory_space<vmem>>
        %dma_start3A_527 = arith.constant 0 : i32
        %dma_start3A_528 = arith.constant 0 : i32
        %dma_start3A_529 = tpu.memref_slice %arg2[%dma_start3A_527, %dma_start3A_528] : memref<10000x128xf32, #tpu.memory_space<hbm>> -> memref<10000x128xf32, #tpu.memory_space<hbm>>
        tpu.enqueue_indirect_dma source(%dma_start3A_529 : memref<10000x128xf32, #tpu.memory_space<hbm>>) target(%dma_start3A_523 : memref<125x128xf32, #tpu.memory_space<vmem>>) offsets(%dma_start3A_526 : memref<125xi32, #tpu.memory_space<vmem>>) semaphore(%arg11 : memref<!tpu.dma_semaphore, #tpu.memory_space<semaphore_mem>>)
      } else {
      }
    }
    %scan3A_353 = arith.constant 20 : i32
    %dma_wait3A_354 = arith.constant 0 : i32
    %dma_wait3A_355 = arith.constant 38 : i32
    %dma_wait3A_356 = arith.constant 0 : i32
    %dma_wait3A_357 = arith.constant 0 : i32
    %dma_wait3A_358 = tpu.memref_slice %arg8[%dma_wait3A_354, %dma_wait3A_356, %dma_wait3A_357] : memref<2x125x128xf32, #tpu.memory_space<vmem>> -> memref<1x125x128xf32, #tpu.memory_space<vmem>>
    %dma_wait3A_359 = tpu.memref_squeeze %dma_wait3A_358 : memref<1x125x128xf32, #tpu.memory_space<vmem>> -> memref<125x128xf32, #tpu.memory_space<vmem>>
    %dma_wait3A_360 = arith.constant 0 : i32
    %dma_wait3A_361 = tpu.memref_slice %arg7[%dma_wait3A_355, %dma_wait3A_360] : memref<40x125xi32, #tpu.memory_space<vmem>> -> memref<1x125xi32, #tpu.memory_space<vmem>>
    %dma_wait3A_362 = tpu.memref_squeeze %dma_wait3A_361 : memref<1x125xi32, #tpu.memory_space<vmem>> -> memref<125xi32, #tpu.memory_space<vmem>>
    %dma_wait3A_363 = arith.constant 0 : i32
    %dma_wait3A_364 = arith.constant 0 : i32
    %dma_wait3A_365 = tpu.memref_slice %arg10[%dma_wait3A_363, %dma_wait3A_364] : memref<10240x128xf32, #tpu.memory_space<vmem_shared>> -> memref<10240x128xf32, #tpu.memory_space<vmem_shared>>
    tpu.wait_indirect_dma semaphore(%arg13 : memref<!tpu.dma_semaphore, #tpu.memory_space<semaphore_mem>>) src(%dma_wait3A_359 : memref<125x128xf32, #tpu.memory_space<vmem>>) dst(%dma_wait3A_365 : memref<10240x128xf32, #tpu.memory_space<vmem_shared>>)
    %dma_wait3A_366 = arith.constant 1 : i32
    %dma_wait3A_367 = arith.constant 39 : i32
    %dma_wait3A_368 = arith.constant 0 : i32
    %dma_wait3A_369 = arith.constant 0 : i32
    %dma_wait3A_370 = tpu.memref_slice %arg8[%dma_wait3A_366, %dma_wait3A_368, %dma_wait3A_369] : memref<2x125x128xf32, #tpu.memory_space<vmem>> -> memref<1x125x128xf32, #tpu.memory_space<vmem>>
    %dma_wait3A_371 = tpu.memref_squeeze %dma_wait3A_370 : memref<1x125x128xf32, #tpu.memory_space<vmem>> -> memref<125x128xf32, #tpu.memory_space<vmem>>
    %dma_wait3A_372 = arith.constant 0 : i32
    %dma_wait3A_373 = tpu.memref_slice %arg7[%dma_wait3A_367, %dma_wait3A_372] : memref<40x125xi32, #tpu.memory_space<vmem>> -> memref<1x125xi32, #tpu.memory_space<vmem>>
    %dma_wait3A_374 = tpu.memref_squeeze %dma_wait3A_373 : memref<1x125xi32, #tpu.memory_space<vmem>> -> memref<125xi32, #tpu.memory_space<vmem>>
    %dma_wait3A_375 = arith.constant 0 : i32
    %dma_wait3A_376 = arith.constant 0 : i32
    %dma_wait3A_377 = tpu.memref_slice %arg10[%dma_wait3A_375, %dma_wait3A_376] : memref<10240x128xf32, #tpu.memory_space<vmem_shared>> -> memref<10240x128xf32, #tpu.memory_space<vmem_shared>>
    tpu.wait_indirect_dma semaphore(%arg14 : memref<!tpu.dma_semaphore, #tpu.memory_space<semaphore_mem>>) src(%dma_wait3A_371 : memref<125x128xf32, #tpu.memory_space<vmem>>) dst(%dma_wait3A_377 : memref<10240x128xf32, #tpu.memory_space<vmem_shared>>)
    "tpu.region"() ({
      %run_scoped3A = tpu.sem_alloc : memref<!tpu.dma_semaphore, #tpu.memory_space<semaphore_mem>>
      %dma_start3A_437 = arith.constant 40 : i32
      %dma_start3A_438 = arith.constant 0 : i32
      %dma_start3A_439 = tpu.memref_slice %arg3[%add3A, %dma_start3A_437, %dma_start3A_438] : memref<32x80x125xi32, #tpu.memory_space<hbm>> -> memref<1x40x125xi32, #tpu.memory_space<hbm>>
      %dma_start3A_440 = tpu.memref_squeeze %dma_start3A_439 : memref<1x40x125xi32, #tpu.memory_space<hbm>> -> memref<40x125xi32, #tpu.memory_space<hbm>>
      %dma_start3A_441 = arith.constant 40 : i32
      %dma_start3A_442 = arith.constant 0 : i32
      %dma_start3A_443 = tpu.memref_slice %arg3[%add3A, %dma_start3A_441, %dma_start3A_442] : memref<32x80x125xi32, #tpu.memory_space<hbm>> -> memref<1x40x125xi32, #tpu.memory_space<hbm>>
      %dma_start3A_444 = tpu.memref_squeeze %dma_start3A_443 : memref<1x40x125xi32, #tpu.memory_space<hbm>> -> memref<40x125xi32, #tpu.memory_space<hbm>>
      tpu.enqueue_dma source(%dma_start3A_444 : memref<40x125xi32, #tpu.memory_space<hbm>>) target(%arg6 : memref<40x125xi32, #tpu.memory_space<vmem>>) target_semaphore(%run_scoped3A : memref<!tpu.dma_semaphore, #tpu.memory_space<semaphore_mem>>)
      %dma_wait3A_445 = arith.constant 40 : i32
      %dma_wait3A_446 = arith.constant 0 : i32
      %dma_wait3A_447 = tpu.memref_slice %arg3[%add3A, %dma_wait3A_445, %dma_wait3A_446] : memref<32x80x125xi32, #tpu.memory_space<hbm>> -> memref<1x40x125xi32, #tpu.memory_space<hbm>>
      %dma_wait3A_448 = tpu.memref_squeeze %dma_wait3A_447 : memref<1x40x125xi32, #tpu.memory_space<hbm>> -> memref<40x125xi32, #tpu.memory_space<hbm>>
      %dma_wait3A_449 = arith.constant 40 : i32
      %dma_wait3A_450 = arith.constant 0 : i32
      %dma_wait3A_451 = tpu.memref_slice %arg3[%add3A, %dma_wait3A_449, %dma_wait3A_450] : memref<32x80x125xi32, #tpu.memory_space<hbm>> -> memref<1x40x125xi32, #tpu.memory_space<hbm>>
      %dma_wait3A_452 = tpu.memref_squeeze %dma_wait3A_451 : memref<1x40x125xi32, #tpu.memory_space<hbm>> -> memref<40x125xi32, #tpu.memory_space<hbm>>
      tpu.wait_dma2 semaphore(%run_scoped3A : memref<!tpu.dma_semaphore, #tpu.memory_space<semaphore_mem>>) src(%dma_wait3A_452 : memref<40x125xi32, #tpu.memory_space<hbm>>) dst(%arg6 : memref<40x125xi32, #tpu.memory_space<vmem>>)
      tpu.yield
    }) : () -> ()
    "tpu.region"() ({
      %run_scoped3A = tpu.sem_alloc : memref<!tpu.dma_semaphore, #tpu.memory_space<semaphore_mem>>
      %dma_start3A_437 = arith.constant 40 : i32
      %dma_start3A_438 = arith.constant 0 : i32
      %dma_start3A_439 = tpu.memref_slice %arg4[%add3A, %dma_start3A_437, %dma_start3A_438] : memref<32x80x125xi32, #tpu.memory_space<hbm>> -> memref<1x40x125xi32, #tpu.memory_space<hbm>>
      %dma_start3A_440 = tpu.memref_squeeze %dma_start3A_439 : memref<1x40x125xi32, #tpu.memory_space<hbm>> -> memref<40x125xi32, #tpu.memory_space<hbm>>
      %dma_start3A_441 = arith.constant 40 : i32
      %dma_start3A_442 = arith.constant 0 : i32
      %dma_start3A_443 = tpu.memref_slice %arg4[%add3A, %dma_start3A_441, %dma_start3A_442] : memref<32x80x125xi32, #tpu.memory_space<hbm>> -> memref<1x40x125xi32, #tpu.memory_space<hbm>>
      %dma_start3A_444 = tpu.memref_squeeze %dma_start3A_443 : memref<1x40x125xi32, #tpu.memory_space<hbm>> -> memref<40x125xi32, #tpu.memory_space<hbm>>
      tpu.enqueue_dma source(%dma_start3A_444 : memref<40x125xi32, #tpu.memory_space<hbm>>) target(%arg7 : memref<40x125xi32, #tpu.memory_space<vmem>>) target_semaphore(%run_scoped3A : memref<!tpu.dma_semaphore, #tpu.memory_space<semaphore_mem>>)
      %dma_wait3A_445 = arith.constant 40 : i32
      %dma_wait3A_446 = arith.constant 0 : i32
      %dma_wait3A_447 = tpu.memref_slice %arg4[%add3A, %dma_wait3A_445, %dma_wait3A_446] : memref<32x80x125xi32, #tpu.memory_space<hbm>> -> memref<1x40x125xi32, #tpu.memory_space<hbm>>
      %dma_wait3A_448 = tpu.memref_squeeze %dma_wait3A_447 : memref<1x40x125xi32, #tpu.memory_space<hbm>> -> memref<40x125xi32, #tpu.memory_space<hbm>>
      %dma_wait3A_449 = arith.constant 40 : i32
      %dma_wait3A_450 = arith.constant 0 : i32
      %dma_wait3A_451 = tpu.memref_slice %arg4[%add3A, %dma_wait3A_449, %dma_wait3A_450] : memref<32x80x125xi32, #tpu.memory_space<hbm>> -> memref<1x40x125xi32, #tpu.memory_space<hbm>>
      %dma_wait3A_452 = tpu.memref_squeeze %dma_wait3A_451 : memref<1x40x125xi32, #tpu.memory_space<hbm>> -> memref<40x125xi32, #tpu.memory_space<hbm>>
      tpu.wait_dma2 semaphore(%run_scoped3A : memref<!tpu.dma_semaphore, #tpu.memory_space<semaphore_mem>>) src(%dma_wait3A_452 : memref<40x125xi32, #tpu.memory_space<hbm>>) dst(%arg7 : memref<40x125xi32, #tpu.memory_space<vmem>>)
      tpu.yield
    }) : () -> ()
    %dma_start3A_378 = arith.constant 0 : i32
    %dma_start3A_379 = arith.constant 0 : i32
    %dma_start3A_380 = arith.constant 0 : i32
    %dma_start3A_381 = arith.constant 0 : i32
    %dma_start3A_382 = tpu.memref_slice %arg8[%dma_start3A_379, %dma_start3A_380, %dma_start3A_381] : memref<2x125x128xf32, #tpu.memory_space<vmem>> -> memref<1x125x128xf32, #tpu.memory_space<vmem>>
    %dma_start3A_383 = tpu.memref_squeeze %dma_start3A_382 : memref<1x125x128xf32, #tpu.memory_space<vmem>> -> memref<125x128xf32, #tpu.memory_space<vmem>>
    %dma_start3A_384 = arith.constant 0 : i32
    %dma_start3A_385 = tpu.memref_slice %arg6[%dma_start3A_378, %dma_start3A_384] : memref<40x125xi32, #tpu.memory_space<vmem>> -> memref<1x125xi32, #tpu.memory_space<vmem>>
    %dma_start3A_386 = tpu.memref_squeeze %dma_start3A_385 : memref<1x125xi32, #tpu.memory_space<vmem>> -> memref<125xi32, #tpu.memory_space<vmem>>
    %dma_start3A_387 = arith.constant 0 : i32
    %dma_start3A_388 = arith.constant 0 : i32
    %dma_start3A_389 = tpu.memref_slice %arg2[%dma_start3A_387, %dma_start3A_388] : memref<10000x128xf32, #tpu.memory_space<hbm>> -> memref<10000x128xf32, #tpu.memory_space<hbm>>
    tpu.enqueue_indirect_dma source(%dma_start3A_389 : memref<10000x128xf32, #tpu.memory_space<hbm>>) target(%dma_start3A_383 : memref<125x128xf32, #tpu.memory_space<vmem>>) offsets(%dma_start3A_386 : memref<125xi32, #tpu.memory_space<vmem>>) semaphore(%arg11 : memref<!tpu.dma_semaphore, #tpu.memory_space<semaphore_mem>>)
    %dma_start3A_390 = arith.constant 1 : i32
    %dma_start3A_391 = arith.constant 1 : i32
    %dma_start3A_392 = arith.constant 0 : i32
    %dma_start3A_393 = arith.constant 0 : i32
    %dma_start3A_394 = tpu.memref_slice %arg8[%dma_start3A_391, %dma_start3A_392, %dma_start3A_393] : memref<2x125x128xf32, #tpu.memory_space<vmem>> -> memref<1x125x128xf32, #tpu.memory_space<vmem>>
    %dma_start3A_395 = tpu.memref_squeeze %dma_start3A_394 : memref<1x125x128xf32, #tpu.memory_space<vmem>> -> memref<125x128xf32, #tpu.memory_space<vmem>>
    %dma_start3A_396 = arith.constant 0 : i32
    %dma_start3A_397 = tpu.memref_slice %arg6[%dma_start3A_390, %dma_start3A_396] : memref<40x125xi32, #tpu.memory_space<vmem>> -> memref<1x125xi32, #tpu.memory_space<vmem>>
    %dma_start3A_398 = tpu.memref_squeeze %dma_start3A_397 : memref<1x125xi32, #tpu.memory_space<vmem>> -> memref<125xi32, #tpu.memory_space<vmem>>
    %dma_start3A_399 = arith.constant 0 : i32
    %dma_start3A_400 = arith.constant 0 : i32
    %dma_start3A_401 = tpu.memref_slice %arg2[%dma_start3A_399, %dma_start3A_400] : memref<10000x128xf32, #tpu.memory_space<hbm>> -> memref<10000x128xf32, #tpu.memory_space<hbm>>
    tpu.enqueue_indirect_dma source(%dma_start3A_401 : memref<10000x128xf32, #tpu.memory_space<hbm>>) target(%dma_start3A_395 : memref<125x128xf32, #tpu.memory_space<vmem>>) offsets(%dma_start3A_398 : memref<125xi32, #tpu.memory_space<vmem>>) semaphore(%arg12 : memref<!tpu.dma_semaphore, #tpu.memory_space<semaphore_mem>>)
    %scan3A_402 = arith.constant 0 : i32
    %scan3A_403 = arith.constant 0 : i32
    %scan3A_404 = arith.constant 20 : i32
    %scan3A_405 = arith.addi %scan3A_403, %scan3A_404 : i32
    %scan3A_406 = arith.constant 1 : i32
    scf.for %scan3A_437 = %scan3A_403 to %scan3A_405 step %scan3A_406  : i32 {
      %mul3A_438 = arith.constant 2 : i32
      %mul3A_439 = arith.muli %scan3A_437, %mul3A_438 : i32
      %add3A_440 = arith.constant 0 : i32
      %add3A_441 = arith.addi %mul3A_439, %add3A_440 : i32
      %dma_wait3A_442 = arith.constant 0 : i32
      %dma_wait3A_443 = arith.constant 0 : i32
      %dma_wait3A_444 = arith.constant 0 : i32
      %dma_wait3A_445 = tpu.memref_slice %arg8[%dma_wait3A_442, %dma_wait3A_443, %dma_wait3A_444] : memref<2x125x128xf32, #tpu.memory_space<vmem>> -> memref<1x125x128xf32, #tpu.memory_space<vmem>>
      %dma_wait3A_446 = tpu.memref_squeeze %dma_wait3A_445 : memref<1x125x128xf32, #tpu.memory_space<vmem>> -> memref<125x128xf32, #tpu.memory_space<vmem>>
      %dma_wait3A_447 = arith.constant 0 : i32
      %dma_wait3A_448 = tpu.memref_slice %arg6[%add3A_441, %dma_wait3A_447] : memref<40x125xi32, #tpu.memory_space<vmem>> -> memref<1x125xi32, #tpu.memory_space<vmem>>
      %dma_wait3A_449 = tpu.memref_squeeze %dma_wait3A_448 : memref<1x125xi32, #tpu.memory_space<vmem>> -> memref<125xi32, #tpu.memory_space<vmem>>
      %dma_wait3A_450 = arith.constant 0 : i32
      %dma_wait3A_451 = arith.constant 0 : i32
      %dma_wait3A_452 = tpu.memref_slice %arg2[%dma_wait3A_450, %dma_wait3A_451] : memref<10000x128xf32, #tpu.memory_space<hbm>> -> memref<10000x128xf32, #tpu.memory_space<hbm>>
      tpu.wait_indirect_dma semaphore(%arg11 : memref<!tpu.dma_semaphore, #tpu.memory_space<semaphore_mem>>) src(%dma_wait3A_452 : memref<10000x128xf32, #tpu.memory_space<hbm>>) dst(%dma_wait3A_446 : memref<125x128xf32, #tpu.memory_space<vmem>>)
      %dma_start3A_453 = arith.constant 0 : i32
      %dma_start3A_454 = arith.constant 0 : i32
      %dma_start3A_455 = arith.constant 0 : i32
      %dma_start3A_456 = tpu.memref_slice %arg8[%dma_start3A_453, %dma_start3A_454, %dma_start3A_455] : memref<2x125x128xf32, #tpu.memory_space<vmem>> -> memref<1x125x128xf32, #tpu.memory_space<vmem>>
      %dma_start3A_457 = tpu.memref_squeeze %dma_start3A_456 : memref<1x125x128xf32, #tpu.memory_space<vmem>> -> memref<125x128xf32, #tpu.memory_space<vmem>>
      %dma_start3A_458 = arith.constant 0 : i32
      %dma_start3A_459 = tpu.memref_slice %arg7[%add3A_441, %dma_start3A_458] : memref<40x125xi32, #tpu.memory_space<vmem>> -> memref<1x125xi32, #tpu.memory_space<vmem>>
      %dma_start3A_460 = tpu.memref_squeeze %dma_start3A_459 : memref<1x125xi32, #tpu.memory_space<vmem>> -> memref<125xi32, #tpu.memory_space<vmem>>
      %dma_start3A_461 = arith.constant 0 : i32
      %dma_start3A_462 = arith.constant 0 : i32
      %dma_start3A_463 = tpu.memref_slice %arg10[%dma_start3A_461, %dma_start3A_462] : memref<10240x128xf32, #tpu.memory_space<vmem_shared>> -> memref<10240x128xf32, #tpu.memory_space<vmem_shared>>
      tpu.enqueue_indirect_dma source(%dma_start3A_457 : memref<125x128xf32, #tpu.memory_space<vmem>>) target(%dma_start3A_463 : memref<10240x128xf32, #tpu.memory_space<vmem_shared>>) offsets(%dma_start3A_460 : memref<125xi32, #tpu.memory_space<vmem>>) semaphore(%arg13 : memref<!tpu.dma_semaphore, #tpu.memory_space<semaphore_mem>>) {add = true}
      %sub3A = arith.constant 1 : i32
      %sub3A_464 = arith.subi %add3A_441, %sub3A : i32
      %add3A_465 = arith.constant 2 : i32
      %add3A_466 = arith.addi %sub3A_464, %add3A_465 : i32
      %ge3A = arith.constant 0 : i32
      %ge3A_467 = arith.cmpi sge, %sub3A_464, %ge3A : i32
      %lt3A = arith.constant 40 : i32
      %lt3A_468 = arith.cmpi slt, %add3A_466, %lt3A : i32
      %and3A = arith.andi %ge3A_467, %lt3A_468 : i1
      %convert_element_type3A = arith.extui %and3A : i1 to i32
      %cond3A = arith.constant 0 : i32
      %cond3A_469 = arith.cmpi ne, %convert_element_type3A, %cond3A : i32
      scf.if %cond3A_469 {
        %dma_wait3A_508 = arith.constant 1 : i32
        %dma_wait3A_509 = arith.constant 0 : i32
        %dma_wait3A_510 = arith.constant 0 : i32
        %dma_wait3A_511 = tpu.memref_slice %arg8[%dma_wait3A_508, %dma_wait3A_509, %dma_wait3A_510] : memref<2x125x128xf32, #tpu.memory_space<vmem>> -> memref<1x125x128xf32, #tpu.memory_space<vmem>>
        %dma_wait3A_512 = tpu.memref_squeeze %dma_wait3A_511 : memref<1x125x128xf32, #tpu.memory_space<vmem>> -> memref<125x128xf32, #tpu.memory_space<vmem>>
        %dma_wait3A_513 = arith.constant 0 : i32
        %dma_wait3A_514 = tpu.memref_slice %arg7[%sub3A_464, %dma_wait3A_513] : memref<40x125xi32, #tpu.memory_space<vmem>> -> memref<1x125xi32, #tpu.memory_space<vmem>>
        %dma_wait3A_515 = tpu.memref_squeeze %dma_wait3A_514 : memref<1x125xi32, #tpu.memory_space<vmem>> -> memref<125xi32, #tpu.memory_space<vmem>>
        %dma_wait3A_516 = arith.constant 0 : i32
        %dma_wait3A_517 = arith.constant 0 : i32
        %dma_wait3A_518 = tpu.memref_slice %arg10[%dma_wait3A_516, %dma_wait3A_517] : memref<10240x128xf32, #tpu.memory_space<vmem_shared>> -> memref<10240x128xf32, #tpu.memory_space<vmem_shared>>
        tpu.wait_indirect_dma semaphore(%arg14 : memref<!tpu.dma_semaphore, #tpu.memory_space<semaphore_mem>>) src(%dma_wait3A_512 : memref<125x128xf32, #tpu.memory_space<vmem>>) dst(%dma_wait3A_518 : memref<10240x128xf32, #tpu.memory_space<vmem_shared>>)
        %dma_start3A_519 = arith.constant 1 : i32
        %dma_start3A_520 = arith.constant 0 : i32
        %dma_start3A_521 = arith.constant 0 : i32
        %dma_start3A_522 = tpu.memref_slice %arg8[%dma_start3A_519, %dma_start3A_520, %dma_start3A_521] : memref<2x125x128xf32, #tpu.memory_space<vmem>> -> memref<1x125x128xf32, #tpu.memory_space<vmem>>
        %dma_start3A_523 = tpu.memref_squeeze %dma_start3A_522 : memref<1x125x128xf32, #tpu.memory_space<vmem>> -> memref<125x128xf32, #tpu.memory_space<vmem>>
        %dma_start3A_524 = arith.constant 0 : i32
        %dma_start3A_525 = tpu.memref_slice %arg6[%add3A_466, %dma_start3A_524] : memref<40x125xi32, #tpu.memory_space<vmem>> -> memref<1x125xi32, #tpu.memory_space<vmem>>
        %dma_start3A_526 = tpu.memref_squeeze %dma_start3A_525 : memref<1x125xi32, #tpu.memory_space<vmem>> -> memref<125xi32, #tpu.memory_space<vmem>>
        %dma_start3A_527 = arith.constant 0 : i32
        %dma_start3A_528 = arith.constant 0 : i32
        %dma_start3A_529 = tpu.memref_slice %arg2[%dma_start3A_527, %dma_start3A_528] : memref<10000x128xf32, #tpu.memory_space<hbm>> -> memref<10000x128xf32, #tpu.memory_space<hbm>>
        tpu.enqueue_indirect_dma source(%dma_start3A_529 : memref<10000x128xf32, #tpu.memory_space<hbm>>) target(%dma_start3A_523 : memref<125x128xf32, #tpu.memory_space<vmem>>) offsets(%dma_start3A_526 : memref<125xi32, #tpu.memory_space<vmem>>) semaphore(%arg12 : memref<!tpu.dma_semaphore, #tpu.memory_space<semaphore_mem>>)
      } else {
      }
      %mul3A_470 = arith.constant 2 : i32
      %mul3A_471 = arith.muli %scan3A_437, %mul3A_470 : i32
      %add3A_472 = arith.constant 1 : i32
      %add3A_473 = arith.addi %mul3A_471, %add3A_472 : i32
      %dma_wait3A_474 = arith.constant 1 : i32
      %dma_wait3A_475 = arith.constant 0 : i32
      %dma_wait3A_476 = arith.constant 0 : i32
      %dma_wait3A_477 = tpu.memref_slice %arg8[%dma_wait3A_474, %dma_wait3A_475, %dma_wait3A_476] : memref<2x125x128xf32, #tpu.memory_space<vmem>> -> memref<1x125x128xf32, #tpu.memory_space<vmem>>
      %dma_wait3A_478 = tpu.memref_squeeze %dma_wait3A_477 : memref<1x125x128xf32, #tpu.memory_space<vmem>> -> memref<125x128xf32, #tpu.memory_space<vmem>>
      %dma_wait3A_479 = arith.constant 0 : i32
      %dma_wait3A_480 = tpu.memref_slice %arg6[%add3A_473, %dma_wait3A_479] : memref<40x125xi32, #tpu.memory_space<vmem>> -> memref<1x125xi32, #tpu.memory_space<vmem>>
      %dma_wait3A_481 = tpu.memref_squeeze %dma_wait3A_480 : memref<1x125xi32, #tpu.memory_space<vmem>> -> memref<125xi32, #tpu.memory_space<vmem>>
      %dma_wait3A_482 = arith.constant 0 : i32
      %dma_wait3A_483 = arith.constant 0 : i32
      %dma_wait3A_484 = tpu.memref_slice %arg2[%dma_wait3A_482, %dma_wait3A_483] : memref<10000x128xf32, #tpu.memory_space<hbm>> -> memref<10000x128xf32, #tpu.memory_space<hbm>>
      tpu.wait_indirect_dma semaphore(%arg12 : memref<!tpu.dma_semaphore, #tpu.memory_space<semaphore_mem>>) src(%dma_wait3A_484 : memref<10000x128xf32, #tpu.memory_space<hbm>>) dst(%dma_wait3A_478 : memref<125x128xf32, #tpu.memory_space<vmem>>)
      %dma_start3A_485 = arith.constant 1 : i32
      %dma_start3A_486 = arith.constant 0 : i32
      %dma_start3A_487 = arith.constant 0 : i32
      %dma_start3A_488 = tpu.memref_slice %arg8[%dma_start3A_485, %dma_start3A_486, %dma_start3A_487] : memref<2x125x128xf32, #tpu.memory_space<vmem>> -> memref<1x125x128xf32, #tpu.memory_space<vmem>>
      %dma_start3A_489 = tpu.memref_squeeze %dma_start3A_488 : memref<1x125x128xf32, #tpu.memory_space<vmem>> -> memref<125x128xf32, #tpu.memory_space<vmem>>
      %dma_start3A_490 = arith.constant 0 : i32
      %dma_start3A_491 = tpu.memref_slice %arg7[%add3A_473, %dma_start3A_490] : memref<40x125xi32, #tpu.memory_space<vmem>> -> memref<1x125xi32, #tpu.memory_space<vmem>>
      %dma_start3A_492 = tpu.memref_squeeze %dma_start3A_491 : memref<1x125xi32, #tpu.memory_space<vmem>> -> memref<125xi32, #tpu.memory_space<vmem>>
      %dma_start3A_493 = arith.constant 0 : i32
      %dma_start3A_494 = arith.constant 0 : i32
      %dma_start3A_495 = tpu.memref_slice %arg10[%dma_start3A_493, %dma_start3A_494] : memref<10240x128xf32, #tpu.memory_space<vmem_shared>> -> memref<10240x128xf32, #tpu.memory_space<vmem_shared>>
      tpu.enqueue_indirect_dma source(%dma_start3A_489 : memref<125x128xf32, #tpu.memory_space<vmem>>) target(%dma_start3A_495 : memref<10240x128xf32, #tpu.memory_space<vmem_shared>>) offsets(%dma_start3A_492 : memref<125xi32, #tpu.memory_space<vmem>>) semaphore(%arg14 : memref<!tpu.dma_semaphore, #tpu.memory_space<semaphore_mem>>) {add = true}
      %sub3A_496 = arith.constant 1 : i32
      %sub3A_497 = arith.subi %add3A_473, %sub3A_496 : i32
      %add3A_498 = arith.constant 2 : i32
      %add3A_499 = arith.addi %sub3A_497, %add3A_498 : i32
      %ge3A_500 = arith.constant 0 : i32
      %ge3A_501 = arith.cmpi sge, %sub3A_497, %ge3A_500 : i32
      %lt3A_502 = arith.constant 40 : i32
      %lt3A_503 = arith.cmpi slt, %add3A_499, %lt3A_502 : i32
      %and3A_504 = arith.andi %ge3A_501, %lt3A_503 : i1
      %convert_element_type3A_505 = arith.extui %and3A_504 : i1 to i32
      %cond3A_506 = arith.constant 0 : i32
      %cond3A_507 = arith.cmpi ne, %convert_element_type3A_505, %cond3A_506 : i32
      scf.if %cond3A_507 {
        %dma_wait3A_508 = arith.constant 0 : i32
        %dma_wait3A_509 = arith.constant 0 : i32
        %dma_wait3A_510 = arith.constant 0 : i32
        %dma_wait3A_511 = tpu.memref_slice %arg8[%dma_wait3A_508, %dma_wait3A_509, %dma_wait3A_510] : memref<2x125x128xf32, #tpu.memory_space<vmem>> -> memref<1x125x128xf32, #tpu.memory_space<vmem>>
        %dma_wait3A_512 = tpu.memref_squeeze %dma_wait3A_511 : memref<1x125x128xf32, #tpu.memory_space<vmem>> -> memref<125x128xf32, #tpu.memory_space<vmem>>
        %dma_wait3A_513 = arith.constant 0 : i32
        %dma_wait3A_514 = tpu.memref_slice %arg7[%sub3A_497, %dma_wait3A_513] : memref<40x125xi32, #tpu.memory_space<vmem>> -> memref<1x125xi32, #tpu.memory_space<vmem>>
        %dma_wait3A_515 = tpu.memref_squeeze %dma_wait3A_514 : memref<1x125xi32, #tpu.memory_space<vmem>> -> memref<125xi32, #tpu.memory_space<vmem>>
        %dma_wait3A_516 = arith.constant 0 : i32
        %dma_wait3A_517 = arith.constant 0 : i32
        %dma_wait3A_518 = tpu.memref_slice %arg10[%dma_wait3A_516, %dma_wait3A_517] : memref<10240x128xf32, #tpu.memory_space<vmem_shared>> -> memref<10240x128xf32, #tpu.memory_space<vmem_shared>>
        tpu.wait_indirect_dma semaphore(%arg13 : memref<!tpu.dma_semaphore, #tpu.memory_space<semaphore_mem>>) src(%dma_wait3A_512 : memref<125x128xf32, #tpu.memory_space<vmem>>) dst(%dma_wait3A_518 : memref<10240x128xf32, #tpu.memory_space<vmem_shared>>)
        %dma_start3A_519 = arith.constant 0 : i32
        %dma_start3A_520 = arith.constant 0 : i32
        %dma_start3A_521 = arith.constant 0 : i32
        %dma_start3A_522 = tpu.memref_slice %arg8[%dma_start3A_519, %dma_start3A_520, %dma_start3A_521] : memref<2x125x128xf32, #tpu.memory_space<vmem>> -> memref<1x125x128xf32, #tpu.memory_space<vmem>>
        %dma_start3A_523 = tpu.memref_squeeze %dma_start3A_522 : memref<1x125x128xf32, #tpu.memory_space<vmem>> -> memref<125x128xf32, #tpu.memory_space<vmem>>
        %dma_start3A_524 = arith.constant 0 : i32
        %dma_start3A_525 = tpu.memref_slice %arg6[%add3A_499, %dma_start3A_524] : memref<40x125xi32, #tpu.memory_space<vmem>> -> memref<1x125xi32, #tpu.memory_space<vmem>>
        %dma_start3A_526 = tpu.memref_squeeze %dma_start3A_525 : memref<1x125xi32, #tpu.memory_space<vmem>> -> memref<125xi32, #tpu.memory_space<vmem>>
        %dma_start3A_527 = arith.constant 0 : i32
        %dma_start3A_528 = arith.constant 0 : i32
        %dma_start3A_529 = tpu.memref_slice %arg2[%dma_start3A_527, %dma_start3A_528] : memref<10000x128xf32, #tpu.memory_space<hbm>> -> memref<10000x128xf32, #tpu.memory_space<hbm>>
        tpu.enqueue_indirect_dma source(%dma_start3A_529 : memref<10000x128xf32, #tpu.memory_space<hbm>>) target(%dma_start3A_523 : memref<125x128xf32, #tpu.memory_space<vmem>>) offsets(%dma_start3A_526 : memref<125xi32, #tpu.memory_space<vmem>>) semaphore(%arg11 : memref<!tpu.dma_semaphore, #tpu.memory_space<semaphore_mem>>)
      } else {
      }
    }
    %scan3A_407 = arith.constant 20 : i32
    %dma_wait3A_408 = arith.constant 0 : i32
    %dma_wait3A_409 = arith.constant 38 : i32
    %dma_wait3A_410 = arith.constant 0 : i32
    %dma_wait3A_411 = arith.constant 0 : i32
    %dma_wait3A_412 = tpu.memref_slice %arg8[%dma_wait3A_408, %dma_wait3A_410, %dma_wait3A_411] : memref<2x125x128xf32, #tpu.memory_space<vmem>> -> memref<1x125x128xf32, #tpu.memory_space<vmem>>
    %dma_wait3A_413 = tpu.memref_squeeze %dma_wait3A_412 : memref<1x125x128xf32, #tpu.memory_space<vmem>> -> memref<125x128xf32, #tpu.memory_space<vmem>>
    %dma_wait3A_414 = arith.constant 0 : i32
    %dma_wait3A_415 = tpu.memref_slice %arg7[%dma_wait3A_409, %dma_wait3A_414] : memref<40x125xi32, #tpu.memory_space<vmem>> -> memref<1x125xi32, #tpu.memory_space<vmem>>
    %dma_wait3A_416 = tpu.memref_squeeze %dma_wait3A_415 : memref<1x125xi32, #tpu.memory_space<vmem>> -> memref<125xi32, #tpu.memory_space<vmem>>
    %dma_wait3A_417 = arith.constant 0 : i32
    %dma_wait3A_418 = arith.constant 0 : i32
    %dma_wait3A_419 = tpu.memref_slice %arg10[%dma_wait3A_417, %dma_wait3A_418] : memref<10240x128xf32, #tpu.memory_space<vmem_shared>> -> memref<10240x128xf32, #tpu.memory_space<vmem_shared>>
    tpu.wait_indirect_dma semaphore(%arg13 : memref<!tpu.dma_semaphore, #tpu.memory_space<semaphore_mem>>) src(%dma_wait3A_413 : memref<125x128xf32, #tpu.memory_space<vmem>>) dst(%dma_wait3A_419 : memref<10240x128xf32, #tpu.memory_space<vmem_shared>>)
    %dma_wait3A_420 = arith.constant 1 : i32
    %dma_wait3A_421 = arith.constant 39 : i32
    %dma_wait3A_422 = arith.constant 0 : i32
    %dma_wait3A_423 = arith.constant 0 : i32
    %dma_wait3A_424 = tpu.memref_slice %arg8[%dma_wait3A_420, %dma_wait3A_422, %dma_wait3A_423] : memref<2x125x128xf32, #tpu.memory_space<vmem>> -> memref<1x125x128xf32, #tpu.memory_space<vmem>>
    %dma_wait3A_425 = tpu.memref_squeeze %dma_wait3A_424 : memref<1x125x128xf32, #tpu.memory_space<vmem>> -> memref<125x128xf32, #tpu.memory_space<vmem>>
    %dma_wait3A_426 = arith.constant 0 : i32
    %dma_wait3A_427 = tpu.memref_slice %arg7[%dma_wait3A_421, %dma_wait3A_426] : memref<40x125xi32, #tpu.memory_space<vmem>> -> memref<1x125xi32, #tpu.memory_space<vmem>>
    %dma_wait3A_428 = tpu.memref_squeeze %dma_wait3A_427 : memref<1x125xi32, #tpu.memory_space<vmem>> -> memref<125xi32, #tpu.memory_space<vmem>>
    %dma_wait3A_429 = arith.constant 0 : i32
    %dma_wait3A_430 = arith.constant 0 : i32
    %dma_wait3A_431 = tpu.memref_slice %arg10[%dma_wait3A_429, %dma_wait3A_430] : memref<10240x128xf32, #tpu.memory_space<vmem_shared>> -> memref<10240x128xf32, #tpu.memory_space<vmem_shared>>
    tpu.wait_indirect_dma semaphore(%arg14 : memref<!tpu.dma_semaphore, #tpu.memory_space<semaphore_mem>>) src(%dma_wait3A_425 : memref<125x128xf32, #tpu.memory_space<vmem>>) dst(%dma_wait3A_431 : memref<10240x128xf32, #tpu.memory_space<vmem_shared>>)
    %barrier3A_432 = arith.constant 0 : index
    tpu.barrier barrier_id(%barrier3A_432)
    %mul3A_433 = arith.constant 640 : i32
    %mul3A_434 = arith.muli %arg1, %mul3A_433 : i32
    %mul3A_435 = arith.constant 640 : i32
    %mul3A_436 = arith.muli %arg1, %mul3A_435 : i32
    "tpu.region"() ({
      %run_scoped3A = tpu.sem_alloc : memref<!tpu.dma_semaphore, #tpu.memory_space<semaphore_mem>>
      %dma_start3A_437 = arith.constant 0 : i32
      %dma_start3A_438 = tpu.memref_slice %arg5[%arg0, %mul3A_436, %dma_start3A_437] : memref<2x10240x128xf32, #tpu.memory_space<hbm>> -> memref<1x640x128xf32, #tpu.memory_space<hbm>>
      %dma_start3A_439 = tpu.memref_squeeze %dma_start3A_438 : memref<1x640x128xf32, #tpu.memory_space<hbm>> -> memref<640x128xf32, #tpu.memory_space<hbm>>
      %dma_start3A_440 = arith.constant 0 : i32
      %dma_start3A_441 = tpu.memref_slice %arg10[%mul3A_434, %dma_start3A_440] : memref<10240x128xf32, #tpu.memory_space<vmem_shared>> -> memref<640x128xf32, #tpu.memory_space<vmem_shared>>
      tpu.enqueue_dma source(%dma_start3A_441 : memref<640x128xf32, #tpu.memory_space<vmem_shared>>) target(%dma_start3A_439 : memref<640x128xf32, #tpu.memory_space<hbm>>) target_semaphore(%run_scoped3A : memref<!tpu.dma_semaphore, #tpu.memory_space<semaphore_mem>>)
      %dma_wait3A_442 = arith.constant 0 : i32
      %dma_wait3A_443 = tpu.memref_slice %arg5[%arg0, %mul3A_436, %dma_wait3A_442] : memref<2x10240x128xf32, #tpu.memory_space<hbm>> -> memref<1x640x128xf32, #tpu.memory_space<hbm>>
      %dma_wait3A_444 = tpu.memref_squeeze %dma_wait3A_443 : memref<1x640x128xf32, #tpu.memory_space<hbm>> -> memref<640x128xf32, #tpu.memory_space<hbm>>
      %dma_wait3A_445 = arith.constant 0 : i32
      %dma_wait3A_446 = tpu.memref_slice %arg10[%mul3A_434, %dma_wait3A_445] : memref<10240x128xf32, #tpu.memory_space<vmem_shared>> -> memref<640x128xf32, #tpu.memory_space<vmem_shared>>
      tpu.wait_dma2 semaphore(%run_scoped3A : memref<!tpu.dma_semaphore, #tpu.memory_space<semaphore_mem>>) src(%dma_wait3A_446 : memref<640x128xf32, #tpu.memory_space<vmem_shared>>) dst(%dma_wait3A_444 : memref<640x128xf32, #tpu.memory_space<hbm>>)
      tpu.yield
    }) : () -> ()
    return
  }
}

module attributes {stable_mosaic.version = 14 : i64} {
  func.func @_tc_mid_body(%arg0: i32, %arg1: memref<2x400x128xf32, #tpu.memory_space<vmem>>, %arg2: memref<400x128xf32, #tpu.memory_space<vmem>>, %arg3: memref<400x128xf32, #tpu.memory_space<vmem>>, %arg4: memref<128x512xf32, #tpu.memory_space<vmem>>, %arg5: memref<1x512xf32, #tpu.memory_space<vmem>>, %arg6: memref<512x40xf32, #tpu.memory_space<vmem>>, %arg7: memref<512x40xf32, #tpu.memory_space<vmem>>, %arg8: memref<400x128xf32, #tpu.memory_space<vmem>>, %arg9: memref<400x40xf32, #tpu.memory_space<vmem>>, %arg10: memref<400x40xf32, #tpu.memory_space<vmem>>) attributes {dimension_semantics = [#tpu.dimension_semantics<arbitrary>], iteration_bounds = array<i64: 25>, scalar_prefetch = 0 : i64, scratch_operands = 0 : i64, tpu.core_type = #tpu.core_type<tc>, window_params = [{transform_indices = @transform_0, window_bounds = array<i64: 2, 400, 128>}, {transform_indices = @transform_1, window_bounds = array<i64: 400, 128>}, {transform_indices = @transform_2, window_bounds = array<i64: 400, 128>}, {pipeline_mode = #tpu.pipeline_mode<synchronous>, transform_indices = @transform_3, window_bounds = array<i64: 128, 512>}, {pipeline_mode = #tpu.pipeline_mode<synchronous>, transform_indices = @transform_4, window_bounds = array<i64: 1, 512>}, {pipeline_mode = #tpu.pipeline_mode<synchronous>, transform_indices = @transform_5, window_bounds = array<i64: 512, 40>}, {pipeline_mode = #tpu.pipeline_mode<synchronous>, transform_indices = @transform_6, window_bounds = array<i64: 512, 40>}, {transform_indices = @transform_7, window_bounds = array<i64: 400, 128>}, {transform_indices = @transform_8, window_bounds = array<i64: 400, 40>}, {transform_indices = @transform_9, window_bounds = array<i64: 400, 40>}]} {
    %get3A = arith.constant 0 : index
    %get3A_0 = arith.constant 0 : index
    %get3A_1 = arith.constant 0 : index
    %get3A_2 = vector.load %arg1[%get3A, %get3A_0, %get3A_1] : memref<2x400x128xf32, #tpu.memory_space<vmem>>, vector<1x400x128xf32>
    %get3A_3 = vector.shape_cast %get3A_2 : vector<1x400x128xf32> to vector<400x128xf32>
    %get3A_4 = arith.constant 1 : index
    %get3A_5 = arith.constant 0 : index
    %get3A_6 = arith.constant 0 : index
    %get3A_7 = vector.load %arg1[%get3A_4, %get3A_5, %get3A_6] : memref<2x400x128xf32, #tpu.memory_space<vmem>>, vector<1x400x128xf32>
    %get3A_8 = vector.shape_cast %get3A_7 : vector<1x400x128xf32> to vector<400x128xf32>
    %add3A = arith.addf %get3A_3, %get3A_8 : vector<400x128xf32>
    %get3A_9 = arith.constant 0 : index
    %get3A_10 = arith.constant 0 : index
    %get3A_11 = vector.load %arg2[%get3A_9, %get3A_10] : memref<400x128xf32, #tpu.memory_space<vmem>>, vector<400x128xf32>
    %add3A_12 = arith.addf %add3A, %get3A_11 : vector<400x128xf32>
    %get3A_13 = arith.constant 0 : index
    %get3A_14 = arith.constant 0 : index
    %get3A_15 = vector.load %arg3[%get3A_13, %get3A_14] : memref<400x128xf32, #tpu.memory_space<vmem>>, vector<400x128xf32>
    %mul3A = arith.mulf %get3A_15, %add3A_12 : vector<400x128xf32>
    %mul3A_16 = arith.mulf %mul3A, %get3A_15 : vector<400x128xf32>
    %swap3A = arith.constant 0 : index
    %swap3A_17 = arith.constant 0 : index
    %swap3A_18 = vector.load %arg8[%swap3A, %swap3A_17] : memref<400x128xf32, #tpu.memory_space<vmem>>, vector<400x128xf32>
    tpu.vector_store %arg8[%swap3A, %swap3A_17], %mul3A_16 {strides = array<i32>} : memref<400x128xf32, #tpu.memory_space<vmem>>, vector<400x128xf32>,
    %get3A_19 = arith.constant 0 : index
    %get3A_20 = arith.constant 0 : index
    %get3A_21 = vector.load %arg4[%get3A_19, %get3A_20] : memref<128x512xf32, #tpu.memory_space<vmem>>, vector<128x512xf32>
    %dot_general3A = arith.constant dense<0.000000e+00> : vector<400x512xf32>
    %dot_general3A_22 = tpu.matmul %mul3A, %get3A_21, %dot_general3A {dimension_numbers = #tpu.dot_dimension_numbers<[1], [0], [0], [1], [0, 0, 1, 1], [], []>, transpose_lhs_hint = false} : vector<400x128xf32>, vector<128x512xf32>, vector<400x512xf32> -> vector<400x512xf32>
    %get3A_23 = arith.constant 0 : index
    %get3A_24 = arith.constant 0 : index
    %get3A_25 = vector.load %arg5[%get3A_23, %get3A_24] : memref<1x512xf32, #tpu.memory_space<vmem>>, vector<1x512xf32>
    %add3A_26 = vector.broadcast %get3A_25 : vector<1x512xf32> to vector<400x512xf32>
    %add3A_27 = arith.addf %dot_general3A_22, %add3A_26 : vector<400x512xf32>
    %max3A = arith.constant 0.000000e+00 : f32
    %max3A_28 = vector.broadcast %max3A : f32 to vector<400x512xf32>
    %max3A_29 = arith.maximumf %add3A_27, %max3A_28 : vector<400x512xf32>
    %get3A_30 = arith.constant 0 : index
    %get3A_31 = arith.constant 0 : index
    %get3A_32 = vector.load %arg6[%get3A_30, %get3A_31] : memref<512x40xf32, #tpu.memory_space<vmem>>, vector<512x40xf32>
    %dot_general3A_33 = arith.constant dense<0.000000e+00> : vector<400x40xf32>
    %dot_general3A_34 = tpu.matmul %max3A_29, %get3A_32, %dot_general3A_33 {dimension_numbers = #tpu.dot_dimension_numbers<[1], [0], [0], [1], [0, 0, 1, 1], [], []>, transpose_lhs_hint = false} : vector<400x512xf32>, vector<512x40xf32>, vector<400x40xf32> -> vector<400x40xf32>
    %swap3A_35 = arith.constant 0 : index
    %swap3A_36 = arith.constant 0 : index
    %swap3A_37 = vector.load %arg9[%swap3A_35, %swap3A_36] : memref<400x40xf32, #tpu.memory_space<vmem>>, vector<400x40xf32>
    tpu.vector_store %arg9[%swap3A_35, %swap3A_36], %dot_general3A_34 {strides = array<i32>} : memref<400x40xf32, #tpu.memory_space<vmem>>, vector<400x40xf32>,
    %get3A_38 = arith.constant 0 : index
    %get3A_39 = arith.constant 0 : index
    %get3A_40 = vector.load %arg7[%get3A_38, %get3A_39] : memref<512x40xf32, #tpu.memory_space<vmem>>, vector<512x40xf32>
    %dot_general3A_41 = arith.constant dense<0.000000e+00> : vector<400x40xf32>
    %dot_general3A_42 = tpu.matmul %max3A_29, %get3A_40, %dot_general3A_41 {dimension_numbers = #tpu.dot_dimension_numbers<[1], [0], [0], [1], [0, 0, 1, 1], [], []>, transpose_lhs_hint = false} : vector<400x512xf32>, vector<512x40xf32>, vector<400x40xf32> -> vector<400x40xf32>
    %swap3A_43 = arith.constant 0 : index
    %swap3A_44 = arith.constant 0 : index
    %swap3A_45 = vector.load %arg10[%swap3A_43, %swap3A_44] : memref<400x40xf32, #tpu.memory_space<vmem>>, vector<400x40xf32>
    tpu.vector_store %arg10[%swap3A_43, %swap3A_44], %dot_general3A_42 {strides = array<i32>} : memref<400x40xf32, #tpu.memory_space<vmem>>, vector<400x40xf32>,
    return
  }
  func.func @transform_0(%arg0: i32) -> (i32, i32, i32) {
    %c0_i32 = arith.constant 0 : i32
    %c0_i32_0 = arith.constant 0 : i32
    %c0_i32_1 = arith.constant 0 : i32
    return %c0_i32, %arg0, %c0_i32_0 : i32, i32, i32
  }
  func.func @transform_1(%arg0: i32) -> (i32, i32) {
    %c0_i32 = arith.constant 0 : i32
    %c0_i32_0 = arith.constant 0 : i32
    return %arg0, %c0_i32 : i32, i32
  }
  func.func @transform_2(%arg0: i32) -> (i32, i32) {
    %c0_i32 = arith.constant 0 : i32
    %c0_i32_0 = arith.constant 0 : i32
    return %arg0, %c0_i32 : i32, i32
  }
  func.func @transform_3(%arg0: i32) -> (i32, i32) {
    %c0_i32 = arith.constant 0 : i32
    %c0_i32_0 = arith.constant 0 : i32
    %c0_i32_1 = arith.constant 0 : i32
    return %c0_i32, %c0_i32_0 : i32, i32
  }
  func.func @transform_4(%arg0: i32) -> (i32, i32) {
    %c0_i32 = arith.constant 0 : i32
    %c0_i32_0 = arith.constant 0 : i32
    %c0_i32_1 = arith.constant 0 : i32
    return %c0_i32, %c0_i32_0 : i32, i32
  }
  func.func @transform_5(%arg0: i32) -> (i32, i32) {
    %c0_i32 = arith.constant 0 : i32
    %c0_i32_0 = arith.constant 0 : i32
    %c0_i32_1 = arith.constant 0 : i32
    return %c0_i32, %c0_i32_0 : i32, i32
  }
  func.func @transform_6(%arg0: i32) -> (i32, i32) {
    %c0_i32 = arith.constant 0 : i32
    %c0_i32_0 = arith.constant 0 : i32
    %c0_i32_1 = arith.constant 0 : i32
    return %c0_i32, %c0_i32_0 : i32, i32
  }
  func.func @transform_7(%arg0: i32) -> (i32, i32) {
    %c0_i32 = arith.constant 0 : i32
    %c0_i32_0 = arith.constant 0 : i32
    return %arg0, %c0_i32 : i32, i32
  }
  func.func @transform_8(%arg0: i32) -> (i32, i32) {
    %c0_i32 = arith.constant 0 : i32
    %c0_i32_0 = arith.constant 0 : i32
    return %arg0, %c0_i32 : i32, i32
  }
  func.func @transform_9(%arg0: i32) -> (i32, i32) {
    %c0_i32 = arith.constant 0 : i32
    %c0_i32_0 = arith.constant 0 : i32
    return %arg0, %c0_i32 : i32, i32
  }
}

module attributes {stable_mosaic.version = 14 : i64} {
  func.func @_tc_prep_body(%arg0: i32, %arg1: memref<2x400x128xf32, #tpu.memory_space<vmem>>, %arg2: memref<400x128xf32, #tpu.memory_space<vmem>>, %arg3: memref<128x512xf32, #tpu.memory_space<vmem>>, %arg4: memref<1x512xf32, #tpu.memory_space<vmem>>, %arg5: memref<512x40xf32, #tpu.memory_space<vmem>>, %arg6: memref<512x40xf32, #tpu.memory_space<vmem>>, %arg7: memref<400x128xf32, #tpu.memory_space<vmem>>, %arg8: memref<400x128xf32, #tpu.memory_space<vmem>>, %arg9: memref<400x40xf32, #tpu.memory_space<vmem>>, %arg10: memref<400x40xf32, #tpu.memory_space<vmem>>) attributes {dimension_semantics = [#tpu.dimension_semantics<arbitrary>], iteration_bounds = array<i64: 25>, scalar_prefetch = 0 : i64, scratch_operands = 0 : i64, tpu.core_type = #tpu.core_type<tc>, window_params = [{transform_indices = @transform_0, window_bounds = array<i64: 2, 400, 128>}, {transform_indices = @transform_1, window_bounds = array<i64: 400, 128>}, {pipeline_mode = #tpu.pipeline_mode<synchronous>, transform_indices = @transform_2, window_bounds = array<i64: 128, 512>}, {pipeline_mode = #tpu.pipeline_mode<synchronous>, transform_indices = @transform_3, window_bounds = array<i64: 1, 512>}, {pipeline_mode = #tpu.pipeline_mode<synchronous>, transform_indices = @transform_4, window_bounds = array<i64: 512, 40>}, {pipeline_mode = #tpu.pipeline_mode<synchronous>, transform_indices = @transform_5, window_bounds = array<i64: 512, 40>}, {transform_indices = @transform_6, window_bounds = array<i64: 400, 128>}, {transform_indices = @transform_7, window_bounds = array<i64: 400, 128>}, {transform_indices = @transform_8, window_bounds = array<i64: 400, 40>}, {transform_indices = @transform_9, window_bounds = array<i64: 400, 40>}]} {
    %get3A = arith.constant 0 : index
    %get3A_0 = arith.constant 0 : index
    %get3A_1 = arith.constant 0 : index
    %get3A_2 = vector.load %arg1[%get3A, %get3A_0, %get3A_1] : memref<2x400x128xf32, #tpu.memory_space<vmem>>, vector<1x400x128xf32>
    %get3A_3 = vector.shape_cast %get3A_2 : vector<1x400x128xf32> to vector<400x128xf32>
    %get3A_4 = arith.constant 1 : index
    %get3A_5 = arith.constant 0 : index
    %get3A_6 = arith.constant 0 : index
    %get3A_7 = vector.load %arg1[%get3A_4, %get3A_5, %get3A_6] : memref<2x400x128xf32, #tpu.memory_space<vmem>>, vector<1x400x128xf32>
    %get3A_8 = vector.shape_cast %get3A_7 : vector<1x400x128xf32> to vector<400x128xf32>
    %add3A = arith.addf %get3A_3, %get3A_8 : vector<400x128xf32>
    %add3A_9 = arith.constant 1.000000e+00 : f32
    %add3A_10 = vector.broadcast %add3A_9 : f32 to vector<400x128xf32>
    %add3A_11 = arith.addf %add3A, %add3A_10 : vector<400x128xf32>
    %rsqrt3A = math.rsqrt %add3A_11 : vector<400x128xf32>
    %get3A_12 = arith.constant 0 : index
    %get3A_13 = arith.constant 0 : index
    %get3A_14 = vector.load %arg2[%get3A_12, %get3A_13] : memref<400x128xf32, #tpu.memory_space<vmem>>, vector<400x128xf32>
    %mul3A = arith.mulf %get3A_14, %rsqrt3A : vector<400x128xf32>
    %swap3A = arith.constant 0 : index
    %swap3A_15 = arith.constant 0 : index
    %swap3A_16 = vector.load %arg7[%swap3A, %swap3A_15] : memref<400x128xf32, #tpu.memory_space<vmem>>, vector<400x128xf32>
    tpu.vector_store %arg7[%swap3A, %swap3A_15], %mul3A {strides = array<i32>} : memref<400x128xf32, #tpu.memory_space<vmem>>, vector<400x128xf32>,
    %swap3A_17 = arith.constant 0 : index
    %swap3A_18 = arith.constant 0 : index
    %swap3A_19 = vector.load %arg8[%swap3A_17, %swap3A_18] : memref<400x128xf32, #tpu.memory_space<vmem>>, vector<400x128xf32>
    tpu.vector_store %arg8[%swap3A_17, %swap3A_18], %rsqrt3A {strides = array<i32>} : memref<400x128xf32, #tpu.memory_space<vmem>>, vector<400x128xf32>,
    %get3A_20 = arith.constant 0 : index
    %get3A_21 = arith.constant 0 : index
    %get3A_22 = vector.load %arg3[%get3A_20, %get3A_21] : memref<128x512xf32, #tpu.memory_space<vmem>>, vector<128x512xf32>
    %dot_general3A = arith.constant dense<0.000000e+00> : vector<400x512xf32>
    %dot_general3A_23 = tpu.matmul %get3A_14, %get3A_22, %dot_general3A {dimension_numbers = #tpu.dot_dimension_numbers<[1], [0], [0], [1], [0, 0, 1, 1], [], []>, transpose_lhs_hint = false} : vector<400x128xf32>, vector<128x512xf32>, vector<400x512xf32> -> vector<400x512xf32>
    %get3A_24 = arith.constant 0 : index
    %get3A_25 = arith.constant 0 : index
    %get3A_26 = vector.load %arg4[%get3A_24, %get3A_25] : memref<1x512xf32, #tpu.memory_space<vmem>>, vector<1x512xf32>
    %add3A_27 = vector.broadcast %get3A_26 : vector<1x512xf32> to vector<400x512xf32>
    %add3A_28 = arith.addf %dot_general3A_23, %add3A_27 : vector<400x512xf32>
    %max3A = arith.constant 0.000000e+00 : f32
    %max3A_29 = vector.broadcast %max3A : f32 to vector<400x512xf32>
    %max3A_30 = arith.maximumf %add3A_28, %max3A_29 : vector<400x512xf32>
    %get3A_31 = arith.constant 0 : index
    %get3A_32 = arith.constant 0 : index
    %get3A_33 = vector.load %arg5[%get3A_31, %get3A_32] : memref<512x40xf32, #tpu.memory_space<vmem>>, vector<512x40xf32>
    %dot_general3A_34 = arith.constant dense<0.000000e+00> : vector<400x40xf32>
    %dot_general3A_35 = tpu.matmul %max3A_30, %get3A_33, %dot_general3A_34 {dimension_numbers = #tpu.dot_dimension_numbers<[1], [0], [0], [1], [0, 0, 1, 1], [], []>, transpose_lhs_hint = false} : vector<400x512xf32>, vector<512x40xf32>, vector<400x40xf32> -> vector<400x40xf32>
    %swap3A_36 = arith.constant 0 : index
    %swap3A_37 = arith.constant 0 : index
    %swap3A_38 = vector.load %arg9[%swap3A_36, %swap3A_37] : memref<400x40xf32, #tpu.memory_space<vmem>>, vector<400x40xf32>
    tpu.vector_store %arg9[%swap3A_36, %swap3A_37], %dot_general3A_35 {strides = array<i32>} : memref<400x40xf32, #tpu.memory_space<vmem>>, vector<400x40xf32>,
    %get3A_39 = arith.constant 0 : index
    %get3A_40 = arith.constant 0 : index
    %get3A_41 = vector.load %arg6[%get3A_39, %get3A_40] : memref<512x40xf32, #tpu.memory_space<vmem>>, vector<512x40xf32>
    %dot_general3A_42 = arith.constant dense<0.000000e+00> : vector<400x40xf32>
    %dot_general3A_43 = tpu.matmul %max3A_30, %get3A_41, %dot_general3A_42 {dimension_numbers = #tpu.dot_dimension_numbers<[1], [0], [0], [1], [0, 0, 1, 1], [], []>, transpose_lhs_hint = false} : vector<400x512xf32>, vector<512x40xf32>, vector<400x40xf32> -> vector<400x40xf32>
    %swap3A_44 = arith.constant 0 : index
    %swap3A_45 = arith.constant 0 : index
    %swap3A_46 = vector.load %arg10[%swap3A_44, %swap3A_45] : memref<400x40xf32, #tpu.memory_space<vmem>>, vector<400x40xf32>
    tpu.vector_store %arg10[%swap3A_44, %swap3A_45], %dot_general3A_43 {strides = array<i32>} : memref<400x40xf32, #tpu.memory_space<vmem>>, vector<400x40xf32>,
    return
  }
  func.func @transform_0(%arg0: i32) -> (i32, i32, i32) {
    %c0_i32 = arith.constant 0 : i32
    %c0_i32_0 = arith.constant 0 : i32
    %c0_i32_1 = arith.constant 0 : i32
    return %c0_i32, %arg0, %c0_i32_0 : i32, i32, i32
  }
  func.func @transform_1(%arg0: i32) -> (i32, i32) {
    %c0_i32 = arith.constant 0 : i32
    %c0_i32_0 = arith.constant 0 : i32
    return %arg0, %c0_i32 : i32, i32
  }
  func.func @transform_2(%arg0: i32) -> (i32, i32) {
    %c0_i32 = arith.constant 0 : i32
    %c0_i32_0 = arith.constant 0 : i32
    %c0_i32_1 = arith.constant 0 : i32
    return %c0_i32, %c0_i32_0 : i32, i32
  }
  func.func @transform_3(%arg0: i32) -> (i32, i32) {
    %c0_i32 = arith.constant 0 : i32
    %c0_i32_0 = arith.constant 0 : i32
    %c0_i32_1 = arith.constant 0 : i32
    return %c0_i32, %c0_i32_0 : i32, i32
  }
  func.func @transform_4(%arg0: i32) -> (i32, i32) {
    %c0_i32 = arith.constant 0 : i32
    %c0_i32_0 = arith.constant 0 : i32
    %c0_i32_1 = arith.constant 0 : i32
    return %c0_i32, %c0_i32_0 : i32, i32
  }
  func.func @transform_5(%arg0: i32) -> (i32, i32) {
    %c0_i32 = arith.constant 0 : i32
    %c0_i32_0 = arith.constant 0 : i32
    %c0_i32_1 = arith.constant 0 : i32
    return %c0_i32, %c0_i32_0 : i32, i32
  }
  func.func @transform_6(%arg0: i32) -> (i32, i32) {
    %c0_i32 = arith.constant 0 : i32
    %c0_i32_0 = arith.constant 0 : i32
    return %arg0, %c0_i32 : i32, i32
  }
  func.func @transform_7(%arg0: i32) -> (i32, i32) {
    %c0_i32 = arith.constant 0 : i32
    %c0_i32_0 = arith.constant 0 : i32
    return %arg0, %c0_i32 : i32, i32
  }
  func.func @transform_8(%arg0: i32) -> (i32, i32) {
    %c0_i32 = arith.constant 0 : i32
    %c0_i32_0 = arith.constant 0 : i32
    return %arg0, %c0_i32 : i32, i32
  }
  func.func @transform_9(%arg0: i32) -> (i32, i32) {
    %c0_i32 = arith.constant 0 : i32
    %c0_i32_0 = arith.constant 0 : i32
    return %arg0, %c0_i32 : i32, i32
  }
}

module attributes {stable_mosaic.version = 14 : i64} {
  func.func @_tc_big_body(%arg0: i32, %arg1: memref<2x400x128xf32, #tpu.memory_space<vmem>>, %arg2: memref<400x128xf32, #tpu.memory_space<vmem>>, %arg3: memref<400x128xf32, #tpu.memory_space<vmem>>, %arg4: memref<400x40xf32, #tpu.memory_space<vmem>>, %arg5: memref<400x40xf32, #tpu.memory_space<vmem>>, %arg6: memref<400x40xf32, #tpu.memory_space<vmem>>, %arg7: memref<400x40xf32, #tpu.memory_space<vmem>>, %arg8: memref<128x512xf32, #tpu.memory_space<vmem>>, %arg9: memref<1x512xf32, #tpu.memory_space<vmem>>, %arg10: memref<512x40xf32, #tpu.memory_space<vmem>>, %arg11: memref<1x40xf32, #tpu.memory_space<vmem>>, %arg12: memref<512x40xf32, #tpu.memory_space<vmem>>, %arg13: memref<400x40xf32, #tpu.memory_space<vmem>>, %arg14: memref<400x128xf32, #tpu.memory_space<vmem>>) attributes {dimension_semantics = [#tpu.dimension_semantics<arbitrary>], iteration_bounds = array<i64: 25>, scalar_prefetch = 0 : i64, scratch_operands = 0 : i64, tpu.core_type = #tpu.core_type<tc>, window_params = [{transform_indices = @transform_0, window_bounds = array<i64: 2, 400, 128>}, {transform_indices = @transform_1, window_bounds = array<i64: 400, 128>}, {transform_indices = @transform_2, window_bounds = array<i64: 400, 128>}, {transform_indices = @transform_3, window_bounds = array<i64: 400, 40>}, {transform_indices = @transform_4, window_bounds = array<i64: 400, 40>}, {transform_indices = @transform_5, window_bounds = array<i64: 400, 40>}, {transform_indices = @transform_6, window_bounds = array<i64: 400, 40>}, {pipeline_mode = #tpu.pipeline_mode<synchronous>, transform_indices = @transform_7, window_bounds = array<i64: 128, 512>}, {pipeline_mode = #tpu.pipeline_mode<synchronous>, transform_indices = @transform_8, window_bounds = array<i64: 1, 512>}, {pipeline_mode = #tpu.pipeline_mode<synchronous>, transform_indices = @transform_9, window_bounds = array<i64: 512, 40>}, {pipeline_mode = #tpu.pipeline_mode<synchronous>, transform_indices = @transform_10, window_bounds = array<i64: 1, 40>}, {pipeline_mode = #tpu.pipeline_mode<synchronous>, transform_indices = @transform_11, window_bounds = array<i64: 512, 40>}, {transform_indices = @transform_12, window_bounds = array<i64: 400, 40>}, {transform_indices = @transform_13, window_bounds = array<i64: 400, 128>}]} {
    %get3A = arith.constant 0 : index
    %get3A_0 = arith.constant 0 : index
    %get3A_1 = arith.constant 0 : index
    %get3A_2 = vector.load %arg1[%get3A, %get3A_0, %get3A_1] : memref<2x400x128xf32, #tpu.memory_space<vmem>>, vector<1x400x128xf32>
    %get3A_3 = vector.shape_cast %get3A_2 : vector<1x400x128xf32> to vector<400x128xf32>
    %get3A_4 = arith.constant 1 : index
    %get3A_5 = arith.constant 0 : index
    %get3A_6 = arith.constant 0 : index
    %get3A_7 = vector.load %arg1[%get3A_4, %get3A_5, %get3A_6] : memref<2x400x128xf32, #tpu.memory_space<vmem>>, vector<1x400x128xf32>
    %get3A_8 = vector.shape_cast %get3A_7 : vector<1x400x128xf32> to vector<400x128xf32>
    %add3A = arith.addf %get3A_3, %get3A_8 : vector<400x128xf32>
    %get3A_9 = arith.constant 0 : index
    %get3A_10 = arith.constant 0 : index
    %get3A_11 = vector.load %arg2[%get3A_9, %get3A_10] : memref<400x128xf32, #tpu.memory_space<vmem>>, vector<400x128xf32>
    %add3A_12 = arith.addf %add3A, %get3A_11 : vector<400x128xf32>
    %get3A_13 = arith.constant 0 : index
    %get3A_14 = arith.constant 0 : index
    %get3A_15 = vector.load %arg3[%get3A_13, %get3A_14] : memref<400x128xf32, #tpu.memory_space<vmem>>, vector<400x128xf32>
    %mul3A = arith.mulf %get3A_15, %add3A_12 : vector<400x128xf32>
    %get3A_16 = arith.constant 0 : index
    %get3A_17 = arith.constant 0 : index
    %get3A_18 = vector.load %arg8[%get3A_16, %get3A_17] : memref<128x512xf32, #tpu.memory_space<vmem>>, vector<128x512xf32>
    %dot_general3A = arith.constant dense<0.000000e+00> : vector<400x512xf32>
    %dot_general3A_19 = tpu.matmul %mul3A, %get3A_18, %dot_general3A {dimension_numbers = #tpu.dot_dimension_numbers<[1], [0], [0], [1], [0, 0, 1, 1], [], []>, transpose_lhs_hint = false} : vector<400x128xf32>, vector<128x512xf32>, vector<400x512xf32> -> vector<400x512xf32>
    %get3A_20 = arith.constant 0 : index
    %get3A_21 = arith.constant 0 : index
    %get3A_22 = vector.load %arg9[%get3A_20, %get3A_21] : memref<1x512xf32, #tpu.memory_space<vmem>>, vector<1x512xf32>
    %add3A_23 = vector.broadcast %get3A_22 : vector<1x512xf32> to vector<400x512xf32>
    %add3A_24 = arith.addf %dot_general3A_19, %add3A_23 : vector<400x512xf32>
    %max3A = arith.constant 0.000000e+00 : f32
    %max3A_25 = vector.broadcast %max3A : f32 to vector<400x512xf32>
    %max3A_26 = arith.maximumf %add3A_24, %max3A_25 : vector<400x512xf32>
    %get3A_27 = arith.constant 0 : index
    %get3A_28 = arith.constant 0 : index
    %get3A_29 = vector.load %arg4[%get3A_27, %get3A_28] : memref<400x40xf32, #tpu.memory_space<vmem>>, vector<400x40xf32>
    %get3A_30 = arith.constant 0 : index
    %get3A_31 = arith.constant 0 : index
    %get3A_32 = vector.load %arg6[%get3A_30, %get3A_31] : memref<400x40xf32, #tpu.memory_space<vmem>>, vector<400x40xf32>
    %add3A_33 = arith.addf %get3A_29, %get3A_32 : vector<400x40xf32>
    %get3A_34 = arith.constant 0 : index
    %get3A_35 = arith.constant 0 : index
    %get3A_36 = vector.load %arg10[%get3A_34, %get3A_35] : memref<512x40xf32, #tpu.memory_space<vmem>>, vector<512x40xf32>
    %dot_general3A_37 = arith.constant dense<0.000000e+00> : vector<400x40xf32>
    %dot_general3A_38 = tpu.matmul %max3A_26, %get3A_36, %dot_general3A_37 {dimension_numbers = #tpu.dot_dimension_numbers<[1], [0], [0], [1], [0, 0, 1, 1], [], []>, transpose_lhs_hint = false} : vector<400x512xf32>, vector<512x40xf32>, vector<400x40xf32> -> vector<400x40xf32>
    %add3A_39 = arith.addf %add3A_33, %dot_general3A_38 : vector<400x40xf32>
    %get3A_40 = arith.constant 0 : index
    %get3A_41 = arith.constant 0 : index
    %get3A_42 = vector.load %arg11[%get3A_40, %get3A_41] : memref<1x40xf32, #tpu.memory_space<vmem>>, vector<1x40xf32>
    %add3A_43 = vector.broadcast %get3A_42 : vector<1x40xf32> to vector<400x40xf32>
    %add3A_44 = arith.addf %add3A_39, %add3A_43 : vector<400x40xf32>
    %swap3A = arith.constant 0 : index
    %swap3A_45 = arith.constant 0 : index
    %swap3A_46 = vector.load %arg13[%swap3A, %swap3A_45] : memref<400x40xf32, #tpu.memory_space<vmem>>, vector<400x40xf32>
    tpu.vector_store %arg13[%swap3A, %swap3A_45], %add3A_44 {strides = array<i32>} : memref<400x40xf32, #tpu.memory_space<vmem>>, vector<400x40xf32>,
    %get3A_47 = arith.constant 0 : index
    %get3A_48 = arith.constant 0 : index
    %get3A_49 = vector.load %arg5[%get3A_47, %get3A_48] : memref<400x40xf32, #tpu.memory_space<vmem>>, vector<400x40xf32>
    %get3A_50 = arith.constant 0 : index
    %get3A_51 = arith.constant 0 : index
    %get3A_52 = vector.load %arg7[%get3A_50, %get3A_51] : memref<400x40xf32, #tpu.memory_space<vmem>>, vector<400x40xf32>
    %add3A_53 = arith.addf %get3A_49, %get3A_52 : vector<400x40xf32>
    %get3A_54 = arith.constant 0 : index
    %get3A_55 = arith.constant 0 : index
    %get3A_56 = vector.load %arg12[%get3A_54, %get3A_55] : memref<512x40xf32, #tpu.memory_space<vmem>>, vector<512x40xf32>
    %dot_general3A_57 = arith.constant dense<0.000000e+00> : vector<400x40xf32>
    %dot_general3A_58 = tpu.matmul %max3A_26, %get3A_56, %dot_general3A_57 {dimension_numbers = #tpu.dot_dimension_numbers<[1], [0], [0], [1], [0, 0, 1, 1], [], []>, transpose_lhs_hint = false} : vector<400x512xf32>, vector<512x40xf32>, vector<400x40xf32> -> vector<400x40xf32>
    %add3A_59 = arith.addf %add3A_53, %dot_general3A_58 : vector<400x40xf32>
    %slice3A = vector.extract_strided_slice %get3A_15 {offsets = [0, 0], sizes = [400, 40], strides = [1, 1]} : vector<400x128xf32> to vector<400x40xf32>
    %mul3A_60 = arith.mulf %slice3A, %add3A_59 : vector<400x40xf32>
    %broadcast_in_dim3A = arith.constant 0.000000e+00 : f32
    %broadcast_in_dim3A_61 = vector.broadcast %broadcast_in_dim3A : f32 to vector<400x88xf32>
    %concatenate3A = tpu.concatenate %mul3A_60, %broadcast_in_dim3A_61 in 1 : vector<400x40xf32>, vector<400x88xf32> -> vector<400x128xf32>
    %swap3A_62 = arith.constant 0 : index
    %swap3A_63 = arith.constant 0 : index
    %swap3A_64 = vector.load %arg14[%swap3A_62, %swap3A_63] : memref<400x128xf32, #tpu.memory_space<vmem>>, vector<400x128xf32>
    tpu.vector_store %arg14[%swap3A_62, %swap3A_63], %concatenate3A {strides = array<i32>} : memref<400x128xf32, #tpu.memory_space<vmem>>, vector<400x128xf32>,
    return
  }
  func.func @transform_0(%arg0: i32) -> (i32, i32, i32) {
    %c0_i32 = arith.constant 0 : i32
    %c0_i32_0 = arith.constant 0 : i32
    %c0_i32_1 = arith.constant 0 : i32
    return %c0_i32, %arg0, %c0_i32_0 : i32, i32, i32
  }
  func.func @transform_1(%arg0: i32) -> (i32, i32) {
    %c0_i32 = arith.constant 0 : i32
    %c0_i32_0 = arith.constant 0 : i32
    return %arg0, %c0_i32 : i32, i32
  }
  func.func @transform_2(%arg0: i32) -> (i32, i32) {
    %c0_i32 = arith.constant 0 : i32
    %c0_i32_0 = arith.constant 0 : i32
    return %arg0, %c0_i32 : i32, i32
  }
  func.func @transform_3(%arg0: i32) -> (i32, i32) {
    %c0_i32 = arith.constant 0 : i32
    %c0_i32_0 = arith.constant 0 : i32
    return %arg0, %c0_i32 : i32, i32
  }
  func.func @transform_4(%arg0: i32) -> (i32, i32) {
    %c0_i32 = arith.constant 0 : i32
    %c0_i32_0 = arith.constant 0 : i32
    return %arg0, %c0_i32 : i32, i32
  }
  func.func @transform_5(%arg0: i32) -> (i32, i32) {
    %c0_i32 = arith.constant 0 : i32
    %c0_i32_0 = arith.constant 0 : i32
    return %arg0, %c0_i32 : i32, i32
  }
  func.func @transform_6(%arg0: i32) -> (i32, i32) {
    %c0_i32 = arith.constant 0 : i32
    %c0_i32_0 = arith.constant 0 : i32
    return %arg0, %c0_i32 : i32, i32
  }
  func.func @transform_7(%arg0: i32) -> (i32, i32) {
    %c0_i32 = arith.constant 0 : i32
    %c0_i32_0 = arith.constant 0 : i32
    %c0_i32_1 = arith.constant 0 : i32
    return %c0_i32, %c0_i32_0 : i32, i32
  }
  func.func @transform_8(%arg0: i32) -> (i32, i32) {
    %c0_i32 = arith.constant 0 : i32
    %c0_i32_0 = arith.constant 0 : i32
    %c0_i32_1 = arith.constant 0 : i32
    return %c0_i32, %c0_i32_0 : i32, i32
  }
  func.func @transform_9(%arg0: i32) -> (i32, i32) {
    %c0_i32 = arith.constant 0 : i32
    %c0_i32_0 = arith.constant 0 : i32
    %c0_i32_1 = arith.constant 0 : i32
    return %c0_i32, %c0_i32_0 : i32, i32
  }
  func.func @transform_10(%arg0: i32) -> (i32, i32) {
    %c0_i32 = arith.constant 0 : i32
    %c0_i32_0 = arith.constant 0 : i32
    %c0_i32_1 = arith.constant 0 : i32
    return %c0_i32, %c0_i32_0 : i32, i32
  }
  func.func @transform_11(%arg0: i32) -> (i32, i32) {
    %c0_i32 = arith.constant 0 : i32
    %c0_i32_0 = arith.constant 0 : i32
    %c0_i32_1 = arith.constant 0 : i32
    return %c0_i32, %c0_i32_0 : i32, i32
  }
  func.func @transform_12(%arg0: i32) -> (i32, i32) {
    %c0_i32 = arith.constant 0 : i32
    %c0_i32_0 = arith.constant 0 : i32
    return %arg0, %c0_i32 : i32, i32
  }
  func.func @transform_13(%arg0: i32) -> (i32, i32) {
    %c0_i32 = arith.constant 0 : i32
    %c0_i32_0 = arith.constant 0 : i32
    return %arg0, %c0_i32 : i32, i32
  }
}

module attributes {stable_mosaic.version = 14 : i64} {
  func.func @_tc_final_body(%arg0: i32, %arg1: memref<2x400x128xf32, #tpu.memory_space<vmem>>, %arg2: memref<400x128xf32, #tpu.memory_space<vmem>>, %arg3: memref<400x128xf32, #tpu.memory_space<vmem>>, %arg4: memref<400x40xf32, #tpu.memory_space<vmem>>, %arg5: memref<1x40xf32, #tpu.memory_space<vmem>>, %arg6: memref<400x80xf32, #tpu.memory_space<vmem>>) attributes {dimension_semantics = [#tpu.dimension_semantics<arbitrary>], iteration_bounds = array<i64: 25>, scalar_prefetch = 0 : i64, scratch_operands = 0 : i64, tpu.core_type = #tpu.core_type<tc>, window_params = [{transform_indices = @transform_0, window_bounds = array<i64: 2, 400, 128>}, {transform_indices = @transform_1, window_bounds = array<i64: 400, 128>}, {transform_indices = @transform_2, window_bounds = array<i64: 400, 128>}, {transform_indices = @transform_3, window_bounds = array<i64: 400, 40>}, {pipeline_mode = #tpu.pipeline_mode<synchronous>, transform_indices = @transform_4, window_bounds = array<i64: 1, 40>}, {transform_indices = @transform_5, window_bounds = array<i64: 400, 80>}]} {
    %get3A = arith.constant 0 : index
    %get3A_0 = arith.constant 0 : index
    %get3A_1 = arith.constant 0 : index
    %get3A_2 = vector.load %arg1[%get3A, %get3A_0, %get3A_1] : memref<2x400x128xf32, #tpu.memory_space<vmem>>, vector<1x400x128xf32>
    %get3A_3 = vector.shape_cast %get3A_2 : vector<1x400x128xf32> to vector<400x128xf32>
    %get3A_4 = arith.constant 1 : index
    %get3A_5 = arith.constant 0 : index
    %get3A_6 = arith.constant 0 : index
    %get3A_7 = vector.load %arg1[%get3A_4, %get3A_5, %get3A_6] : memref<2x400x128xf32, #tpu.memory_space<vmem>>, vector<1x400x128xf32>
    %get3A_8 = vector.shape_cast %get3A_7 : vector<1x400x128xf32> to vector<400x128xf32>
    %add3A = arith.addf %get3A_3, %get3A_8 : vector<400x128xf32>
    %get3A_9 = arith.constant 0 : index
    %get3A_10 = arith.constant 0 : index
    %get3A_11 = vector.load %arg2[%get3A_9, %get3A_10] : memref<400x128xf32, #tpu.memory_space<vmem>>, vector<400x128xf32>
    %add3A_12 = arith.addf %add3A, %get3A_11 : vector<400x128xf32>
    %get3A_13 = arith.constant 0 : index
    %get3A_14 = arith.constant 0 : index
    %get3A_15 = vector.load %arg3[%get3A_13, %get3A_14] : memref<400x128xf32, #tpu.memory_space<vmem>>, vector<400x128xf32>
    %slice3A = vector.extract_strided_slice %get3A_15 {offsets = [0, 0], sizes = [400, 40], strides = [1, 1]} : vector<400x128xf32> to vector<400x40xf32>
    %slice3A_16 = vector.extract_strided_slice %add3A_12 {offsets = [0, 0], sizes = [400, 40], strides = [1, 1]} : vector<400x128xf32> to vector<400x40xf32>
    %mul3A = arith.mulf %slice3A, %slice3A_16 : vector<400x40xf32>
    %get3A_17 = arith.constant 0 : index
    %get3A_18 = arith.constant 0 : index
    %get3A_19 = vector.load %arg5[%get3A_17, %get3A_18] : memref<1x40xf32, #tpu.memory_space<vmem>>, vector<1x40xf32>
    %add3A_20 = vector.broadcast %get3A_19 : vector<1x40xf32> to vector<400x40xf32>
    %add3A_21 = arith.addf %mul3A, %add3A_20 : vector<400x40xf32>
    %get3A_22 = arith.constant 0 : index
    %get3A_23 = arith.constant 0 : index
    %get3A_24 = vector.load %arg4[%get3A_22, %get3A_23] : memref<400x40xf32, #tpu.memory_space<vmem>>, vector<400x40xf32>
    %concatenate3A = tpu.concatenate %get3A_24, %add3A_21 in 1 : vector<400x40xf32>, vector<400x40xf32> -> vector<400x80xf32>
    %reduce_max3A = arith.constant dense<0xFF800000> : vector<400xf32>
    %reduce_max3A_25 = vector.multi_reduction <maximumf>, %concatenate3A, %reduce_max3A [1] : vector<400x80xf32> to vector<400xf32>
    %broadcast_in_dim3A = vector.shape_cast %reduce_max3A_25 : vector<400xf32> to vector<400x1xf32>
    %sub3A = vector.broadcast %broadcast_in_dim3A : vector<400x1xf32> to vector<400x80xf32>
    %sub3A_26 = arith.subf %concatenate3A, %sub3A : vector<400x80xf32>
    %exp3A = math.exp %sub3A_26 : vector<400x80xf32>
    %reduce_sum3A = arith.constant dense<0.000000e+00> : vector<400xf32>
    %reduce_sum3A_27 = vector.multi_reduction <add>, %exp3A, %reduce_sum3A [1] : vector<400x80xf32> to vector<400xf32>
    %broadcast_in_dim3A_28 = vector.shape_cast %reduce_sum3A_27 : vector<400xf32> to vector<400x1xf32>
    %sub3A_29 = vector.broadcast %broadcast_in_dim3A : vector<400x1xf32> to vector<400x80xf32>
    %sub3A_30 = arith.subf %concatenate3A, %sub3A_29 : vector<400x80xf32>
    %log3A = math.log %broadcast_in_dim3A_28 : vector<400x1xf32>
    %sub3A_31 = vector.broadcast %log3A : vector<400x1xf32> to vector<400x80xf32>
    %sub3A_32 = arith.subf %sub3A_30, %sub3A_31 : vector<400x80xf32>
    %swap3A = arith.constant 0 : index
    %swap3A_33 = arith.constant 0 : index
    %swap3A_34 = vector.load %arg6[%swap3A, %swap3A_33] : memref<400x80xf32, #tpu.memory_space<vmem>>, vector<400x80xf32>
    tpu.vector_store %arg6[%swap3A, %swap3A_33], %sub3A_32 {strides = array<i32>} : memref<400x80xf32, #tpu.memory_space<vmem>>, vector<400x80xf32>,
    return
  }
  func.func @transform_0(%arg0: i32) -> (i32, i32, i32) {
    %c0_i32 = arith.constant 0 : i32
    %c0_i32_0 = arith.constant 0 : i32
    %c0_i32_1 = arith.constant 0 : i32
    return %c0_i32, %arg0, %c0_i32_0 : i32, i32, i32
  }
  func.func @transform_1(%arg0: i32) -> (i32, i32) {
    %c0_i32 = arith.constant 0 : i32
    %c0_i32_0 = arith.constant 0 : i32
    return %arg0, %c0_i32 : i32, i32
  }
  func.func @transform_2(%arg0: i32) -> (i32, i32) {
    %c0_i32 = arith.constant 0 : i32
    %c0_i32_0 = arith.constant 0 : i32
    return %arg0, %c0_i32 : i32, i32
  }
  func.func @transform_3(%arg0: i32) -> (i32, i32) {
    %c0_i32 = arith.constant 0 : i32
    %c0_i32_0 = arith.constant 0 : i32
    return %arg0, %c0_i32 : i32, i32
  }
  func.func @transform_4(%arg0: i32) -> (i32, i32) {
    %c0_i32 = arith.constant 0 : i32
    %c0_i32_0 = arith.constant 0 : i32
    %c0_i32_1 = arith.constant 0 : i32
    return %c0_i32, %c0_i32_0 : i32, i32
  }
  func.func @transform_5(%arg0: i32) -> (i32, i32) {
    %c0_i32 = arith.constant 0 : i32
    %c0_i32_0 = arith.constant 0 : i32
    return %arg0, %c0_i32 : i32, i32
  }
}

</mosaic_0001>

<sc_bundles>
// kernel: kernel.10.cloned.1.call-start
scs
__scs_entry_jumppad:
0x0: {  	(pc) =	sbr.rel $0x88, $3  }
0x1: {  	(tag) =	ssettag $0x0;
	lr =	simm.s32 $0x1  }
0x2: {  	[smem:$0x3F95] =	sst lr;
	_ =	strace $0xD0000000  }
0x3: {  	_ = 	snop  }
0x4: {  	_ = 	snop  }
0x5: {  	_ = 	snop  }
0x6: {  	_ = 	snop  }
0x7: {  	_ = 	snop  }
__scs_overlays_trampoline_lowered:
0x8: {  	[smem:$0x3FA4] =	sst s0  }
0x9: {  	[smem:$0x3FA5] =	sst s1  }
0xa: {  	[smem:$0x3FA6] =	sst s2  }
0xb: {  	[smem:$0x3FA7] =	sst s3  }
0xc: {  	[smem:$0x3FA8] =	sst s4  }
0xd: {  	[smem:$0x3FA9] =	sst s5  }
0xe: {  	[smem:$0x3FAA] =	sst s6  }
0xf: {  	[smem:$0x3FAB] =	sst s7  }
0x10: {  	[smem:$0x3FAC] =	sst s8  }
0x11: {  	[smem:$0x3FAD] =	sst s9;
	s0 =	simm.s32 @!p0 $0x0  }
0x12: {  	s1 =	sld [smem:$0x3F93];
	s0 =	simm.s32 @p0 $0x1  }
0x13: {  	[smem:$0x3FAE] =	sst s0;
	s0 =	simm.s32 @!p1 $0x0  }
0x14: {  	s2 =	sld [smem:$0x3F92];
	s0 =	simm.s32 @p1 $0x1  }
0x15: {  	[smem:$0x3FAF] =	sst s0;
	s0 =	simm.s32 @!p2 $0x0  }
0x16: {  	s3 =	sld [smem:$0x3FDB];
	s0 =	simm.s32 @p2 $0x1  }
0x17: {  	s4 =	simm.s32 $0x1BF5;
	[smem:$0x3FB1] =	sst s0  }
0x18: {  	s0 =	sld [smem:$0x3F94];
	_ =	swait.ge [sflag:s4], $0x0  }
0x19: {  	s7 =	sld [smem:$0x3F95]  }
0x1a: {  	s8 =	sadd.s32 $0xFFFFE003, lr  }
0x1b: {  	s9 =	sadd.s32 $0xFFFFFEF7, lr;
	s5 =	simm.s32 $0xFFFFFFFF;
	p2 =	slt.u32 s8, $0xFFFFF086  }
0x1c: {  	p1 =	slt.u32 s9, $0xF7A;
	s5 =	simm.s32 @!p2 $0x0  }
0x1d: {  	s5 =	simm.s32 @p1 $0x1;
	p0 =	seq.s32 s7, s2  }
0x1e: {  	s7 =	smul.u32 @!p0 $0xF7A, s2;
	p2 =	seq.s32 @!p0 s5, $0x0  }
0x1f: {  	s9 =	smul.u32 $0xF7A, s1;
	s8 =	simm.s32 @!p0 $0x1BF5;
	p2 =	por !p2, p0  }
0x20: {  	[sflag:s8] =	ssyncset.s32 @!p0 $0xFFFFF086;
	s6 =	sadd.s32 @!p0 s3, s7;
	s7 =	simm.s32 @!p0 $0x108  }
0x21: {  	s3 =	sadd.s32 s3, s9;
	s6 =	sadd.s32 @!p0 $0x88, s6;
	s7 =	simm.s32 @p2 $0x1082  }
0x22: {  	[simem:s7], [sflag:s8] =	dma.local @!p0 [hbm:s6], $0xF7A  }
0x23: {  	s9 =	sor.u32 $0xD0000000, s2;
	s6 =	simm.s32 $0x108;
	_ =	swait.ge @!p0 [sflag:s8], $0x0  }
0x24: {  	s3 =	sadd.s32 $0x88, s3;
	s6 =	simm.s32 @!p1 $0x1082;
	[sflag:s4] =	ssyncset.s32 $0xFFFFF086  }
0x25: {  	[simem:s6], [sflag:s4] =	dma.local [hbm:s3], $0xF7A  }
0x26: {  	[smem:$0x3F95] =	sst s1;
	(tag) =	ssettag s2;
	_ =	strace s9  }
0x27: {  	s1 =	sld [smem:$0x3FA5]  }
0x28: {  	s2 =	sld [smem:$0x3FA6]  }
0x29: {  	s4 =	sld [smem:$0x3FA8]  }
0x2a: {  	p0 =	seq.s32 s5, $0x0;
	s5 =	sld [smem:$0x3FA9]  }
0x2b: {  	s6 =	sld [smem:$0x3FAA]  }
0x2c: {  	s7 =	sld [smem:$0x3FAB]  }
0x2d: {  	s3 =	simm.s32 $0x108;
	s8 =	sld [smem:$0x3FAC]  }
0x2e: {  	s3 =	simm.s32 @!p0 $0x1082;
	s9 =	sld [smem:$0x3FAD]  }
0x2f: {  	lr =	sadd.s32 s0, s3;
	s0 =	sld [smem:$0x3FA4]  }
0x30: {  	s3 =	sld [smem:$0x3FA7]  }
0x31: {  	[smem:$0x3FB0] =	sst s10  }
0x32: {  	s10 =	sld [smem:$0x3FAE];
	_ =	sdelay $0x3  }
0x33: {  	p0 =	seq.s32 s10, $0x1;
	s10 =	sld [smem:$0x3FB0];
	_ =	sdelay $0x3  }
0x34: {  	[smem:$0x3FB0] =	sst s10  }
0x35: {  	s10 =	sld [smem:$0x3FAF];
	_ =	sdelay $0x3  }
0x36: {  	p1 =	seq.s32 s10, $0x1;
	s10 =	sld [smem:$0x3FB0];
	_ =	sdelay $0x3  }
0x37: {  	[smem:$0x3FB0] =	sst s10  }
0x38: {  	s10 =	sld [smem:$0x3FB1]  }
0x39: {  	_ = 	snop;
	(pc) =	sbr.ind lr, $3  }
0x3a: {  	_ = 	snop  }
0x3b: {  	_ = 	snop  }
0x3c: {  	p2 =	seq.s32 s10, $0x1;
	s10 =	sld [smem:$0x3FB0]  }
0x3d: {  	_ =	shalt  }
0x3e: {  	_ =	shalt  }
0x3f: {  	_ =	shalt  }
0x40: {  	_ =	shalt  }
0x41: {  	_ =	shalt  }
0x42: {  	_ =	shalt  }
0x43: {  	_ =	shalt  }
0x44: {  	_ =	shalt  }
0x45: {  	_ =	shalt  }
0x46: {  	_ =	shalt  }
0x47: {  	_ =	shalt  }
0x48: {  	_ =	shalt  }
0x49: {  	_ =	shalt  }
0x4a: {  	_ =	shalt  }
0x4b: {  	_ =	shalt  }
0x4c: {  	_ =	shalt  }
0x4d: {  	_ =	shalt  }
0x4e: {  	_ =	shalt  }
0x4f: {  	_ =	shalt  }
0x50: {  	_ =	shalt  }
0x51: {  	_ =	shalt  }
0x52: {  	_ =	shalt  }
0x53: {  	_ =	shalt  }
0x54: {  	_ =	shalt  }
0x55: {  	_ =	shalt  }
0x56: {  	_ =	shalt  }
0x57: {  	_ =	shalt  }
0x58: {  	_ =	shalt  }
0x59: {  	_ =	shalt  }
0x5a: {  	_ =	shalt  }
0x5b: {  	_ =	shalt  }
0x5c: {  	_ =	shalt  }
0x5d: {  	_ =	shalt  }
0x5e: {  	_ =	shalt  }
0x5f: {  	_ =	shalt  }
0x60: {  	_ =	shalt  }
0x61: {  	_ =	shalt  }
0x62: {  	_ =	shalt  }
0x63: {  	_ =	shalt  }
0x64: {  	_ =	shalt  }
0x65: {  	_ =	shalt  }
0x66: {  	_ =	shalt  }
0x67: {  	_ =	shalt  }
0x68: {  	_ =	shalt  }
0x69: {  	_ =	shalt  }
0x6a: {  	_ =	shalt  }
0x6b: {  	_ =	shalt  }
0x6c: {  	_ =	shalt  }
0x6d: {  	_ =	shalt  }
0x6e: {  	_ =	shalt  }
0x6f: {  	_ =	shalt  }
0x70: {  	_ =	shalt  }
0x71: {  	_ =	shalt  }
0x72: {  	_ =	shalt  }
0x73: {  	_ =	shalt  }
0x74: {  	_ =	shalt  }
0x75: {  	_ =	shalt  }
0x76: {  	_ =	shalt  }
0x77: {  	_ =	shalt  }
0x78: {  	_ =	shalt  }
0x79: {  	_ =	shalt  }
0x7a: {  	_ =	shalt  }
0x7b: {  	_ =	shalt  }
0x7c: {  	_ =	shalt  }
0x7d: {  	_ =	shalt  }
0x7e: {  	_ =	shalt  }
0x7f: {  	_ =	shalt  }
0x80: {  	_ =	shalt  }
0x81: {  	_ =	shalt  }
0x82: {  	_ =	shalt  }
0x83: {  	_ =	shalt  }
0x84: {  	_ =	shalt  }
0x85: {  	_ =	shalt  }
0x86: {  	_ =	shalt  }
0x87: {  	_ =	shalt  }
.Lfunc_end0:
.L_simem_size_0:
called_computation_lowered:
.L_overlay_start_0:
0x88: {  	s2 =	sld [smem:$0x3FD9]  }
0x89: {  	s3 =	sld [smem:$0x3FFE];
	_ =	sdelay $0x1  }
0x8a: {  	s1 =	srdreg.scid  }
0x8b: {  	s0 =	sand.u32 $0x1, s1  }
0x8c: {  	s17 =	sshll.u32 s0, $0xA;
	s2 =	sadd.s32 s3, s2  }
0x8d: {  	s2 =	sadd.s32 s2, s17  }
0x8e: {  	[smem:$0x3FBC] =	sst s2  }
0x8f: {  	_ = 	snop  }
0x90: {  	s2 =	sld [smem:$0x3FD0];
	(tm) =	ssettm $0x1  }
0x91: {  	s18 =	sld [smem:$0x3FFB];
	_ =	sdelay $0x3  }
0x92: {  	_ =	strace s18  }
0x93: {  	s3 =	sld [smem:$0x3FFC];
	_ =	sdelay $0x3  }
0x94: {  	_ =	strace s3  }
0x95: {  	s3 =	sld [smem:$0x3FFD];
	_ =	sdelay $0x3  }
0x96: {  	_ =	strace s3  }
0x97: {  	_ =	strace $0x8FFFFFFF  }
0x98: {  	s19 =	sld [smem:$0x3FDB];
	_ =	sdelay $0x1  }
0x99: {  	s4 =	simm.s32 $_scs_section_size  }
0x9a: {  	s5 =	simm.s32 $_size__tile_overlayer_lowered;
	s6 =	simm.s32 $_tile_overlayer_lowered  }
0x9b: {  	s22 =	simm.s32 $0x1BFF;
	s21 =	sshll.u32 s6, $0x1;
	s3 =	sadd.s32 s4, s19  }
0x9c: {  	s7 =	simm.s32 $0x0;
	s20 =	sshll.u32 s5, $0x1;
	s5 =	sadd.s32 s21, s3  }
0x9d: {  	[timem:s7], [sflag:s22] =	dma.local [hbm:s5], s20  }
0x9e: {  	_ =	swait.ge [sflag:s22], s20  }
0x9f: {  	s4 =	ssub.s32 $0x0, s20;
	[sflag:s22] =	ssyncset.done $0x0  }
0xa0: {  	[sflag:s22] =	ssyncadd.s32 s4;
	_ =	sdelay $0x1  }
0xa1: {  	s23 =	simm.s32 $0x1B8B  }
0xa2: {  	_ =	swait.ge [sflag:s23], $0x1  }
0xa3: {  	[sflag:s23] =	ssyncset.done $0x0  }
0xa4: {  	s25 =	simm.s32 $0x1B8E;
	s24 =	sld [smem:$0x3FFE];
	[sflag:s23] =	ssyncadd.s32 $0xFFFFFFFF  }
0xa5: {  	s26 =	simm.s32 $execute0_lowered;
	[smem:$0x3FD2] =	sst s25  }
0xa6: {  	s5 =	sshll.u32 s26, $0x1;
	_ =	strace $0x80000046;
	[dreg:$0x1] =	wrdreg $0xFFFFFFFF  }
0xa7: {  	s28 =	simm.s32 $_size_execute0_lowered;
	s3 =	sadd.s32 s3, s5;
	[dreg:$0x0] =	wrdreg $0x0  }
0xa8: {  	s5 =	sshll.u32 s28, $0x1;
	[dreg:$0x2] =	wrdreg s3  }
0xa9: {  	[dreg:$0x3] =	wrdreg s5  }
0xaa: {  	[dreg:$0x4] =	wrdreg $0xC0  }
0xab: {  	_ =	task [dreg:s7], $0x5FFFF  }
0xac: {  	[dreg:$0x1] =	wrdreg $0xFFFFFFFF  }
0xad: {  	[dreg:$0x0] =	wrdreg $0x60  }
0xae: {  	[dreg:$0x2] =	wrdreg s2  }
0xaf: {  	[dreg:$0x3] =	wrdreg s24  }
0xb0: {  	[dreg:$0x4] =	wrdreg $0x78000  }
0xb1: {  	[dreg:$0x5] =	wrdreg $0x9  }
0xb2: {  	_ =	task.clear_ibuf [dreg:s7], $0x6FFFF;
	_ =	strace $0x90000046  }
0xb3: {  	s29 =	simm.s32 $0x9;
	_ =	strace $0x80000048  }
0xb4: {  	_ =	swait.ge [sflag:s29], $0x1  }
0xb5: {  	[sflag:s29] =	ssyncadd.s32 $0xFFFFFFFF  }
0xb6: {  	_ =	strace $0x90000048  }
0xb7: {  	_ =	sfence  }
0xb8: {  	s30 =	sld [smem:$0x0];
	_ =	sdelay $0x2  }
0xb9: {  	s31 =	sshll.u32 s1, $0xD;
	s1 =	sshrl.u32 s1, $0x2  }
0xba: {  	s3 =	sand.u32 $0x4000, s31;
	s1 =	sadd.s32 s1, s30  }
0xbb: {  	s0 =	sor.u32 s3, s0;
	s1 =	sshll.u32 s1, $0x11  }
0xbc: {  	s0 =	sor.u32 s1, s0  }
0xbd: {  	s0 =	sadd.s32 $0x8F2B, s0  }
0xbe: {  	[sflag:s0] =	ssyncadd.remote.s32 $0x1  }
0xbf: {  	_ =	sfence.sel $0xFFFF  }
0xc0: {  	[dreg:$0x0] =	wrdreg $0xFFFFFFFF;
	(pc) =	sbr.abs _section_cstart, $3  }
0xc1: {  	[dreg:$0x1] =	wrdreg $0xFFFFFFFF  }
0xc2: {  	_ =	task.clear_ibuf [dreg:s7], $0x2FFFF;
	_ =	strace $0x9FFFFFFF  }
0xc3: {  	(tm) =	ssettm $0x7FFFFFFF  }
tec
execute0_lowered:
.L_overlay_start_1:
0x0: {  	(tag) =	ssettag $0x1  }
0x1: {  	s0 =	rddreg [dreg:$0x0]  }
0x2: {  	s1 =	srdreg.scid;
	s4 =	rddreg [dreg:$0x1]  }
0x3: {  	s8 =	stileid.u32;
	s2 =	rddreg [dreg:$0x2]  }
0x4: {  	s3 =	simm.s32 $0x0;
	s28 =	simm.s32 $0x6800;
	s29 =	simm.s32 $0x2  }
0x5: {  	s30 =	simm.s32 $0x1;
	s1 =	sand.u32 $0x1, s1;
	s6 =	smul.u32 $0x14000, s8  }
0x6: {  	s31 =	simm.s32 $0x7D;
	[smem:$0x7FF] =	sst s3;
	s5 =	smul.u32 $0x140000, s1  }
0x7: {  	s21 =	smul.u32 $0x50000, s8;
	s7 =	ssub.s32 $0x2, s1;
	s1 =	sshll.u32 s1, $0x4  }
0x8: {  	_ =	strace $0x80000047;
	s1 =	sor.u32 s8, s1;
	s5 =	sadd.s32 s6, s5  }
0x9: {  	s23 =	sshrl.u32 s7, $0x1;
	s1 =	smul.u32 $0x500, s1;
	s5 =	sshrl.u32 s5, $0x3  }
0xa: {  	s22 =	sshrl.u32 s21, $0x2;
	s6 =	ssub.s32 s7, s23;
	s5 =	sadd.s32 s5, s4  }
0xb: {  	s4 =	sadd.s32 s22, s2;
	s22 =	sadd.s32 s0, s1;
	s1 =	simm.s32 $0x2800  }
0xc: {  	s24 =	sadd.s32 $0x1000, s4;
	s25 =	sadd.s32 $0x2000, s4;
	s26 =	sadd.s32 $0x3000, s4  }
0xd: {  	s8 =	sadd.s32 $0x4000, s4;
	s9 =	sadd.s32 $0x5000, s4;
	s10 =	sadd.s32 $0x6000, s4  }
0xe: {  	s11 =	sadd.s32 $0x7000, s4;
	s12 =	sadd.s32 $0x8000, s4;
	s13 =	sadd.s32 $0x9000, s4  }
0xf: {  	s14 =	sadd.s32 $0xA000, s4;
	s15 =	sadd.s32 $0xB000, s4;
	s16 =	sadd.s32 $0xC000, s4  }
0x10: {  	s17 =	sadd.s32 $0xD000, s4;
	s18 =	sadd.s32 $0xE000, s4;
	[dreg:$0x4] =	wrdreg s24  }
0x11: {  	s19 =	sadd.s32 $0xF000, s4;
	s20 =	sadd.s32 $0x10000, s4;
	[dreg:$0x5] =	wrdreg s25  }
0x12: {  	s21 =	sadd.s32 $0x11000, s4;
	s23 =	sadd.s32 $0x12000, s4;
	[dreg:$0x6] =	wrdreg s26  }
0x13: {  	v0 =	vimm.f32 $0.0e+00;
	v1 =	vimm.f32 $1.000000000e+00;
	s24 =	sadd.s32 $0x4400, s5;
	s25 =	smax.u32 s6, $0x1;
	s26 =	sadd.s32 $0x13000, s4  }
.LBB2_1:
0x14: {  	s0 =	simm.s32 $0x0;
	s5 =	simm.s32 $0x200  }
.LBB2_2:
0x15: {  	p0 =	sne.s32 s5, $0x3E00;
	[tilespmem:s0+$0x6870] =	vst v0  }
0x16: {  	[tilespmem:s0+$0x6800] =	vst v0  }
0x17: {  	[tilespmem:s0+$0x6810] =	vst v0  }
.Ltmp0:
0x18: {  	[tilespmem:s0+$0x6820] =	vst v0;
	(pc) =	sbr.rel @p0 .LBB2_2-.Ltmp0, $4  }
0x19: {  	[tilespmem:s0+$0x6830] =	vst v0  }
0x1a: {  	[tilespmem:s0+$0x6840] =	vst v0  }
0x1b: {  	[tilespmem:s0+$0x6850] =	vst v0  }
0x1c: {  	[tilespmem:s0+$0x6860] =	vst v0;
	s0 =	sshra.s32 s5, $0x2;
	s5 =	sadd.s32 $0x200, s5  }
0x1d: {  	[tilespmem:s0+$0x6870] =	vst v0  }
0x1e: {  	[tilespmem:s0+$0x6800] =	vst v0  }
0x1f: {  	[tilespmem:s0+$0x6810] =	vst v0  }
0x20: {  	[tilespmem:s0+$0x6820] =	vst v0  }
0x21: {  	[tilespmem:s0+$0x6830] =	vst v0  }
0x22: {  	[tilespmem:s0+$0x6840] =	vst v0  }
0x23: {  	[tilespmem:s0+$0x6850] =	vst v0  }
0x24: {  	[tilespmem:s0+$0x6860] =	vst v0  }
0x25: {  	[spmem:s4] =	stream.linear.scatter [tilespmem:s28], [sflag:$0x1], $0x1000, $0x38;
	[tilespmem:$0x1B800] =	vst v63  }
0x26: {  	s5 =	rddreg [dreg:$0x4]  }
0x27: {  	[spmem:s5] =	stream.linear.scatter [tilespmem:s28], [sflag:$0x1], $0x1000, $0x38;
	[tilespmem:$0x1B800] =	vst v63  }
0x28: {  	s6 =	rddreg [dreg:$0x5]  }
0x29: {  	[spmem:s6] =	stream.linear.scatter [tilespmem:s28], [sflag:$0x1], $0x1000, $0x38;
	[tilespmem:$0x1B800] =	vst v63  }
0x2a: {  	s7 =	rddreg [dreg:$0x6]  }
0x2b: {  	[spmem:s7] =	stream.linear.scatter [tilespmem:s28], [sflag:$0x1], $0x1000, $0x38;
	[tilespmem:$0x1B800] =	vst v63  }
0x2c: {  	_ = 	snop  }
0x2d: {  	[spmem:s8] =	stream.linear.scatter [tilespmem:s28], [sflag:$0x1], $0x1000, $0x38;
	[tilespmem:$0x1B800] =	vst v63  }
0x2e: {  	_ = 	snop  }
0x2f: {  	[spmem:s9] =	stream.linear.scatter [tilespmem:s28], [sflag:$0x1], $0x1000, $0x38;
	[tilespmem:$0x1B800] =	vst v63  }
0x30: {  	_ = 	snop  }
0x31: {  	[spmem:s10] =	stream.linear.scatter [tilespmem:s28], [sflag:$0x1], $0x1000, $0x38;
	[tilespmem:$0x1B800] =	vst v63  }
0x32: {  	_ = 	snop  }
0x33: {  	[spmem:s11] =	stream.linear.scatter [tilespmem:s28], [sflag:$0x1], $0x1000, $0x38;
	[tilespmem:$0x1B800] =	vst v63  }
0x34: {  	_ = 	snop  }
0x35: {  	[spmem:s12] =	stream.linear.scatter [tilespmem:s28], [sflag:$0x1], $0x1000, $0x38;
	[tilespmem:$0x1B800] =	vst v63  }
0x36: {  	_ = 	snop  }
0x37: {  	[spmem:s13] =	stream.linear.scatter [tilespmem:s28], [sflag:$0x1], $0x1000, $0x38;
	[tilespmem:$0x1B800] =	vst v63  }
0x38: {  	_ = 	snop  }
0x39: {  	[spmem:s14] =	stream.linear.scatter [tilespmem:s28], [sflag:$0x1], $0x1000, $0x38;
	[tilespmem:$0x1B800] =	vst v63  }
0x3a: {  	_ = 	snop  }
0x3b: {  	[spmem:s15] =	stream.linear.scatter [tilespmem:s28], [sflag:$0x1], $0x1000, $0x38;
	[tilespmem:$0x1B800] =	vst v63  }
0x3c: {  	_ = 	snop  }
0x3d: {  	[spmem:s16] =	stream.linear.scatter [tilespmem:s28], [sflag:$0x1], $0x1000, $0x38;
	[tilespmem:$0x1B800] =	vst v63  }
0x3e: {  	_ = 	snop  }
0x3f: {  	[spmem:s17] =	stream.linear.scatter [tilespmem:s28], [sflag:$0x1], $0x1000, $0x38;
	[tilespmem:$0x1B800] =	vst v63  }
0x40: {  	_ = 	snop  }
0x41: {  	[spmem:s18] =	stream.linear.scatter [tilespmem:s28], [sflag:$0x1], $0x1000, $0x38;
	[tilespmem:$0x1B800] =	vst v63  }
0x42: {  	_ = 	snop  }
0x43: {  	[spmem:s19] =	stream.linear.scatter [tilespmem:s28], [sflag:$0x1], $0x1000, $0x38;
	[tilespmem:$0x1B800] =	vst v63  }
0x44: {  	_ = 	snop  }
0x45: {  	[spmem:s20] =	stream.linear.scatter [tilespmem:s28], [sflag:$0x1], $0x1000, $0x38;
	[tilespmem:$0x1B800] =	vst v63  }
0x46: {  	_ = 	snop  }
0x47: {  	[spmem:s21] =	stream.linear.scatter [tilespmem:s28], [sflag:$0x1], $0x1000, $0x38;
	[tilespmem:$0x1B800] =	vst v63  }
0x48: {  	_ = 	snop  }
0x49: {  	[spmem:s23] =	stream.linear.scatter [tilespmem:s28], [sflag:$0x1], $0x1000, $0x38;
	[tilespmem:$0x1B800] =	vst v63  }
0x4a: {  	s0 =	simm.s32 $0x0;
	s5 =	simm.s32 $0x200  }
0x4b: {  	[spmem:s26] =	stream.linear.scatter [tilespmem:s28], [sflag:$0x1], $0x1000, $0x38;
	[tilespmem:$0x1B800] =	vst v63  }
.LBB2_4:
0x4c: {  	p0 =	sne.s32 s5, $0xF800;
	[tilespmem:s0+$0x2870] =	vst v1  }
0x4d: {  	[tilespmem:s0+$0x2800] =	vst v1  }
0x4e: {  	[tilespmem:s0+$0x2810] =	vst v1  }
.Ltmp1:
0x4f: {  	[tilespmem:s0+$0x2820] =	vst v1;
	(pc) =	sbr.rel @p0 .LBB2_4-.Ltmp1, $4  }
0x50: {  	[tilespmem:s0+$0x2830] =	vst v1  }
0x51: {  	[tilespmem:s0+$0x2840] =	vst v1  }
0x52: {  	[tilespmem:s0+$0x2850] =	vst v1  }
0x53: {  	[tilespmem:s0+$0x2860] =	vst v1;
	s0 =	sshra.s32 s5, $0x2;
	s5 =	sadd.s32 $0x200, s5  }
0x54: {  	[tilespmem:s0+$0x2870] =	vst v1  }
0x55: {  	[tilespmem:s0+$0x2800] =	vst v1  }
0x56: {  	[tilespmem:s0+$0x2810] =	vst v1  }
0x57: {  	[tilespmem:s0+$0x2820] =	vst v1  }
0x58: {  	[tilespmem:s0+$0x2830] =	vst v1  }
0x59: {  	[tilespmem:s0+$0x2840] =	vst v1  }
0x5a: {  	[tilespmem:s0+$0x2850] =	vst v1  }
0x5b: {  	[tilespmem:s0+$0x2860] =	vst v1;
	s0 =	simm.s32 $0x0  }
0x5c: {  	[tilespmem:s0], [sflag:$0x2] =	stream.linear.gather [hbm4b:s22+s0], $0x2800, $0x38;
	[tilespmem:$0x1B800] =	vst v63  }
0x5d: {  	_ =	swait.ge [sflag:s29], $0x2800  }
0x5e: {  	[sflag:s29] =	ssyncset.done $0x0  }
0x5f: {  	[sflag:s29] =	ssyncadd.s32 $0xFFFFD800  }
0x60: {  	_ =	swait.ge [sflag:s30], $0x1000  }
0x61: {  	[sflag:s30] =	ssyncset.done $0x0  }
0x62: {  	[sflag:s30] =	ssyncadd.s32 $0xFFFFF000  }
0x63: {  	_ =	swait.ge [sflag:s30], $0x1000  }
0x64: {  	[sflag:s30] =	ssyncset.done $0x0  }
0x65: {  	[sflag:s30] =	ssyncadd.s32 $0xFFFFF000  }
0x66: {  	_ =	swait.ge [sflag:s30], $0x1000  }
0x67: {  	[sflag:s30] =	ssyncset.done $0x0  }
0x68: {  	[sflag:s30] =	ssyncadd.s32 $0xFFFFF000  }
0x69: {  	_ =	swait.ge [sflag:s30], $0x1000  }
0x6a: {  	[sflag:s30] =	ssyncset.done $0x0  }
0x6b: {  	[sflag:s30] =	ssyncadd.s32 $0xFFFFF000  }
0x6c: {  	_ =	swait.ge [sflag:s30], $0x1000  }
0x6d: {  	[sflag:s30] =	ssyncset.done $0x0  }
0x6e: {  	[sflag:s30] =	ssyncadd.s32 $0xFFFFF000  }
0x6f: {  	_ =	swait.ge [sflag:s30], $0x1000  }
0x70: {  	[sflag:s30] =	ssyncset.done $0x0  }
0x71: {  	[sflag:s30] =	ssyncadd.s32 $0xFFFFF000  }
0x72: {  	_ =	swait.ge [sflag:s30], $0x1000  }
0x73: {  	[sflag:s30] =	ssyncset.done $0x0  }
0x74: {  	[sflag:s30] =	ssyncadd.s32 $0xFFFFF000  }
0x75: {  	_ =	swait.ge [sflag:s30], $0x1000  }
0x76: {  	[sflag:s30] =	ssyncset.done $0x0  }
0x77: {  	[sflag:s30] =	ssyncadd.s32 $0xFFFFF000  }
0x78: {  	_ =	swait.ge [sflag:s30], $0x1000  }
0x79: {  	[sflag:s30] =	ssyncset.done $0x0  }
0x7a: {  	[sflag:s30] =	ssyncadd.s32 $0xFFFFF000  }
0x7b: {  	_ =	swait.ge [sflag:s30], $0x1000  }
0x7c: {  	[sflag:s30] =	ssyncset.done $0x0  }
0x7d: {  	[sflag:s30] =	ssyncadd.s32 $0xFFFFF000  }
0x7e: {  	_ =	swait.ge [sflag:s30], $0x1000  }
0x7f: {  	[sflag:s30] =	ssyncset.done $0x0  }
0x80: {  	[sflag:s30] =	ssyncadd.s32 $0xFFFFF000  }
0x81: {  	_ =	swait.ge [sflag:s30], $0x1000  }
0x82: {  	[sflag:s30] =	ssyncset.done $0x0  }
0x83: {  	[sflag:s30] =	ssyncadd.s32 $0xFFFFF000  }
0x84: {  	_ =	swait.ge [sflag:s30], $0x1000  }
0x85: {  	[sflag:s30] =	ssyncset.done $0x0  }
0x86: {  	[sflag:s30] =	ssyncadd.s32 $0xFFFFF000  }
0x87: {  	_ =	swait.ge [sflag:s30], $0x1000  }
0x88: {  	[sflag:s30] =	ssyncset.done $0x0  }
0x89: {  	[sflag:s30] =	ssyncadd.s32 $0xFFFFF000  }
0x8a: {  	_ =	swait.ge [sflag:s30], $0x1000  }
0x8b: {  	[sflag:s30] =	ssyncset.done $0x0  }
0x8c: {  	[sflag:s30] =	ssyncadd.s32 $0xFFFFF000  }
0x8d: {  	_ =	swait.ge [sflag:s30], $0x1000  }
0x8e: {  	[sflag:s30] =	ssyncset.done $0x0  }
0x8f: {  	[sflag:s30] =	ssyncadd.s32 $0xFFFFF000  }
0x90: {  	_ =	swait.ge [sflag:s30], $0x1000  }
0x91: {  	[sflag:s30] =	ssyncset.done $0x0  }
0x92: {  	[sflag:s30] =	ssyncadd.s32 $0xFFFFF000  }
0x93: {  	_ =	swait.ge [sflag:s30], $0x1000  }
0x94: {  	[sflag:s30] =	ssyncset.done $0x0  }
0x95: {  	[sflag:s30] =	ssyncadd.s32 $0xFFFFF000  }
0x96: {  	_ =	swait.ge [sflag:s30], $0x1000  }
0x97: {  	[sflag:s30] =	ssyncset.done $0x0  }
0x98: {  	[sflag:s30] =	ssyncadd.s32 $0xFFFFF000  }
0x99: {  	_ =	swait.ge [sflag:s30], $0x1000  }
0x9a: {  	[sflag:s30] =	ssyncset.done $0x0  }
0x9b: {  	p0 =	por $0x1, $0x1;
	[sflag:s30] =	ssyncadd.s32 $0xFFFFF000  }
0x9c: {  	s6 =	simm.s32 @!p0 $0x1;
	[bflag:$0x0] =	sbarrier.arrive $0xFFFF  }
0x9d: {  	_ =	swait.ge @!p0 [sflag:s6], $0x3E80  }
0x9e: {  	[sflag:s6] =	ssyncset.done @!p0 $0x0  }
0x9f: {  	s5 =	simm.s32 $0x1;
	[sflag:s6] =	ssyncadd.s32 @!p0 $0xFFFFC180;
	s6 =	simm.s32 $0x80  }
.LBB2_6:
0xa0: {  	[spmem:s2] =	stream.indirect.scatter.add.f32 [tilespmem:s1], [sflag:$0x1], $0x80, s0, s31, $0xb8;
	[tilespmem:$0x1B800] =	vst v63  }
0xa1: {  	p0 =	slt.u32 s5, $0x10;
	s5 =	sadd.s32 $0x1, s5  }
0xa2: {  	p1 =	sne.s32 s5, $0x50  }
.Ltmp2:
0xa3: {  	(pc) =	sbr.rel @p1 .LBB2_6-.Ltmp2, $4  }
0xa4: {  	s0 =	smov.u32 s6;
	s7 =	simm.s32 @!p0 $0x1  }
0xa5: {  	_ =	swait.ge @!p0 [sflag:s7], $0x3E80  }
0xa6: {  	[sflag:s7] =	ssyncset.done @!p0 $0x0  }
0xa7: {  	s6 =	sadd.s32 $0x80, s6;
	[sflag:s7] =	ssyncadd.s32 @!p0 $0xFFFFC180  }
0xa8: {  	[spmem:s2] =	stream.indirect.scatter.add.f32 [tilespmem:s1], [sflag:$0x1], $0x80, s0, s31, $0xb8;
	[tilespmem:$0x1B800] =	vst v63  }
0xa9: {  	_ =	swait.ge [sflag:s30], $0x3E80  }
0xaa: {  	[sflag:s30] =	ssyncset.done $0x0  }
0xab: {  	[sflag:s30] =	ssyncadd.s32 $0xFFFFC180  }
0xac: {  	_ =	swait.ge [sflag:s30], $0x3E80  }
0xad: {  	[sflag:s30] =	ssyncset.done $0x0  }
0xae: {  	[sflag:s30] =	ssyncadd.s32 $0xFFFFC180  }
0xaf: {  	_ =	swait.ge [sflag:s30], $0x3E80  }
0xb0: {  	[sflag:s30] =	ssyncset.done $0x0  }
0xb1: {  	[sflag:s30] =	ssyncadd.s32 $0xFFFFC180  }
0xb2: {  	_ =	swait.ge [sflag:s30], $0x3E80  }
0xb3: {  	[sflag:s30] =	ssyncset.done $0x0  }
0xb4: {  	[sflag:s30] =	ssyncadd.s32 $0xFFFFC180  }
0xb5: {  	_ =	swait.ge [sflag:s30], $0x3E80  }
0xb6: {  	[sflag:s30] =	ssyncset.done $0x0  }
0xb7: {  	[sflag:s30] =	ssyncadd.s32 $0xFFFFC180  }
0xb8: {  	_ =	swait.ge [sflag:s30], $0x3E80  }
0xb9: {  	[sflag:s30] =	ssyncset.done $0x0  }
0xba: {  	[sflag:s30] =	ssyncadd.s32 $0xFFFFC180  }
0xbb: {  	_ =	swait.ge [sflag:s30], $0x3E80  }
0xbc: {  	[sflag:s30] =	ssyncset.done $0x0  }
0xbd: {  	[sflag:s30] =	ssyncadd.s32 $0xFFFFC180  }
0xbe: {  	_ =	swait.ge [sflag:s30], $0x3E80  }
0xbf: {  	[sflag:s30] =	ssyncset.done $0x0  }
0xc0: {  	[sflag:s30] =	ssyncadd.s32 $0xFFFFC180  }
0xc1: {  	_ =	swait.ge [sflag:s30], $0x3E80  }
0xc2: {  	[sflag:s30] =	ssyncset.done $0x0  }
0xc3: {  	[sflag:s30] =	ssyncadd.s32 $0xFFFFC180  }
0xc4: {  	_ =	swait.ge [sflag:s30], $0x3E80  }
0xc5: {  	[sflag:s30] =	ssyncset.done $0x0  }
0xc6: {  	[sflag:s30] =	ssyncadd.s32 $0xFFFFC180  }
0xc7: {  	_ =	swait.ge [sflag:s30], $0x3E80  }
0xc8: {  	[sflag:s30] =	ssyncset.done $0x0  }
0xc9: {  	[sflag:s30] =	ssyncadd.s32 $0xFFFFC180  }
0xca: {  	_ =	swait.ge [sflag:s30], $0x3E80  }
0xcb: {  	[sflag:s30] =	ssyncset.done $0x0  }
0xcc: {  	[sflag:s30] =	ssyncadd.s32 $0xFFFFC180  }
0xcd: {  	_ =	swait.ge [sflag:s30], $0x3E80  }
0xce: {  	[sflag:s30] =	ssyncset.done $0x0  }
0xcf: {  	[sflag:s30] =	ssyncadd.s32 $0xFFFFC180  }
0xd0: {  	_ =	swait.ge [sflag:s30], $0x3E80  }
0xd1: {  	[sflag:s30] =	ssyncset.done $0x0  }
0xd2: {  	[sflag:s30] =	ssyncadd.s32 $0xFFFFC180  }
0xd3: {  	_ =	swait.ge [sflag:s30], $0x3E80  }
0xd4: {  	[sflag:s30] =	ssyncset.done $0x0  }
0xd5: {  	[sflag:s30] =	ssyncadd.s32 $0xFFFFC180  }
0xd6: {  	s7 =	stileid.u32;
	_ =	swait.ge [sflag:s30], $0x3E80  }
0xd7: {  	s5 =	sshrl.u32 s4, $0x3;
	s3 =	sadd.s32 $0x1, s3;
	[sflag:s30] =	ssyncset.done $0x0  }
0xd8: {  	s0 =	sshll.u32 s7, $0x6;
	p0 =	sne.s32 s3, s25;
	[sflag:s30] =	ssyncadd.s32 $0xFFFFC180  }
.Ltmp3:
0xd9: {  	s0 =	sor.u32 $0x1C02, s0;
	[bflag:$0x0] =	sbarrier.arrive $0xFFFF;
	(pc) =	sbr.rel @p0 .LBB2_1-.Ltmp3, $4  }
0xda: {  	[hbm:s24], [sflag:s0] =	dma.local [spmem:s5], $0x2800  }
0xdb: {  	_ =	swait.ge [sflag:s29], $0x2800  }
0xdc: {  	[sflag:s29] =	ssyncset.done $0x0  }
0xdd: {  	[sflag:s29] =	ssyncadd.s32 $0xFFFFD800  }
0xde: {  	_ =	sfence.sel $0x180000  }
0xdf: {  	[bflag:$0x0] =	sbarrier.arrive $0xFFFF  }
0xe0: {  	_ =	strace $0x90000047  }
0xe1: {  	s0 =	stileid.u32;
	[bflag:$0x2] =	sbarrier.arrive $0xFFFF  }
0xe2: {  	p0 =	sne.s32 s0, $0x0;
	s0 =	rddreg [dreg:$0x3]  }
0xe3: {  	s0 =	sadd.s32 @!p0 $0x100000, s0  }
0xe4: {  	[sflag:s0] =	ssyncadd.tile.s32 @!p0 $0x1;
	_ =	shalt  }
.Lfunc_end2:
_tile_overlayer_lowered:
.L_overlay_start_2:
0xe5: {  	(tag) =	ssettag $0x2  }
0xe6: {  	s0 =	rddreg [dreg:$0x0];
	s2 =	stileid.u32  }
0xe7: {  	s1 =	rddreg [dreg:$0x1];
	p0 =	sne.s32 s2, $0x0  }
0xe8: {  	s3 =	rddreg [dreg:$0x2];
	[bflag:$0x3] =	sbarrier.arrive $0xFFFF;
	s2 =	simm.s32 @!p0 $0x1C02  }
0xe9: {  	[timem:s3], [sflag:s2] =	dma.local @!p0 [hbm:s0], s1  }
0xea: {  	s0 =	simm.s32 @!p0 $0x2  }
0xeb: {  	_ =	swait.ge @!p0 [sflag:s0], s1  }
0xec: {  	s1 =	ssub.s32 @!p0 $0x0, s1;
	[sflag:s0] =	ssyncset.done @!p0 $0x0  }
0xed: {  	[sflag:s0] =	ssyncadd.s32 @!p0 s1  }
0xee: {  	[bflag:$0x3] =	sbarrier.arrive $0xFFFF  }
0xef: {  	_ =	shalt  }

// kernel: kernel.13.cloned.1.call-start
scs
__scs_entry_jumppad:
0x0: {  	(pc) =	sbr.rel $0x88, $3  }
0x1: {  	(tag) =	ssettag $0x0;
	lr =	simm.s32 $0x1  }
0x2: {  	[smem:$0x3F95] =	sst lr;
	_ =	strace $0xD0000000  }
0x3: {  	_ = 	snop  }
0x4: {  	_ = 	snop  }
0x5: {  	_ = 	snop  }
0x6: {  	_ = 	snop  }
0x7: {  	_ = 	snop  }
__scs_overlays_trampoline_lowered:
0x8: {  	[smem:$0x3FA4] =	sst s0  }
0x9: {  	[smem:$0x3FA5] =	sst s1  }
0xa: {  	[smem:$0x3FA6] =	sst s2  }
0xb: {  	[smem:$0x3FA7] =	sst s3  }
0xc: {  	[smem:$0x3FA8] =	sst s4  }
0xd: {  	[smem:$0x3FA9] =	sst s5  }
0xe: {  	[smem:$0x3FAA] =	sst s6  }
0xf: {  	[smem:$0x3FAB] =	sst s7  }
0x10: {  	[smem:$0x3FAC] =	sst s8  }
0x11: {  	[smem:$0x3FAD] =	sst s9;
	s0 =	simm.s32 @!p0 $0x0  }
0x12: {  	s1 =	sld [smem:$0x3F93];
	s0 =	simm.s32 @p0 $0x1  }
0x13: {  	[smem:$0x3FAE] =	sst s0;
	s0 =	simm.s32 @!p1 $0x0  }
0x14: {  	s2 =	sld [smem:$0x3F92];
	s0 =	simm.s32 @p1 $0x1  }
0x15: {  	[smem:$0x3FAF] =	sst s0;
	s0 =	simm.s32 @!p2 $0x0  }
0x16: {  	s3 =	sld [smem:$0x3FDB];
	s0 =	simm.s32 @p2 $0x1  }
0x17: {  	s4 =	simm.s32 $0x1BF5;
	[smem:$0x3FB1] =	sst s0  }
0x18: {  	s0 =	sld [smem:$0x3F94];
	_ =	swait.ge [sflag:s4], $0x0  }
0x19: {  	s7 =	sld [smem:$0x3F95]  }
0x1a: {  	s8 =	sadd.s32 $0xFFFFE003, lr  }
0x1b: {  	s9 =	sadd.s32 $0xFFFFFEF7, lr;
	s5 =	simm.s32 $0xFFFFFFFF;
	p2 =	slt.u32 s8, $0xFFFFF086  }
0x1c: {  	p1 =	slt.u32 s9, $0xF7A;
	s5 =	simm.s32 @!p2 $0x0  }
0x1d: {  	s5 =	simm.s32 @p1 $0x1;
	p0 =	seq.s32 s7, s2  }
0x1e: {  	s7 =	smul.u32 @!p0 $0xF7A, s2;
	p2 =	seq.s32 @!p0 s5, $0x0  }
0x1f: {  	s9 =	smul.u32 $0xF7A, s1;
	s8 =	simm.s32 @!p0 $0x1BF5;
	p2 =	por !p2, p0  }
0x20: {  	[sflag:s8] =	ssyncset.s32 @!p0 $0xFFFFF086;
	s6 =	sadd.s32 @!p0 s3, s7;
	s7 =	simm.s32 @!p0 $0x108  }
0x21: {  	s3 =	sadd.s32 s3, s9;
	s6 =	sadd.s32 @!p0 $0x88, s6;
	s7 =	simm.s32 @p2 $0x1082  }
0x22: {  	[simem:s7], [sflag:s8] =	dma.local @!p0 [hbm:s6], $0xF7A  }
0x23: {  	s9 =	sor.u32 $0xD0000000, s2;
	s6 =	simm.s32 $0x108;
	_ =	swait.ge @!p0 [sflag:s8], $0x0  }
0x24: {  	s3 =	sadd.s32 $0x88, s3;
	s6 =	simm.s32 @!p1 $0x1082;
	[sflag:s4] =	ssyncset.s32 $0xFFFFF086  }
0x25: {  	[simem:s6], [sflag:s4] =	dma.local [hbm:s3], $0xF7A  }
0x26: {  	[smem:$0x3F95] =	sst s1;
	(tag) =	ssettag s2;
	_ =	strace s9  }
0x27: {  	s1 =	sld [smem:$0x3FA5]  }
0x28: {  	s2 =	sld [smem:$0x3FA6]  }
0x29: {  	s4 =	sld [smem:$0x3FA8]  }
0x2a: {  	p0 =	seq.s32 s5, $0x0;
	s5 =	sld [smem:$0x3FA9]  }
0x2b: {  	s6 =	sld [smem:$0x3FAA]  }
0x2c: {  	s7 =	sld [smem:$0x3FAB]  }
0x2d: {  	s3 =	simm.s32 $0x108;
	s8 =	sld [smem:$0x3FAC]  }
0x2e: {  	s3 =	simm.s32 @!p0 $0x1082;
	s9 =	sld [smem:$0x3FAD]  }
0x2f: {  	lr =	sadd.s32 s0, s3;
	s0 =	sld [smem:$0x3FA4]  }
0x30: {  	s3 =	sld [smem:$0x3FA7]  }
0x31: {  	[smem:$0x3FB0] =	sst s10  }
0x32: {  	s10 =	sld [smem:$0x3FAE];
	_ =	sdelay $0x3  }
0x33: {  	p0 =	seq.s32 s10, $0x1;
	s10 =	sld [smem:$0x3FB0];
	_ =	sdelay $0x3  }
0x34: {  	[smem:$0x3FB0] =	sst s10  }
0x35: {  	s10 =	sld [smem:$0x3FAF];
	_ =	sdelay $0x3  }
0x36: {  	p1 =	seq.s32 s10, $0x1;
	s10 =	sld [smem:$0x3FB0];
	_ =	sdelay $0x3  }
0x37: {  	[smem:$0x3FB0] =	sst s10  }
0x38: {  	s10 =	sld [smem:$0x3FB1]  }
0x39: {  	_ = 	snop;
	(pc) =	sbr.ind lr, $3  }
0x3a: {  	_ = 	snop  }
0x3b: {  	_ = 	snop  }
0x3c: {  	p2 =	seq.s32 s10, $0x1;
	s10 =	sld [smem:$0x3FB0]  }
0x3d: {  	_ =	shalt  }
0x3e: {  	_ =	shalt  }
0x3f: {  	_ =	shalt  }
0x40: {  	_ =	shalt  }
0x41: {  	_ =	shalt  }
0x42: {  	_ =	shalt  }
0x43: {  	_ =	shalt  }
0x44: {  	_ =	shalt  }
0x45: {  	_ =	shalt  }
0x46: {  	_ =	shalt  }
0x47: {  	_ =	shalt  }
0x48: {  	_ =	shalt  }
0x49: {  	_ =	shalt  }
0x4a: {  	_ =	shalt  }
0x4b: {  	_ =	shalt  }
0x4c: {  	_ =	shalt  }
0x4d: {  	_ =	shalt  }
0x4e: {  	_ =	shalt  }
0x4f: {  	_ =	shalt  }
0x50: {  	_ =	shalt  }
0x51: {  	_ =	shalt  }
0x52: {  	_ =	shalt  }
0x53: {  	_ =	shalt  }
0x54: {  	_ =	shalt  }
0x55: {  	_ =	shalt  }
0x56: {  	_ =	shalt  }
0x57: {  	_ =	shalt  }
0x58: {  	_ =	shalt  }
0x59: {  	_ =	shalt  }
0x5a: {  	_ =	shalt  }
0x5b: {  	_ =	shalt  }
0x5c: {  	_ =	shalt  }
0x5d: {  	_ =	shalt  }
0x5e: {  	_ =	shalt  }
0x5f: {  	_ =	shalt  }
0x60: {  	_ =	shalt  }
0x61: {  	_ =	shalt  }
0x62: {  	_ =	shalt  }
0x63: {  	_ =	shalt  }
0x64: {  	_ =	shalt  }
0x65: {  	_ =	shalt  }
0x66: {  	_ =	shalt  }
0x67: {  	_ =	shalt  }
0x68: {  	_ =	shalt  }
0x69: {  	_ =	shalt  }
0x6a: {  	_ =	shalt  }
0x6b: {  	_ =	shalt  }
0x6c: {  	_ =	shalt  }
0x6d: {  	_ =	shalt  }
0x6e: {  	_ =	shalt  }
0x6f: {  	_ =	shalt  }
0x70: {  	_ =	shalt  }
0x71: {  	_ =	shalt  }
0x72: {  	_ =	shalt  }
0x73: {  	_ =	shalt  }
0x74: {  	_ =	shalt  }
0x75: {  	_ =	shalt  }
0x76: {  	_ =	shalt  }
0x77: {  	_ =	shalt  }
0x78: {  	_ =	shalt  }
0x79: {  	_ =	shalt  }
0x7a: {  	_ =	shalt  }
0x7b: {  	_ =	shalt  }
0x7c: {  	_ =	shalt  }
0x7d: {  	_ =	shalt  }
0x7e: {  	_ =	shalt  }
0x7f: {  	_ =	shalt  }
0x80: {  	_ =	shalt  }
0x81: {  	_ =	shalt  }
0x82: {  	_ =	shalt  }
0x83: {  	_ =	shalt  }
0x84: {  	_ =	shalt  }
0x85: {  	_ =	shalt  }
0x86: {  	_ =	shalt  }
0x87: {  	_ =	shalt  }
.Lfunc_end0:
.L_simem_size_0:
called_computation.1_lowered:
.L_overlay_start_0:
0x88: {  	s2 =	sld [smem:$0x3FD9]  }
0x89: {  	s3 =	sld [smem:$0x3FFE];
	_ =	sdelay $0x1  }
0x8a: {  	s1 =	srdreg.scid  }
0x8b: {  	s0 =	sand.u32 $0x1, s1  }
0x8c: {  	s17 =	sshll.u32 s0, $0xA;
	s2 =	sadd.s32 s3, s2  }
0x8d: {  	s2 =	sadd.s32 s2, s17  }
0x8e: {  	[smem:$0x3FBC] =	sst s2  }
0x8f: {  	_ = 	snop  }
0x90: {  	s2 =	sld [smem:$0x3FD0];
	(tm) =	ssettm $0x1  }
0x91: {  	s18 =	sld [smem:$0x3FFB];
	_ =	sdelay $0x3  }
0x92: {  	_ =	strace s18  }
0x93: {  	s3 =	sld [smem:$0x3FFC];
	_ =	sdelay $0x3  }
0x94: {  	_ =	strace s3  }
0x95: {  	s3 =	sld [smem:$0x3FFD];
	_ =	sdelay $0x3  }
0x96: {  	_ =	strace s3  }
0x97: {  	_ =	strace $0x8FFFFFFF  }
0x98: {  	s19 =	sld [smem:$0x3FDB];
	_ =	sdelay $0x1  }
0x99: {  	s4 =	simm.s32 $_scs_section_size  }
0x9a: {  	s5 =	simm.s32 $_size__tile_overlayer_lowered;
	s6 =	simm.s32 $_tile_overlayer_lowered  }
0x9b: {  	s22 =	simm.s32 $0x1BFF;
	s21 =	sshll.u32 s6, $0x1;
	s3 =	sadd.s32 s4, s19  }
0x9c: {  	s7 =	simm.s32 $0x0;
	s20 =	sshll.u32 s5, $0x1;
	s5 =	sadd.s32 s21, s3  }
0x9d: {  	[timem:s7], [sflag:s22] =	dma.local [hbm:s5], s20  }
0x9e: {  	_ =	swait.ge [sflag:s22], s20  }
0x9f: {  	s4 =	ssub.s32 $0x0, s20;
	[sflag:s22] =	ssyncset.done $0x0  }
0xa0: {  	[sflag:s22] =	ssyncadd.s32 s4;
	_ =	sdelay $0x1  }
0xa1: {  	s23 =	simm.s32 $0x1B8B  }
0xa2: {  	_ =	swait.ge [sflag:s23], $0x1  }
0xa3: {  	[sflag:s23] =	ssyncset.done $0x0  }
0xa4: {  	s25 =	simm.s32 $0x1B8E;
	s24 =	sld [smem:$0x3FFE];
	[sflag:s23] =	ssyncadd.s32 $0xFFFFFFFF  }
0xa5: {  	s26 =	simm.s32 $execute0_lowered;
	[smem:$0x3FD2] =	sst s25  }
0xa6: {  	s5 =	sshll.u32 s26, $0x1;
	_ =	strace $0x80000049;
	[dreg:$0x1] =	wrdreg $0xFFFFFFFF  }
0xa7: {  	s28 =	simm.s32 $_size_execute0_lowered;
	s3 =	sadd.s32 s3, s5;
	[dreg:$0x0] =	wrdreg $0x0  }
0xa8: {  	s5 =	sshll.u32 s28, $0x1;
	[dreg:$0x2] =	wrdreg s3  }
0xa9: {  	[dreg:$0x3] =	wrdreg s5  }
0xaa: {  	[dreg:$0x4] =	wrdreg $0xC0  }
0xab: {  	_ =	task [dreg:s7], $0x5FFFF  }
0xac: {  	[dreg:$0x1] =	wrdreg $0xFFFFFFFF  }
0xad: {  	[dreg:$0x0] =	wrdreg $0x60  }
0xae: {  	[dreg:$0x2] =	wrdreg s24  }
0xaf: {  	[dreg:$0x3] =	wrdreg s2  }
0xb0: {  	[dreg:$0x4] =	wrdreg $0xB8000  }
0xb1: {  	[dreg:$0x5] =	wrdreg $0x9  }
0xb2: {  	_ =	task.clear_ibuf [dreg:s7], $0x6FFFF;
	_ =	strace $0x90000049  }
0xb3: {  	s29 =	simm.s32 $0x9;
	_ =	strace $0x8000004B  }
0xb4: {  	_ =	swait.ge [sflag:s29], $0x1  }
0xb5: {  	[sflag:s29] =	ssyncadd.s32 $0xFFFFFFFF  }
0xb6: {  	_ =	strace $0x9000004B  }
0xb7: {  	_ =	sfence  }
0xb8: {  	s30 =	sld [smem:$0x0];
	_ =	sdelay $0x2  }
0xb9: {  	s31 =	sshll.u32 s1, $0xD;
	s1 =	sshrl.u32 s1, $0x2  }
0xba: {  	s3 =	sand.u32 $0x4000, s31;
	s1 =	sadd.s32 s1, s30  }
0xbb: {  	s0 =	sor.u32 s3, s0;
	s1 =	sshll.u32 s1, $0x11  }
0xbc: {  	s0 =	sor.u32 s1, s0  }
0xbd: {  	s0 =	sadd.s32 $0x8F2B, s0  }
0xbe: {  	[sflag:s0] =	ssyncadd.remote.s32 $0x1  }
0xbf: {  	_ =	sfence.sel $0xFFFF  }
0xc0: {  	[dreg:$0x0] =	wrdreg $0xFFFFFFFF;
	(pc) =	sbr.abs _section_cstart, $3  }
0xc1: {  	[dreg:$0x1] =	wrdreg $0xFFFFFFFF  }
0xc2: {  	_ =	task.clear_ibuf [dreg:s7], $0x2FFFF;
	_ =	strace $0x9FFFFFFF  }
0xc3: {  	(tm) =	ssettm $0x7FFFFFFF  }
tec
execute0_lowered:
.L_overlay_start_1:
0x0: {  	(tag) =	ssettag $0x1  }
0x1: {  	s0 =	rddreg [dreg:$0x0];
	s10 =	stileid.u32  }
0x2: {  	s3 =	srdreg.scid;
	s6 =	smul.u32 $0x14000, s10  }
0x3: {  	s1 =	rddreg [dreg:$0x1];
	s5 =	sand.u32 $0x1, s3;
	s7 =	smul.u32 $0x50000, s10  }
0x4: {  	s2 =	rddreg [dreg:$0x2];
	s3 =	simm.s32 $0x0;
	s4 =	smul.u32 $0x140000, s5  }
0x5: {  	s26 =	ssub.s32 $0x2, s5;
	s5 =	sshll.u32 s5, $0x4;
	s7 =	sshrl.u32 s7, $0x2  }
0x6: {  	[smem:$0x7FF] =	sst s3;
	s11 =	sor.u32 s10, s5;
	s5 =	sadd.s32 s7, s2  }
0x7: {  	s8 =	sadd.s32 $0x54400, s0;
	_ =	strace $0x8000004A;
	s7 =	sadd.s32 $0x1000, s5  }
0x8: {  	s9 =	sshrl.u32 s26, $0x1;
	s12 =	sadd.s32 $0x2000, s5;
	[dreg:$0x4] =	wrdreg s7  }
0x9: {  	s10 =	simm.s32 $0x6800;
	s13 =	sadd.s32 $0x3000, s5;
	[dreg:$0x5] =	wrdreg s12  }
0xa: {  	s6 =	sadd.s32 s6, s4;
	s14 =	sadd.s32 $0x4000, s5;
	[dreg:$0x6] =	wrdreg s13  }
0xb: {  	s4 =	sadd.s32 $0x4400, s0;
	s15 =	sadd.s32 $0x5000, s5;
	[dreg:$0x7] =	wrdreg s14  }
0xc: {  	s19 =	smul.u32 $0x2800, s11;
	s16 =	sadd.s32 $0x6000, s5;
	[dreg:$0x8] =	wrdreg s15  }
0xd: {  	s11 =	simm.s32 $0x3;
	s17 =	sadd.s32 $0x7000, s5;
	[dreg:$0x9] =	wrdreg s16  }
0xe: {  	s6 =	sshrl.u32 s6, $0x3;
	s18 =	sadd.s32 $0x8000, s5;
	[dreg:$0xa] =	wrdreg s17  }
0xf: {  	s20 =	sadd.s32 $0x9000, s5;
	s21 =	sadd.s32 $0xA000, s5;
	[dreg:$0xb] =	wrdreg s18  }
0x10: {  	s22 =	sadd.s32 $0xB000, s5;
	s23 =	sadd.s32 $0xC000, s5;
	[dreg:$0xc] =	wrdreg s20  }
0x11: {  	s24 =	sadd.s32 $0xD000, s5;
	s28 =	sadd.s32 $0x10000, s5;
	[dreg:$0xd] =	wrdreg s21  }
0x12: {  	s29 =	sadd.s32 $0x11000, s5;
	s30 =	sadd.s32 $0x12000, s5;
	[dreg:$0xe] =	wrdreg s22  }
0x13: {  	s31 =	sadd.s32 $0x13000, s5;
	s0 =	sadd.s32 s6, s0;
	[dreg:$0xf] =	wrdreg s23  }
0x14: {  	s6 =	ssub.s32 s26, s9;
	[dreg:$0x10] =	wrdreg s24;
	s7 =	sshrl.u32 s19, $0x3  }
0x15: {  	s23 =	sadd.s32 $0xE000, s5;
	s9 =	simm.s32 $0x80;
	s12 =	simm.s32 $0x1  }
0x16: {  	s13 =	simm.s32 $0x2;
	s14 =	simm.s32 $0x1480;
	s15 =	simm.s32 $0x100  }
0x17: {  	s16 =	simm.s32 $0x4;
	s17 =	simm.s32 $0x0;
	s25 =	sadd.s32 s8, s7  }
.Ltmp0:
0x18: {  	s26 =	sadd.s32 s1, s7;
	s7 =	sadd.s32 $0x280, s7;
	(pc) =	sbr.rel .LBB2_1-.Ltmp0, $4  }
0x19: {  	s24 =	sadd.s32 $0xAC800, s0;
	s0 =	simm.s32 $0xA800;
	[dreg:$0x11] =	wrdreg s25  }
0x1a: {  	[dreg:$0x12] =	wrdreg s26;
	s21 =	sadd.s32 s8, s7;
	s22 =	sadd.s32 s1, s7  }
0x1b: {  	s25 =	smax.u32 s6, $0x1;
	s26 =	sadd.s32 $0xF000, s5;
	s1 =	simm.s32 $0x5  }
0x1c: {  	v0 =	vimm.f32 $0.0e+00;
	s6 =	simm.s32 $0x1400;
	s7 =	simm.s32 $0x7D;
	s8 =	simm.s32 $0x2800  }
.LBB2_9:
0x1d: {  	_ =	swait.ge [sflag:s16], $0x3E80;
	s18 =	stileid.u32  }
0x1e: {  	s19 =	sshrl.u32 s5, $0x3;
	s17 =	sadd.s32 $0x1, s17;
	[sflag:s16] =	ssyncset.done $0x0  }
0x1f: {  	s18 =	sshll.u32 s18, $0x6;
	p0 =	sne.s32 s17, s25;
	[sflag:s16] =	ssyncadd.s32 $0xFFFFC180  }
.Ltmp1:
0x20: {  	s18 =	sor.u32 $0x1C05, s18;
	[bflag:$0x0] =	sbarrier.arrive $0xFFFF;
	(pc) =	sbr.rel @!p0 .LBB2_10-.Ltmp1, $4  }
0x21: {  	[hbm:s24], [sflag:s18] =	dma.local [spmem:s19], $0x2800  }
0x22: {  	_ =	swait.ge [sflag:s1], $0x2800  }
0x23: {  	[sflag:s1] =	ssyncset.done $0x0  }
0x24: {  	[sflag:s1] =	ssyncadd.s32 $0xFFFFD800  }
.LBB2_1:
0x25: {  	s18 =	simm.s32 $0x0;
	s19 =	simm.s32 $0x200  }
.LBB2_2:
0x26: {  	p0 =	sne.s32 s19, $0x3E00;
	[tilespmem:s18+$0xA870] =	vst v0  }
0x27: {  	[tilespmem:s18+$0xA800] =	vst v0  }
0x28: {  	[tilespmem:s18+$0xA810] =	vst v0  }
.Ltmp2:
0x29: {  	[tilespmem:s18+$0xA820] =	vst v0;
	(pc) =	sbr.rel @p0 .LBB2_2-.Ltmp2, $4  }
0x2a: {  	[tilespmem:s18+$0xA830] =	vst v0  }
0x2b: {  	[tilespmem:s18+$0xA840] =	vst v0  }
0x2c: {  	[tilespmem:s18+$0xA850] =	vst v0  }
0x2d: {  	[tilespmem:s18+$0xA860] =	vst v0;
	s18 =	sshra.s32 s19, $0x2;
	s19 =	sadd.s32 $0x200, s19  }
0x2e: {  	[tilespmem:s18+$0xA870] =	vst v0  }
0x2f: {  	[tilespmem:s18+$0xA800] =	vst v0  }
0x30: {  	[tilespmem:s18+$0xA810] =	vst v0  }
0x31: {  	[tilespmem:s18+$0xA820] =	vst v0  }
0x32: {  	[tilespmem:s18+$0xA830] =	vst v0  }
0x33: {  	[tilespmem:s18+$0xA840] =	vst v0  }
0x34: {  	[tilespmem:s18+$0xA850] =	vst v0  }
0x35: {  	[tilespmem:s18+$0xA860] =	vst v0  }
0x36: {  	[spmem:s5] =	stream.linear.scatter [tilespmem:s0], [sflag:$0x3], $0x1000, $0x38;
	[tilespmem:$0x1F800] =	vst v63  }
0x37: {  	s20 =	rddreg [dreg:$0x4]  }
0x38: {  	[spmem:s20] =	stream.linear.scatter [tilespmem:s0], [sflag:$0x3], $0x1000, $0x38;
	[tilespmem:$0x1F800] =	vst v63  }
0x39: {  	s19 =	rddreg [dreg:$0x5]  }
0x3a: {  	[spmem:s19] =	stream.linear.scatter [tilespmem:s0], [sflag:$0x3], $0x1000, $0x38;
	[tilespmem:$0x1F800] =	vst v63  }
0x3b: {  	s20 =	rddreg [dreg:$0x6]  }
0x3c: {  	[spmem:s20] =	stream.linear.scatter [tilespmem:s0], [sflag:$0x3], $0x1000, $0x38;
	[tilespmem:$0x1F800] =	vst v63  }
0x3d: {  	s19 =	rddreg [dreg:$0x7]  }
0x3e: {  	[spmem:s19] =	stream.linear.scatter [tilespmem:s0], [sflag:$0x3], $0x1000, $0x38;
	[tilespmem:$0x1F800] =	vst v63  }
0x3f: {  	s20 =	rddreg [dreg:$0x8]  }
0x40: {  	[spmem:s20] =	stream.linear.scatter [tilespmem:s0], [sflag:$0x3], $0x1000, $0x38;
	[tilespmem:$0x1F800] =	vst v63  }
0x41: {  	s19 =	rddreg [dreg:$0x9]  }
0x42: {  	[spmem:s19] =	stream.linear.scatter [tilespmem:s0], [sflag:$0x3], $0x1000, $0x38;
	[tilespmem:$0x1F800] =	vst v63  }
0x43: {  	s20 =	rddreg [dreg:$0xa]  }
0x44: {  	[spmem:s20] =	stream.linear.scatter [tilespmem:s0], [sflag:$0x3], $0x1000, $0x38;
	[tilespmem:$0x1F800] =	vst v63  }
0x45: {  	s19 =	rddreg [dreg:$0xb]  }
0x46: {  	[spmem:s19] =	stream.linear.scatter [tilespmem:s0], [sflag:$0x3], $0x1000, $0x38;
	[tilespmem:$0x1F800] =	vst v63  }
0x47: {  	s20 =	rddreg [dreg:$0xc]  }
0x48: {  	[spmem:s20] =	stream.linear.scatter [tilespmem:s0], [sflag:$0x3], $0x1000, $0x38;
	[tilespmem:$0x1F800] =	vst v63  }
0x49: {  	s19 =	rddreg [dreg:$0xd]  }
0x4a: {  	[spmem:s19] =	stream.linear.scatter [tilespmem:s0], [sflag:$0x3], $0x1000, $0x38;
	[tilespmem:$0x1F800] =	vst v63  }
0x4b: {  	s20 =	rddreg [dreg:$0xe]  }
0x4c: {  	[spmem:s20] =	stream.linear.scatter [tilespmem:s0], [sflag:$0x3], $0x1000, $0x38;
	[tilespmem:$0x1F800] =	vst v63  }
0x4d: {  	s19 =	rddreg [dreg:$0xf]  }
0x4e: {  	[spmem:s19] =	stream.linear.scatter [tilespmem:s0], [sflag:$0x3], $0x1000, $0x38;
	[tilespmem:$0x1F800] =	vst v63  }
0x4f: {  	s20 =	rddreg [dreg:$0x10]  }
0x50: {  	[spmem:s20] =	stream.linear.scatter [tilespmem:s0], [sflag:$0x3], $0x1000, $0x38;
	[tilespmem:$0x1F800] =	vst v63  }
0x51: {  	_ = 	snop  }
0x52: {  	[spmem:s23] =	stream.linear.scatter [tilespmem:s0], [sflag:$0x3], $0x1000, $0x38;
	[tilespmem:$0x1F800] =	vst v63  }
0x53: {  	_ = 	snop  }
0x54: {  	[spmem:s26] =	stream.linear.scatter [tilespmem:s0], [sflag:$0x3], $0x1000, $0x38;
	[tilespmem:$0x1F800] =	vst v63  }
0x55: {  	_ = 	snop  }
0x56: {  	[spmem:s28] =	stream.linear.scatter [tilespmem:s0], [sflag:$0x3], $0x1000, $0x38;
	[tilespmem:$0x1F800] =	vst v63  }
0x57: {  	_ = 	snop  }
0x58: {  	[spmem:s29] =	stream.linear.scatter [tilespmem:s0], [sflag:$0x3], $0x1000, $0x38;
	[tilespmem:$0x1F800] =	vst v63  }
0x59: {  	_ = 	snop  }
0x5a: {  	[spmem:s30] =	stream.linear.scatter [tilespmem:s0], [sflag:$0x3], $0x1000, $0x38;
	[tilespmem:$0x1F800] =	vst v63  }
0x5b: {  	_ = 	snop  }
0x5c: {  	[spmem:s31] =	stream.linear.scatter [tilespmem:s0], [sflag:$0x3], $0x1000, $0x38;
	[tilespmem:$0x1F800] =	vst v63  }
0x5d: {  	s19 =	rddreg [dreg:$0x11]  }
0x5e: {  	[tilespmem:s3], [sflag:$0x5] =	stream.linear.gather [hbm4b:s19+s3], $0x1400, $0x38;
	[tilespmem:$0x1F800] =	vst v63  }
0x5f: {  	_ =	swait.ge [sflag:s1], $0x1400  }
0x60: {  	[sflag:s1] =	ssyncset.done $0x0  }
0x61: {  	s20 =	rddreg [dreg:$0x12];
	[sflag:s1] =	ssyncadd.s32 $0xFFFFEC00  }
0x62: {  	[tilespmem:s6], [sflag:$0x5] =	stream.linear.gather [hbm4b:s20+s3], $0x1400, $0x38;
	[tilespmem:$0x1F800] =	vst v63  }
0x63: {  	_ =	swait.ge [sflag:s1], $0x1400  }
0x64: {  	[sflag:s1] =	ssyncset.done $0x0  }
0x65: {  	[sflag:s1] =	ssyncadd.s32 $0xFFFFEC00  }
0x66: {  	[tilespmem:s8], [sflag:$0x1] =	stream.indirect.gather [hbm4b:s4+s7], $0x80, s3, s7, $0xb8;
	[tilespmem:$0x1F800] =	vst v63  }
0x67: {  	_ = 	snop  }
0x68: {  	[tilespmem:s10], [sflag:$0x2] =	stream.indirect.gather [hbm4b:s4+s7], $0x80, s9, s7, $0xb8;
	[tilespmem:$0x1F800] =	vst v63  }
0x69: {  	_ =	swait.ge [sflag:s11], $0x1000  }
0x6a: {  	[sflag:s11] =	ssyncset.done $0x0  }
0x6b: {  	[sflag:s11] =	ssyncadd.s32 $0xFFFFF000  }
0x6c: {  	_ =	swait.ge [sflag:s11], $0x1000  }
0x6d: {  	[sflag:s11] =	ssyncset.done $0x0  }
0x6e: {  	[sflag:s11] =	ssyncadd.s32 $0xFFFFF000  }
0x6f: {  	_ =	swait.ge [sflag:s11], $0x1000  }
0x70: {  	[sflag:s11] =	ssyncset.done $0x0  }
0x71: {  	[sflag:s11] =	ssyncadd.s32 $0xFFFFF000  }
0x72: {  	_ =	swait.ge [sflag:s11], $0x1000  }
0x73: {  	[sflag:s11] =	ssyncset.done $0x0  }
0x74: {  	[sflag:s11] =	ssyncadd.s32 $0xFFFFF000  }
0x75: {  	_ =	swait.ge [sflag:s11], $0x1000  }
0x76: {  	[sflag:s11] =	ssyncset.done $0x0  }
0x77: {  	[sflag:s11] =	ssyncadd.s32 $0xFFFFF000  }
0x78: {  	_ =	swait.ge [sflag:s11], $0x1000  }
0x79: {  	[sflag:s11] =	ssyncset.done $0x0  }
0x7a: {  	[sflag:s11] =	ssyncadd.s32 $0xFFFFF000  }
0x7b: {  	_ =	swait.ge [sflag:s11], $0x1000  }
0x7c: {  	[sflag:s11] =	ssyncset.done $0x0  }
0x7d: {  	[sflag:s11] =	ssyncadd.s32 $0xFFFFF000  }
0x7e: {  	_ =	swait.ge [sflag:s11], $0x1000  }
0x7f: {  	[sflag:s11] =	ssyncset.done $0x0  }
0x80: {  	[sflag:s11] =	ssyncadd.s32 $0xFFFFF000  }
0x81: {  	_ =	swait.ge [sflag:s11], $0x1000  }
0x82: {  	[sflag:s11] =	ssyncset.done $0x0  }
0x83: {  	[sflag:s11] =	ssyncadd.s32 $0xFFFFF000  }
0x84: {  	_ =	swait.ge [sflag:s11], $0x1000  }
0x85: {  	[sflag:s11] =	ssyncset.done $0x0  }
0x86: {  	[sflag:s11] =	ssyncadd.s32 $0xFFFFF000  }
0x87: {  	_ =	swait.ge [sflag:s11], $0x1000  }
0x88: {  	[sflag:s11] =	ssyncset.done $0x0  }
0x89: {  	[sflag:s11] =	ssyncadd.s32 $0xFFFFF000  }
0x8a: {  	_ =	swait.ge [sflag:s11], $0x1000  }
0x8b: {  	[sflag:s11] =	ssyncset.done $0x0  }
0x8c: {  	[sflag:s11] =	ssyncadd.s32 $0xFFFFF000  }
0x8d: {  	_ =	swait.ge [sflag:s11], $0x1000  }
0x8e: {  	[sflag:s11] =	ssyncset.done $0x0  }
0x8f: {  	[sflag:s11] =	ssyncadd.s32 $0xFFFFF000  }
0x90: {  	_ =	swait.ge [sflag:s11], $0x1000  }
0x91: {  	[sflag:s11] =	ssyncset.done $0x0  }
0x92: {  	[sflag:s11] =	ssyncadd.s32 $0xFFFFF000  }
0x93: {  	_ =	swait.ge [sflag:s11], $0x1000  }
0x94: {  	[sflag:s11] =	ssyncset.done $0x0  }
0x95: {  	[sflag:s11] =	ssyncadd.s32 $0xFFFFF000  }
0x96: {  	_ =	swait.ge [sflag:s11], $0x1000  }
0x97: {  	[sflag:s11] =	ssyncset.done $0x0  }
0x98: {  	[sflag:s11] =	ssyncadd.s32 $0xFFFFF000  }
0x99: {  	_ =	swait.ge [sflag:s11], $0x1000  }
0x9a: {  	[sflag:s11] =	ssyncset.done $0x0  }
0x9b: {  	[sflag:s11] =	ssyncadd.s32 $0xFFFFF000  }
0x9c: {  	_ =	swait.ge [sflag:s11], $0x1000  }
0x9d: {  	[sflag:s11] =	ssyncset.done $0x0  }
0x9e: {  	[sflag:s11] =	ssyncadd.s32 $0xFFFFF000  }
0x9f: {  	_ =	swait.ge [sflag:s11], $0x1000  }
0xa0: {  	[sflag:s11] =	ssyncset.done $0x0  }
0xa1: {  	[sflag:s11] =	ssyncadd.s32 $0xFFFFF000  }
0xa2: {  	_ =	swait.ge [sflag:s11], $0x1000  }
0xa3: {  	[sflag:s11] =	ssyncset.done $0x0  }
0xa4: {  	[sflag:s11] =	ssyncadd.s32 $0xFFFFF000  }
0xa5: {  	[bflag:$0x0] =	sbarrier.arrive $0xFFFF  }
0xa6: {  	_ =	swait.ge [sflag:s12], $0x3E80  }
0xa7: {  	[sflag:s12] =	ssyncset.done $0x0  }
0xa8: {  	[sflag:s12] =	ssyncadd.s32 $0xFFFFC180  }
0xa9: {  	[spmem:s2] =	stream.indirect.scatter.add.f32 [tilespmem:s8], [sflag:$0x3], $0x80, s6, s7, $0xb8;
	[tilespmem:$0x1F800] =	vst v63  }
0xaa: {  	_ =	swait.ge [sflag:s13], $0x3E80  }
0xab: {  	[sflag:s13] =	ssyncset.done $0x0  }
0xac: {  	[sflag:s13] =	ssyncadd.s32 $0xFFFFC180  }
0xad: {  	[spmem:s2] =	stream.indirect.scatter.add.f32 [tilespmem:s10], [sflag:$0x4], $0x80, s14, s7, $0xb8;
	[tilespmem:$0x1F800] =	vst v63  }
0xae: {  	_ =	swait.ge [sflag:s11], $0x3E80  }
0xaf: {  	[sflag:s11] =	ssyncset.done $0x0  }
0xb0: {  	s18 =	simm.s32 $0xFFFFB800;
	[sflag:s11] =	ssyncadd.s32 $0xFFFFC180  }
0xb1: {  	[tilespmem:s8], [sflag:$0x1] =	stream.indirect.gather [hbm4b:s4+s7], $0x80, s15, s7, $0xb8;
	[tilespmem:$0x1F800] =	vst v63  }
.LBB2_4:
0xb2: {  	_ =	swait.ge [sflag:s12], $0x3E80  }
0xb3: {  	s19 =	sshra.s32 s18, $0x2;
	[sflag:s12] =	ssyncset.done $0x0  }
0xb4: {  	s20 =	sadd.s32 $0x2700, s19;
	[sflag:s12] =	ssyncadd.s32 $0xFFFFC180  }
0xb5: {  	[spmem:s2] =	stream.indirect.scatter.add.f32 [tilespmem:s8], [sflag:$0x3], $0x80, s20, s7, $0xb8;
	[tilespmem:$0x1F800] =	vst v63  }
0xb6: {  	_ =	swait.ge [sflag:s16], $0x3E80  }
0xb7: {  	[sflag:s16] =	ssyncset.done $0x0  }
0xb8: {  	s20 =	sadd.s32 $0x1380, s19;
	[sflag:s16] =	ssyncadd.s32 $0xFFFFC180  }
0xb9: {  	[tilespmem:s10], [sflag:$0x2] =	stream.indirect.gather [hbm4b:s4+s7], $0x80, s20, s7, $0xb8;
	[tilespmem:$0x1F800] =	vst v63  }
0xba: {  	_ =	swait.ge [sflag:s13], $0x3E80  }
0xbb: {  	p0 =	seq.s32 s18, $0x0;
	[sflag:s13] =	ssyncset.done $0x0  }
.Ltmp3:
0xbc: {  	s20 =	sadd.s32 $0x2780, s19;
	[sflag:s13] =	ssyncadd.s32 $0xFFFFC180;
	(pc) =	sbr.rel @p0 .LBB2_6-.Ltmp3, $4  }
0xbd: {  	[spmem:s2] =	stream.indirect.scatter.add.f32 [tilespmem:s10], [sflag:$0x4], $0x80, s20, s7, $0xb8;
	[tilespmem:$0x1F800] =	vst v63  }
0xbe: {  	_ =	swait.ge [sflag:s11], $0x3E80  }
0xbf: {  	[sflag:s11] =	ssyncset.done $0x0  }
0xc0: {  	[sflag:s11] =	ssyncadd.s32 $0xFFFFC180  }
.Ltmp4:
0xc1: {  	(pc) =	sbr.rel .LBB2_4-.Ltmp4, $3  }
0xc2: {  	_ =	sdelay $0x1  }
0xc3: {  	s19 =	sadd.s32 $0x1400, s19;
	s18 =	sadd.s32 $0x400, s18  }
0xc4: {  	[tilespmem:s8], [sflag:$0x1] =	stream.indirect.gather [hbm4b:s4+s7], $0x80, s19, s7, $0xb8;
	[tilespmem:$0x1F800] =	vst v63  }
.LBB2_6:
0xc5: {  	_ =	swait.ge [sflag:s16], $0x3E80  }
0xc6: {  	[sflag:s16] =	ssyncset.done $0x0  }
0xc7: {  	[sflag:s16] =	ssyncadd.s32 $0xFFFFC180  }
0xc8: {  	[tilespmem:s3], [sflag:$0x5] =	stream.linear.gather [hbm4b:s21+s3], $0x1400, $0x38;
	[tilespmem:$0x1F800] =	vst v63  }
0xc9: {  	_ =	swait.ge [sflag:s1], $0x1400  }
0xca: {  	[sflag:s1] =	ssyncset.done $0x0  }
0xcb: {  	[sflag:s1] =	ssyncadd.s32 $0xFFFFEC00  }
0xcc: {  	[tilespmem:s6], [sflag:$0x5] =	stream.linear.gather [hbm4b:s22+s3], $0x1400, $0x38;
	[tilespmem:$0x1F800] =	vst v63  }
0xcd: {  	_ =	swait.ge [sflag:s1], $0x1400  }
0xce: {  	[sflag:s1] =	ssyncset.done $0x0  }
0xcf: {  	[sflag:s1] =	ssyncadd.s32 $0xFFFFEC00  }
0xd0: {  	[tilespmem:s8], [sflag:$0x1] =	stream.indirect.gather [hbm4b:s4+s7], $0x80, s3, s7, $0xb8;
	[tilespmem:$0x1F800] =	vst v63  }
0xd1: {  	_ = 	snop  }
0xd2: {  	[tilespmem:s10], [sflag:$0x2] =	stream.indirect.gather [hbm4b:s4+s7], $0x80, s9, s7, $0xb8;
	[tilespmem:$0x1F800] =	vst v63  }
0xd3: {  	_ =	swait.ge [sflag:s12], $0x3E80  }
0xd4: {  	[sflag:s12] =	ssyncset.done $0x0  }
0xd5: {  	[sflag:s12] =	ssyncadd.s32 $0xFFFFC180  }
0xd6: {  	[spmem:s2] =	stream.indirect.scatter.add.f32 [tilespmem:s8], [sflag:$0x3], $0x80, s6, s7, $0xb8;
	[tilespmem:$0x1F800] =	vst v63  }
0xd7: {  	_ =	swait.ge [sflag:s13], $0x3E80  }
0xd8: {  	[sflag:s13] =	ssyncset.done $0x0  }
0xd9: {  	[sflag:s13] =	ssyncadd.s32 $0xFFFFC180  }
0xda: {  	[spmem:s2] =	stream.indirect.scatter.add.f32 [tilespmem:s10], [sflag:$0x4], $0x80, s14, s7, $0xb8;
	[tilespmem:$0x1F800] =	vst v63  }
0xdb: {  	_ =	swait.ge [sflag:s11], $0x3E80  }
0xdc: {  	[sflag:s11] =	ssyncset.done $0x0  }
0xdd: {  	s18 =	simm.s32 $0xFFFFB800;
	[sflag:s11] =	ssyncadd.s32 $0xFFFFC180  }
0xde: {  	[tilespmem:s8], [sflag:$0x1] =	stream.indirect.gather [hbm4b:s4+s7], $0x80, s15, s7, $0xb8;
	[tilespmem:$0x1F800] =	vst v63  }
.LBB2_7:
0xdf: {  	_ =	swait.ge [sflag:s12], $0x3E80  }
0xe0: {  	s19 =	sshra.s32 s18, $0x2;
	[sflag:s12] =	ssyncset.done $0x0  }
0xe1: {  	s20 =	sadd.s32 $0x2700, s19;
	[sflag:s12] =	ssyncadd.s32 $0xFFFFC180  }
0xe2: {  	[spmem:s2] =	stream.indirect.scatter.add.f32 [tilespmem:s8], [sflag:$0x3], $0x80, s20, s7, $0xb8;
	[tilespmem:$0x1F800] =	vst v63  }
0xe3: {  	_ =	swait.ge [sflag:s16], $0x3E80  }
0xe4: {  	[sflag:s16] =	ssyncset.done $0x0  }
0xe5: {  	s20 =	sadd.s32 $0x1380, s19;
	[sflag:s16] =	ssyncadd.s32 $0xFFFFC180  }
0xe6: {  	[tilespmem:s10], [sflag:$0x2] =	stream.indirect.gather [hbm4b:s4+s7], $0x80, s20, s7, $0xb8;
	[tilespmem:$0x1F800] =	vst v63  }
0xe7: {  	_ =	swait.ge [sflag:s13], $0x3E80  }
0xe8: {  	p0 =	seq.s32 s18, $0x0;
	[sflag:s13] =	ssyncset.done $0x0  }
.Ltmp5:
0xe9: {  	s20 =	sadd.s32 $0x2780, s19;
	[sflag:s13] =	ssyncadd.s32 $0xFFFFC180;
	(pc) =	sbr.rel @p0 .LBB2_9-.Ltmp5, $4  }
0xea: {  	[spmem:s2] =	stream.indirect.scatter.add.f32 [tilespmem:s10], [sflag:$0x4], $0x80, s20, s7, $0xb8;
	[tilespmem:$0x1F800] =	vst v63  }
0xeb: {  	_ =	swait.ge [sflag:s11], $0x3E80  }
0xec: {  	[sflag:s11] =	ssyncset.done $0x0  }
0xed: {  	[sflag:s11] =	ssyncadd.s32 $0xFFFFC180  }
.Ltmp6:
0xee: {  	(pc) =	sbr.rel .LBB2_7-.Ltmp6, $3  }
0xef: {  	_ =	sdelay $0x1  }
0xf0: {  	s19 =	sadd.s32 $0x1400, s19;
	s18 =	sadd.s32 $0x400, s18  }
0xf1: {  	[tilespmem:s8], [sflag:$0x1] =	stream.indirect.gather [hbm4b:s4+s7], $0x80, s19, s7, $0xb8;
	[tilespmem:$0x1F800] =	vst v63  }
.LBB2_10:
0xf2: {  	_ =	sfence.sel $0x180000  }
0xf3: {  	[bflag:$0x0] =	sbarrier.arrive $0xFFFF  }
0xf4: {  	_ =	strace $0x9000004A  }
0xf5: {  	s0 =	stileid.u32;
	[bflag:$0x2] =	sbarrier.arrive $0xFFFF  }
0xf6: {  	p0 =	sne.s32 s0, $0x0;
	s0 =	rddreg [dreg:$0x3]  }
0xf7: {  	s0 =	sadd.s32 @!p0 $0x100000, s0  }
0xf8: {  	[sflag:s0] =	ssyncadd.tile.s32 @!p0 $0x1;
	_ =	shalt  }
.Lfunc_end2:
_tile_overlayer_lowered:
.L_overlay_start_2:
0xf9: {  	(tag) =	ssettag $0x2  }
0xfa: {  	s0 =	rddreg [dreg:$0x0];
	s2 =	stileid.u32  }
0xfb: {  	s1 =	rddreg [dreg:$0x1];
	p0 =	sne.s32 s2, $0x0  }
0xfc: {  	s3 =	rddreg [dreg:$0x2];
	[bflag:$0x3] =	sbarrier.arrive $0xFFFF;
	s2 =	simm.s32 @!p0 $0x1C05  }
0xfd: {  	[timem:s3], [sflag:s2] =	dma.local @!p0 [hbm:s0], s1  }
0xfe: {  	s0 =	simm.s32 @!p0 $0x5  }
0xff: {  	_ =	swait.ge @!p0 [sflag:s0], s1  }
0x100: {  	s1 =	ssub.s32 @!p0 $0x0, s1;
	[sflag:s0] =	ssyncset.done @!p0 $0x0  }
0x101: {  	[sflag:s0] =	ssyncadd.s32 @!p0 s1  }
0x102: {  	[bflag:$0x3] =	sbarrier.arrive $0xFFFF  }
0x103: {  	_ =	shalt  }

// kernel: kernel.16.cloned.1.call-start
scs
__scs_entry_jumppad:
0x0: {  	(pc) =	sbr.rel $0x88, $3  }
0x1: {  	(tag) =	ssettag $0x0;
	lr =	simm.s32 $0x1  }
0x2: {  	[smem:$0x3F95] =	sst lr;
	_ =	strace $0xD0000000  }
0x3: {  	_ = 	snop  }
0x4: {  	_ = 	snop  }
0x5: {  	_ = 	snop  }
0x6: {  	_ = 	snop  }
0x7: {  	_ = 	snop  }
__scs_overlays_trampoline_lowered:
0x8: {  	[smem:$0x3FA4] =	sst s0  }
0x9: {  	[smem:$0x3FA5] =	sst s1  }
0xa: {  	[smem:$0x3FA6] =	sst s2  }
0xb: {  	[smem:$0x3FA7] =	sst s3  }
0xc: {  	[smem:$0x3FA8] =	sst s4  }
0xd: {  	[smem:$0x3FA9] =	sst s5  }
0xe: {  	[smem:$0x3FAA] =	sst s6  }
0xf: {  	[smem:$0x3FAB] =	sst s7  }
0x10: {  	[smem:$0x3FAC] =	sst s8  }
0x11: {  	[smem:$0x3FAD] =	sst s9;
	s0 =	simm.s32 @!p0 $0x0  }
0x12: {  	s1 =	sld [smem:$0x3F93];
	s0 =	simm.s32 @p0 $0x1  }
0x13: {  	[smem:$0x3FAE] =	sst s0;
	s0 =	simm.s32 @!p1 $0x0  }
0x14: {  	s2 =	sld [smem:$0x3F92];
	s0 =	simm.s32 @p1 $0x1  }
0x15: {  	[smem:$0x3FAF] =	sst s0;
	s0 =	simm.s32 @!p2 $0x0  }
0x16: {  	s3 =	sld [smem:$0x3FDB];
	s0 =	simm.s32 @p2 $0x1  }
0x17: {  	s4 =	simm.s32 $0x1BF5;
	[smem:$0x3FB1] =	sst s0  }
0x18: {  	s0 =	sld [smem:$0x3F94];
	_ =	swait.ge [sflag:s4], $0x0  }
0x19: {  	s7 =	sld [smem:$0x3F95]  }
0x1a: {  	s8 =	sadd.s32 $0xFFFFE003, lr  }
0x1b: {  	s9 =	sadd.s32 $0xFFFFFEF7, lr;
	s5 =	simm.s32 $0xFFFFFFFF;
	p2 =	slt.u32 s8, $0xFFFFF086  }
0x1c: {  	p1 =	slt.u32 s9, $0xF7A;
	s5 =	simm.s32 @!p2 $0x0  }
0x1d: {  	s5 =	simm.s32 @p1 $0x1;
	p0 =	seq.s32 s7, s2  }
0x1e: {  	s7 =	smul.u32 @!p0 $0xF7A, s2;
	p2 =	seq.s32 @!p0 s5, $0x0  }
0x1f: {  	s9 =	smul.u32 $0xF7A, s1;
	s8 =	simm.s32 @!p0 $0x1BF5;
	p2 =	por !p2, p0  }
0x20: {  	[sflag:s8] =	ssyncset.s32 @!p0 $0xFFFFF086;
	s6 =	sadd.s32 @!p0 s3, s7;
	s7 =	simm.s32 @!p0 $0x108  }
0x21: {  	s3 =	sadd.s32 s3, s9;
	s6 =	sadd.s32 @!p0 $0x88, s6;
	s7 =	simm.s32 @p2 $0x1082  }
0x22: {  	[simem:s7], [sflag:s8] =	dma.local @!p0 [hbm:s6], $0xF7A  }
0x23: {  	s9 =	sor.u32 $0xD0000000, s2;
	s6 =	simm.s32 $0x108;
	_ =	swait.ge @!p0 [sflag:s8], $0x0  }
0x24: {  	s3 =	sadd.s32 $0x88, s3;
	s6 =	simm.s32 @!p1 $0x1082;
	[sflag:s4] =	ssyncset.s32 $0xFFFFF086  }
0x25: {  	[simem:s6], [sflag:s4] =	dma.local [hbm:s3], $0xF7A  }
0x26: {  	[smem:$0x3F95] =	sst s1;
	(tag) =	ssettag s2;
	_ =	strace s9  }
0x27: {  	s1 =	sld [smem:$0x3FA5]  }
0x28: {  	s2 =	sld [smem:$0x3FA6]  }
0x29: {  	s4 =	sld [smem:$0x3FA8]  }
0x2a: {  	p0 =	seq.s32 s5, $0x0;
	s5 =	sld [smem:$0x3FA9]  }
0x2b: {  	s6 =	sld [smem:$0x3FAA]  }
0x2c: {  	s7 =	sld [smem:$0x3FAB]  }
0x2d: {  	s3 =	simm.s32 $0x108;
	s8 =	sld [smem:$0x3FAC]  }
0x2e: {  	s3 =	simm.s32 @!p0 $0x1082;
	s9 =	sld [smem:$0x3FAD]  }
0x2f: {  	lr =	sadd.s32 s0, s3;
	s0 =	sld [smem:$0x3FA4]  }
0x30: {  	s3 =	sld [smem:$0x3FA7]  }
0x31: {  	[smem:$0x3FB0] =	sst s10  }
0x32: {  	s10 =	sld [smem:$0x3FAE];
	_ =	sdelay $0x3  }
0x33: {  	p0 =	seq.s32 s10, $0x1;
	s10 =	sld [smem:$0x3FB0];
	_ =	sdelay $0x3  }
0x34: {  	[smem:$0x3FB0] =	sst s10  }
0x35: {  	s10 =	sld [smem:$0x3FAF];
	_ =	sdelay $0x3  }
0x36: {  	p1 =	seq.s32 s10, $0x1;
	s10 =	sld [smem:$0x3FB0];
	_ =	sdelay $0x3  }
0x37: {  	[smem:$0x3FB0] =	sst s10  }
0x38: {  	s10 =	sld [smem:$0x3FB1]  }
0x39: {  	_ = 	snop;
	(pc) =	sbr.ind lr, $3  }
0x3a: {  	_ = 	snop  }
0x3b: {  	_ = 	snop  }
0x3c: {  	p2 =	seq.s32 s10, $0x1;
	s10 =	sld [smem:$0x3FB0]  }
0x3d: {  	_ =	shalt  }
0x3e: {  	_ =	shalt  }
0x3f: {  	_ =	shalt  }
0x40: {  	_ =	shalt  }
0x41: {  	_ =	shalt  }
0x42: {  	_ =	shalt  }
0x43: {  	_ =	shalt  }
0x44: {  	_ =	shalt  }
0x45: {  	_ =	shalt  }
0x46: {  	_ =	shalt  }
0x47: {  	_ =	shalt  }
0x48: {  	_ =	shalt  }
0x49: {  	_ =	shalt  }
0x4a: {  	_ =	shalt  }
0x4b: {  	_ =	shalt  }
0x4c: {  	_ =	shalt  }
0x4d: {  	_ =	shalt  }
0x4e: {  	_ =	shalt  }
0x4f: {  	_ =	shalt  }
0x50: {  	_ =	shalt  }
0x51: {  	_ =	shalt  }
0x52: {  	_ =	shalt  }
0x53: {  	_ =	shalt  }
0x54: {  	_ =	shalt  }
0x55: {  	_ =	shalt  }
0x56: {  	_ =	shalt  }
0x57: {  	_ =	shalt  }
0x58: {  	_ =	shalt  }
0x59: {  	_ =	shalt  }
0x5a: {  	_ =	shalt  }
0x5b: {  	_ =	shalt  }
0x5c: {  	_ =	shalt  }
0x5d: {  	_ =	shalt  }
0x5e: {  	_ =	shalt  }
0x5f: {  	_ =	shalt  }
0x60: {  	_ =	shalt  }
0x61: {  	_ =	shalt  }
0x62: {  	_ =	shalt  }
0x63: {  	_ =	shalt  }
0x64: {  	_ =	shalt  }
0x65: {  	_ =	shalt  }
0x66: {  	_ =	shalt  }
0x67: {  	_ =	shalt  }
0x68: {  	_ =	shalt  }
0x69: {  	_ =	shalt  }
0x6a: {  	_ =	shalt  }
0x6b: {  	_ =	shalt  }
0x6c: {  	_ =	shalt  }
0x6d: {  	_ =	shalt  }
0x6e: {  	_ =	shalt  }
0x6f: {  	_ =	shalt  }
0x70: {  	_ =	shalt  }
0x71: {  	_ =	shalt  }
0x72: {  	_ =	shalt  }
0x73: {  	_ =	shalt  }
0x74: {  	_ =	shalt  }
0x75: {  	_ =	shalt  }
0x76: {  	_ =	shalt  }
0x77: {  	_ =	shalt  }
0x78: {  	_ =	shalt  }
0x79: {  	_ =	shalt  }
0x7a: {  	_ =	shalt  }
0x7b: {  	_ =	shalt  }
0x7c: {  	_ =	shalt  }
0x7d: {  	_ =	shalt  }
0x7e: {  	_ =	shalt  }
0x7f: {  	_ =	shalt  }
0x80: {  	_ =	shalt  }
0x81: {  	_ =	shalt  }
0x82: {  	_ =	shalt  }
0x83: {  	_ =	shalt  }
0x84: {  	_ =	shalt  }
0x85: {  	_ =	shalt  }
0x86: {  	_ =	shalt  }
0x87: {  	_ =	shalt  }
.Lfunc_end0:
.L_simem_size_0:
called_computation.2_lowered:
.L_overlay_start_0:
0x88: {  	s2 =	sld [smem:$0x3FD9]  }
0x89: {  	s3 =	sld [smem:$0x3FFE];
	_ =	sdelay $0x1  }
0x8a: {  	s1 =	srdreg.scid  }
0x8b: {  	s0 =	sand.u32 $0x1, s1  }
0x8c: {  	s17 =	sshll.u32 s0, $0xA;
	s2 =	sadd.s32 s3, s2  }
0x8d: {  	s2 =	sadd.s32 s2, s17  }
0x8e: {  	[smem:$0x3FBC] =	sst s2  }
0x8f: {  	_ = 	snop  }
0x90: {  	s2 =	sld [smem:$0x3FD0];
	(tm) =	ssettm $0x1  }
0x91: {  	s18 =	sld [smem:$0x3FFB];
	_ =	sdelay $0x3  }
0x92: {  	_ =	strace s18  }
0x93: {  	s3 =	sld [smem:$0x3FFC];
	_ =	sdelay $0x3  }
0x94: {  	_ =	strace s3  }
0x95: {  	s3 =	sld [smem:$0x3FFD];
	_ =	sdelay $0x3  }
0x96: {  	_ =	strace s3  }
0x97: {  	_ =	strace $0x8FFFFFFF  }
0x98: {  	s19 =	sld [smem:$0x3FDB];
	_ =	sdelay $0x1  }
0x99: {  	s4 =	simm.s32 $_scs_section_size  }
0x9a: {  	s5 =	simm.s32 $_size__tile_overlayer_lowered;
	s6 =	simm.s32 $_tile_overlayer_lowered  }
0x9b: {  	s22 =	simm.s32 $0x1BFF;
	s21 =	sshll.u32 s6, $0x1;
	s3 =	sadd.s32 s4, s19  }
0x9c: {  	s7 =	simm.s32 $0x0;
	s20 =	sshll.u32 s5, $0x1;
	s5 =	sadd.s32 s21, s3  }
0x9d: {  	[timem:s7], [sflag:s22] =	dma.local [hbm:s5], s20  }
0x9e: {  	_ =	swait.ge [sflag:s22], s20  }
0x9f: {  	s4 =	ssub.s32 $0x0, s20;
	[sflag:s22] =	ssyncset.done $0x0  }
0xa0: {  	[sflag:s22] =	ssyncadd.s32 s4;
	_ =	sdelay $0x1  }
0xa1: {  	s23 =	simm.s32 $0x1B8B  }
0xa2: {  	_ =	swait.ge [sflag:s23], $0x1  }
0xa3: {  	[sflag:s23] =	ssyncset.done $0x0  }
0xa4: {  	s25 =	simm.s32 $0x1B8E;
	s24 =	sld [smem:$0x3FFE];
	[sflag:s23] =	ssyncadd.s32 $0xFFFFFFFF  }
0xa5: {  	s26 =	simm.s32 $execute0_lowered;
	[smem:$0x3FD2] =	sst s25  }
0xa6: {  	s5 =	sshll.u32 s26, $0x1;
	_ =	strace $0x8000004C;
	[dreg:$0x1] =	wrdreg $0xFFFFFFFF  }
0xa7: {  	s28 =	simm.s32 $_size_execute0_lowered;
	s3 =	sadd.s32 s3, s5;
	[dreg:$0x0] =	wrdreg $0x0  }
0xa8: {  	s5 =	sshll.u32 s28, $0x1;
	[dreg:$0x2] =	wrdreg s3  }
0xa9: {  	[dreg:$0x3] =	wrdreg s5  }
0xaa: {  	[dreg:$0x4] =	wrdreg $0xC0  }
0xab: {  	_ =	task [dreg:s7], $0x5FFFF  }
0xac: {  	[dreg:$0x1] =	wrdreg $0xFFFFFFFF  }
0xad: {  	[dreg:$0x0] =	wrdreg $0x60  }
0xae: {  	[dreg:$0x2] =	wrdreg s24  }
0xaf: {  	[dreg:$0x3] =	wrdreg s2  }
0xb0: {  	[dreg:$0x4] =	wrdreg $0xB8000  }
0xb1: {  	[dreg:$0x5] =	wrdreg $0x9  }
0xb2: {  	_ =	task.clear_ibuf [dreg:s7], $0x6FFFF;
	_ =	strace $0x9000004C  }
0xb3: {  	s29 =	simm.s32 $0x9;
	_ =	strace $0x8000004E  }
0xb4: {  	_ =	swait.ge [sflag:s29], $0x1  }
0xb5: {  	[sflag:s29] =	ssyncadd.s32 $0xFFFFFFFF  }
0xb6: {  	_ =	strace $0x9000004E  }
0xb7: {  	_ =	sfence  }
0xb8: {  	s30 =	sld [smem:$0x0];
	_ =	sdelay $0x2  }
0xb9: {  	s31 =	sshll.u32 s1, $0xD;
	s1 =	sshrl.u32 s1, $0x2  }
0xba: {  	s3 =	sand.u32 $0x4000, s31;
	s1 =	sadd.s32 s1, s30  }
0xbb: {  	s0 =	sor.u32 s3, s0;
	s1 =	sshll.u32 s1, $0x11  }
0xbc: {  	s0 =	sor.u32 s1, s0  }
0xbd: {  	s0 =	sadd.s32 $0x8F2B, s0  }
0xbe: {  	[sflag:s0] =	ssyncadd.remote.s32 $0x1  }
0xbf: {  	_ =	sfence.sel $0xFFFF  }
0xc0: {  	[dreg:$0x0] =	wrdreg $0xFFFFFFFF;
	(pc) =	sbr.abs _section_cstart, $3  }
0xc1: {  	[dreg:$0x1] =	wrdreg $0xFFFFFFFF  }
0xc2: {  	_ =	task.clear_ibuf [dreg:s7], $0x2FFFF;
	_ =	strace $0x9FFFFFFF  }
0xc3: {  	(tm) =	ssettm $0x7FFFFFFF  }
tec
execute0_lowered:
.L_overlay_start_1:
0x0: {  	(tag) =	ssettag $0x1  }
0x1: {  	s0 =	rddreg [dreg:$0x0];
	s10 =	stileid.u32  }
0x2: {  	s3 =	srdreg.scid;
	s6 =	smul.u32 $0x14000, s10  }
0x3: {  	s1 =	rddreg [dreg:$0x1];
	s5 =	sand.u32 $0x1, s3;
	s7 =	smul.u32 $0x50000, s10  }
0x4: {  	s2 =	rddreg [dreg:$0x2];
	s3 =	simm.s32 $0x0;
	s4 =	smul.u32 $0x140000, s5  }
0x5: {  	s26 =	ssub.s32 $0x2, s5;
	s5 =	sshll.u32 s5, $0x4;
	s7 =	sshrl.u32 s7, $0x2  }
0x6: {  	[smem:$0x7FF] =	sst s3;
	s11 =	sor.u32 s10, s5;
	s5 =	sadd.s32 s7, s2  }
0x7: {  	s8 =	sadd.s32 $0x54400, s0;
	_ =	strace $0x8000004D;
	s7 =	sadd.s32 $0x1000, s5  }
0x8: {  	s9 =	sshrl.u32 s26, $0x1;
	s12 =	sadd.s32 $0x2000, s5;
	[dreg:$0x4] =	wrdreg s7  }
0x9: {  	s10 =	simm.s32 $0x6800;
	s13 =	sadd.s32 $0x3000, s5;
	[dreg:$0x5] =	wrdreg s12  }
0xa: {  	s6 =	sadd.s32 s6, s4;
	s14 =	sadd.s32 $0x4000, s5;
	[dreg:$0x6] =	wrdreg s13  }
0xb: {  	s4 =	sadd.s32 $0x4400, s0;
	s15 =	sadd.s32 $0x5000, s5;
	[dreg:$0x7] =	wrdreg s14  }
0xc: {  	s19 =	smul.u32 $0x2800, s11;
	s16 =	sadd.s32 $0x6000, s5;
	[dreg:$0x8] =	wrdreg s15  }
0xd: {  	s11 =	simm.s32 $0x3;
	s17 =	sadd.s32 $0x7000, s5;
	[dreg:$0x9] =	wrdreg s16  }
0xe: {  	s6 =	sshrl.u32 s6, $0x3;
	s18 =	sadd.s32 $0x8000, s5;
	[dreg:$0xa] =	wrdreg s17  }
0xf: {  	s20 =	sadd.s32 $0x9000, s5;
	s21 =	sadd.s32 $0xA000, s5;
	[dreg:$0xb] =	wrdreg s18  }
0x10: {  	s22 =	sadd.s32 $0xB000, s5;
	s23 =	sadd.s32 $0xC000, s5;
	[dreg:$0xc] =	wrdreg s20  }
0x11: {  	s24 =	sadd.s32 $0xD000, s5;
	s28 =	sadd.s32 $0x10000, s5;
	[dreg:$0xd] =	wrdreg s21  }
0x12: {  	s29 =	sadd.s32 $0x11000, s5;
	s30 =	sadd.s32 $0x12000, s5;
	[dreg:$0xe] =	wrdreg s22  }
0x13: {  	s31 =	sadd.s32 $0x13000, s5;
	s0 =	sadd.s32 s6, s0;
	[dreg:$0xf] =	wrdreg s23  }
0x14: {  	s6 =	ssub.s32 s26, s9;
	[dreg:$0x10] =	wrdreg s24;
	s7 =	sshrl.u32 s19, $0x3  }
0x15: {  	s23 =	sadd.s32 $0xE000, s5;
	s9 =	simm.s32 $0x80;
	s12 =	simm.s32 $0x1  }
0x16: {  	s13 =	simm.s32 $0x2;
	s14 =	simm.s32 $0x1480;
	s15 =	simm.s32 $0x100  }
0x17: {  	s16 =	simm.s32 $0x4;
	s17 =	simm.s32 $0x0;
	s25 =	sadd.s32 s8, s7  }
.Ltmp0:
0x18: {  	s26 =	sadd.s32 s1, s7;
	s7 =	sadd.s32 $0x280, s7;
	(pc) =	sbr.rel .LBB2_1-.Ltmp0, $4  }
0x19: {  	s24 =	sadd.s32 $0xFAC00, s0;
	s0 =	simm.s32 $0xA800;
	[dreg:$0x11] =	wrdreg s25  }
0x1a: {  	[dreg:$0x12] =	wrdreg s26;
	s21 =	sadd.s32 s8, s7;
	s22 =	sadd.s32 s1, s7  }
0x1b: {  	s25 =	smax.u32 s6, $0x1;
	s26 =	sadd.s32 $0xF000, s5;
	s1 =	simm.s32 $0x5  }
0x1c: {  	v0 =	vimm.f32 $0.0e+00;
	s6 =	simm.s32 $0x1400;
	s7 =	simm.s32 $0x7D;
	s8 =	simm.s32 $0x2800  }
.LBB2_9:
0x1d: {  	_ =	swait.ge [sflag:s16], $0x3E80;
	s18 =	stileid.u32  }
0x1e: {  	s19 =	sshrl.u32 s5, $0x3;
	s17 =	sadd.s32 $0x1, s17;
	[sflag:s16] =	ssyncset.done $0x0  }
0x1f: {  	s18 =	sshll.u32 s18, $0x6;
	p0 =	sne.s32 s17, s25;
	[sflag:s16] =	ssyncadd.s32 $0xFFFFC180  }
.Ltmp1:
0x20: {  	s18 =	sor.u32 $0x1C05, s18;
	[bflag:$0x0] =	sbarrier.arrive $0xFFFF;
	(pc) =	sbr.rel @!p0 .LBB2_10-.Ltmp1, $4  }
0x21: {  	[hbm:s24], [sflag:s18] =	dma.local [spmem:s19], $0x2800  }
0x22: {  	_ =	swait.ge [sflag:s1], $0x2800  }
0x23: {  	[sflag:s1] =	ssyncset.done $0x0  }
0x24: {  	[sflag:s1] =	ssyncadd.s32 $0xFFFFD800  }
.LBB2_1:
0x25: {  	s18 =	simm.s32 $0x0;
	s19 =	simm.s32 $0x200  }
.LBB2_2:
0x26: {  	p0 =	sne.s32 s19, $0x3E00;
	[tilespmem:s18+$0xA870] =	vst v0  }
0x27: {  	[tilespmem:s18+$0xA800] =	vst v0  }
0x28: {  	[tilespmem:s18+$0xA810] =	vst v0  }
.Ltmp2:
0x29: {  	[tilespmem:s18+$0xA820] =	vst v0;
	(pc) =	sbr.rel @p0 .LBB2_2-.Ltmp2, $4  }
0x2a: {  	[tilespmem:s18+$0xA830] =	vst v0  }
0x2b: {  	[tilespmem:s18+$0xA840] =	vst v0  }
0x2c: {  	[tilespmem:s18+$0xA850] =	vst v0  }
0x2d: {  	[tilespmem:s18+$0xA860] =	vst v0;
	s18 =	sshra.s32 s19, $0x2;
	s19 =	sadd.s32 $0x200, s19  }
0x2e: {  	[tilespmem:s18+$0xA870] =	vst v0  }
0x2f: {  	[tilespmem:s18+$0xA800] =	vst v0  }
0x30: {  	[tilespmem:s18+$0xA810] =	vst v0  }
0x31: {  	[tilespmem:s18+$0xA820] =	vst v0  }
0x32: {  	[tilespmem:s18+$0xA830] =	vst v0  }
0x33: {  	[tilespmem:s18+$0xA840] =	vst v0  }
0x34: {  	[tilespmem:s18+$0xA850] =	vst v0  }
0x35: {  	[tilespmem:s18+$0xA860] =	vst v0  }
0x36: {  	[spmem:s5] =	stream.linear.scatter [tilespmem:s0], [sflag:$0x3], $0x1000, $0x38;
	[tilespmem:$0x1F800] =	vst v63  }
0x37: {  	s20 =	rddreg [dreg:$0x4]  }
0x38: {  	[spmem:s20] =	stream.linear.scatter [tilespmem:s0], [sflag:$0x3], $0x1000, $0x38;
	[tilespmem:$0x1F800] =	vst v63  }
0x39: {  	s19 =	rddreg [dreg:$0x5]  }
0x3a: {  	[spmem:s19] =	stream.linear.scatter [tilespmem:s0], [sflag:$0x3], $0x1000, $0x38;
	[tilespmem:$0x1F800] =	vst v63  }
0x3b: {  	s20 =	rddreg [dreg:$0x6]  }
0x3c: {  	[spmem:s20] =	stream.linear.scatter [tilespmem:s0], [sflag:$0x3], $0x1000, $0x38;
	[tilespmem:$0x1F800] =	vst v63  }
0x3d: {  	s19 =	rddreg [dreg:$0x7]  }
0x3e: {  	[spmem:s19] =	stream.linear.scatter [tilespmem:s0], [sflag:$0x3], $0x1000, $0x38;
	[tilespmem:$0x1F800] =	vst v63  }
0x3f: {  	s20 =	rddreg [dreg:$0x8]  }
0x40: {  	[spmem:s20] =	stream.linear.scatter [tilespmem:s0], [sflag:$0x3], $0x1000, $0x38;
	[tilespmem:$0x1F800] =	vst v63  }
0x41: {  	s19 =	rddreg [dreg:$0x9]  }
0x42: {  	[spmem:s19] =	stream.linear.scatter [tilespmem:s0], [sflag:$0x3], $0x1000, $0x38;
	[tilespmem:$0x1F800] =	vst v63  }
0x43: {  	s20 =	rddreg [dreg:$0xa]  }
0x44: {  	[spmem:s20] =	stream.linear.scatter [tilespmem:s0], [sflag:$0x3], $0x1000, $0x38;
	[tilespmem:$0x1F800] =	vst v63  }
0x45: {  	s19 =	rddreg [dreg:$0xb]  }
0x46: {  	[spmem:s19] =	stream.linear.scatter [tilespmem:s0], [sflag:$0x3], $0x1000, $0x38;
	[tilespmem:$0x1F800] =	vst v63  }
0x47: {  	s20 =	rddreg [dreg:$0xc]  }
0x48: {  	[spmem:s20] =	stream.linear.scatter [tilespmem:s0], [sflag:$0x3], $0x1000, $0x38;
	[tilespmem:$0x1F800] =	vst v63  }
0x49: {  	s19 =	rddreg [dreg:$0xd]  }
0x4a: {  	[spmem:s19] =	stream.linear.scatter [tilespmem:s0], [sflag:$0x3], $0x1000, $0x38;
	[tilespmem:$0x1F800] =	vst v63  }
0x4b: {  	s20 =	rddreg [dreg:$0xe]  }
0x4c: {  	[spmem:s20] =	stream.linear.scatter [tilespmem:s0], [sflag:$0x3], $0x1000, $0x38;
	[tilespmem:$0x1F800] =	vst v63  }
0x4d: {  	s19 =	rddreg [dreg:$0xf]  }
0x4e: {  	[spmem:s19] =	stream.linear.scatter [tilespmem:s0], [sflag:$0x3], $0x1000, $0x38;
	[tilespmem:$0x1F800] =	vst v63  }
0x4f: {  	s20 =	rddreg [dreg:$0x10]  }
0x50: {  	[spmem:s20] =	stream.linear.scatter [tilespmem:s0], [sflag:$0x3], $0x1000, $0x38;
	[tilespmem:$0x1F800] =	vst v63  }
0x51: {  	_ = 	snop  }
0x52: {  	[spmem:s23] =	stream.linear.scatter [tilespmem:s0], [sflag:$0x3], $0x1000, $0x38;
	[tilespmem:$0x1F800] =	vst v63  }
0x53: {  	_ = 	snop  }
0x54: {  	[spmem:s26] =	stream.linear.scatter [tilespmem:s0], [sflag:$0x3], $0x1000, $0x38;
	[tilespmem:$0x1F800] =	vst v63  }
0x55: {  	_ = 	snop  }
0x56: {  	[spmem:s28] =	stream.linear.scatter [tilespmem:s0], [sflag:$0x3], $0x1000, $0x38;
	[tilespmem:$0x1F800] =	vst v63  }
0x57: {  	_ = 	snop  }
0x58: {  	[spmem:s29] =	stream.linear.scatter [tilespmem:s0], [sflag:$0x3], $0x1000, $0x38;
	[tilespmem:$0x1F800] =	vst v63  }
0x59: {  	_ = 	snop  }
0x5a: {  	[spmem:s30] =	stream.linear.scatter [tilespmem:s0], [sflag:$0x3], $0x1000, $0x38;
	[tilespmem:$0x1F800] =	vst v63  }
0x5b: {  	_ = 	snop  }
0x5c: {  	[spmem:s31] =	stream.linear.scatter [tilespmem:s0], [sflag:$0x3], $0x1000, $0x38;
	[tilespmem:$0x1F800] =	vst v63  }
0x5d: {  	s19 =	rddreg [dreg:$0x11]  }
0x5e: {  	[tilespmem:s3], [sflag:$0x5] =	stream.linear.gather [hbm4b:s19+s3], $0x1400, $0x38;
	[tilespmem:$0x1F800] =	vst v63  }
0x5f: {  	_ =	swait.ge [sflag:s1], $0x1400  }
0x60: {  	[sflag:s1] =	ssyncset.done $0x0  }
0x61: {  	s20 =	rddreg [dreg:$0x12];
	[sflag:s1] =	ssyncadd.s32 $0xFFFFEC00  }
0x62: {  	[tilespmem:s6], [sflag:$0x5] =	stream.linear.gather [hbm4b:s20+s3], $0x1400, $0x38;
	[tilespmem:$0x1F800] =	vst v63  }
0x63: {  	_ =	swait.ge [sflag:s1], $0x1400  }
0x64: {  	[sflag:s1] =	ssyncset.done $0x0  }
0x65: {  	[sflag:s1] =	ssyncadd.s32 $0xFFFFEC00  }
0x66: {  	[tilespmem:s8], [sflag:$0x1] =	stream.indirect.gather [hbm4b:s4+s7], $0x80, s3, s7, $0xb8;
	[tilespmem:$0x1F800] =	vst v63  }
0x67: {  	_ = 	snop  }
0x68: {  	[tilespmem:s10], [sflag:$0x2] =	stream.indirect.gather [hbm4b:s4+s7], $0x80, s9, s7, $0xb8;
	[tilespmem:$0x1F800] =	vst v63  }
0x69: {  	_ =	swait.ge [sflag:s11], $0x1000  }
0x6a: {  	[sflag:s11] =	ssyncset.done $0x0  }
0x6b: {  	[sflag:s11] =	ssyncadd.s32 $0xFFFFF000  }
0x6c: {  	_ =	swait.ge [sflag:s11], $0x1000  }
0x6d: {  	[sflag:s11] =	ssyncset.done $0x0  }
0x6e: {  	[sflag:s11] =	ssyncadd.s32 $0xFFFFF000  }
0x6f: {  	_ =	swait.ge [sflag:s11], $0x1000  }
0x70: {  	[sflag:s11] =	ssyncset.done $0x0  }
0x71: {  	[sflag:s11] =	ssyncadd.s32 $0xFFFFF000  }
0x72: {  	_ =	swait.ge [sflag:s11], $0x1000  }
0x73: {  	[sflag:s11] =	ssyncset.done $0x0  }
0x74: {  	[sflag:s11] =	ssyncadd.s32 $0xFFFFF000  }
0x75: {  	_ =	swait.ge [sflag:s11], $0x1000  }
0x76: {  	[sflag:s11] =	ssyncset.done $0x0  }
0x77: {  	[sflag:s11] =	ssyncadd.s32 $0xFFFFF000  }
0x78: {  	_ =	swait.ge [sflag:s11], $0x1000  }
0x79: {  	[sflag:s11] =	ssyncset.done $0x0  }
0x7a: {  	[sflag:s11] =	ssyncadd.s32 $0xFFFFF000  }
0x7b: {  	_ =	swait.ge [sflag:s11], $0x1000  }
0x7c: {  	[sflag:s11] =	ssyncset.done $0x0  }
0x7d: {  	[sflag:s11] =	ssyncadd.s32 $0xFFFFF000  }
0x7e: {  	_ =	swait.ge [sflag:s11], $0x1000  }
0x7f: {  	[sflag:s11] =	ssyncset.done $0x0  }
0x80: {  	[sflag:s11] =	ssyncadd.s32 $0xFFFFF000  }
0x81: {  	_ =	swait.ge [sflag:s11], $0x1000  }
0x82: {  	[sflag:s11] =	ssyncset.done $0x0  }
0x83: {  	[sflag:s11] =	ssyncadd.s32 $0xFFFFF000  }
0x84: {  	_ =	swait.ge [sflag:s11], $0x1000  }
0x85: {  	[sflag:s11] =	ssyncset.done $0x0  }
0x86: {  	[sflag:s11] =	ssyncadd.s32 $0xFFFFF000  }
0x87: {  	_ =	swait.ge [sflag:s11], $0x1000  }
0x88: {  	[sflag:s11] =	ssyncset.done $0x0  }
0x89: {  	[sflag:s11] =	ssyncadd.s32 $0xFFFFF000  }
0x8a: {  	_ =	swait.ge [sflag:s11], $0x1000  }
0x8b: {  	[sflag:s11] =	ssyncset.done $0x0  }
0x8c: {  	[sflag:s11] =	ssyncadd.s32 $0xFFFFF000  }
0x8d: {  	_ =	swait.ge [sflag:s11], $0x1000  }
0x8e: {  	[sflag:s11] =	ssyncset.done $0x0  }
0x8f: {  	[sflag:s11] =	ssyncadd.s32 $0xFFFFF000  }
0x90: {  	_ =	swait.ge [sflag:s11], $0x1000  }
0x91: {  	[sflag:s11] =	ssyncset.done $0x0  }
0x92: {  	[sflag:s11] =	ssyncadd.s32 $0xFFFFF000  }
0x93: {  	_ =	swait.ge [sflag:s11], $0x1000  }
0x94: {  	[sflag:s11] =	ssyncset.done $0x0  }
0x95: {  	[sflag:s11] =	ssyncadd.s32 $0xFFFFF000  }
0x96: {  	_ =	swait.ge [sflag:s11], $0x1000  }
0x97: {  	[sflag:s11] =	ssyncset.done $0x0  }
0x98: {  	[sflag:s11] =	ssyncadd.s32 $0xFFFFF000  }
0x99: {  	_ =	swait.ge [sflag:s11], $0x1000  }
0x9a: {  	[sflag:s11] =	ssyncset.done $0x0  }
0x9b: {  	[sflag:s11] =	ssyncadd.s32 $0xFFFFF000  }
0x9c: {  	_ =	swait.ge [sflag:s11], $0x1000  }
0x9d: {  	[sflag:s11] =	ssyncset.done $0x0  }
0x9e: {  	[sflag:s11] =	ssyncadd.s32 $0xFFFFF000  }
0x9f: {  	_ =	swait.ge [sflag:s11], $0x1000  }
0xa0: {  	[sflag:s11] =	ssyncset.done $0x0  }
0xa1: {  	[sflag:s11] =	ssyncadd.s32 $0xFFFFF000  }
0xa2: {  	_ =	swait.ge [sflag:s11], $0x1000  }
0xa3: {  	[sflag:s11] =	ssyncset.done $0x0  }
0xa4: {  	[sflag:s11] =	ssyncadd.s32 $0xFFFFF000  }
0xa5: {  	[bflag:$0x0] =	sbarrier.arrive $0xFFFF  }
0xa6: {  	_ =	swait.ge [sflag:s12], $0x3E80  }
0xa7: {  	[sflag:s12] =	ssyncset.done $0x0  }
0xa8: {  	[sflag:s12] =	ssyncadd.s32 $0xFFFFC180  }
0xa9: {  	[spmem:s2] =	stream.indirect.scatter.add.f32 [tilespmem:s8], [sflag:$0x3], $0x80, s6, s7, $0xb8;
	[tilespmem:$0x1F800] =	vst v63  }
0xaa: {  	_ =	swait.ge [sflag:s13], $0x3E80  }
0xab: {  	[sflag:s13] =	ssyncset.done $0x0  }
0xac: {  	[sflag:s13] =	ssyncadd.s32 $0xFFFFC180  }
0xad: {  	[spmem:s2] =	stream.indirect.scatter.add.f32 [tilespmem:s10], [sflag:$0x4], $0x80, s14, s7, $0xb8;
	[tilespmem:$0x1F800] =	vst v63  }
0xae: {  	_ =	swait.ge [sflag:s11], $0x3E80  }
0xaf: {  	[sflag:s11] =	ssyncset.done $0x0  }
0xb0: {  	s18 =	simm.s32 $0xFFFFB800;
	[sflag:s11] =	ssyncadd.s32 $0xFFFFC180  }
0xb1: {  	[tilespmem:s8], [sflag:$0x1] =	stream.indirect.gather [hbm4b:s4+s7], $0x80, s15, s7, $0xb8;
	[tilespmem:$0x1F800] =	vst v63  }
.LBB2_4:
0xb2: {  	_ =	swait.ge [sflag:s12], $0x3E80  }
0xb3: {  	s19 =	sshra.s32 s18, $0x2;
	[sflag:s12] =	ssyncset.done $0x0  }
0xb4: {  	s20 =	sadd.s32 $0x2700, s19;
	[sflag:s12] =	ssyncadd.s32 $0xFFFFC180  }
0xb5: {  	[spmem:s2] =	stream.indirect.scatter.add.f32 [tilespmem:s8], [sflag:$0x3], $0x80, s20, s7, $0xb8;
	[tilespmem:$0x1F800] =	vst v63  }
0xb6: {  	_ =	swait.ge [sflag:s16], $0x3E80  }
0xb7: {  	[sflag:s16] =	ssyncset.done $0x0  }
0xb8: {  	s20 =	sadd.s32 $0x1380, s19;
	[sflag:s16] =	ssyncadd.s32 $0xFFFFC180  }
0xb9: {  	[tilespmem:s10], [sflag:$0x2] =	stream.indirect.gather [hbm4b:s4+s7], $0x80, s20, s7, $0xb8;
	[tilespmem:$0x1F800] =	vst v63  }
0xba: {  	_ =	swait.ge [sflag:s13], $0x3E80  }
0xbb: {  	p0 =	seq.s32 s18, $0x0;
	[sflag:s13] =	ssyncset.done $0x0  }
.Ltmp3:
0xbc: {  	s20 =	sadd.s32 $0x2780, s19;
	[sflag:s13] =	ssyncadd.s32 $0xFFFFC180;
	(pc) =	sbr.rel @p0 .LBB2_6-.Ltmp3, $4  }
0xbd: {  	[spmem:s2] =	stream.indirect.scatter.add.f32 [tilespmem:s10], [sflag:$0x4], $0x80, s20, s7, $0xb8;
	[tilespmem:$0x1F800] =	vst v63  }
0xbe: {  	_ =	swait.ge [sflag:s11], $0x3E80  }
0xbf: {  	[sflag:s11] =	ssyncset.done $0x0  }
0xc0: {  	[sflag:s11] =	ssyncadd.s32 $0xFFFFC180  }
.Ltmp4:
0xc1: {  	(pc) =	sbr.rel .LBB2_4-.Ltmp4, $3  }
0xc2: {  	_ =	sdelay $0x1  }
0xc3: {  	s19 =	sadd.s32 $0x1400, s19;
	s18 =	sadd.s32 $0x400, s18  }
0xc4: {  	[tilespmem:s8], [sflag:$0x1] =	stream.indirect.gather [hbm4b:s4+s7], $0x80, s19, s7, $0xb8;
	[tilespmem:$0x1F800] =	vst v63  }
.LBB2_6:
0xc5: {  	_ =	swait.ge [sflag:s16], $0x3E80  }
0xc6: {  	[sflag:s16] =	ssyncset.done $0x0  }
0xc7: {  	[sflag:s16] =	ssyncadd.s32 $0xFFFFC180  }
0xc8: {  	[tilespmem:s3], [sflag:$0x5] =	stream.linear.gather [hbm4b:s21+s3], $0x1400, $0x38;
	[tilespmem:$0x1F800] =	vst v63  }
0xc9: {  	_ =	swait.ge [sflag:s1], $0x1400  }
0xca: {  	[sflag:s1] =	ssyncset.done $0x0  }
0xcb: {  	[sflag:s1] =	ssyncadd.s32 $0xFFFFEC00  }
0xcc: {  	[tilespmem:s6], [sflag:$0x5] =	stream.linear.gather [hbm4b:s22+s3], $0x1400, $0x38;
	[tilespmem:$0x1F800] =	vst v63  }
0xcd: {  	_ =	swait.ge [sflag:s1], $0x1400  }
0xce: {  	[sflag:s1] =	ssyncset.done $0x0  }
0xcf: {  	[sflag:s1] =	ssyncadd.s32 $0xFFFFEC00  }
0xd0: {  	[tilespmem:s8], [sflag:$0x1] =	stream.indirect.gather [hbm4b:s4+s7], $0x80, s3, s7, $0xb8;
	[tilespmem:$0x1F800] =	vst v63  }
0xd1: {  	_ = 	snop  }
0xd2: {  	[tilespmem:s10], [sflag:$0x2] =	stream.indirect.gather [hbm4b:s4+s7], $0x80, s9, s7, $0xb8;
	[tilespmem:$0x1F800] =	vst v63  }
0xd3: {  	_ =	swait.ge [sflag:s12], $0x3E80  }
0xd4: {  	[sflag:s12] =	ssyncset.done $0x0  }
0xd5: {  	[sflag:s12] =	ssyncadd.s32 $0xFFFFC180  }
0xd6: {  	[spmem:s2] =	stream.indirect.scatter.add.f32 [tilespmem:s8], [sflag:$0x3], $0x80, s6, s7, $0xb8;
	[tilespmem:$0x1F800] =	vst v63  }
0xd7: {  	_ =	swait.ge [sflag:s13], $0x3E80  }
0xd8: {  	[sflag:s13] =	ssyncset.done $0x0  }
0xd9: {  	[sflag:s13] =	ssyncadd.s32 $0xFFFFC180  }
0xda: {  	[spmem:s2] =	stream.indirect.scatter.add.f32 [tilespmem:s10], [sflag:$0x4], $0x80, s14, s7, $0xb8;
	[tilespmem:$0x1F800] =	vst v63  }
0xdb: {  	_ =	swait.ge [sflag:s11], $0x3E80  }
0xdc: {  	[sflag:s11] =	ssyncset.done $0x0  }
0xdd: {  	s18 =	simm.s32 $0xFFFFB800;
	[sflag:s11] =	ssyncadd.s32 $0xFFFFC180  }
0xde: {  	[tilespmem:s8], [sflag:$0x1] =	stream.indirect.gather [hbm4b:s4+s7], $0x80, s15, s7, $0xb8;
	[tilespmem:$0x1F800] =	vst v63  }
.LBB2_7:
0xdf: {  	_ =	swait.ge [sflag:s12], $0x3E80  }
0xe0: {  	s19 =	sshra.s32 s18, $0x2;
	[sflag:s12] =	ssyncset.done $0x0  }
0xe1: {  	s20 =	sadd.s32 $0x2700, s19;
	[sflag:s12] =	ssyncadd.s32 $0xFFFFC180  }
0xe2: {  	[spmem:s2] =	stream.indirect.scatter.add.f32 [tilespmem:s8], [sflag:$0x3], $0x80, s20, s7, $0xb8;
	[tilespmem:$0x1F800] =	vst v63  }
0xe3: {  	_ =	swait.ge [sflag:s16], $0x3E80  }
0xe4: {  	[sflag:s16] =	ssyncset.done $0x0  }
0xe5: {  	s20 =	sadd.s32 $0x1380, s19;
	[sflag:s16] =	ssyncadd.s32 $0xFFFFC180  }
0xe6: {  	[tilespmem:s10], [sflag:$0x2] =	stream.indirect.gather [hbm4b:s4+s7], $0x80, s20, s7, $0xb8;
	[tilespmem:$0x1F800] =	vst v63  }
0xe7: {  	_ =	swait.ge [sflag:s13], $0x3E80  }
0xe8: {  	p0 =	seq.s32 s18, $0x0;
	[sflag:s13] =	ssyncset.done $0x0  }
.Ltmp5:
0xe9: {  	s20 =	sadd.s32 $0x2780, s19;
	[sflag:s13] =	ssyncadd.s32 $0xFFFFC180;
	(pc) =	sbr.rel @p0 .LBB2_9-.Ltmp5, $4  }
0xea: {  	[spmem:s2] =	stream.indirect.scatter.add.f32 [tilespmem:s10], [sflag:$0x4], $0x80, s20, s7, $0xb8;
	[tilespmem:$0x1F800] =	vst v63  }
0xeb: {  	_ =	swait.ge [sflag:s11], $0x3E80  }
0xec: {  	[sflag:s11] =	ssyncset.done $0x0  }
0xed: {  	[sflag:s11] =	ssyncadd.s32 $0xFFFFC180  }
.Ltmp6:
0xee: {  	(pc) =	sbr.rel .LBB2_7-.Ltmp6, $3  }
0xef: {  	_ =	sdelay $0x1  }
0xf0: {  	s19 =	sadd.s32 $0x1400, s19;
	s18 =	sadd.s32 $0x400, s18  }
0xf1: {  	[tilespmem:s8], [sflag:$0x1] =	stream.indirect.gather [hbm4b:s4+s7], $0x80, s19, s7, $0xb8;
	[tilespmem:$0x1F800] =	vst v63  }
.LBB2_10:
0xf2: {  	_ =	sfence.sel $0x180000  }
0xf3: {  	[bflag:$0x0] =	sbarrier.arrive $0xFFFF  }
0xf4: {  	_ =	strace $0x9000004D  }
0xf5: {  	s0 =	stileid.u32;
	[bflag:$0x2] =	sbarrier.arrive $0xFFFF  }
0xf6: {  	p0 =	sne.s32 s0, $0x0;
	s0 =	rddreg [dreg:$0x3]  }
0xf7: {  	s0 =	sadd.s32 @!p0 $0x100000, s0  }
0xf8: {  	[sflag:s0] =	ssyncadd.tile.s32 @!p0 $0x1;
	_ =	shalt  }
.Lfunc_end2:
_tile_overlayer_lowered:
.L_overlay_start_2:
0xf9: {  	(tag) =	ssettag $0x2  }
0xfa: {  	s0 =	rddreg [dreg:$0x0];
	s2 =	stileid.u32  }
0xfb: {  	s1 =	rddreg [dreg:$0x1];
	p0 =	sne.s32 s2, $0x0  }
0xfc: {  	s3 =	rddreg [dreg:$0x2];
	[bflag:$0x3] =	sbarrier.arrive $0xFFFF;
	s2 =	simm.s32 @!p0 $0x1C05  }
0xfd: {  	[timem:s3], [sflag:s2] =	dma.local @!p0 [hbm:s0], s1  }
0xfe: {  	s0 =	simm.s32 @!p0 $0x5  }
0xff: {  	_ =	swait.ge @!p0 [sflag:s0], s1  }
0x100: {  	s1 =	ssub.s32 @!p0 $0x0, s1;
	[sflag:s0] =	ssyncset.done @!p0 $0x0  }
0x101: {  	[sflag:s0] =	ssyncadd.s32 @!p0 s1  }
0x102: {  	[bflag:$0x3] =	sbarrier.arrive $0xFFFF  }
0x103: {  	_ =	shalt  }

// kernel: kernel.19.cloned.1.call-start
scs
__scs_entry_jumppad:
0x0: {  	(pc) =	sbr.rel $0x88, $3  }
0x1: {  	(tag) =	ssettag $0x0;
	lr =	simm.s32 $0x1  }
0x2: {  	[smem:$0x3F95] =	sst lr;
	_ =	strace $0xD0000000  }
0x3: {  	_ = 	snop  }
0x4: {  	_ = 	snop  }
0x5: {  	_ = 	snop  }
0x6: {  	_ = 	snop  }
0x7: {  	_ = 	snop  }
__scs_overlays_trampoline_lowered:
0x8: {  	[smem:$0x3FA4] =	sst s0  }
0x9: {  	[smem:$0x3FA5] =	sst s1  }
0xa: {  	[smem:$0x3FA6] =	sst s2  }
0xb: {  	[smem:$0x3FA7] =	sst s3  }
0xc: {  	[smem:$0x3FA8] =	sst s4  }
0xd: {  	[smem:$0x3FA9] =	sst s5  }
0xe: {  	[smem:$0x3FAA] =	sst s6  }
0xf: {  	[smem:$0x3FAB] =	sst s7  }
0x10: {  	[smem:$0x3FAC] =	sst s8  }
0x11: {  	[smem:$0x3FAD] =	sst s9;
	s0 =	simm.s32 @!p0 $0x0  }
0x12: {  	s1 =	sld [smem:$0x3F93];
	s0 =	simm.s32 @p0 $0x1  }
0x13: {  	[smem:$0x3FAE] =	sst s0;
	s0 =	simm.s32 @!p1 $0x0  }
0x14: {  	s2 =	sld [smem:$0x3F92];
	s0 =	simm.s32 @p1 $0x1  }
0x15: {  	[smem:$0x3FAF] =	sst s0;
	s0 =	simm.s32 @!p2 $0x0  }
0x16: {  	s3 =	sld [smem:$0x3FDB];
	s0 =	simm.s32 @p2 $0x1  }
0x17: {  	s4 =	simm.s32 $0x1BF5;
	[smem:$0x3FB1] =	sst s0  }
0x18: {  	s0 =	sld [smem:$0x3F94];
	_ =	swait.ge [sflag:s4], $0x0  }
0x19: {  	s7 =	sld [smem:$0x3F95]  }
0x1a: {  	s8 =	sadd.s32 $0xFFFFE003, lr  }
0x1b: {  	s9 =	sadd.s32 $0xFFFFFEF7, lr;
	s5 =	simm.s32 $0xFFFFFFFF;
	p2 =	slt.u32 s8, $0xFFFFF086  }
0x1c: {  	p1 =	slt.u32 s9, $0xF7A;
	s5 =	simm.s32 @!p2 $0x0  }
0x1d: {  	s5 =	simm.s32 @p1 $0x1;
	p0 =	seq.s32 s7, s2  }
0x1e: {  	s7 =	smul.u32 @!p0 $0xF7A, s2;
	p2 =	seq.s32 @!p0 s5, $0x0  }
0x1f: {  	s9 =	smul.u32 $0xF7A, s1;
	s8 =	simm.s32 @!p0 $0x1BF5;
	p2 =	por !p2, p0  }
0x20: {  	[sflag:s8] =	ssyncset.s32 @!p0 $0xFFFFF086;
	s6 =	sadd.s32 @!p0 s3, s7;
	s7 =	simm.s32 @!p0 $0x108  }
0x21: {  	s3 =	sadd.s32 s3, s9;
	s6 =	sadd.s32 @!p0 $0x88, s6;
	s7 =	simm.s32 @p2 $0x1082  }
0x22: {  	[simem:s7], [sflag:s8] =	dma.local @!p0 [hbm:s6], $0xF7A  }
0x23: {  	s9 =	sor.u32 $0xD0000000, s2;
	s6 =	simm.s32 $0x108;
	_ =	swait.ge @!p0 [sflag:s8], $0x0  }
0x24: {  	s3 =	sadd.s32 $0x88, s3;
	s6 =	simm.s32 @!p1 $0x1082;
	[sflag:s4] =	ssyncset.s32 $0xFFFFF086  }
0x25: {  	[simem:s6], [sflag:s4] =	dma.local [hbm:s3], $0xF7A  }
0x26: {  	[smem:$0x3F95] =	sst s1;
	(tag) =	ssettag s2;
	_ =	strace s9  }
0x27: {  	s1 =	sld [smem:$0x3FA5]  }
0x28: {  	s2 =	sld [smem:$0x3FA6]  }
0x29: {  	s4 =	sld [smem:$0x3FA8]  }
0x2a: {  	p0 =	seq.s32 s5, $0x0;
	s5 =	sld [smem:$0x3FA9]  }
0x2b: {  	s6 =	sld [smem:$0x3FAA]  }
0x2c: {  	s7 =	sld [smem:$0x3FAB]  }
0x2d: {  	s3 =	simm.s32 $0x108;
	s8 =	sld [smem:$0x3FAC]  }
0x2e: {  	s3 =	simm.s32 @!p0 $0x1082;
	s9 =	sld [smem:$0x3FAD]  }
0x2f: {  	lr =	sadd.s32 s0, s3;
	s0 =	sld [smem:$0x3FA4]  }
0x30: {  	s3 =	sld [smem:$0x3FA7]  }
0x31: {  	[smem:$0x3FB0] =	sst s10  }
0x32: {  	s10 =	sld [smem:$0x3FAE];
	_ =	sdelay $0x3  }
0x33: {  	p0 =	seq.s32 s10, $0x1;
	s10 =	sld [smem:$0x3FB0];
	_ =	sdelay $0x3  }
0x34: {  	[smem:$0x3FB0] =	sst s10  }
0x35: {  	s10 =	sld [smem:$0x3FAF];
	_ =	sdelay $0x3  }
0x36: {  	p1 =	seq.s32 s10, $0x1;
	s10 =	sld [smem:$0x3FB0];
	_ =	sdelay $0x3  }
0x37: {  	[smem:$0x3FB0] =	sst s10  }
0x38: {  	s10 =	sld [smem:$0x3FB1]  }
0x39: {  	_ = 	snop;
	(pc) =	sbr.ind lr, $3  }
0x3a: {  	_ = 	snop  }
0x3b: {  	_ = 	snop  }
0x3c: {  	p2 =	seq.s32 s10, $0x1;
	s10 =	sld [smem:$0x3FB0]  }
0x3d: {  	_ =	shalt  }
0x3e: {  	_ =	shalt  }
0x3f: {  	_ =	shalt  }
0x40: {  	_ =	shalt  }
0x41: {  	_ =	shalt  }
0x42: {  	_ =	shalt  }
0x43: {  	_ =	shalt  }
0x44: {  	_ =	shalt  }
0x45: {  	_ =	shalt  }
0x46: {  	_ =	shalt  }
0x47: {  	_ =	shalt  }
0x48: {  	_ =	shalt  }
0x49: {  	_ =	shalt  }
0x4a: {  	_ =	shalt  }
0x4b: {  	_ =	shalt  }
0x4c: {  	_ =	shalt  }
0x4d: {  	_ =	shalt  }
0x4e: {  	_ =	shalt  }
0x4f: {  	_ =	shalt  }
0x50: {  	_ =	shalt  }
0x51: {  	_ =	shalt  }
0x52: {  	_ =	shalt  }
0x53: {  	_ =	shalt  }
0x54: {  	_ =	shalt  }
0x55: {  	_ =	shalt  }
0x56: {  	_ =	shalt  }
0x57: {  	_ =	shalt  }
0x58: {  	_ =	shalt  }
0x59: {  	_ =	shalt  }
0x5a: {  	_ =	shalt  }
0x5b: {  	_ =	shalt  }
0x5c: {  	_ =	shalt  }
0x5d: {  	_ =	shalt  }
0x5e: {  	_ =	shalt  }
0x5f: {  	_ =	shalt  }
0x60: {  	_ =	shalt  }
0x61: {  	_ =	shalt  }
0x62: {  	_ =	shalt  }
0x63: {  	_ =	shalt  }
0x64: {  	_ =	shalt  }
0x65: {  	_ =	shalt  }
0x66: {  	_ =	shalt  }
0x67: {  	_ =	shalt  }
0x68: {  	_ =	shalt  }
0x69: {  	_ =	shalt  }
0x6a: {  	_ =	shalt  }
0x6b: {  	_ =	shalt  }
0x6c: {  	_ =	shalt  }
0x6d: {  	_ =	shalt  }
0x6e: {  	_ =	shalt  }
0x6f: {  	_ =	shalt  }
0x70: {  	_ =	shalt  }
0x71: {  	_ =	shalt  }
0x72: {  	_ =	shalt  }
0x73: {  	_ =	shalt  }
0x74: {  	_ =	shalt  }
0x75: {  	_ =	shalt  }
0x76: {  	_ =	shalt  }
0x77: {  	_ =	shalt  }
0x78: {  	_ =	shalt  }
0x79: {  	_ =	shalt  }
0x7a: {  	_ =	shalt  }
0x7b: {  	_ =	shalt  }
0x7c: {  	_ =	shalt  }
0x7d: {  	_ =	shalt  }
0x7e: {  	_ =	shalt  }
0x7f: {  	_ =	shalt  }
0x80: {  	_ =	shalt  }
0x81: {  	_ =	shalt  }
0x82: {  	_ =	shalt  }
0x83: {  	_ =	shalt  }
0x84: {  	_ =	shalt  }
0x85: {  	_ =	shalt  }
0x86: {  	_ =	shalt  }
0x87: {  	_ =	shalt  }
.Lfunc_end0:
.L_simem_size_0:
called_computation.3_lowered:
.L_overlay_start_0:
0x88: {  	s2 =	sld [smem:$0x3FD9]  }
0x89: {  	s3 =	sld [smem:$0x3FFE];
	_ =	sdelay $0x1  }
0x8a: {  	s1 =	srdreg.scid  }
0x8b: {  	s0 =	sand.u32 $0x1, s1  }
0x8c: {  	s17 =	sshll.u32 s0, $0xA;
	s2 =	sadd.s32 s3, s2  }
0x8d: {  	s2 =	sadd.s32 s2, s17  }
0x8e: {  	[smem:$0x3FBC] =	sst s2  }
0x8f: {  	_ = 	snop  }
0x90: {  	s2 =	sld [smem:$0x3FD0];
	(tm) =	ssettm $0x1  }
0x91: {  	s18 =	sld [smem:$0x3FFB];
	_ =	sdelay $0x3  }
0x92: {  	_ =	strace s18  }
0x93: {  	s3 =	sld [smem:$0x3FFC];
	_ =	sdelay $0x3  }
0x94: {  	_ =	strace s3  }
0x95: {  	s3 =	sld [smem:$0x3FFD];
	_ =	sdelay $0x3  }
0x96: {  	_ =	strace s3  }
0x97: {  	_ =	strace $0x8FFFFFFF  }
0x98: {  	s19 =	sld [smem:$0x3FDB];
	_ =	sdelay $0x1  }
0x99: {  	s4 =	simm.s32 $_scs_section_size  }
0x9a: {  	s5 =	simm.s32 $_size__tile_overlayer_lowered;
	s6 =	simm.s32 $_tile_overlayer_lowered  }
0x9b: {  	s22 =	simm.s32 $0x1BFF;
	s21 =	sshll.u32 s6, $0x1;
	s3 =	sadd.s32 s4, s19  }
0x9c: {  	s7 =	simm.s32 $0x0;
	s20 =	sshll.u32 s5, $0x1;
	s5 =	sadd.s32 s21, s3  }
0x9d: {  	[timem:s7], [sflag:s22] =	dma.local [hbm:s5], s20  }
0x9e: {  	_ =	swait.ge [sflag:s22], s20  }
0x9f: {  	s4 =	ssub.s32 $0x0, s20;
	[sflag:s22] =	ssyncset.done $0x0  }
0xa0: {  	[sflag:s22] =	ssyncadd.s32 s4;
	_ =	sdelay $0x1  }
0xa1: {  	s23 =	simm.s32 $0x1B8B  }
0xa2: {  	_ =	swait.ge [sflag:s23], $0x1  }
0xa3: {  	[sflag:s23] =	ssyncset.done $0x0  }
0xa4: {  	s25 =	simm.s32 $0x1B8E;
	s24 =	sld [smem:$0x3FFE];
	[sflag:s23] =	ssyncadd.s32 $0xFFFFFFFF  }
0xa5: {  	s26 =	simm.s32 $execute0_lowered;
	[smem:$0x3FD2] =	sst s25  }
0xa6: {  	s5 =	sshll.u32 s26, $0x1;
	_ =	strace $0x8000004F;
	[dreg:$0x1] =	wrdreg $0xFFFFFFFF  }
0xa7: {  	s28 =	simm.s32 $_size_execute0_lowered;
	s3 =	sadd.s32 s3, s5;
	[dreg:$0x0] =	wrdreg $0x0  }
0xa8: {  	s5 =	sshll.u32 s28, $0x1;
	[dreg:$0x2] =	wrdreg s3  }
0xa9: {  	[dreg:$0x3] =	wrdreg s5  }
0xaa: {  	[dreg:$0x4] =	wrdreg $0xC0  }
0xab: {  	_ =	task [dreg:s7], $0x5FFFF  }
0xac: {  	[dreg:$0x1] =	wrdreg $0xFFFFFFFF  }
0xad: {  	[dreg:$0x0] =	wrdreg $0x60  }
0xae: {  	[dreg:$0x2] =	wrdreg s24  }
0xaf: {  	[dreg:$0x3] =	wrdreg s2  }
0xb0: {  	[dreg:$0x4] =	wrdreg $0xB8000  }
0xb1: {  	[dreg:$0x5] =	wrdreg $0x9  }
0xb2: {  	_ =	task.clear_ibuf [dreg:s7], $0x6FFFF;
	_ =	strace $0x9000004F  }
0xb3: {  	s29 =	simm.s32 $0x9;
	_ =	strace $0x80000051  }
0xb4: {  	_ =	swait.ge [sflag:s29], $0x1  }
0xb5: {  	[sflag:s29] =	ssyncadd.s32 $0xFFFFFFFF  }
0xb6: {  	_ =	strace $0x90000051  }
0xb7: {  	_ =	sfence  }
0xb8: {  	s30 =	sld [smem:$0x0];
	_ =	sdelay $0x2  }
0xb9: {  	s31 =	sshll.u32 s1, $0xD;
	s1 =	sshrl.u32 s1, $0x2  }
0xba: {  	s3 =	sand.u32 $0x4000, s31;
	s1 =	sadd.s32 s1, s30  }
0xbb: {  	s0 =	sor.u32 s3, s0;
	s1 =	sshll.u32 s1, $0x11  }
0xbc: {  	s0 =	sor.u32 s1, s0  }
0xbd: {  	s0 =	sadd.s32 $0x8F2B, s0  }
0xbe: {  	[sflag:s0] =	ssyncadd.remote.s32 $0x1  }
0xbf: {  	_ =	sfence.sel $0xFFFF  }
0xc0: {  	[dreg:$0x0] =	wrdreg $0xFFFFFFFF;
	(pc) =	sbr.abs _section_cstart, $3  }
0xc1: {  	[dreg:$0x1] =	wrdreg $0xFFFFFFFF  }
0xc2: {  	_ =	task.clear_ibuf [dreg:s7], $0x2FFFF;
	_ =	strace $0x9FFFFFFF  }
0xc3: {  	(tm) =	ssettm $0x7FFFFFFF  }
tec
execute0_lowered:
.L_overlay_start_1:
0x0: {  	(tag) =	ssettag $0x1  }
0x1: {  	s0 =	rddreg [dreg:$0x0];
	s10 =	stileid.u32  }
0x2: {  	s3 =	srdreg.scid;
	s6 =	smul.u32 $0x14000, s10  }
0x3: {  	s1 =	rddreg [dreg:$0x1];
	s5 =	sand.u32 $0x1, s3;
	s7 =	smul.u32 $0x50000, s10  }
0x4: {  	s2 =	rddreg [dreg:$0x2];
	s3 =	simm.s32 $0x0;
	s4 =	smul.u32 $0x140000, s5  }
0x5: {  	s26 =	ssub.s32 $0x2, s5;
	s5 =	sshll.u32 s5, $0x4;
	s7 =	sshrl.u32 s7, $0x2  }
0x6: {  	[smem:$0x7FF] =	sst s3;
	s11 =	sor.u32 s10, s5;
	s5 =	sadd.s32 s7, s2  }
0x7: {  	s8 =	sadd.s32 $0x54400, s0;
	_ =	strace $0x80000050;
	s7 =	sadd.s32 $0x1000, s5  }
0x8: {  	s9 =	sshrl.u32 s26, $0x1;
	s12 =	sadd.s32 $0x2000, s5;
	[dreg:$0x4] =	wrdreg s7  }
0x9: {  	s10 =	simm.s32 $0x6800;
	s13 =	sadd.s32 $0x3000, s5;
	[dreg:$0x5] =	wrdreg s12  }
0xa: {  	s6 =	sadd.s32 s6, s4;
	s14 =	sadd.s32 $0x4000, s5;
	[dreg:$0x6] =	wrdreg s13  }
0xb: {  	s4 =	sadd.s32 $0x4400, s0;
	s15 =	sadd.s32 $0x5000, s5;
	[dreg:$0x7] =	wrdreg s14  }
0xc: {  	s19 =	smul.u32 $0x2800, s11;
	s16 =	sadd.s32 $0x6000, s5;
	[dreg:$0x8] =	wrdreg s15  }
0xd: {  	s11 =	simm.s32 $0x3;
	s17 =	sadd.s32 $0x7000, s5;
	[dreg:$0x9] =	wrdreg s16  }
0xe: {  	s6 =	sshrl.u32 s6, $0x3;
	s18 =	sadd.s32 $0x8000, s5;
	[dreg:$0xa] =	wrdreg s17  }
0xf: {  	s20 =	sadd.s32 $0x9000, s5;
	s21 =	sadd.s32 $0xA000, s5;
	[dreg:$0xb] =	wrdreg s18  }
0x10: {  	s22 =	sadd.s32 $0xB000, s5;
	s23 =	sadd.s32 $0xC000, s5;
	[dreg:$0xc] =	wrdreg s20  }
0x11: {  	s24 =	sadd.s32 $0xD000, s5;
	s28 =	sadd.s32 $0x10000, s5;
	[dreg:$0xd] =	wrdreg s21  }
0x12: {  	s29 =	sadd.s32 $0x11000, s5;
	s30 =	sadd.s32 $0x12000, s5;
	[dreg:$0xe] =	wrdreg s22  }
0x13: {  	s31 =	sadd.s32 $0x13000, s5;
	s0 =	sadd.s32 s6, s0;
	[dreg:$0xf] =	wrdreg s23  }
0x14: {  	s6 =	ssub.s32 s26, s9;
	[dreg:$0x10] =	wrdreg s24;
	s7 =	sshrl.u32 s19, $0x3  }
0x15: {  	s23 =	sadd.s32 $0xE000, s5;
	s9 =	simm.s32 $0x80;
	s12 =	simm.s32 $0x1  }
0x16: {  	s13 =	simm.s32 $0x2;
	s14 =	simm.s32 $0x1480;
	s15 =	simm.s32 $0x100  }
0x17: {  	s16 =	simm.s32 $0x4;
	s17 =	simm.s32 $0x0;
	s25 =	sadd.s32 s8, s7  }
.Ltmp0:
0x18: {  	s26 =	sadd.s32 s1, s7;
	s7 =	sadd.s32 $0x280, s7;
	(pc) =	sbr.rel .LBB2_1-.Ltmp0, $4  }
0x19: {  	s24 =	sadd.s32 $0x5E400, s0;
	s0 =	simm.s32 $0xA800;
	[dreg:$0x11] =	wrdreg s25  }
0x1a: {  	[dreg:$0x12] =	wrdreg s26;
	s21 =	sadd.s32 s8, s7;
	s22 =	sadd.s32 s1, s7  }
0x1b: {  	s25 =	smax.u32 s6, $0x1;
	s26 =	sadd.s32 $0xF000, s5;
	s1 =	simm.s32 $0x5  }
0x1c: {  	v0 =	vimm.f32 $0.0e+00;
	s6 =	simm.s32 $0x1400;
	s7 =	simm.s32 $0x7D;
	s8 =	simm.s32 $0x2800  }
.LBB2_9:
0x1d: {  	_ =	swait.ge [sflag:s16], $0x3E80;
	s18 =	stileid.u32  }
0x1e: {  	s19 =	sshrl.u32 s5, $0x3;
	s17 =	sadd.s32 $0x1, s17;
	[sflag:s16] =	ssyncset.done $0x0  }
0x1f: {  	s18 =	sshll.u32 s18, $0x6;
	p0 =	sne.s32 s17, s25;
	[sflag:s16] =	ssyncadd.s32 $0xFFFFC180  }
.Ltmp1:
0x20: {  	s18 =	sor.u32 $0x1C05, s18;
	[bflag:$0x0] =	sbarrier.arrive $0xFFFF;
	(pc) =	sbr.rel @!p0 .LBB2_10-.Ltmp1, $4  }
0x21: {  	[hbm:s24], [sflag:s18] =	dma.local [spmem:s19], $0x2800  }
0x22: {  	_ =	swait.ge [sflag:s1], $0x2800  }
0x23: {  	[sflag:s1] =	ssyncset.done $0x0  }
0x24: {  	[sflag:s1] =	ssyncadd.s32 $0xFFFFD800  }
.LBB2_1:
0x25: {  	s18 =	simm.s32 $0x0;
	s19 =	simm.s32 $0x200  }
.LBB2_2:
0x26: {  	p0 =	sne.s32 s19, $0x3E00;
	[tilespmem:s18+$0xA870] =	vst v0  }
0x27: {  	[tilespmem:s18+$0xA800] =	vst v0  }
0x28: {  	[tilespmem:s18+$0xA810] =	vst v0  }
.Ltmp2:
0x29: {  	[tilespmem:s18+$0xA820] =	vst v0;
	(pc) =	sbr.rel @p0 .LBB2_2-.Ltmp2, $4  }
0x2a: {  	[tilespmem:s18+$0xA830] =	vst v0  }
0x2b: {  	[tilespmem:s18+$0xA840] =	vst v0  }
0x2c: {  	[tilespmem:s18+$0xA850] =	vst v0  }
0x2d: {  	[tilespmem:s18+$0xA860] =	vst v0;
	s18 =	sshra.s32 s19, $0x2;
	s19 =	sadd.s32 $0x200, s19  }
0x2e: {  	[tilespmem:s18+$0xA870] =	vst v0  }
0x2f: {  	[tilespmem:s18+$0xA800] =	vst v0  }
0x30: {  	[tilespmem:s18+$0xA810] =	vst v0  }
0x31: {  	[tilespmem:s18+$0xA820] =	vst v0  }
0x32: {  	[tilespmem:s18+$0xA830] =	vst v0  }
0x33: {  	[tilespmem:s18+$0xA840] =	vst v0  }
0x34: {  	[tilespmem:s18+$0xA850] =	vst v0  }
0x35: {  	[tilespmem:s18+$0xA860] =	vst v0  }
0x36: {  	[spmem:s5] =	stream.linear.scatter [tilespmem:s0], [sflag:$0x3], $0x1000, $0x38;
	[tilespmem:$0x1F800] =	vst v63  }
0x37: {  	s20 =	rddreg [dreg:$0x4]  }
0x38: {  	[spmem:s20] =	stream.linear.scatter [tilespmem:s0], [sflag:$0x3], $0x1000, $0x38;
	[tilespmem:$0x1F800] =	vst v63  }
0x39: {  	s19 =	rddreg [dreg:$0x5]  }
0x3a: {  	[spmem:s19] =	stream.linear.scatter [tilespmem:s0], [sflag:$0x3], $0x1000, $0x38;
	[tilespmem:$0x1F800] =	vst v63  }
0x3b: {  	s20 =	rddreg [dreg:$0x6]  }
0x3c: {  	[spmem:s20] =	stream.linear.scatter [tilespmem:s0], [sflag:$0x3], $0x1000, $0x38;
	[tilespmem:$0x1F800] =	vst v63  }
0x3d: {  	s19 =	rddreg [dreg:$0x7]  }
0x3e: {  	[spmem:s19] =	stream.linear.scatter [tilespmem:s0], [sflag:$0x3], $0x1000, $0x38;
	[tilespmem:$0x1F800] =	vst v63  }
0x3f: {  	s20 =	rddreg [dreg:$0x8]  }
0x40: {  	[spmem:s20] =	stream.linear.scatter [tilespmem:s0], [sflag:$0x3], $0x1000, $0x38;
	[tilespmem:$0x1F800] =	vst v63  }
0x41: {  	s19 =	rddreg [dreg:$0x9]  }
0x42: {  	[spmem:s19] =	stream.linear.scatter [tilespmem:s0], [sflag:$0x3], $0x1000, $0x38;
	[tilespmem:$0x1F800] =	vst v63  }
0x43: {  	s20 =	rddreg [dreg:$0xa]  }
0x44: {  	[spmem:s20] =	stream.linear.scatter [tilespmem:s0], [sflag:$0x3], $0x1000, $0x38;
	[tilespmem:$0x1F800] =	vst v63  }
0x45: {  	s19 =	rddreg [dreg:$0xb]  }
0x46: {  	[spmem:s19] =	stream.linear.scatter [tilespmem:s0], [sflag:$0x3], $0x1000, $0x38;
	[tilespmem:$0x1F800] =	vst v63  }
0x47: {  	s20 =	rddreg [dreg:$0xc]  }
0x48: {  	[spmem:s20] =	stream.linear.scatter [tilespmem:s0], [sflag:$0x3], $0x1000, $0x38;
	[tilespmem:$0x1F800] =	vst v63  }
0x49: {  	s19 =	rddreg [dreg:$0xd]  }
0x4a: {  	[spmem:s19] =	stream.linear.scatter [tilespmem:s0], [sflag:$0x3], $0x1000, $0x38;
	[tilespmem:$0x1F800] =	vst v63  }
0x4b: {  	s20 =	rddreg [dreg:$0xe]  }
0x4c: {  	[spmem:s20] =	stream.linear.scatter [tilespmem:s0], [sflag:$0x3], $0x1000, $0x38;
	[tilespmem:$0x1F800] =	vst v63  }
0x4d: {  	s19 =	rddreg [dreg:$0xf]  }
0x4e: {  	[spmem:s19] =	stream.linear.scatter [tilespmem:s0], [sflag:$0x3], $0x1000, $0x38;
	[tilespmem:$0x1F800] =	vst v63  }
0x4f: {  	s20 =	rddreg [dreg:$0x10]  }
0x50: {  	[spmem:s20] =	stream.linear.scatter [tilespmem:s0], [sflag:$0x3], $0x1000, $0x38;
	[tilespmem:$0x1F800] =	vst v63  }
0x51: {  	_ = 	snop  }
0x52: {  	[spmem:s23] =	stream.linear.scatter [tilespmem:s0], [sflag:$0x3], $0x1000, $0x38;
	[tilespmem:$0x1F800] =	vst v63  }
0x53: {  	_ = 	snop  }
0x54: {  	[spmem:s26] =	stream.linear.scatter [tilespmem:s0], [sflag:$0x3], $0x1000, $0x38;
	[tilespmem:$0x1F800] =	vst v63  }
0x55: {  	_ = 	snop  }
0x56: {  	[spmem:s28] =	stream.linear.scatter [tilespmem:s0], [sflag:$0x3], $0x1000, $0x38;
	[tilespmem:$0x1F800] =	vst v63  }
0x57: {  	_ = 	snop  }
0x58: {  	[spmem:s29] =	stream.linear.scatter [tilespmem:s0], [sflag:$0x3], $0x1000, $0x38;
	[tilespmem:$0x1F800] =	vst v63  }
0x59: {  	_ = 	snop  }
0x5a: {  	[spmem:s30] =	stream.linear.scatter [tilespmem:s0], [sflag:$0x3], $0x1000, $0x38;
	[tilespmem:$0x1F800] =	vst v63  }
0x5b: {  	_ = 	snop  }
0x5c: {  	[spmem:s31] =	stream.linear.scatter [tilespmem:s0], [sflag:$0x3], $0x1000, $0x38;
	[tilespmem:$0x1F800] =	vst v63  }
0x5d: {  	s19 =	rddreg [dreg:$0x11]  }
0x5e: {  	[tilespmem:s3], [sflag:$0x5] =	stream.linear.gather [hbm4b:s19+s3], $0x1400, $0x38;
	[tilespmem:$0x1F800] =	vst v63  }
0x5f: {  	_ =	swait.ge [sflag:s1], $0x1400  }
0x60: {  	[sflag:s1] =	ssyncset.done $0x0  }
0x61: {  	s20 =	rddreg [dreg:$0x12];
	[sflag:s1] =	ssyncadd.s32 $0xFFFFEC00  }
0x62: {  	[tilespmem:s6], [sflag:$0x5] =	stream.linear.gather [hbm4b:s20+s3], $0x1400, $0x38;
	[tilespmem:$0x1F800] =	vst v63  }
0x63: {  	_ =	swait.ge [sflag:s1], $0x1400  }
0x64: {  	[sflag:s1] =	ssyncset.done $0x0  }
0x65: {  	[sflag:s1] =	ssyncadd.s32 $0xFFFFEC00  }
0x66: {  	[tilespmem:s8], [sflag:$0x1] =	stream.indirect.gather [hbm4b:s4+s7], $0x80, s3, s7, $0xb8;
	[tilespmem:$0x1F800] =	vst v63  }
0x67: {  	_ = 	snop  }
0x68: {  	[tilespmem:s10], [sflag:$0x2] =	stream.indirect.gather [hbm4b:s4+s7], $0x80, s9, s7, $0xb8;
	[tilespmem:$0x1F800] =	vst v63  }
0x69: {  	_ =	swait.ge [sflag:s11], $0x1000  }
0x6a: {  	[sflag:s11] =	ssyncset.done $0x0  }
0x6b: {  	[sflag:s11] =	ssyncadd.s32 $0xFFFFF000  }
0x6c: {  	_ =	swait.ge [sflag:s11], $0x1000  }
0x6d: {  	[sflag:s11] =	ssyncset.done $0x0  }
0x6e: {  	[sflag:s11] =	ssyncadd.s32 $0xFFFFF000  }
0x6f: {  	_ =	swait.ge [sflag:s11], $0x1000  }
0x70: {  	[sflag:s11] =	ssyncset.done $0x0  }
0x71: {  	[sflag:s11] =	ssyncadd.s32 $0xFFFFF000  }
0x72: {  	_ =	swait.ge [sflag:s11], $0x1000  }
0x73: {  	[sflag:s11] =	ssyncset.done $0x0  }
0x74: {  	[sflag:s11] =	ssyncadd.s32 $0xFFFFF000  }
0x75: {  	_ =	swait.ge [sflag:s11], $0x1000  }
0x76: {  	[sflag:s11] =	ssyncset.done $0x0  }
0x77: {  	[sflag:s11] =	ssyncadd.s32 $0xFFFFF000  }
0x78: {  	_ =	swait.ge [sflag:s11], $0x1000  }
0x79: {  	[sflag:s11] =	ssyncset.done $0x0  }
0x7a: {  	[sflag:s11] =	ssyncadd.s32 $0xFFFFF000  }
0x7b: {  	_ =	swait.ge [sflag:s11], $0x1000  }
0x7c: {  	[sflag:s11] =	ssyncset.done $0x0  }
0x7d: {  	[sflag:s11] =	ssyncadd.s32 $0xFFFFF000  }
0x7e: {  	_ =	swait.ge [sflag:s11], $0x1000  }
0x7f: {  	[sflag:s11] =	ssyncset.done $0x0  }
0x80: {  	[sflag:s11] =	ssyncadd.s32 $0xFFFFF000  }
0x81: {  	_ =	swait.ge [sflag:s11], $0x1000  }
0x82: {  	[sflag:s11] =	ssyncset.done $0x0  }
0x83: {  	[sflag:s11] =	ssyncadd.s32 $0xFFFFF000  }
0x84: {  	_ =	swait.ge [sflag:s11], $0x1000  }
0x85: {  	[sflag:s11] =	ssyncset.done $0x0  }
0x86: {  	[sflag:s11] =	ssyncadd.s32 $0xFFFFF000  }
0x87: {  	_ =	swait.ge [sflag:s11], $0x1000  }
0x88: {  	[sflag:s11] =	ssyncset.done $0x0  }
0x89: {  	[sflag:s11] =	ssyncadd.s32 $0xFFFFF000  }
0x8a: {  	_ =	swait.ge [sflag:s11], $0x1000  }
0x8b: {  	[sflag:s11] =	ssyncset.done $0x0  }
0x8c: {  	[sflag:s11] =	ssyncadd.s32 $0xFFFFF000  }
0x8d: {  	_ =	swait.ge [sflag:s11], $0x1000  }
0x8e: {  	[sflag:s11] =	ssyncset.done $0x0  }
0x8f: {  	[sflag:s11] =	ssyncadd.s32 $0xFFFFF000  }
0x90: {  	_ =	swait.ge [sflag:s11], $0x1000  }
0x91: {  	[sflag:s11] =	ssyncset.done $0x0  }
0x92: {  	[sflag:s11] =	ssyncadd.s32 $0xFFFFF000  }
0x93: {  	_ =	swait.ge [sflag:s11], $0x1000  }
0x94: {  	[sflag:s11] =	ssyncset.done $0x0  }
0x95: {  	[sflag:s11] =	ssyncadd.s32 $0xFFFFF000  }
0x96: {  	_ =	swait.ge [sflag:s11], $0x1000  }
0x97: {  	[sflag:s11] =	ssyncset.done $0x0  }
0x98: {  	[sflag:s11] =	ssyncadd.s32 $0xFFFFF000  }
0x99: {  	_ =	swait.ge [sflag:s11], $0x1000  }
0x9a: {  	[sflag:s11] =	ssyncset.done $0x0  }
0x9b: {  	[sflag:s11] =	ssyncadd.s32 $0xFFFFF000  }
0x9c: {  	_ =	swait.ge [sflag:s11], $0x1000  }
0x9d: {  	[sflag:s11] =	ssyncset.done $0x0  }
0x9e: {  	[sflag:s11] =	ssyncadd.s32 $0xFFFFF000  }
0x9f: {  	_ =	swait.ge [sflag:s11], $0x1000  }
0xa0: {  	[sflag:s11] =	ssyncset.done $0x0  }
0xa1: {  	[sflag:s11] =	ssyncadd.s32 $0xFFFFF000  }
0xa2: {  	_ =	swait.ge [sflag:s11], $0x1000  }
0xa3: {  	[sflag:s11] =	ssyncset.done $0x0  }
0xa4: {  	[sflag:s11] =	ssyncadd.s32 $0xFFFFF000  }
0xa5: {  	[bflag:$0x0] =	sbarrier.arrive $0xFFFF  }
0xa6: {  	_ =	swait.ge [sflag:s12], $0x3E80  }
0xa7: {  	[sflag:s12] =	ssyncset.done $0x0  }
0xa8: {  	[sflag:s12] =	ssyncadd.s32 $0xFFFFC180  }
0xa9: {  	[spmem:s2] =	stream.indirect.scatter.add.f32 [tilespmem:s8], [sflag:$0x3], $0x80, s6, s7, $0xb8;
	[tilespmem:$0x1F800] =	vst v63  }
0xaa: {  	_ =	swait.ge [sflag:s13], $0x3E80  }
0xab: {  	[sflag:s13] =	ssyncset.done $0x0  }
0xac: {  	[sflag:s13] =	ssyncadd.s32 $0xFFFFC180  }
0xad: {  	[spmem:s2] =	stream.indirect.scatter.add.f32 [tilespmem:s10], [sflag:$0x4], $0x80, s14, s7, $0xb8;
	[tilespmem:$0x1F800] =	vst v63  }
0xae: {  	_ =	swait.ge [sflag:s11], $0x3E80  }
0xaf: {  	[sflag:s11] =	ssyncset.done $0x0  }
0xb0: {  	s18 =	simm.s32 $0xFFFFB800;
	[sflag:s11] =	ssyncadd.s32 $0xFFFFC180  }
0xb1: {  	[tilespmem:s8], [sflag:$0x1] =	stream.indirect.gather [hbm4b:s4+s7], $0x80, s15, s7, $0xb8;
	[tilespmem:$0x1F800] =	vst v63  }
.LBB2_4:
0xb2: {  	_ =	swait.ge [sflag:s12], $0x3E80  }
0xb3: {  	s19 =	sshra.s32 s18, $0x2;
	[sflag:s12] =	ssyncset.done $0x0  }
0xb4: {  	s20 =	sadd.s32 $0x2700, s19;
	[sflag:s12] =	ssyncadd.s32 $0xFFFFC180  }
0xb5: {  	[spmem:s2] =	stream.indirect.scatter.add.f32 [tilespmem:s8], [sflag:$0x3], $0x80, s20, s7, $0xb8;
	[tilespmem:$0x1F800] =	vst v63  }
0xb6: {  	_ =	swait.ge [sflag:s16], $0x3E80  }
0xb7: {  	[sflag:s16] =	ssyncset.done $0x0  }
0xb8: {  	s20 =	sadd.s32 $0x1380, s19;
	[sflag:s16] =	ssyncadd.s32 $0xFFFFC180  }
0xb9: {  	[tilespmem:s10], [sflag:$0x2] =	stream.indirect.gather [hbm4b:s4+s7], $0x80, s20, s7, $0xb8;
	[tilespmem:$0x1F800] =	vst v63  }
0xba: {  	_ =	swait.ge [sflag:s13], $0x3E80  }
0xbb: {  	p0 =	seq.s32 s18, $0x0;
	[sflag:s13] =	ssyncset.done $0x0  }
.Ltmp3:
0xbc: {  	s20 =	sadd.s32 $0x2780, s19;
	[sflag:s13] =	ssyncadd.s32 $0xFFFFC180;
	(pc) =	sbr.rel @p0 .LBB2_6-.Ltmp3, $4  }
0xbd: {  	[spmem:s2] =	stream.indirect.scatter.add.f32 [tilespmem:s10], [sflag:$0x4], $0x80, s20, s7, $0xb8;
	[tilespmem:$0x1F800] =	vst v63  }
0xbe: {  	_ =	swait.ge [sflag:s11], $0x3E80  }
0xbf: {  	[sflag:s11] =	ssyncset.done $0x0  }
0xc0: {  	[sflag:s11] =	ssyncadd.s32 $0xFFFFC180  }
.Ltmp4:
0xc1: {  	(pc) =	sbr.rel .LBB2_4-.Ltmp4, $3  }
0xc2: {  	_ =	sdelay $0x1  }
0xc3: {  	s19 =	sadd.s32 $0x1400, s19;
	s18 =	sadd.s32 $0x400, s18  }
0xc4: {  	[tilespmem:s8], [sflag:$0x1] =	stream.indirect.gather [hbm4b:s4+s7], $0x80, s19, s7, $0xb8;
	[tilespmem:$0x1F800] =	vst v63  }
.LBB2_6:
0xc5: {  	_ =	swait.ge [sflag:s16], $0x3E80  }
0xc6: {  	[sflag:s16] =	ssyncset.done $0x0  }
0xc7: {  	[sflag:s16] =	ssyncadd.s32 $0xFFFFC180  }
0xc8: {  	[tilespmem:s3], [sflag:$0x5] =	stream.linear.gather [hbm4b:s21+s3], $0x1400, $0x38;
	[tilespmem:$0x1F800] =	vst v63  }
0xc9: {  	_ =	swait.ge [sflag:s1], $0x1400  }
0xca: {  	[sflag:s1] =	ssyncset.done $0x0  }
0xcb: {  	[sflag:s1] =	ssyncadd.s32 $0xFFFFEC00  }
0xcc: {  	[tilespmem:s6], [sflag:$0x5] =	stream.linear.gather [hbm4b:s22+s3], $0x1400, $0x38;
	[tilespmem:$0x1F800] =	vst v63  }
0xcd: {  	_ =	swait.ge [sflag:s1], $0x1400  }
0xce: {  	[sflag:s1] =	ssyncset.done $0x0  }
0xcf: {  	[sflag:s1] =	ssyncadd.s32 $0xFFFFEC00  }
0xd0: {  	[tilespmem:s8], [sflag:$0x1] =	stream.indirect.gather [hbm4b:s4+s7], $0x80, s3, s7, $0xb8;
	[tilespmem:$0x1F800] =	vst v63  }
0xd1: {  	_ = 	snop  }
0xd2: {  	[tilespmem:s10], [sflag:$0x2] =	stream.indirect.gather [hbm4b:s4+s7], $0x80, s9, s7, $0xb8;
	[tilespmem:$0x1F800] =	vst v63  }
0xd3: {  	_ =	swait.ge [sflag:s12], $0x3E80  }
0xd4: {  	[sflag:s12] =	ssyncset.done $0x0  }
0xd5: {  	[sflag:s12] =	ssyncadd.s32 $0xFFFFC180  }
0xd6: {  	[spmem:s2] =	stream.indirect.scatter.add.f32 [tilespmem:s8], [sflag:$0x3], $0x80, s6, s7, $0xb8;
	[tilespmem:$0x1F800] =	vst v63  }
0xd7: {  	_ =	swait.ge [sflag:s13], $0x3E80  }
0xd8: {  	[sflag:s13] =	ssyncset.done $0x0  }
0xd9: {  	[sflag:s13] =	ssyncadd.s32 $0xFFFFC180  }
0xda: {  	[spmem:s2] =	stream.indirect.scatter.add.f32 [tilespmem:s10], [sflag:$0x4], $0x80, s14, s7, $0xb8;
	[tilespmem:$0x1F800] =	vst v63  }
0xdb: {  	_ =	swait.ge [sflag:s11], $0x3E80  }
0xdc: {  	[sflag:s11] =	ssyncset.done $0x0  }
0xdd: {  	s18 =	simm.s32 $0xFFFFB800;
	[sflag:s11] =	ssyncadd.s32 $0xFFFFC180  }
0xde: {  	[tilespmem:s8], [sflag:$0x1] =	stream.indirect.gather [hbm4b:s4+s7], $0x80, s15, s7, $0xb8;
	[tilespmem:$0x1F800] =	vst v63  }
.LBB2_7:
0xdf: {  	_ =	swait.ge [sflag:s12], $0x3E80  }
0xe0: {  	s19 =	sshra.s32 s18, $0x2;
	[sflag:s12] =	ssyncset.done $0x0  }
0xe1: {  	s20 =	sadd.s32 $0x2700, s19;
	[sflag:s12] =	ssyncadd.s32 $0xFFFFC180  }
0xe2: {  	[spmem:s2] =	stream.indirect.scatter.add.f32 [tilespmem:s8], [sflag:$0x3], $0x80, s20, s7, $0xb8;
	[tilespmem:$0x1F800] =	vst v63  }
0xe3: {  	_ =	swait.ge [sflag:s16], $0x3E80  }
0xe4: {  	[sflag:s16] =	ssyncset.done $0x0  }
0xe5: {  	s20 =	sadd.s32 $0x1380, s19;
	[sflag:s16] =	ssyncadd.s32 $0xFFFFC180  }
0xe6: {  	[tilespmem:s10], [sflag:$0x2] =	stream.indirect.gather [hbm4b:s4+s7], $0x80, s20, s7, $0xb8;
	[tilespmem:$0x1F800] =	vst v63  }
0xe7: {  	_ =	swait.ge [sflag:s13], $0x3E80  }
0xe8: {  	p0 =	seq.s32 s18, $0x0;
	[sflag:s13] =	ssyncset.done $0x0  }
.Ltmp5:
0xe9: {  	s20 =	sadd.s32 $0x2780, s19;
	[sflag:s13] =	ssyncadd.s32 $0xFFFFC180;
	(pc) =	sbr.rel @p0 .LBB2_9-.Ltmp5, $4  }
0xea: {  	[spmem:s2] =	stream.indirect.scatter.add.f32 [tilespmem:s10], [sflag:$0x4], $0x80, s20, s7, $0xb8;
	[tilespmem:$0x1F800] =	vst v63  }
0xeb: {  	_ =	swait.ge [sflag:s11], $0x3E80  }
0xec: {  	[sflag:s11] =	ssyncset.done $0x0  }
0xed: {  	[sflag:s11] =	ssyncadd.s32 $0xFFFFC180  }
.Ltmp6:
0xee: {  	(pc) =	sbr.rel .LBB2_7-.Ltmp6, $3  }
0xef: {  	_ =	sdelay $0x1  }
0xf0: {  	s19 =	sadd.s32 $0x1400, s19;
	s18 =	sadd.s32 $0x400, s18  }
0xf1: {  	[tilespmem:s8], [sflag:$0x1] =	stream.indirect.gather [hbm4b:s4+s7], $0x80, s19, s7, $0xb8;
	[tilespmem:$0x1F800] =	vst v63  }
.LBB2_10:
0xf2: {  	_ =	sfence.sel $0x180000  }
0xf3: {  	[bflag:$0x0] =	sbarrier.arrive $0xFFFF  }
0xf4: {  	_ =	strace $0x90000050  }
0xf5: {  	s0 =	stileid.u32;
	[bflag:$0x2] =	sbarrier.arrive $0xFFFF  }
0xf6: {  	p0 =	sne.s32 s0, $0x0;
	s0 =	rddreg [dreg:$0x3]  }
0xf7: {  	s0 =	sadd.s32 @!p0 $0x100000, s0  }
0xf8: {  	[sflag:s0] =	ssyncadd.tile.s32 @!p0 $0x1;
	_ =	shalt  }
.Lfunc_end2:
_tile_overlayer_lowered:
.L_overlay_start_2:
0xf9: {  	(tag) =	ssettag $0x2  }
0xfa: {  	s0 =	rddreg [dreg:$0x0];
	s2 =	stileid.u32  }
0xfb: {  	s1 =	rddreg [dreg:$0x1];
	p0 =	sne.s32 s2, $0x0  }
0xfc: {  	s3 =	rddreg [dreg:$0x2];
	[bflag:$0x3] =	sbarrier.arrive $0xFFFF;
	s2 =	simm.s32 @!p0 $0x1C05  }
0xfd: {  	[timem:s3], [sflag:s2] =	dma.local @!p0 [hbm:s0], s1  }
0xfe: {  	s0 =	simm.s32 @!p0 $0x5  }
0xff: {  	_ =	swait.ge @!p0 [sflag:s0], s1  }
0x100: {  	s1 =	ssub.s32 @!p0 $0x0, s1;
	[sflag:s0] =	ssyncset.done @!p0 $0x0  }
0x101: {  	[sflag:s0] =	ssyncadd.s32 @!p0 s1  }
0x102: {  	[bflag:$0x3] =	sbarrier.arrive $0xFFFF  }
0x103: {  	_ =	shalt  }

</sc_bundles>
